<compile_context>
chip_gen: v7x
topology: tpu7x:2x2x1
jax: 0.10.2.dev20260603
libtpu: 0.0.44.dev20260713+nightly
codegen_flags: <defaults>
</compile_context>

<pallas_src>
import jax
import jax.numpy as jnp
from jax import lax
from jax.experimental import pallas as pl
from jax.experimental.pallas import tpu as pltpu, tpu_sc as plsc

N = 10000
E = 320000
D = 128
H = 256
G = 64
C = 10

NC = 2
NS = 16
NW = NC * NS
CHUNK = 128
NCHUNK = 80
EPW = NCHUNK * CHUNK
EPAD = NW * EPW
NSLOT = 4
NGRP = NCHUNK // NSLOT
NPAD = 10240
RPT = NPAD // NS
PSHIFT = 14
PMASK = (1 << PSHIFT) - 1


def _segsum_body(h_hbm, packed_hbm, zeros_hbm, out_hbm,
                 packed_v, srcb, dstb, rows_a, rows_b, shared, *sems):
    rows = (rows_a, rows_b)
    gsems = sems

    def unpack(j, q):
        for k in range(CHUNK // 16):
            v = packed_v[j, pl.ds(k * 16, 16)]
            srcb[q, pl.ds(k * 16, 16)] = lax.shift_right_logical(v, PSHIFT)
            dstb[q, pl.ds(k * 16, 16)] = lax.bitwise_and(v, PMASK)

    def gather(j_slot, b):
        return pltpu.async_copy(h_hbm.at[srcb.at[j_slot]], rows[b], gsems[b])

    c = lax.axis_index("c")
    s = lax.axis_index("s")
    w = c * NS + s
    pltpu.sync_copy(packed_hbm.at[w], packed_v)
    for b in range(2):
        unpack(b, b)
        gather(b, b)
    pltpu.sync_copy(zeros_hbm.at[s], shared.at[pl.ds(s * RPT, RPT)])
    plsc.subcore_barrier()

    def group(g, carry):
        for u in range(NSLOT):
            i = g * NSLOT + u
            b = u % 2
            q2 = (u + 2) % NSLOT
            pltpu.make_async_copy(h_hbm.at[srcb.at[u]], rows[b],
                                  gsems[b]).wait()
            pltpu.sync_copy(rows[b], shared.at[dstb.at[u]], add=True)

            @pl.when(i + 2 < NCHUNK)
            def _():
                unpack(i + 2, q2)
                gather(q2, b)
        return carry

    lax.fori_loop(0, NGRP, group, 0)
    plsc.subcore_barrier()
    pltpu.sync_copy(shared.at[pl.ds(s * RPT, RPT)],
                    out_hbm.at[c, pl.ds(s * RPT, RPT)])


def _segsum(h, packed, zeros):
    mesh = plsc.VectorSubcoreMesh(core_axis_name="c", subcore_axis_name="s")
    f = pl.kernel(
        _segsum_body,
        mesh=mesh,
        out_type=jax.ShapeDtypeStruct((NC, NPAD, D), jnp.float32),
        scratch_types=[
            pltpu.VMEM((NCHUNK, CHUNK), jnp.int32),
            pltpu.VMEM((NSLOT, CHUNK), jnp.int32),
            pltpu.VMEM((NSLOT, CHUNK), jnp.int32),
            pltpu.VMEM((CHUNK, D), jnp.float32),
            pltpu.VMEM((CHUNK, D), jnp.float32),
            pltpu.VMEM_SHARED((NPAD, D), jnp.float32),
        ] + [pltpu.SemaphoreType.DMA] * 2,
    )
    return f(h, packed, zeros)


BLK = 5000


def _mlp_compute(h_ref, a_ref, W1_ref, b1_ref, W2_ref, b2_ref, relu_out):
    z = h_ref[...] + a_ref[0] + a_ref[1]
    z = jnp.dot(z, W1_ref[...], preferred_element_type=jnp.float32) + b1_ref[...]
    z = jnp.maximum(z, 0.0)
    z = jnp.dot(z, W2_ref[...], preferred_element_type=jnp.float32) + b2_ref[...]
    if relu_out:
        z = jnp.maximum(z, 0.0)
    return z


def _mlp_body(h_ref, a_ref, W1_ref, b1_ref, W2_ref, b2_ref, o_ref):
    o_ref[...] = _mlp_compute(h_ref, a_ref, W1_ref, b1_ref, W2_ref, b2_ref,
                              relu_out=True)


def _mlp(h, agg, W1, b1, W2, b2):
    return pl.pallas_call(
        _mlp_body,
        grid=(N // BLK,),
        in_specs=[
            pl.BlockSpec((BLK, D), lambda i: (i, 0)),
            pl.BlockSpec((NC, BLK, D), lambda i: (0, i, 0)),
            pl.BlockSpec((D, H), lambda i: (0, 0)),
            pl.BlockSpec((1, H), lambda i: (0, 0)),
            pl.BlockSpec((H, D), lambda i: (0, 0)),
            pl.BlockSpec((1, D), lambda i: (0, 0)),
        ],
        out_specs=pl.BlockSpec((BLK, D), lambda i: (i, 0)),
        out_shape=jax.ShapeDtypeStruct((N, D), jnp.float32),
    )(h, agg, W1, b1, W2, b2)


def _mlp_pool_body(h_ref, a_ref, batch_ref, W1_ref, b1_ref, W2_ref, b2_ref,
                   cw_ref, cb_ref, o_ref, sums_ref, cnt_ref):
    i = pl.program_id(0)

    @pl.when(i == 0)
    def _():
        sums_ref[...] = jnp.zeros_like(sums_ref)
        cnt_ref[...] = jnp.zeros_like(cnt_ref)

    z = _mlp_compute(h_ref, a_ref, W1_ref, b1_ref, W2_ref, b2_ref,
                     relu_out=False)
    onehot = (batch_ref[...] ==
              lax.broadcasted_iota(jnp.int32, (BLK, G), 1)).astype(jnp.float32)
    dn = (((0,), (0,)), ((), ()))
    sums_ref[...] += lax.dot_general(onehot, z, dn,
                                     preferred_element_type=jnp.float32)
    cnt_ref[...] += lax.dot_general(onehot, jnp.ones((BLK, D), jnp.float32),
                                    dn, preferred_element_type=jnp.float32)

    @pl.when(i == pl.num_programs(0) - 1)
    def _():
        hg = sums_ref[...] / jnp.maximum(cnt_ref[...], 1.0)
        o_ref[...] = jnp.dot(hg, cw_ref[...],
                             preferred_element_type=jnp.float32) + cb_ref[...]


def _mlp_pool(h, agg, batch2, W1, b1, W2, b2, cls_W, cls_b2):
    return pl.pallas_call(
        _mlp_pool_body,
        grid=(N // BLK,),
        in_specs=[
            pl.BlockSpec((BLK, D), lambda i: (i, 0)),
            pl.BlockSpec((NC, BLK, D), lambda i: (0, i, 0)),
            pl.BlockSpec((BLK, 1), lambda i: (i, 0)),
            pl.BlockSpec((D, H), lambda i: (0, 0)),
            pl.BlockSpec((1, H), lambda i: (0, 0)),
            pl.BlockSpec((H, D), lambda i: (0, 0)),
            pl.BlockSpec((1, D), lambda i: (0, 0)),
            pl.BlockSpec((D, C), lambda i: (0, 0)),
            pl.BlockSpec((1, C), lambda i: (0, 0)),
        ],
        out_specs=pl.BlockSpec((G, C), lambda i: (0, 0)),
        out_shape=jax.ShapeDtypeStruct((G, C), jnp.float32),
        scratch_shapes=[
            pltpu.VMEM((G, D), jnp.float32),
            pltpu.VMEM((G, D), jnp.float32),
        ],
    )(h, agg, batch2, W1, b1, W2, b2, cls_W, cls_b2)


def kernel(x, edge_index, batch,
           l0_W1, l0_b1, l0_bn_g, l0_bn_b, l0_W2, l0_b2, l0_obn_g, l0_obn_b,
           l1_W1, l1_b1, l1_bn_g, l1_bn_b, l1_W2, l1_b2, l1_obn_g, l1_obn_b,
           l2_W1, l2_b1, l2_bn_g, l2_bn_b, l2_W2, l2_b2, l2_obn_g, l2_obn_b,
           cls_W, cls_b):
    bscale = 1.0 / jnp.sqrt(jnp.float32(1.0 + 1e-5))
    layers = [
        (l0_W1, l0_b1, l0_bn_g, l0_bn_b, l0_W2, l0_b2, l0_obn_g, l0_obn_b),
        (l1_W1, l1_b1, l1_bn_g, l1_bn_b, l1_W2, l1_b2, l1_obn_g, l1_obn_b),
        (l2_W1, l2_b1, l2_bn_g, l2_bn_b, l2_W2, l2_b2, l2_obn_g, l2_obn_b),
    ]
    folded = []
    for (W1, b1, bg, bb, W2, b2, og, ob) in layers:
        s1 = bscale * bg
        s2 = bscale * og
        folded.append((W1 * s1[None, :], (b1 * s1 + bb)[None, :],
                       W2 * s2[None, :], (b2 * s2 + ob)[None, :]))

    padw = EPW - E // NW
    pad_src = jnp.broadcast_to(jnp.arange(padw, dtype=jnp.int32), (NW, padw))
    pad_dst = jnp.broadcast_to(N + jnp.arange(padw, dtype=jnp.int32),
                               (NW, padw))
    srcp = jnp.concatenate([edge_index[0].reshape(NW, E // NW), pad_src], 1)
    dstp = jnp.concatenate([edge_index[1].reshape(NW, E // NW), pad_dst], 1)
    packed = ((srcp << PSHIFT) | dstp).reshape(NW, NCHUNK, CHUNK)
    zeros = jnp.zeros((NS, RPT, D), jnp.float32)
    batch2 = batch.reshape(N, 1)

    h = x
    for l in range(2):
        W1f, b1f, W2f, b2f = folded[l]
        agg = _segsum(h, packed, zeros)
        h = _mlp(h, agg, W1f, b1f, W2f, b2f)
    W1f, b1f, W2f, b2f = folded[2]
    agg = _segsum(h, packed, zeros)
    return _mlp_pool(h, agg, batch2, W1f, b1f, W2f, b2f,
                     cls_W, cls_b.reshape(1, C))

# --- scband reference (transcript-rebuilt; emitter-appended) ---
"""Pipeline reference for scband-ginnet-9251359555641 (READ-ONLY COPY).

The authoritative reference and input builder live on the scoring server;
editing this copy changes nothing except your own understanding.
"""

import jax, jax.numpy as jnp
import numpy as np

N, E, DIN, D, C, G, L = 10000, 320000, 128, 128, 10, 64, 3


def setup_inputs(seed: int = 0) -> dict:
    key = jax.random.key(seed)
    ks = jax.random.split(key, 16)
    inp = {}
    inp['x'] = jax.random.normal(ks[0], (N, DIN), dtype=jnp.float32)
    inp['edge_index'] = jax.random.randint(ks[1], (2, E), 0, N, dtype=jnp.int32)
    inp['batch'] = jnp.sort(jax.random.randint(ks[2], (N,), 0, G, dtype=jnp.int32))
    ki = 3
    for l in range(L):
        din = DIN if l == 0 else D
        inp['l%d_W1' % l] = jax.random.normal(ks[ki], (din, 2 * D), dtype=jnp.float32) * 0.05; ki += 1
        inp['l%d_b1' % l] = jnp.zeros((2 * D,), dtype=jnp.float32)
        inp['l%d_bn_g' % l] = jnp.ones((2 * D,), dtype=jnp.float32)
        inp['l%d_bn_b' % l] = jnp.zeros((2 * D,), dtype=jnp.float32)
        inp['l%d_W2' % l] = jax.random.normal(ks[ki], (2 * D, D), dtype=jnp.float32) * 0.05; ki += 1
        inp['l%d_b2' % l] = jnp.zeros((D,), dtype=jnp.float32)
        inp['l%d_obn_g' % l] = jnp.ones((D,), dtype=jnp.float32)
        inp['l%d_obn_b' % l] = jnp.zeros((D,), dtype=jnp.float32)
    inp['cls_W'] = jax.random.normal(ks[ki], (D, C), dtype=jnp.float32) * 0.05
    inp['cls_b'] = jnp.zeros((C,), dtype=jnp.float32)
    return inp


def reference(x, edge_index, batch,
              l0_W1, l0_b1, l0_bn_g, l0_bn_b, l0_W2, l0_b2, l0_obn_g, l0_obn_b,
              l1_W1, l1_b1, l1_bn_g, l1_bn_b, l1_W2, l1_b2, l1_obn_g, l1_obn_b,
              l2_W1, l2_b1, l2_bn_g, l2_bn_b, l2_W2, l2_b2, l2_obn_g, l2_obn_b,
              cls_W, cls_b):
    p = {
        'l0_W1': l0_W1, 'l0_b1': l0_b1, 'l0_bn_g': l0_bn_g, 'l0_bn_b': l0_bn_b,
        'l0_W2': l0_W2, 'l0_b2': l0_b2, 'l0_obn_g': l0_obn_g, 'l0_obn_b': l0_obn_b,
        'l1_W1': l1_W1, 'l1_b1': l1_b1, 'l1_bn_g': l1_bn_g, 'l1_bn_b': l1_bn_b,
        'l1_W2': l1_W2, 'l1_b2': l1_b2, 'l1_obn_g': l1_obn_g, 'l1_obn_b': l1_obn_b,
        'l2_W1': l2_W1, 'l2_b1': l2_b1, 'l2_bn_g': l2_bn_g, 'l2_bn_b': l2_bn_b,
        'l2_W2': l2_W2, 'l2_b2': l2_b2, 'l2_obn_g': l2_obn_g, 'l2_obn_b': l2_obn_b,
        'cls_W': cls_W, 'cls_b': cls_b,
    }
    # eval-mode module: dropout = identity, BatchNorm uses running stats
    # (running_mean=0, running_var=1) -> x / sqrt(1+eps) * gamma + beta
    bscale = 1.0 / jnp.sqrt(1.0 + 1e-5)
    src, dst = edge_index[0], edge_index[1]
    h = x
    for l in range(L):
        W1 = p['l%d_W1' % l]; b1 = p['l%d_b1' % l]
        bg = p['l%d_bn_g' % l]; bb = p['l%d_bn_b' % l]
        W2 = p['l%d_W2' % l]; b2 = p['l%d_b2' % l]
        og = p['l%d_obn_g' % l]; ob = p['l%d_obn_b' % l]
        # GINConv: nn((1+eps)*x + sum_{j in N(i)} x_j), eps=0
        agg = jax.ops.segment_sum(h[src], dst, num_segments=h.shape[0])
        z = h + agg
        z = (z @ W1 + b1) * bscale * bg + bb
        z = jax.nn.relu(z)
        z = z @ W2 + b2
        # outer BatchNorm1d (eval)
        z = z * bscale * og + ob
        # ReLU after conv1 and all but the last conv in the loop
        if l != L - 1:
            z = jax.nn.relu(z)
        h = z
    # global_mean_pool
    sums = jax.ops.segment_sum(h, batch, num_segments=G)
    cnt = jax.ops.segment_sum(jnp.ones((h.shape[0],), dtype=h.dtype), batch, num_segments=G)
    hg = sums / jnp.clip(cnt, 1.0)[:, None]
    return hg @ p['cls_W'] + p['cls_b']

if __name__ == "__main__":
    import jax
    _d = setup_inputs()
    print(jax.jit(kernel)(*tuple(_d.values())))

</pallas_src>

<mosaic_0001>
#map = affine_map<(d0, d1) -> (0, 0)>
#map1 = affine_map<(d0, d1) -> (0, 0, 0)>
module attributes {stable_mosaic.version = 14 : i64} {
  func.func @_segsum_body(%arg0: i32, %arg1: i32, %arg2: memref<10000x128xf32, #tpu.memory_space<hbm>>, %arg3: memref<32x80x128xi32, #tpu.memory_space<hbm>>, %arg4: memref<16x640x128xf32, #tpu.memory_space<hbm>>, %arg5: memref<2x10240x128xf32, #tpu.memory_space<hbm>>, %arg6: memref<80x128xi32, #tpu.memory_space<vmem>>, %arg7: memref<4x128xi32, #tpu.memory_space<vmem>>, %arg8: memref<4x128xi32, #tpu.memory_space<vmem>>, %arg9: memref<128x128xf32, #tpu.memory_space<vmem>>, %arg10: memref<128x128xf32, #tpu.memory_space<vmem>>, %arg11: memref<10240x128xf32, #tpu.memory_space<vmem_shared>>, %arg12: memref<!tpu.dma_semaphore, #tpu.memory_space<semaphore_mem>>, %arg13: memref<!tpu.dma_semaphore, #tpu.memory_space<semaphore_mem>>) attributes {dimension_semantics = [#tpu.dimension_semantics<core_parallel>, #tpu.dimension_semantics<subcore_parallel>], iteration_bounds = array<i64: 2, 16>, scalar_prefetch = 0 : i64, scratch_operands = 8 : i64, tpu.core_type = #tpu.core_type<sc_vector_subcore>, window_params = [{transform_indices = #map}, {transform_indices = #map1}, {transform_indices = #map1}, {transform_indices = #map1}]} {
    %mul3A = arith.constant 16 : i32
    %mul3A_0 = arith.muli %arg0, %mul3A : i32
    %add3A = arith.addi %mul3A_0, %arg1 : i32
    "tpu.region"() ({
      %run_scoped3A = tpu.sem_alloc : memref<!tpu.dma_semaphore, #tpu.memory_space<semaphore_mem>>
      %dma_start3A_390 = arith.constant 0 : i32
      %dma_start3A_391 = arith.constant 0 : i32
      %dma_start3A_392 = tpu.memref_slice %arg3[%add3A, %dma_start3A_390, %dma_start3A_391] : memref<32x80x128xi32, #tpu.memory_space<hbm>> -> memref<1x80x128xi32, #tpu.memory_space<hbm>>
      %dma_start3A_393 = tpu.memref_squeeze %dma_start3A_392 : memref<1x80x128xi32, #tpu.memory_space<hbm>> -> memref<80x128xi32, #tpu.memory_space<hbm>>
      %dma_start3A_394 = arith.constant 0 : i32
      %dma_start3A_395 = arith.constant 0 : i32
      %dma_start3A_396 = tpu.memref_slice %arg3[%add3A, %dma_start3A_394, %dma_start3A_395] : memref<32x80x128xi32, #tpu.memory_space<hbm>> -> memref<1x80x128xi32, #tpu.memory_space<hbm>>
      %dma_start3A_397 = tpu.memref_squeeze %dma_start3A_396 : memref<1x80x128xi32, #tpu.memory_space<hbm>> -> memref<80x128xi32, #tpu.memory_space<hbm>>
      tpu.enqueue_dma source(%dma_start3A_397 : memref<80x128xi32, #tpu.memory_space<hbm>>) target(%arg6 : memref<80x128xi32, #tpu.memory_space<vmem>>) target_semaphore(%run_scoped3A : memref<!tpu.dma_semaphore, #tpu.memory_space<semaphore_mem>>)
      %dma_wait3A = arith.constant 0 : i32
      %dma_wait3A_398 = arith.constant 0 : i32
      %dma_wait3A_399 = tpu.memref_slice %arg3[%add3A, %dma_wait3A, %dma_wait3A_398] : memref<32x80x128xi32, #tpu.memory_space<hbm>> -> memref<1x80x128xi32, #tpu.memory_space<hbm>>
      %dma_wait3A_400 = tpu.memref_squeeze %dma_wait3A_399 : memref<1x80x128xi32, #tpu.memory_space<hbm>> -> memref<80x128xi32, #tpu.memory_space<hbm>>
      %dma_wait3A_401 = arith.constant 0 : i32
      %dma_wait3A_402 = arith.constant 0 : i32
      %dma_wait3A_403 = tpu.memref_slice %arg3[%add3A, %dma_wait3A_401, %dma_wait3A_402] : memref<32x80x128xi32, #tpu.memory_space<hbm>> -> memref<1x80x128xi32, #tpu.memory_space<hbm>>
      %dma_wait3A_404 = tpu.memref_squeeze %dma_wait3A_403 : memref<1x80x128xi32, #tpu.memory_space<hbm>> -> memref<80x128xi32, #tpu.memory_space<hbm>>
      tpu.wait_dma2 semaphore(%run_scoped3A : memref<!tpu.dma_semaphore, #tpu.memory_space<semaphore_mem>>) src(%dma_wait3A_404 : memref<80x128xi32, #tpu.memory_space<hbm>>) dst(%arg6 : memref<80x128xi32, #tpu.memory_space<vmem>>)
      tpu.yield
    }) : () -> ()
    %get3A = arith.constant 0 : i32
    %get3A_1 = arith.index_cast %get3A : i32 to index
    %get3A_2 = arith.constant 0 : index
    %get3A_3 = tpu.vector_load %arg6[%get3A_1, %get3A_2] {strides = array<i32>} : memref<80x128xi32, #tpu.memory_space<vmem>>, vector<1x16xi32>,
    %get3A_4 = vector.shape_cast %get3A_3 : vector<1x16xi32> to vector<16xi32>
    %shift_right_logical3A = arith.constant 14 : i32
    %shift_right_logical3A_5 = vector.broadcast %shift_right_logical3A : i32 to vector<16xi32>
    %shift_right_logical3A_6 = arith.shrui %get3A_4, %shift_right_logical3A_5 : vector<16xi32>
    %swap3A = arith.constant 0 : i32
    %swap3A_7 = arith.index_cast %swap3A : i32 to index
    %swap3A_8 = arith.constant 0 : index
    %swap3A_9 = tpu.vector_load %arg7[%swap3A_7, %swap3A_8] {strides = array<i32>} : memref<4x128xi32, #tpu.memory_space<vmem>>, vector<1x16xi32>,
    %swap3A_10 = vector.shape_cast %swap3A_9 : vector<1x16xi32> to vector<16xi32>
    %swap3A_11 = vector.shape_cast %shift_right_logical3A_6 : vector<16xi32> to vector<1x16xi32>
    tpu.vector_store %arg7[%swap3A_7, %swap3A_8], %swap3A_11 {strides = array<i32>} : memref<4x128xi32, #tpu.memory_space<vmem>>, vector<1x16xi32>,
    %and3A = arith.constant 16383 : i32
    %and3A_12 = vector.broadcast %and3A : i32 to vector<16xi32>
    %and3A_13 = arith.andi %get3A_4, %and3A_12 : vector<16xi32>
    %swap3A_14 = arith.constant 0 : i32
    %swap3A_15 = arith.index_cast %swap3A_14 : i32 to index
    %swap3A_16 = arith.constant 0 : index
    %swap3A_17 = tpu.vector_load %arg8[%swap3A_15, %swap3A_16] {strides = array<i32>} : memref<4x128xi32, #tpu.memory_space<vmem>>, vector<1x16xi32>,
    %swap3A_18 = vector.shape_cast %swap3A_17 : vector<1x16xi32> to vector<16xi32>
    %swap3A_19 = vector.shape_cast %and3A_13 : vector<16xi32> to vector<1x16xi32>
    tpu.vector_store %arg8[%swap3A_15, %swap3A_16], %swap3A_19 {strides = array<i32>} : memref<4x128xi32, #tpu.memory_space<vmem>>, vector<1x16xi32>,
    %get3A_20 = arith.constant 0 : i32
    %get3A_21 = arith.index_cast %get3A_20 : i32 to index
    %get3A_22 = arith.constant 16 : index
    %get3A_23 = tpu.vector_load %arg6[%get3A_21, %get3A_22] {strides = array<i32>} : memref<80x128xi32, #tpu.memory_space<vmem>>, vector<1x16xi32>,
    %get3A_24 = vector.shape_cast %get3A_23 : vector<1x16xi32> to vector<16xi32>
    %shift_right_logical3A_25 = arith.constant 14 : i32
    %shift_right_logical3A_26 = vector.broadcast %shift_right_logical3A_25 : i32 to vector<16xi32>
    %shift_right_logical3A_27 = arith.shrui %get3A_24, %shift_right_logical3A_26 : vector<16xi32>
    %swap3A_28 = arith.constant 0 : i32
    %swap3A_29 = arith.index_cast %swap3A_28 : i32 to index
    %swap3A_30 = arith.constant 16 : index
    %swap3A_31 = tpu.vector_load %arg7[%swap3A_29, %swap3A_30] {strides = array<i32>} : memref<4x128xi32, #tpu.memory_space<vmem>>, vector<1x16xi32>,
    %swap3A_32 = vector.shape_cast %swap3A_31 : vector<1x16xi32> to vector<16xi32>
    %swap3A_33 = vector.shape_cast %shift_right_logical3A_27 : vector<16xi32> to vector<1x16xi32>
    tpu.vector_store %arg7[%swap3A_29, %swap3A_30], %swap3A_33 {strides = array<i32>} : memref<4x128xi32, #tpu.memory_space<vmem>>, vector<1x16xi32>,
    %and3A_34 = arith.constant 16383 : i32
    %and3A_35 = vector.broadcast %and3A_34 : i32 to vector<16xi32>
    %and3A_36 = arith.andi %get3A_24, %and3A_35 : vector<16xi32>
    %swap3A_37 = arith.constant 0 : i32
    %swap3A_38 = arith.index_cast %swap3A_37 : i32 to index
    %swap3A_39 = arith.constant 16 : index
    %swap3A_40 = tpu.vector_load %arg8[%swap3A_38, %swap3A_39] {strides = array<i32>} : memref<4x128xi32, #tpu.memory_space<vmem>>, vector<1x16xi32>,
    %swap3A_41 = vector.shape_cast %swap3A_40 : vector<1x16xi32> to vector<16xi32>
    %swap3A_42 = vector.shape_cast %and3A_36 : vector<16xi32> to vector<1x16xi32>
    tpu.vector_store %arg8[%swap3A_38, %swap3A_39], %swap3A_42 {strides = array<i32>} : memref<4x128xi32, #tpu.memory_space<vmem>>, vector<1x16xi32>,
    %get3A_43 = arith.constant 0 : i32
    %get3A_44 = arith.index_cast %get3A_43 : i32 to index
    %get3A_45 = arith.constant 32 : index
    %get3A_46 = tpu.vector_load %arg6[%get3A_44, %get3A_45] {strides = array<i32>} : memref<80x128xi32, #tpu.memory_space<vmem>>, vector<1x16xi32>,
    %get3A_47 = vector.shape_cast %get3A_46 : vector<1x16xi32> to vector<16xi32>
    %shift_right_logical3A_48 = arith.constant 14 : i32
    %shift_right_logical3A_49 = vector.broadcast %shift_right_logical3A_48 : i32 to vector<16xi32>
    %shift_right_logical3A_50 = arith.shrui %get3A_47, %shift_right_logical3A_49 : vector<16xi32>
    %swap3A_51 = arith.constant 0 : i32
    %swap3A_52 = arith.index_cast %swap3A_51 : i32 to index
    %swap3A_53 = arith.constant 32 : index
    %swap3A_54 = tpu.vector_load %arg7[%swap3A_52, %swap3A_53] {strides = array<i32>} : memref<4x128xi32, #tpu.memory_space<vmem>>, vector<1x16xi32>,
    %swap3A_55 = vector.shape_cast %swap3A_54 : vector<1x16xi32> to vector<16xi32>
    %swap3A_56 = vector.shape_cast %shift_right_logical3A_50 : vector<16xi32> to vector<1x16xi32>
    tpu.vector_store %arg7[%swap3A_52, %swap3A_53], %swap3A_56 {strides = array<i32>} : memref<4x128xi32, #tpu.memory_space<vmem>>, vector<1x16xi32>,
    %and3A_57 = arith.constant 16383 : i32
    %and3A_58 = vector.broadcast %and3A_57 : i32 to vector<16xi32>
    %and3A_59 = arith.andi %get3A_47, %and3A_58 : vector<16xi32>
    %swap3A_60 = arith.constant 0 : i32
    %swap3A_61 = arith.index_cast %swap3A_60 : i32 to index
    %swap3A_62 = arith.constant 32 : index
    %swap3A_63 = tpu.vector_load %arg8[%swap3A_61, %swap3A_62] {strides = array<i32>} : memref<4x128xi32, #tpu.memory_space<vmem>>, vector<1x16xi32>,
    %swap3A_64 = vector.shape_cast %swap3A_63 : vector<1x16xi32> to vector<16xi32>
    %swap3A_65 = vector.shape_cast %and3A_59 : vector<16xi32> to vector<1x16xi32>
    tpu.vector_store %arg8[%swap3A_61, %swap3A_62], %swap3A_65 {strides = array<i32>} : memref<4x128xi32, #tpu.memory_space<vmem>>, vector<1x16xi32>,
    %get3A_66 = arith.constant 0 : i32
    %get3A_67 = arith.index_cast %get3A_66 : i32 to index
    %get3A_68 = arith.constant 48 : index
    %get3A_69 = tpu.vector_load %arg6[%get3A_67, %get3A_68] {strides = array<i32>} : memref<80x128xi32, #tpu.memory_space<vmem>>, vector<1x16xi32>,
    %get3A_70 = vector.shape_cast %get3A_69 : vector<1x16xi32> to vector<16xi32>
    %shift_right_logical3A_71 = arith.constant 14 : i32
    %shift_right_logical3A_72 = vector.broadcast %shift_right_logical3A_71 : i32 to vector<16xi32>
    %shift_right_logical3A_73 = arith.shrui %get3A_70, %shift_right_logical3A_72 : vector<16xi32>
    %swap3A_74 = arith.constant 0 : i32
    %swap3A_75 = arith.index_cast %swap3A_74 : i32 to index
    %swap3A_76 = arith.constant 48 : index
    %swap3A_77 = tpu.vector_load %arg7[%swap3A_75, %swap3A_76] {strides = array<i32>} : memref<4x128xi32, #tpu.memory_space<vmem>>, vector<1x16xi32>,
    %swap3A_78 = vector.shape_cast %swap3A_77 : vector<1x16xi32> to vector<16xi32>
    %swap3A_79 = vector.shape_cast %shift_right_logical3A_73 : vector<16xi32> to vector<1x16xi32>
    tpu.vector_store %arg7[%swap3A_75, %swap3A_76], %swap3A_79 {strides = array<i32>} : memref<4x128xi32, #tpu.memory_space<vmem>>, vector<1x16xi32>,
    %and3A_80 = arith.constant 16383 : i32
    %and3A_81 = vector.broadcast %and3A_80 : i32 to vector<16xi32>
    %and3A_82 = arith.andi %get3A_70, %and3A_81 : vector<16xi32>
    %swap3A_83 = arith.constant 0 : i32
    %swap3A_84 = arith.index_cast %swap3A_83 : i32 to index
    %swap3A_85 = arith.constant 48 : index
    %swap3A_86 = tpu.vector_load %arg8[%swap3A_84, %swap3A_85] {strides = array<i32>} : memref<4x128xi32, #tpu.memory_space<vmem>>, vector<1x16xi32>,
    %swap3A_87 = vector.shape_cast %swap3A_86 : vector<1x16xi32> to vector<16xi32>
    %swap3A_88 = vector.shape_cast %and3A_82 : vector<16xi32> to vector<1x16xi32>
    tpu.vector_store %arg8[%swap3A_84, %swap3A_85], %swap3A_88 {strides = array<i32>} : memref<4x128xi32, #tpu.memory_space<vmem>>, vector<1x16xi32>,
    %get3A_89 = arith.constant 0 : i32
    %get3A_90 = arith.index_cast %get3A_89 : i32 to index
    %get3A_91 = arith.constant 64 : index
    %get3A_92 = tpu.vector_load %arg6[%get3A_90, %get3A_91] {strides = array<i32>} : memref<80x128xi32, #tpu.memory_space<vmem>>, vector<1x16xi32>,
    %get3A_93 = vector.shape_cast %get3A_92 : vector<1x16xi32> to vector<16xi32>
    %shift_right_logical3A_94 = arith.constant 14 : i32
    %shift_right_logical3A_95 = vector.broadcast %shift_right_logical3A_94 : i32 to vector<16xi32>
    %shift_right_logical3A_96 = arith.shrui %get3A_93, %shift_right_logical3A_95 : vector<16xi32>
    %swap3A_97 = arith.constant 0 : i32
    %swap3A_98 = arith.index_cast %swap3A_97 : i32 to index
    %swap3A_99 = arith.constant 64 : index
    %swap3A_100 = tpu.vector_load %arg7[%swap3A_98, %swap3A_99] {strides = array<i32>} : memref<4x128xi32, #tpu.memory_space<vmem>>, vector<1x16xi32>,
    %swap3A_101 = vector.shape_cast %swap3A_100 : vector<1x16xi32> to vector<16xi32>
    %swap3A_102 = vector.shape_cast %shift_right_logical3A_96 : vector<16xi32> to vector<1x16xi32>
    tpu.vector_store %arg7[%swap3A_98, %swap3A_99], %swap3A_102 {strides = array<i32>} : memref<4x128xi32, #tpu.memory_space<vmem>>, vector<1x16xi32>,
    %and3A_103 = arith.constant 16383 : i32
    %and3A_104 = vector.broadcast %and3A_103 : i32 to vector<16xi32>
    %and3A_105 = arith.andi %get3A_93, %and3A_104 : vector<16xi32>
    %swap3A_106 = arith.constant 0 : i32
    %swap3A_107 = arith.index_cast %swap3A_106 : i32 to index
    %swap3A_108 = arith.constant 64 : index
    %swap3A_109 = tpu.vector_load %arg8[%swap3A_107, %swap3A_108] {strides = array<i32>} : memref<4x128xi32, #tpu.memory_space<vmem>>, vector<1x16xi32>,
    %swap3A_110 = vector.shape_cast %swap3A_109 : vector<1x16xi32> to vector<16xi32>
    %swap3A_111 = vector.shape_cast %and3A_105 : vector<16xi32> to vector<1x16xi32>
    tpu.vector_store %arg8[%swap3A_107, %swap3A_108], %swap3A_111 {strides = array<i32>} : memref<4x128xi32, #tpu.memory_space<vmem>>, vector<1x16xi32>,
    %get3A_112 = arith.constant 0 : i32
    %get3A_113 = arith.index_cast %get3A_112 : i32 to index
    %get3A_114 = arith.constant 80 : index
    %get3A_115 = tpu.vector_load %arg6[%get3A_113, %get3A_114] {strides = array<i32>} : memref<80x128xi32, #tpu.memory_space<vmem>>, vector<1x16xi32>,
    %get3A_116 = vector.shape_cast %get3A_115 : vector<1x16xi32> to vector<16xi32>
    %shift_right_logical3A_117 = arith.constant 14 : i32
    %shift_right_logical3A_118 = vector.broadcast %shift_right_logical3A_117 : i32 to vector<16xi32>
    %shift_right_logical3A_119 = arith.shrui %get3A_116, %shift_right_logical3A_118 : vector<16xi32>
    %swap3A_120 = arith.constant 0 : i32
    %swap3A_121 = arith.index_cast %swap3A_120 : i32 to index
    %swap3A_122 = arith.constant 80 : index
    %swap3A_123 = tpu.vector_load %arg7[%swap3A_121, %swap3A_122] {strides = array<i32>} : memref<4x128xi32, #tpu.memory_space<vmem>>, vector<1x16xi32>,
    %swap3A_124 = vector.shape_cast %swap3A_123 : vector<1x16xi32> to vector<16xi32>
    %swap3A_125 = vector.shape_cast %shift_right_logical3A_119 : vector<16xi32> to vector<1x16xi32>
    tpu.vector_store %arg7[%swap3A_121, %swap3A_122], %swap3A_125 {strides = array<i32>} : memref<4x128xi32, #tpu.memory_space<vmem>>, vector<1x16xi32>,
    %and3A_126 = arith.constant 16383 : i32
    %and3A_127 = vector.broadcast %and3A_126 : i32 to vector<16xi32>
    %and3A_128 = arith.andi %get3A_116, %and3A_127 : vector<16xi32>
    %swap3A_129 = arith.constant 0 : i32
    %swap3A_130 = arith.index_cast %swap3A_129 : i32 to index
    %swap3A_131 = arith.constant 80 : index
    %swap3A_132 = tpu.vector_load %arg8[%swap3A_130, %swap3A_131] {strides = array<i32>} : memref<4x128xi32, #tpu.memory_space<vmem>>, vector<1x16xi32>,
    %swap3A_133 = vector.shape_cast %swap3A_132 : vector<1x16xi32> to vector<16xi32>
    %swap3A_134 = vector.shape_cast %and3A_128 : vector<16xi32> to vector<1x16xi32>
    tpu.vector_store %arg8[%swap3A_130, %swap3A_131], %swap3A_134 {strides = array<i32>} : memref<4x128xi32, #tpu.memory_space<vmem>>, vector<1x16xi32>,
    %get3A_135 = arith.constant 0 : i32
    %get3A_136 = arith.index_cast %get3A_135 : i32 to index
    %get3A_137 = arith.constant 96 : index
    %get3A_138 = tpu.vector_load %arg6[%get3A_136, %get3A_137] {strides = array<i32>} : memref<80x128xi32, #tpu.memory_space<vmem>>, vector<1x16xi32>,
    %get3A_139 = vector.shape_cast %get3A_138 : vector<1x16xi32> to vector<16xi32>
    %shift_right_logical3A_140 = arith.constant 14 : i32
    %shift_right_logical3A_141 = vector.broadcast %shift_right_logical3A_140 : i32 to vector<16xi32>
    %shift_right_logical3A_142 = arith.shrui %get3A_139, %shift_right_logical3A_141 : vector<16xi32>
    %swap3A_143 = arith.constant 0 : i32
    %swap3A_144 = arith.index_cast %swap3A_143 : i32 to index
    %swap3A_145 = arith.constant 96 : index
    %swap3A_146 = tpu.vector_load %arg7[%swap3A_144, %swap3A_145] {strides = array<i32>} : memref<4x128xi32, #tpu.memory_space<vmem>>, vector<1x16xi32>,
    %swap3A_147 = vector.shape_cast %swap3A_146 : vector<1x16xi32> to vector<16xi32>
    %swap3A_148 = vector.shape_cast %shift_right_logical3A_142 : vector<16xi32> to vector<1x16xi32>
    tpu.vector_store %arg7[%swap3A_144, %swap3A_145], %swap3A_148 {strides = array<i32>} : memref<4x128xi32, #tpu.memory_space<vmem>>, vector<1x16xi32>,
    %and3A_149 = arith.constant 16383 : i32
    %and3A_150 = vector.broadcast %and3A_149 : i32 to vector<16xi32>
    %and3A_151 = arith.andi %get3A_139, %and3A_150 : vector<16xi32>
    %swap3A_152 = arith.constant 0 : i32
    %swap3A_153 = arith.index_cast %swap3A_152 : i32 to index
    %swap3A_154 = arith.constant 96 : index
    %swap3A_155 = tpu.vector_load %arg8[%swap3A_153, %swap3A_154] {strides = array<i32>} : memref<4x128xi32, #tpu.memory_space<vmem>>, vector<1x16xi32>,
    %swap3A_156 = vector.shape_cast %swap3A_155 : vector<1x16xi32> to vector<16xi32>
    %swap3A_157 = vector.shape_cast %and3A_151 : vector<16xi32> to vector<1x16xi32>
    tpu.vector_store %arg8[%swap3A_153, %swap3A_154], %swap3A_157 {strides = array<i32>} : memref<4x128xi32, #tpu.memory_space<vmem>>, vector<1x16xi32>,
    %get3A_158 = arith.constant 0 : i32
    %get3A_159 = arith.index_cast %get3A_158 : i32 to index
    %get3A_160 = arith.constant 112 : index
    %get3A_161 = tpu.vector_load %arg6[%get3A_159, %get3A_160] {strides = array<i32>} : memref<80x128xi32, #tpu.memory_space<vmem>>, vector<1x16xi32>,
    %get3A_162 = vector.shape_cast %get3A_161 : vector<1x16xi32> to vector<16xi32>
    %shift_right_logical3A_163 = arith.constant 14 : i32
    %shift_right_logical3A_164 = vector.broadcast %shift_right_logical3A_163 : i32 to vector<16xi32>
    %shift_right_logical3A_165 = arith.shrui %get3A_162, %shift_right_logical3A_164 : vector<16xi32>
    %swap3A_166 = arith.constant 0 : i32
    %swap3A_167 = arith.index_cast %swap3A_166 : i32 to index
    %swap3A_168 = arith.constant 112 : index
    %swap3A_169 = tpu.vector_load %arg7[%swap3A_167, %swap3A_168] {strides = array<i32>} : memref<4x128xi32, #tpu.memory_space<vmem>>, vector<1x16xi32>,
    %swap3A_170 = vector.shape_cast %swap3A_169 : vector<1x16xi32> to vector<16xi32>
    %swap3A_171 = vector.shape_cast %shift_right_logical3A_165 : vector<16xi32> to vector<1x16xi32>
    tpu.vector_store %arg7[%swap3A_167, %swap3A_168], %swap3A_171 {strides = array<i32>} : memref<4x128xi32, #tpu.memory_space<vmem>>, vector<1x16xi32>,
    %and3A_172 = arith.constant 16383 : i32
    %and3A_173 = vector.broadcast %and3A_172 : i32 to vector<16xi32>
    %and3A_174 = arith.andi %get3A_162, %and3A_173 : vector<16xi32>
    %swap3A_175 = arith.constant 0 : i32
    %swap3A_176 = arith.index_cast %swap3A_175 : i32 to index
    %swap3A_177 = arith.constant 112 : index
    %swap3A_178 = tpu.vector_load %arg8[%swap3A_176, %swap3A_177] {strides = array<i32>} : memref<4x128xi32, #tpu.memory_space<vmem>>, vector<1x16xi32>,
    %swap3A_179 = vector.shape_cast %swap3A_178 : vector<1x16xi32> to vector<16xi32>
    %swap3A_180 = vector.shape_cast %and3A_174 : vector<16xi32> to vector<1x16xi32>
    tpu.vector_store %arg8[%swap3A_176, %swap3A_177], %swap3A_180 {strides = array<i32>} : memref<4x128xi32, #tpu.memory_space<vmem>>, vector<1x16xi32>,
    %dma_start3A = arith.constant 0 : i32
    %dma_start3A_181 = arith.constant 0 : i32
    %dma_start3A_182 = tpu.memref_slice %arg7[%dma_start3A, %dma_start3A_181] : memref<4x128xi32, #tpu.memory_space<vmem>> -> memref<1x128xi32, #tpu.memory_space<vmem>>
    %dma_start3A_183 = tpu.memref_squeeze %dma_start3A_182 : memref<1x128xi32, #tpu.memory_space<vmem>> -> memref<128xi32, #tpu.memory_space<vmem>>
    %dma_start3A_184 = arith.constant 0 : i32
    %dma_start3A_185 = arith.constant 0 : i32
    %dma_start3A_186 = tpu.memref_slice %arg2[%dma_start3A_184, %dma_start3A_185] : memref<10000x128xf32, #tpu.memory_space<hbm>> -> memref<10000x128xf32, #tpu.memory_space<hbm>>
    tpu.enqueue_indirect_dma source(%dma_start3A_186 : memref<10000x128xf32, #tpu.memory_space<hbm>>) target(%arg9 : memref<128x128xf32, #tpu.memory_space<vmem>>) offsets(%dma_start3A_183 : memref<128xi32, #tpu.memory_space<vmem>>) semaphore(%arg12 : memref<!tpu.dma_semaphore, #tpu.memory_space<semaphore_mem>>)
    %get3A_187 = arith.constant 1 : i32
    %get3A_188 = arith.index_cast %get3A_187 : i32 to index
    %get3A_189 = arith.constant 0 : index
    %get3A_190 = tpu.vector_load %arg6[%get3A_188, %get3A_189] {strides = array<i32>} : memref<80x128xi32, #tpu.memory_space<vmem>>, vector<1x16xi32>,
    %get3A_191 = vector.shape_cast %get3A_190 : vector<1x16xi32> to vector<16xi32>
    %shift_right_logical3A_192 = arith.constant 14 : i32
    %shift_right_logical3A_193 = vector.broadcast %shift_right_logical3A_192 : i32 to vector<16xi32>
    %shift_right_logical3A_194 = arith.shrui %get3A_191, %shift_right_logical3A_193 : vector<16xi32>
    %swap3A_195 = arith.constant 1 : i32
    %swap3A_196 = arith.index_cast %swap3A_195 : i32 to index
    %swap3A_197 = arith.constant 0 : index
    %swap3A_198 = tpu.vector_load %arg7[%swap3A_196, %swap3A_197] {strides = array<i32>} : memref<4x128xi32, #tpu.memory_space<vmem>>, vector<1x16xi32>,
    %swap3A_199 = vector.shape_cast %swap3A_198 : vector<1x16xi32> to vector<16xi32>
    %swap3A_200 = vector.shape_cast %shift_right_logical3A_194 : vector<16xi32> to vector<1x16xi32>
    tpu.vector_store %arg7[%swap3A_196, %swap3A_197], %swap3A_200 {strides = array<i32>} : memref<4x128xi32, #tpu.memory_space<vmem>>, vector<1x16xi32>,
    %and3A_201 = arith.constant 16383 : i32
    %and3A_202 = vector.broadcast %and3A_201 : i32 to vector<16xi32>
    %and3A_203 = arith.andi %get3A_191, %and3A_202 : vector<16xi32>
    %swap3A_204 = arith.constant 1 : i32
    %swap3A_205 = arith.index_cast %swap3A_204 : i32 to index
    %swap3A_206 = arith.constant 0 : index
    %swap3A_207 = tpu.vector_load %arg8[%swap3A_205, %swap3A_206] {strides = array<i32>} : memref<4x128xi32, #tpu.memory_space<vmem>>, vector<1x16xi32>,
    %swap3A_208 = vector.shape_cast %swap3A_207 : vector<1x16xi32> to vector<16xi32>
    %swap3A_209 = vector.shape_cast %and3A_203 : vector<16xi32> to vector<1x16xi32>
    tpu.vector_store %arg8[%swap3A_205, %swap3A_206], %swap3A_209 {strides = array<i32>} : memref<4x128xi32, #tpu.memory_space<vmem>>, vector<1x16xi32>,
    %get3A_210 = arith.constant 1 : i32
    %get3A_211 = arith.index_cast %get3A_210 : i32 to index
    %get3A_212 = arith.constant 16 : index
    %get3A_213 = tpu.vector_load %arg6[%get3A_211, %get3A_212] {strides = array<i32>} : memref<80x128xi32, #tpu.memory_space<vmem>>, vector<1x16xi32>,
    %get3A_214 = vector.shape_cast %get3A_213 : vector<1x16xi32> to vector<16xi32>
    %shift_right_logical3A_215 = arith.constant 14 : i32
    %shift_right_logical3A_216 = vector.broadcast %shift_right_logical3A_215 : i32 to vector<16xi32>
    %shift_right_logical3A_217 = arith.shrui %get3A_214, %shift_right_logical3A_216 : vector<16xi32>
    %swap3A_218 = arith.constant 1 : i32
    %swap3A_219 = arith.index_cast %swap3A_218 : i32 to index
    %swap3A_220 = arith.constant 16 : index
    %swap3A_221 = tpu.vector_load %arg7[%swap3A_219, %swap3A_220] {strides = array<i32>} : memref<4x128xi32, #tpu.memory_space<vmem>>, vector<1x16xi32>,
    %swap3A_222 = vector.shape_cast %swap3A_221 : vector<1x16xi32> to vector<16xi32>
    %swap3A_223 = vector.shape_cast %shift_right_logical3A_217 : vector<16xi32> to vector<1x16xi32>
    tpu.vector_store %arg7[%swap3A_219, %swap3A_220], %swap3A_223 {strides = array<i32>} : memref<4x128xi32, #tpu.memory_space<vmem>>, vector<1x16xi32>,
    %and3A_224 = arith.constant 16383 : i32
    %and3A_225 = vector.broadcast %and3A_224 : i32 to vector<16xi32>
    %and3A_226 = arith.andi %get3A_214, %and3A_225 : vector<16xi32>
    %swap3A_227 = arith.constant 1 : i32
    %swap3A_228 = arith.index_cast %swap3A_227 : i32 to index
    %swap3A_229 = arith.constant 16 : index
    %swap3A_230 = tpu.vector_load %arg8[%swap3A_228, %swap3A_229] {strides = array<i32>} : memref<4x128xi32, #tpu.memory_space<vmem>>, vector<1x16xi32>,
    %swap3A_231 = vector.shape_cast %swap3A_230 : vector<1x16xi32> to vector<16xi32>
    %swap3A_232 = vector.shape_cast %and3A_226 : vector<16xi32> to vector<1x16xi32>
    tpu.vector_store %arg8[%swap3A_228, %swap3A_229], %swap3A_232 {strides = array<i32>} : memref<4x128xi32, #tpu.memory_space<vmem>>, vector<1x16xi32>,
    %get3A_233 = arith.constant 1 : i32
    %get3A_234 = arith.index_cast %get3A_233 : i32 to index
    %get3A_235 = arith.constant 32 : index
    %get3A_236 = tpu.vector_load %arg6[%get3A_234, %get3A_235] {strides = array<i32>} : memref<80x128xi32, #tpu.memory_space<vmem>>, vector<1x16xi32>,
    %get3A_237 = vector.shape_cast %get3A_236 : vector<1x16xi32> to vector<16xi32>
    %shift_right_logical3A_238 = arith.constant 14 : i32
    %shift_right_logical3A_239 = vector.broadcast %shift_right_logical3A_238 : i32 to vector<16xi32>
    %shift_right_logical3A_240 = arith.shrui %get3A_237, %shift_right_logical3A_239 : vector<16xi32>
    %swap3A_241 = arith.constant 1 : i32
    %swap3A_242 = arith.index_cast %swap3A_241 : i32 to index
    %swap3A_243 = arith.constant 32 : index
    %swap3A_244 = tpu.vector_load %arg7[%swap3A_242, %swap3A_243] {strides = array<i32>} : memref<4x128xi32, #tpu.memory_space<vmem>>, vector<1x16xi32>,
    %swap3A_245 = vector.shape_cast %swap3A_244 : vector<1x16xi32> to vector<16xi32>
    %swap3A_246 = vector.shape_cast %shift_right_logical3A_240 : vector<16xi32> to vector<1x16xi32>
    tpu.vector_store %arg7[%swap3A_242, %swap3A_243], %swap3A_246 {strides = array<i32>} : memref<4x128xi32, #tpu.memory_space<vmem>>, vector<1x16xi32>,
    %and3A_247 = arith.constant 16383 : i32
    %and3A_248 = vector.broadcast %and3A_247 : i32 to vector<16xi32>
    %and3A_249 = arith.andi %get3A_237, %and3A_248 : vector<16xi32>
    %swap3A_250 = arith.constant 1 : i32
    %swap3A_251 = arith.index_cast %swap3A_250 : i32 to index
    %swap3A_252 = arith.constant 32 : index
    %swap3A_253 = tpu.vector_load %arg8[%swap3A_251, %swap3A_252] {strides = array<i32>} : memref<4x128xi32, #tpu.memory_space<vmem>>, vector<1x16xi32>,
    %swap3A_254 = vector.shape_cast %swap3A_253 : vector<1x16xi32> to vector<16xi32>
    %swap3A_255 = vector.shape_cast %and3A_249 : vector<16xi32> to vector<1x16xi32>
    tpu.vector_store %arg8[%swap3A_251, %swap3A_252], %swap3A_255 {strides = array<i32>} : memref<4x128xi32, #tpu.memory_space<vmem>>, vector<1x16xi32>,
    %get3A_256 = arith.constant 1 : i32
    %get3A_257 = arith.index_cast %get3A_256 : i32 to index
    %get3A_258 = arith.constant 48 : index
    %get3A_259 = tpu.vector_load %arg6[%get3A_257, %get3A_258] {strides = array<i32>} : memref<80x128xi32, #tpu.memory_space<vmem>>, vector<1x16xi32>,
    %get3A_260 = vector.shape_cast %get3A_259 : vector<1x16xi32> to vector<16xi32>
    %shift_right_logical3A_261 = arith.constant 14 : i32
    %shift_right_logical3A_262 = vector.broadcast %shift_right_logical3A_261 : i32 to vector<16xi32>
    %shift_right_logical3A_263 = arith.shrui %get3A_260, %shift_right_logical3A_262 : vector<16xi32>
    %swap3A_264 = arith.constant 1 : i32
    %swap3A_265 = arith.index_cast %swap3A_264 : i32 to index
    %swap3A_266 = arith.constant 48 : index
    %swap3A_267 = tpu.vector_load %arg7[%swap3A_265, %swap3A_266] {strides = array<i32>} : memref<4x128xi32, #tpu.memory_space<vmem>>, vector<1x16xi32>,
    %swap3A_268 = vector.shape_cast %swap3A_267 : vector<1x16xi32> to vector<16xi32>
    %swap3A_269 = vector.shape_cast %shift_right_logical3A_263 : vector<16xi32> to vector<1x16xi32>
    tpu.vector_store %arg7[%swap3A_265, %swap3A_266], %swap3A_269 {strides = array<i32>} : memref<4x128xi32, #tpu.memory_space<vmem>>, vector<1x16xi32>,
    %and3A_270 = arith.constant 16383 : i32
    %and3A_271 = vector.broadcast %and3A_270 : i32 to vector<16xi32>
    %and3A_272 = arith.andi %get3A_260, %and3A_271 : vector<16xi32>
    %swap3A_273 = arith.constant 1 : i32
    %swap3A_274 = arith.index_cast %swap3A_273 : i32 to index
    %swap3A_275 = arith.constant 48 : index
    %swap3A_276 = tpu.vector_load %arg8[%swap3A_274, %swap3A_275] {strides = array<i32>} : memref<4x128xi32, #tpu.memory_space<vmem>>, vector<1x16xi32>,
    %swap3A_277 = vector.shape_cast %swap3A_276 : vector<1x16xi32> to vector<16xi32>
    %swap3A_278 = vector.shape_cast %and3A_272 : vector<16xi32> to vector<1x16xi32>
    tpu.vector_store %arg8[%swap3A_274, %swap3A_275], %swap3A_278 {strides = array<i32>} : memref<4x128xi32, #tpu.memory_space<vmem>>, vector<1x16xi32>,
    %get3A_279 = arith.constant 1 : i32
    %get3A_280 = arith.index_cast %get3A_279 : i32 to index
    %get3A_281 = arith.constant 64 : index
    %get3A_282 = tpu.vector_load %arg6[%get3A_280, %get3A_281] {strides = array<i32>} : memref<80x128xi32, #tpu.memory_space<vmem>>, vector<1x16xi32>,
    %get3A_283 = vector.shape_cast %get3A_282 : vector<1x16xi32> to vector<16xi32>
    %shift_right_logical3A_284 = arith.constant 14 : i32
    %shift_right_logical3A_285 = vector.broadcast %shift_right_logical3A_284 : i32 to vector<16xi32>
    %shift_right_logical3A_286 = arith.shrui %get3A_283, %shift_right_logical3A_285 : vector<16xi32>
    %swap3A_287 = arith.constant 1 : i32
    %swap3A_288 = arith.index_cast %swap3A_287 : i32 to index
    %swap3A_289 = arith.constant 64 : index
    %swap3A_290 = tpu.vector_load %arg7[%swap3A_288, %swap3A_289] {strides = array<i32>} : memref<4x128xi32, #tpu.memory_space<vmem>>, vector<1x16xi32>,
    %swap3A_291 = vector.shape_cast %swap3A_290 : vector<1x16xi32> to vector<16xi32>
    %swap3A_292 = vector.shape_cast %shift_right_logical3A_286 : vector<16xi32> to vector<1x16xi32>
    tpu.vector_store %arg7[%swap3A_288, %swap3A_289], %swap3A_292 {strides = array<i32>} : memref<4x128xi32, #tpu.memory_space<vmem>>, vector<1x16xi32>,
    %and3A_293 = arith.constant 16383 : i32
    %and3A_294 = vector.broadcast %and3A_293 : i32 to vector<16xi32>
    %and3A_295 = arith.andi %get3A_283, %and3A_294 : vector<16xi32>
    %swap3A_296 = arith.constant 1 : i32
    %swap3A_297 = arith.index_cast %swap3A_296 : i32 to index
    %swap3A_298 = arith.constant 64 : index
    %swap3A_299 = tpu.vector_load %arg8[%swap3A_297, %swap3A_298] {strides = array<i32>} : memref<4x128xi32, #tpu.memory_space<vmem>>, vector<1x16xi32>,
    %swap3A_300 = vector.shape_cast %swap3A_299 : vector<1x16xi32> to vector<16xi32>
    %swap3A_301 = vector.shape_cast %and3A_295 : vector<16xi32> to vector<1x16xi32>
    tpu.vector_store %arg8[%swap3A_297, %swap3A_298], %swap3A_301 {strides = array<i32>} : memref<4x128xi32, #tpu.memory_space<vmem>>, vector<1x16xi32>,
    %get3A_302 = arith.constant 1 : i32
    %get3A_303 = arith.index_cast %get3A_302 : i32 to index
    %get3A_304 = arith.constant 80 : index
    %get3A_305 = tpu.vector_load %arg6[%get3A_303, %get3A_304] {strides = array<i32>} : memref<80x128xi32, #tpu.memory_space<vmem>>, vector<1x16xi32>,
    %get3A_306 = vector.shape_cast %get3A_305 : vector<1x16xi32> to vector<16xi32>
    %shift_right_logical3A_307 = arith.constant 14 : i32
    %shift_right_logical3A_308 = vector.broadcast %shift_right_logical3A_307 : i32 to vector<16xi32>
    %shift_right_logical3A_309 = arith.shrui %get3A_306, %shift_right_logical3A_308 : vector<16xi32>
    %swap3A_310 = arith.constant 1 : i32
    %swap3A_311 = arith.index_cast %swap3A_310 : i32 to index
    %swap3A_312 = arith.constant 80 : index
    %swap3A_313 = tpu.vector_load %arg7[%swap3A_311, %swap3A_312] {strides = array<i32>} : memref<4x128xi32, #tpu.memory_space<vmem>>, vector<1x16xi32>,
    %swap3A_314 = vector.shape_cast %swap3A_313 : vector<1x16xi32> to vector<16xi32>
    %swap3A_315 = vector.shape_cast %shift_right_logical3A_309 : vector<16xi32> to vector<1x16xi32>
    tpu.vector_store %arg7[%swap3A_311, %swap3A_312], %swap3A_315 {strides = array<i32>} : memref<4x128xi32, #tpu.memory_space<vmem>>, vector<1x16xi32>,
    %and3A_316 = arith.constant 16383 : i32
    %and3A_317 = vector.broadcast %and3A_316 : i32 to vector<16xi32>
    %and3A_318 = arith.andi %get3A_306, %and3A_317 : vector<16xi32>
    %swap3A_319 = arith.constant 1 : i32
    %swap3A_320 = arith.index_cast %swap3A_319 : i32 to index
    %swap3A_321 = arith.constant 80 : index
    %swap3A_322 = tpu.vector_load %arg8[%swap3A_320, %swap3A_321] {strides = array<i32>} : memref<4x128xi32, #tpu.memory_space<vmem>>, vector<1x16xi32>,
    %swap3A_323 = vector.shape_cast %swap3A_322 : vector<1x16xi32> to vector<16xi32>
    %swap3A_324 = vector.shape_cast %and3A_318 : vector<16xi32> to vector<1x16xi32>
    tpu.vector_store %arg8[%swap3A_320, %swap3A_321], %swap3A_324 {strides = array<i32>} : memref<4x128xi32, #tpu.memory_space<vmem>>, vector<1x16xi32>,
    %get3A_325 = arith.constant 1 : i32
    %get3A_326 = arith.index_cast %get3A_325 : i32 to index
    %get3A_327 = arith.constant 96 : index
    %get3A_328 = tpu.vector_load %arg6[%get3A_326, %get3A_327] {strides = array<i32>} : memref<80x128xi32, #tpu.memory_space<vmem>>, vector<1x16xi32>,
    %get3A_329 = vector.shape_cast %get3A_328 : vector<1x16xi32> to vector<16xi32>
    %shift_right_logical3A_330 = arith.constant 14 : i32
    %shift_right_logical3A_331 = vector.broadcast %shift_right_logical3A_330 : i32 to vector<16xi32>
    %shift_right_logical3A_332 = arith.shrui %get3A_329, %shift_right_logical3A_331 : vector<16xi32>
    %swap3A_333 = arith.constant 1 : i32
    %swap3A_334 = arith.index_cast %swap3A_333 : i32 to index
    %swap3A_335 = arith.constant 96 : index
    %swap3A_336 = tpu.vector_load %arg7[%swap3A_334, %swap3A_335] {strides = array<i32>} : memref<4x128xi32, #tpu.memory_space<vmem>>, vector<1x16xi32>,
    %swap3A_337 = vector.shape_cast %swap3A_336 : vector<1x16xi32> to vector<16xi32>
    %swap3A_338 = vector.shape_cast %shift_right_logical3A_332 : vector<16xi32> to vector<1x16xi32>
    tpu.vector_store %arg7[%swap3A_334, %swap3A_335], %swap3A_338 {strides = array<i32>} : memref<4x128xi32, #tpu.memory_space<vmem>>, vector<1x16xi32>,
    %and3A_339 = arith.constant 16383 : i32
    %and3A_340 = vector.broadcast %and3A_339 : i32 to vector<16xi32>
    %and3A_341 = arith.andi %get3A_329, %and3A_340 : vector<16xi32>
    %swap3A_342 = arith.constant 1 : i32
    %swap3A_343 = arith.index_cast %swap3A_342 : i32 to index
    %swap3A_344 = arith.constant 96 : index
    %swap3A_345 = tpu.vector_load %arg8[%swap3A_343, %swap3A_344] {strides = array<i32>} : memref<4x128xi32, #tpu.memory_space<vmem>>, vector<1x16xi32>,
    %swap3A_346 = vector.shape_cast %swap3A_345 : vector<1x16xi32> to vector<16xi32>
    %swap3A_347 = vector.shape_cast %and3A_341 : vector<16xi32> to vector<1x16xi32>
    tpu.vector_store %arg8[%swap3A_343, %swap3A_344], %swap3A_347 {strides = array<i32>} : memref<4x128xi32, #tpu.memory_space<vmem>>, vector<1x16xi32>,
    %get3A_348 = arith.constant 1 : i32
    %get3A_349 = arith.index_cast %get3A_348 : i32 to index
    %get3A_350 = arith.constant 112 : index
    %get3A_351 = tpu.vector_load %arg6[%get3A_349, %get3A_350] {strides = array<i32>} : memref<80x128xi32, #tpu.memory_space<vmem>>, vector<1x16xi32>,
    %get3A_352 = vector.shape_cast %get3A_351 : vector<1x16xi32> to vector<16xi32>
    %shift_right_logical3A_353 = arith.constant 14 : i32
    %shift_right_logical3A_354 = vector.broadcast %shift_right_logical3A_353 : i32 to vector<16xi32>
    %shift_right_logical3A_355 = arith.shrui %get3A_352, %shift_right_logical3A_354 : vector<16xi32>
    %swap3A_356 = arith.constant 1 : i32
    %swap3A_357 = arith.index_cast %swap3A_356 : i32 to index
    %swap3A_358 = arith.constant 112 : index
    %swap3A_359 = tpu.vector_load %arg7[%swap3A_357, %swap3A_358] {strides = array<i32>} : memref<4x128xi32, #tpu.memory_space<vmem>>, vector<1x16xi32>,
    %swap3A_360 = vector.shape_cast %swap3A_359 : vector<1x16xi32> to vector<16xi32>
    %swap3A_361 = vector.shape_cast %shift_right_logical3A_355 : vector<16xi32> to vector<1x16xi32>
    tpu.vector_store %arg7[%swap3A_357, %swap3A_358], %swap3A_361 {strides = array<i32>} : memref<4x128xi32, #tpu.memory_space<vmem>>, vector<1x16xi32>,
    %and3A_362 = arith.constant 16383 : i32
    %and3A_363 = vector.broadcast %and3A_362 : i32 to vector<16xi32>
    %and3A_364 = arith.andi %get3A_352, %and3A_363 : vector<16xi32>
    %swap3A_365 = arith.constant 1 : i32
    %swap3A_366 = arith.index_cast %swap3A_365 : i32 to index
    %swap3A_367 = arith.constant 112 : index
    %swap3A_368 = tpu.vector_load %arg8[%swap3A_366, %swap3A_367] {strides = array<i32>} : memref<4x128xi32, #tpu.memory_space<vmem>>, vector<1x16xi32>,
    %swap3A_369 = vector.shape_cast %swap3A_368 : vector<1x16xi32> to vector<16xi32>
    %swap3A_370 = vector.shape_cast %and3A_364 : vector<16xi32> to vector<1x16xi32>
    tpu.vector_store %arg8[%swap3A_366, %swap3A_367], %swap3A_370 {strides = array<i32>} : memref<4x128xi32, #tpu.memory_space<vmem>>, vector<1x16xi32>,
    %dma_start3A_371 = arith.constant 1 : i32
    %dma_start3A_372 = arith.constant 0 : i32
    %dma_start3A_373 = tpu.memref_slice %arg7[%dma_start3A_371, %dma_start3A_372] : memref<4x128xi32, #tpu.memory_space<vmem>> -> memref<1x128xi32, #tpu.memory_space<vmem>>
    %dma_start3A_374 = tpu.memref_squeeze %dma_start3A_373 : memref<1x128xi32, #tpu.memory_space<vmem>> -> memref<128xi32, #tpu.memory_space<vmem>>
    %dma_start3A_375 = arith.constant 0 : i32
    %dma_start3A_376 = arith.constant 0 : i32
    %dma_start3A_377 = tpu.memref_slice %arg2[%dma_start3A_375, %dma_start3A_376] : memref<10000x128xf32, #tpu.memory_space<hbm>> -> memref<10000x128xf32, #tpu.memory_space<hbm>>
    tpu.enqueue_indirect_dma source(%dma_start3A_377 : memref<10000x128xf32, #tpu.memory_space<hbm>>) target(%arg10 : memref<128x128xf32, #tpu.memory_space<vmem>>) offsets(%dma_start3A_374 : memref<128xi32, #tpu.memory_space<vmem>>) semaphore(%arg13 : memref<!tpu.dma_semaphore, #tpu.memory_space<semaphore_mem>>)
    %mul3A_378 = arith.constant 640 : i32
    %mul3A_379 = arith.muli %arg1, %mul3A_378 : i32
    "tpu.region"() ({
      %run_scoped3A = tpu.sem_alloc : memref<!tpu.dma_semaphore, #tpu.memory_space<semaphore_mem>>
      %dma_start3A_390 = arith.constant 0 : i32
      %dma_start3A_391 = tpu.memref_slice %arg11[%mul3A_379, %dma_start3A_390] : memref<10240x128xf32, #tpu.memory_space<vmem_shared>> -> memref<640x128xf32, #tpu.memory_space<vmem_shared>>
      %dma_start3A_392 = arith.constant 0 : i32
      %dma_start3A_393 = arith.constant 0 : i32
      %dma_start3A_394 = tpu.memref_slice %arg4[%arg1, %dma_start3A_392, %dma_start3A_393] : memref<16x640x128xf32, #tpu.memory_space<hbm>> -> memref<1x640x128xf32, #tpu.memory_space<hbm>>
      %dma_start3A_395 = tpu.memref_squeeze %dma_start3A_394 : memref<1x640x128xf32, #tpu.memory_space<hbm>> -> memref<640x128xf32, #tpu.memory_space<hbm>>
      tpu.enqueue_dma source(%dma_start3A_395 : memref<640x128xf32, #tpu.memory_space<hbm>>) target(%dma_start3A_391 : memref<640x128xf32, #tpu.memory_space<vmem_shared>>) target_semaphore(%run_scoped3A : memref<!tpu.dma_semaphore, #tpu.memory_space<semaphore_mem>>)
      %dma_wait3A = arith.constant 0 : i32
      %dma_wait3A_396 = tpu.memref_slice %arg11[%mul3A_379, %dma_wait3A] : memref<10240x128xf32, #tpu.memory_space<vmem_shared>> -> memref<640x128xf32, #tpu.memory_space<vmem_shared>>
      %dma_wait3A_397 = arith.constant 0 : i32
      %dma_wait3A_398 = arith.constant 0 : i32
      %dma_wait3A_399 = tpu.memref_slice %arg4[%arg1, %dma_wait3A_397, %dma_wait3A_398] : memref<16x640x128xf32, #tpu.memory_space<hbm>> -> memref<1x640x128xf32, #tpu.memory_space<hbm>>
      %dma_wait3A_400 = tpu.memref_squeeze %dma_wait3A_399 : memref<1x640x128xf32, #tpu.memory_space<hbm>> -> memref<640x128xf32, #tpu.memory_space<hbm>>
      tpu.wait_dma2 semaphore(%run_scoped3A : memref<!tpu.dma_semaphore, #tpu.memory_space<semaphore_mem>>) src(%dma_wait3A_400 : memref<640x128xf32, #tpu.memory_space<hbm>>) dst(%dma_wait3A_396 : memref<640x128xf32, #tpu.memory_space<vmem_shared>>)
      tpu.yield
    }) : () -> ()
    %barrier3A = arith.constant 0 : index
    tpu.barrier barrier_id(%barrier3A)
    %scan3A = arith.constant 0 : i32
    %scan3A_380 = arith.constant 0 : i32
    %scan3A_381 = arith.constant 20 : i32
    %scan3A_382 = arith.addi %scan3A_380, %scan3A_381 : i32
    %scan3A_383 = arith.constant 1 : i32
    scf.for %scan3A_390 = %scan3A_380 to %scan3A_382 step %scan3A_383  : i32 {
      %mul3A_391 = arith.constant 4 : i32
      %mul3A_392 = arith.muli %scan3A_390, %mul3A_391 : i32
      %add3A_393 = arith.constant 0 : i32
      %add3A_394 = arith.addi %mul3A_392, %add3A_393 : i32
      %dma_wait3A = arith.constant 0 : i32
      %dma_wait3A_395 = arith.constant 0 : i32
      %dma_wait3A_396 = tpu.memref_slice %arg7[%dma_wait3A, %dma_wait3A_395] : memref<4x128xi32, #tpu.memory_space<vmem>> -> memref<1x128xi32, #tpu.memory_space<vmem>>
      %dma_wait3A_397 = tpu.memref_squeeze %dma_wait3A_396 : memref<1x128xi32, #tpu.memory_space<vmem>> -> memref<128xi32, #tpu.memory_space<vmem>>
      %dma_wait3A_398 = arith.constant 0 : i32
      %dma_wait3A_399 = arith.constant 0 : i32
      %dma_wait3A_400 = tpu.memref_slice %arg2[%dma_wait3A_398, %dma_wait3A_399] : memref<10000x128xf32, #tpu.memory_space<hbm>> -> memref<10000x128xf32, #tpu.memory_space<hbm>>
      tpu.wait_indirect_dma semaphore(%arg12 : memref<!tpu.dma_semaphore, #tpu.memory_space<semaphore_mem>>) src(%dma_wait3A_400 : memref<10000x128xf32, #tpu.memory_space<hbm>>) dst(%arg9 : memref<128x128xf32, #tpu.memory_space<vmem>>)
      %run_scoped3A = arith.constant 0 : i32
      "tpu.region"() ({
        %run_scoped3A_462 = tpu.sem_alloc : memref<!tpu.dma_semaphore, #tpu.memory_space<semaphore_mem>>
        %dma_start3A_463 = arith.constant 0 : i32
        %dma_start3A_464 = tpu.memref_slice %arg8[%run_scoped3A, %dma_start3A_463] : memref<4x128xi32, #tpu.memory_space<vmem>> -> memref<1x128xi32, #tpu.memory_space<vmem>>
        %dma_start3A_465 = tpu.memref_squeeze %dma_start3A_464 : memref<1x128xi32, #tpu.memory_space<vmem>> -> memref<128xi32, #tpu.memory_space<vmem>>
        %dma_start3A_466 = arith.constant 0 : i32
        %dma_start3A_467 = arith.constant 0 : i32
        %dma_start3A_468 = tpu.memref_slice %arg11[%dma_start3A_466, %dma_start3A_467] : memref<10240x128xf32, #tpu.memory_space<vmem_shared>> -> memref<10240x128xf32, #tpu.memory_space<vmem_shared>>
        tpu.enqueue_indirect_dma source(%arg9 : memref<128x128xf32, #tpu.memory_space<vmem>>) target(%dma_start3A_468 : memref<10240x128xf32, #tpu.memory_space<vmem_shared>>) offsets(%dma_start3A_465 : memref<128xi32, #tpu.memory_space<vmem>>) semaphore(%run_scoped3A_462 : memref<!tpu.dma_semaphore, #tpu.memory_space<semaphore_mem>>) {add = true}
        %dma_wait3A_469 = arith.constant 0 : i32
        %dma_wait3A_470 = tpu.memref_slice %arg8[%run_scoped3A, %dma_wait3A_469] : memref<4x128xi32, #tpu.memory_space<vmem>> -> memref<1x128xi32, #tpu.memory_space<vmem>>
        %dma_wait3A_471 = tpu.memref_squeeze %dma_wait3A_470 : memref<1x128xi32, #tpu.memory_space<vmem>> -> memref<128xi32, #tpu.memory_space<vmem>>
        %dma_wait3A_472 = arith.constant 0 : i32
        %dma_wait3A_473 = arith.constant 0 : i32
        %dma_wait3A_474 = tpu.memref_slice %arg11[%dma_wait3A_472, %dma_wait3A_473] : memref<10240x128xf32, #tpu.memory_space<vmem_shared>> -> memref<10240x128xf32, #tpu.memory_space<vmem_shared>>
        tpu.wait_indirect_dma semaphore(%run_scoped3A_462 : memref<!tpu.dma_semaphore, #tpu.memory_space<semaphore_mem>>) src(%arg9 : memref<128x128xf32, #tpu.memory_space<vmem>>) dst(%dma_wait3A_474 : memref<10240x128xf32, #tpu.memory_space<vmem_shared>>)
        tpu.yield
      }) : () -> ()
      %add3A_401 = arith.constant 2 : i32
      %add3A_402 = arith.addi %add3A_394, %add3A_401 : i32
      %lt3A = arith.constant 80 : i32
      %lt3A_403 = arith.cmpi slt, %add3A_402, %lt3A : i32
      %convert_element_type3A = arith.extui %lt3A_403 : i1 to i32
      %cond3A = arith.constant 0 : i32
      %cond3A_404 = arith.cmpi ne, %convert_element_type3A, %cond3A : i32
      scf.if %cond3A_404 {
        %add3A_462 = arith.constant 2 : i32
        %add3A_463 = arith.addi %add3A_394, %add3A_462 : i32
        %get3A_464 = arith.index_cast %add3A_463 : i32 to index
        %get3A_465 = arith.constant 0 : index
        %get3A_466 = tpu.vector_load %arg6[%get3A_464, %get3A_465] {strides = array<i32>} : memref<80x128xi32, #tpu.memory_space<vmem>>, vector<1x16xi32>,
        %get3A_467 = vector.shape_cast %get3A_466 : vector<1x16xi32> to vector<16xi32>
        %shift_right_logical3A_468 = arith.constant 14 : i32
        %shift_right_logical3A_469 = vector.broadcast %shift_right_logical3A_468 : i32 to vector<16xi32>
        %shift_right_logical3A_470 = arith.shrui %get3A_467, %shift_right_logical3A_469 : vector<16xi32>
        %swap3A_471 = arith.constant 2 : i32
        %swap3A_472 = arith.index_cast %swap3A_471 : i32 to index
        %swap3A_473 = arith.constant 0 : index
        %swap3A_474 = tpu.vector_load %arg7[%swap3A_472, %swap3A_473] {strides = array<i32>} : memref<4x128xi32, #tpu.memory_space<vmem>>, vector<1x16xi32>,
        %swap3A_475 = vector.shape_cast %swap3A_474 : vector<1x16xi32> to vector<16xi32>
        %swap3A_476 = vector.shape_cast %shift_right_logical3A_470 : vector<16xi32> to vector<1x16xi32>
        tpu.vector_store %arg7[%swap3A_472, %swap3A_473], %swap3A_476 {strides = array<i32>} : memref<4x128xi32, #tpu.memory_space<vmem>>, vector<1x16xi32>,
        %and3A_477 = arith.constant 16383 : i32
        %and3A_478 = vector.broadcast %and3A_477 : i32 to vector<16xi32>
        %and3A_479 = arith.andi %get3A_467, %and3A_478 : vector<16xi32>
        %swap3A_480 = arith.constant 2 : i32
        %swap3A_481 = arith.index_cast %swap3A_480 : i32 to index
        %swap3A_482 = arith.constant 0 : index
        %swap3A_483 = tpu.vector_load %arg8[%swap3A_481, %swap3A_482] {strides = array<i32>} : memref<4x128xi32, #tpu.memory_space<vmem>>, vector<1x16xi32>,
        %swap3A_484 = vector.shape_cast %swap3A_483 : vector<1x16xi32> to vector<16xi32>
        %swap3A_485 = vector.shape_cast %and3A_479 : vector<16xi32> to vector<1x16xi32>
        tpu.vector_store %arg8[%swap3A_481, %swap3A_482], %swap3A_485 {strides = array<i32>} : memref<4x128xi32, #tpu.memory_space<vmem>>, vector<1x16xi32>,
        %get3A_486 = arith.index_cast %add3A_463 : i32 to index
        %get3A_487 = arith.constant 16 : index
        %get3A_488 = tpu.vector_load %arg6[%get3A_486, %get3A_487] {strides = array<i32>} : memref<80x128xi32, #tpu.memory_space<vmem>>, vector<1x16xi32>,
        %get3A_489 = vector.shape_cast %get3A_488 : vector<1x16xi32> to vector<16xi32>
        %shift_right_logical3A_490 = arith.constant 14 : i32
        %shift_right_logical3A_491 = vector.broadcast %shift_right_logical3A_490 : i32 to vector<16xi32>
        %shift_right_logical3A_492 = arith.shrui %get3A_489, %shift_right_logical3A_491 : vector<16xi32>
        %swap3A_493 = arith.constant 2 : i32
        %swap3A_494 = arith.index_cast %swap3A_493 : i32 to index
        %swap3A_495 = arith.constant 16 : index
        %swap3A_496 = tpu.vector_load %arg7[%swap3A_494, %swap3A_495] {strides = array<i32>} : memref<4x128xi32, #tpu.memory_space<vmem>>, vector<1x16xi32>,
        %swap3A_497 = vector.shape_cast %swap3A_496 : vector<1x16xi32> to vector<16xi32>
        %swap3A_498 = vector.shape_cast %shift_right_logical3A_492 : vector<16xi32> to vector<1x16xi32>
        tpu.vector_store %arg7[%swap3A_494, %swap3A_495], %swap3A_498 {strides = array<i32>} : memref<4x128xi32, #tpu.memory_space<vmem>>, vector<1x16xi32>,
        %and3A_499 = arith.constant 16383 : i32
        %and3A_500 = vector.broadcast %and3A_499 : i32 to vector<16xi32>
        %and3A_501 = arith.andi %get3A_489, %and3A_500 : vector<16xi32>
        %swap3A_502 = arith.constant 2 : i32
        %swap3A_503 = arith.index_cast %swap3A_502 : i32 to index
        %swap3A_504 = arith.constant 16 : index
        %swap3A_505 = tpu.vector_load %arg8[%swap3A_503, %swap3A_504] {strides = array<i32>} : memref<4x128xi32, #tpu.memory_space<vmem>>, vector<1x16xi32>,
        %swap3A_506 = vector.shape_cast %swap3A_505 : vector<1x16xi32> to vector<16xi32>
        %swap3A_507 = vector.shape_cast %and3A_501 : vector<16xi32> to vector<1x16xi32>
        tpu.vector_store %arg8[%swap3A_503, %swap3A_504], %swap3A_507 {strides = array<i32>} : memref<4x128xi32, #tpu.memory_space<vmem>>, vector<1x16xi32>,
        %get3A_508 = arith.index_cast %add3A_463 : i32 to index
        %get3A_509 = arith.constant 32 : index
        %get3A_510 = tpu.vector_load %arg6[%get3A_508, %get3A_509] {strides = array<i32>} : memref<80x128xi32, #tpu.memory_space<vmem>>, vector<1x16xi32>,
        %get3A_511 = vector.shape_cast %get3A_510 : vector<1x16xi32> to vector<16xi32>
        %shift_right_logical3A_512 = arith.constant 14 : i32
        %shift_right_logical3A_513 = vector.broadcast %shift_right_logical3A_512 : i32 to vector<16xi32>
        %shift_right_logical3A_514 = arith.shrui %get3A_511, %shift_right_logical3A_513 : vector<16xi32>
        %swap3A_515 = arith.constant 2 : i32
        %swap3A_516 = arith.index_cast %swap3A_515 : i32 to index
        %swap3A_517 = arith.constant 32 : index
        %swap3A_518 = tpu.vector_load %arg7[%swap3A_516, %swap3A_517] {strides = array<i32>} : memref<4x128xi32, #tpu.memory_space<vmem>>, vector<1x16xi32>,
        %swap3A_519 = vector.shape_cast %swap3A_518 : vector<1x16xi32> to vector<16xi32>
        %swap3A_520 = vector.shape_cast %shift_right_logical3A_514 : vector<16xi32> to vector<1x16xi32>
        tpu.vector_store %arg7[%swap3A_516, %swap3A_517], %swap3A_520 {strides = array<i32>} : memref<4x128xi32, #tpu.memory_space<vmem>>, vector<1x16xi32>,
        %and3A_521 = arith.constant 16383 : i32
        %and3A_522 = vector.broadcast %and3A_521 : i32 to vector<16xi32>
        %and3A_523 = arith.andi %get3A_511, %and3A_522 : vector<16xi32>
        %swap3A_524 = arith.constant 2 : i32
        %swap3A_525 = arith.index_cast %swap3A_524 : i32 to index
        %swap3A_526 = arith.constant 32 : index
        %swap3A_527 = tpu.vector_load %arg8[%swap3A_525, %swap3A_526] {strides = array<i32>} : memref<4x128xi32, #tpu.memory_space<vmem>>, vector<1x16xi32>,
        %swap3A_528 = vector.shape_cast %swap3A_527 : vector<1x16xi32> to vector<16xi32>
        %swap3A_529 = vector.shape_cast %and3A_523 : vector<16xi32> to vector<1x16xi32>
        tpu.vector_store %arg8[%swap3A_525, %swap3A_526], %swap3A_529 {strides = array<i32>} : memref<4x128xi32, #tpu.memory_space<vmem>>, vector<1x16xi32>,
        %get3A_530 = arith.index_cast %add3A_463 : i32 to index
        %get3A_531 = arith.constant 48 : index
        %get3A_532 = tpu.vector_load %arg6[%get3A_530, %get3A_531] {strides = array<i32>} : memref<80x128xi32, #tpu.memory_space<vmem>>, vector<1x16xi32>,
        %get3A_533 = vector.shape_cast %get3A_532 : vector<1x16xi32> to vector<16xi32>
        %shift_right_logical3A_534 = arith.constant 14 : i32
        %shift_right_logical3A_535 = vector.broadcast %shift_right_logical3A_534 : i32 to vector<16xi32>
        %shift_right_logical3A_536 = arith.shrui %get3A_533, %shift_right_logical3A_535 : vector<16xi32>
        %swap3A_537 = arith.constant 2 : i32
        %swap3A_538 = arith.index_cast %swap3A_537 : i32 to index
        %swap3A_539 = arith.constant 48 : index
        %swap3A_540 = tpu.vector_load %arg7[%swap3A_538, %swap3A_539] {strides = array<i32>} : memref<4x128xi32, #tpu.memory_space<vmem>>, vector<1x16xi32>,
        %swap3A_541 = vector.shape_cast %swap3A_540 : vector<1x16xi32> to vector<16xi32>
        %swap3A_542 = vector.shape_cast %shift_right_logical3A_536 : vector<16xi32> to vector<1x16xi32>
        tpu.vector_store %arg7[%swap3A_538, %swap3A_539], %swap3A_542 {strides = array<i32>} : memref<4x128xi32, #tpu.memory_space<vmem>>, vector<1x16xi32>,
        %and3A_543 = arith.constant 16383 : i32
        %and3A_544 = vector.broadcast %and3A_543 : i32 to vector<16xi32>
        %and3A_545 = arith.andi %get3A_533, %and3A_544 : vector<16xi32>
        %swap3A_546 = arith.constant 2 : i32
        %swap3A_547 = arith.index_cast %swap3A_546 : i32 to index
        %swap3A_548 = arith.constant 48 : index
        %swap3A_549 = tpu.vector_load %arg8[%swap3A_547, %swap3A_548] {strides = array<i32>} : memref<4x128xi32, #tpu.memory_space<vmem>>, vector<1x16xi32>,
        %swap3A_550 = vector.shape_cast %swap3A_549 : vector<1x16xi32> to vector<16xi32>
        %swap3A_551 = vector.shape_cast %and3A_545 : vector<16xi32> to vector<1x16xi32>
        tpu.vector_store %arg8[%swap3A_547, %swap3A_548], %swap3A_551 {strides = array<i32>} : memref<4x128xi32, #tpu.memory_space<vmem>>, vector<1x16xi32>,
        %get3A_552 = arith.index_cast %add3A_463 : i32 to index
        %get3A_553 = arith.constant 64 : index
        %get3A_554 = tpu.vector_load %arg6[%get3A_552, %get3A_553] {strides = array<i32>} : memref<80x128xi32, #tpu.memory_space<vmem>>, vector<1x16xi32>,
        %get3A_555 = vector.shape_cast %get3A_554 : vector<1x16xi32> to vector<16xi32>
        %shift_right_logical3A_556 = arith.constant 14 : i32
        %shift_right_logical3A_557 = vector.broadcast %shift_right_logical3A_556 : i32 to vector<16xi32>
        %shift_right_logical3A_558 = arith.shrui %get3A_555, %shift_right_logical3A_557 : vector<16xi32>
        %swap3A_559 = arith.constant 2 : i32
        %swap3A_560 = arith.index_cast %swap3A_559 : i32 to index
        %swap3A_561 = arith.constant 64 : index
        %swap3A_562 = tpu.vector_load %arg7[%swap3A_560, %swap3A_561] {strides = array<i32>} : memref<4x128xi32, #tpu.memory_space<vmem>>, vector<1x16xi32>,
        %swap3A_563 = vector.shape_cast %swap3A_562 : vector<1x16xi32> to vector<16xi32>
        %swap3A_564 = vector.shape_cast %shift_right_logical3A_558 : vector<16xi32> to vector<1x16xi32>
        tpu.vector_store %arg7[%swap3A_560, %swap3A_561], %swap3A_564 {strides = array<i32>} : memref<4x128xi32, #tpu.memory_space<vmem>>, vector<1x16xi32>,
        %and3A_565 = arith.constant 16383 : i32
        %and3A_566 = vector.broadcast %and3A_565 : i32 to vector<16xi32>
        %and3A_567 = arith.andi %get3A_555, %and3A_566 : vector<16xi32>
        %swap3A_568 = arith.constant 2 : i32
        %swap3A_569 = arith.index_cast %swap3A_568 : i32 to index
        %swap3A_570 = arith.constant 64 : index
        %swap3A_571 = tpu.vector_load %arg8[%swap3A_569, %swap3A_570] {strides = array<i32>} : memref<4x128xi32, #tpu.memory_space<vmem>>, vector<1x16xi32>,
        %swap3A_572 = vector.shape_cast %swap3A_571 : vector<1x16xi32> to vector<16xi32>
        %swap3A_573 = vector.shape_cast %and3A_567 : vector<16xi32> to vector<1x16xi32>
        tpu.vector_store %arg8[%swap3A_569, %swap3A_570], %swap3A_573 {strides = array<i32>} : memref<4x128xi32, #tpu.memory_space<vmem>>, vector<1x16xi32>,
        %get3A_574 = arith.index_cast %add3A_463 : i32 to index
        %get3A_575 = arith.constant 80 : index
        %get3A_576 = tpu.vector_load %arg6[%get3A_574, %get3A_575] {strides = array<i32>} : memref<80x128xi32, #tpu.memory_space<vmem>>, vector<1x16xi32>,
        %get3A_577 = vector.shape_cast %get3A_576 : vector<1x16xi32> to vector<16xi32>
        %shift_right_logical3A_578 = arith.constant 14 : i32
        %shift_right_logical3A_579 = vector.broadcast %shift_right_logical3A_578 : i32 to vector<16xi32>
        %shift_right_logical3A_580 = arith.shrui %get3A_577, %shift_right_logical3A_579 : vector<16xi32>
        %swap3A_581 = arith.constant 2 : i32
        %swap3A_582 = arith.index_cast %swap3A_581 : i32 to index
        %swap3A_583 = arith.constant 80 : index
        %swap3A_584 = tpu.vector_load %arg7[%swap3A_582, %swap3A_583] {strides = array<i32>} : memref<4x128xi32, #tpu.memory_space<vmem>>, vector<1x16xi32>,
        %swap3A_585 = vector.shape_cast %swap3A_584 : vector<1x16xi32> to vector<16xi32>
        %swap3A_586 = vector.shape_cast %shift_right_logical3A_580 : vector<16xi32> to vector<1x16xi32>
        tpu.vector_store %arg7[%swap3A_582, %swap3A_583], %swap3A_586 {strides = array<i32>} : memref<4x128xi32, #tpu.memory_space<vmem>>, vector<1x16xi32>,
        %and3A_587 = arith.constant 16383 : i32
        %and3A_588 = vector.broadcast %and3A_587 : i32 to vector<16xi32>
        %and3A_589 = arith.andi %get3A_577, %and3A_588 : vector<16xi32>
        %swap3A_590 = arith.constant 2 : i32
        %swap3A_591 = arith.index_cast %swap3A_590 : i32 to index
        %swap3A_592 = arith.constant 80 : index
        %swap3A_593 = tpu.vector_load %arg8[%swap3A_591, %swap3A_592] {strides = array<i32>} : memref<4x128xi32, #tpu.memory_space<vmem>>, vector<1x16xi32>,
        %swap3A_594 = vector.shape_cast %swap3A_593 : vector<1x16xi32> to vector<16xi32>
        %swap3A_595 = vector.shape_cast %and3A_589 : vector<16xi32> to vector<1x16xi32>
        tpu.vector_store %arg8[%swap3A_591, %swap3A_592], %swap3A_595 {strides = array<i32>} : memref<4x128xi32, #tpu.memory_space<vmem>>, vector<1x16xi32>,
        %get3A_596 = arith.index_cast %add3A_463 : i32 to index
        %get3A_597 = arith.constant 96 : index
        %get3A_598 = tpu.vector_load %arg6[%get3A_596, %get3A_597] {strides = array<i32>} : memref<80x128xi32, #tpu.memory_space<vmem>>, vector<1x16xi32>,
        %get3A_599 = vector.shape_cast %get3A_598 : vector<1x16xi32> to vector<16xi32>
        %shift_right_logical3A_600 = arith.constant 14 : i32
        %shift_right_logical3A_601 = vector.broadcast %shift_right_logical3A_600 : i32 to vector<16xi32>
        %shift_right_logical3A_602 = arith.shrui %get3A_599, %shift_right_logical3A_601 : vector<16xi32>
        %swap3A_603 = arith.constant 2 : i32
        %swap3A_604 = arith.index_cast %swap3A_603 : i32 to index
        %swap3A_605 = arith.constant 96 : index
        %swap3A_606 = tpu.vector_load %arg7[%swap3A_604, %swap3A_605] {strides = array<i32>} : memref<4x128xi32, #tpu.memory_space<vmem>>, vector<1x16xi32>,
        %swap3A_607 = vector.shape_cast %swap3A_606 : vector<1x16xi32> to vector<16xi32>
        %swap3A_608 = vector.shape_cast %shift_right_logical3A_602 : vector<16xi32> to vector<1x16xi32>
        tpu.vector_store %arg7[%swap3A_604, %swap3A_605], %swap3A_608 {strides = array<i32>} : memref<4x128xi32, #tpu.memory_space<vmem>>, vector<1x16xi32>,
        %and3A_609 = arith.constant 16383 : i32
        %and3A_610 = vector.broadcast %and3A_609 : i32 to vector<16xi32>
        %and3A_611 = arith.andi %get3A_599, %and3A_610 : vector<16xi32>
        %swap3A_612 = arith.constant 2 : i32
        %swap3A_613 = arith.index_cast %swap3A_612 : i32 to index
        %swap3A_614 = arith.constant 96 : index
        %swap3A_615 = tpu.vector_load %arg8[%swap3A_613, %swap3A_614] {strides = array<i32>} : memref<4x128xi32, #tpu.memory_space<vmem>>, vector<1x16xi32>,
        %swap3A_616 = vector.shape_cast %swap3A_615 : vector<1x16xi32> to vector<16xi32>
        %swap3A_617 = vector.shape_cast %and3A_611 : vector<16xi32> to vector<1x16xi32>
        tpu.vector_store %arg8[%swap3A_613, %swap3A_614], %swap3A_617 {strides = array<i32>} : memref<4x128xi32, #tpu.memory_space<vmem>>, vector<1x16xi32>,
        %get3A_618 = arith.index_cast %add3A_463 : i32 to index
        %get3A_619 = arith.constant 112 : index
        %get3A_620 = tpu.vector_load %arg6[%get3A_618, %get3A_619] {strides = array<i32>} : memref<80x128xi32, #tpu.memory_space<vmem>>, vector<1x16xi32>,
        %get3A_621 = vector.shape_cast %get3A_620 : vector<1x16xi32> to vector<16xi32>
        %shift_right_logical3A_622 = arith.constant 14 : i32
        %shift_right_logical3A_623 = vector.broadcast %shift_right_logical3A_622 : i32 to vector<16xi32>
        %shift_right_logical3A_624 = arith.shrui %get3A_621, %shift_right_logical3A_623 : vector<16xi32>
        %swap3A_625 = arith.constant 2 : i32
        %swap3A_626 = arith.index_cast %swap3A_625 : i32 to index
        %swap3A_627 = arith.constant 112 : index
        %swap3A_628 = tpu.vector_load %arg7[%swap3A_626, %swap3A_627] {strides = array<i32>} : memref<4x128xi32, #tpu.memory_space<vmem>>, vector<1x16xi32>,
        %swap3A_629 = vector.shape_cast %swap3A_628 : vector<1x16xi32> to vector<16xi32>
        %swap3A_630 = vector.shape_cast %shift_right_logical3A_624 : vector<16xi32> to vector<1x16xi32>
        tpu.vector_store %arg7[%swap3A_626, %swap3A_627], %swap3A_630 {strides = array<i32>} : memref<4x128xi32, #tpu.memory_space<vmem>>, vector<1x16xi32>,
        %and3A_631 = arith.constant 16383 : i32
        %and3A_632 = vector.broadcast %and3A_631 : i32 to vector<16xi32>
        %and3A_633 = arith.andi %get3A_621, %and3A_632 : vector<16xi32>
        %swap3A_634 = arith.constant 2 : i32
        %swap3A_635 = arith.index_cast %swap3A_634 : i32 to index
        %swap3A_636 = arith.constant 112 : index
        %swap3A_637 = tpu.vector_load %arg8[%swap3A_635, %swap3A_636] {strides = array<i32>} : memref<4x128xi32, #tpu.memory_space<vmem>>, vector<1x16xi32>,
        %swap3A_638 = vector.shape_cast %swap3A_637 : vector<1x16xi32> to vector<16xi32>
        %swap3A_639 = vector.shape_cast %and3A_633 : vector<16xi32> to vector<1x16xi32>
        tpu.vector_store %arg8[%swap3A_635, %swap3A_636], %swap3A_639 {strides = array<i32>} : memref<4x128xi32, #tpu.memory_space<vmem>>, vector<1x16xi32>,
        %dma_start3A_640 = arith.constant 2 : i32
        %dma_start3A_641 = arith.constant 0 : i32
        %dma_start3A_642 = tpu.memref_slice %arg7[%dma_start3A_640, %dma_start3A_641] : memref<4x128xi32, #tpu.memory_space<vmem>> -> memref<1x128xi32, #tpu.memory_space<vmem>>
        %dma_start3A_643 = tpu.memref_squeeze %dma_start3A_642 : memref<1x128xi32, #tpu.memory_space<vmem>> -> memref<128xi32, #tpu.memory_space<vmem>>
        %dma_start3A_644 = arith.constant 0 : i32
        %dma_start3A_645 = arith.constant 0 : i32
        %dma_start3A_646 = tpu.memref_slice %arg2[%dma_start3A_644, %dma_start3A_645] : memref<10000x128xf32, #tpu.memory_space<hbm>> -> memref<10000x128xf32, #tpu.memory_space<hbm>>
        tpu.enqueue_indirect_dma source(%dma_start3A_646 : memref<10000x128xf32, #tpu.memory_space<hbm>>) target(%arg9 : memref<128x128xf32, #tpu.memory_space<vmem>>) offsets(%dma_start3A_643 : memref<128xi32, #tpu.memory_space<vmem>>) semaphore(%arg12 : memref<!tpu.dma_semaphore, #tpu.memory_space<semaphore_mem>>)
      } else {
      }
      %mul3A_405 = arith.constant 4 : i32
      %mul3A_406 = arith.muli %scan3A_390, %mul3A_405 : i32
      %add3A_407 = arith.constant 1 : i32
      %add3A_408 = arith.addi %mul3A_406, %add3A_407 : i32
      %dma_wait3A_409 = arith.constant 1 : i32
      %dma_wait3A_410 = arith.constant 0 : i32
      %dma_wait3A_411 = tpu.memref_slice %arg7[%dma_wait3A_409, %dma_wait3A_410] : memref<4x128xi32, #tpu.memory_space<vmem>> -> memref<1x128xi32, #tpu.memory_space<vmem>>
      %dma_wait3A_412 = tpu.memref_squeeze %dma_wait3A_411 : memref<1x128xi32, #tpu.memory_space<vmem>> -> memref<128xi32, #tpu.memory_space<vmem>>
      %dma_wait3A_413 = arith.constant 0 : i32
      %dma_wait3A_414 = arith.constant 0 : i32
      %dma_wait3A_415 = tpu.memref_slice %arg2[%dma_wait3A_413, %dma_wait3A_414] : memref<10000x128xf32, #tpu.memory_space<hbm>> -> memref<10000x128xf32, #tpu.memory_space<hbm>>
      tpu.wait_indirect_dma semaphore(%arg13 : memref<!tpu.dma_semaphore, #tpu.memory_space<semaphore_mem>>) src(%dma_wait3A_415 : memref<10000x128xf32, #tpu.memory_space<hbm>>) dst(%arg10 : memref<128x128xf32, #tpu.memory_space<vmem>>)
      %run_scoped3A_416 = arith.constant 1 : i32
      "tpu.region"() ({
        %run_scoped3A_462 = tpu.sem_alloc : memref<!tpu.dma_semaphore, #tpu.memory_space<semaphore_mem>>
        %dma_start3A_463 = arith.constant 0 : i32
        %dma_start3A_464 = tpu.memref_slice %arg8[%run_scoped3A_416, %dma_start3A_463] : memref<4x128xi32, #tpu.memory_space<vmem>> -> memref<1x128xi32, #tpu.memory_space<vmem>>
        %dma_start3A_465 = tpu.memref_squeeze %dma_start3A_464 : memref<1x128xi32, #tpu.memory_space<vmem>> -> memref<128xi32, #tpu.memory_space<vmem>>
        %dma_start3A_466 = arith.constant 0 : i32
        %dma_start3A_467 = arith.constant 0 : i32
        %dma_start3A_468 = tpu.memref_slice %arg11[%dma_start3A_466, %dma_start3A_467] : memref<10240x128xf32, #tpu.memory_space<vmem_shared>> -> memref<10240x128xf32, #tpu.memory_space<vmem_shared>>
        tpu.enqueue_indirect_dma source(%arg10 : memref<128x128xf32, #tpu.memory_space<vmem>>) target(%dma_start3A_468 : memref<10240x128xf32, #tpu.memory_space<vmem_shared>>) offsets(%dma_start3A_465 : memref<128xi32, #tpu.memory_space<vmem>>) semaphore(%run_scoped3A_462 : memref<!tpu.dma_semaphore, #tpu.memory_space<semaphore_mem>>) {add = true}
        %dma_wait3A_469 = arith.constant 0 : i32
        %dma_wait3A_470 = tpu.memref_slice %arg8[%run_scoped3A_416, %dma_wait3A_469] : memref<4x128xi32, #tpu.memory_space<vmem>> -> memref<1x128xi32, #tpu.memory_space<vmem>>
        %dma_wait3A_471 = tpu.memref_squeeze %dma_wait3A_470 : memref<1x128xi32, #tpu.memory_space<vmem>> -> memref<128xi32, #tpu.memory_space<vmem>>
        %dma_wait3A_472 = arith.constant 0 : i32
        %dma_wait3A_473 = arith.constant 0 : i32
        %dma_wait3A_474 = tpu.memref_slice %arg11[%dma_wait3A_472, %dma_wait3A_473] : memref<10240x128xf32, #tpu.memory_space<vmem_shared>> -> memref<10240x128xf32, #tpu.memory_space<vmem_shared>>
        tpu.wait_indirect_dma semaphore(%run_scoped3A_462 : memref<!tpu.dma_semaphore, #tpu.memory_space<semaphore_mem>>) src(%arg10 : memref<128x128xf32, #tpu.memory_space<vmem>>) dst(%dma_wait3A_474 : memref<10240x128xf32, #tpu.memory_space<vmem_shared>>)
        tpu.yield
      }) : () -> ()
      %add3A_417 = arith.constant 2 : i32
      %add3A_418 = arith.addi %add3A_408, %add3A_417 : i32
      %lt3A_419 = arith.constant 80 : i32
      %lt3A_420 = arith.cmpi slt, %add3A_418, %lt3A_419 : i32
      %convert_element_type3A_421 = arith.extui %lt3A_420 : i1 to i32
      %cond3A_422 = arith.constant 0 : i32
      %cond3A_423 = arith.cmpi ne, %convert_element_type3A_421, %cond3A_422 : i32
      scf.if %cond3A_423 {
        %add3A_462 = arith.constant 2 : i32
        %add3A_463 = arith.addi %add3A_408, %add3A_462 : i32
        %get3A_464 = arith.index_cast %add3A_463 : i32 to index
        %get3A_465 = arith.constant 0 : index
        %get3A_466 = tpu.vector_load %arg6[%get3A_464, %get3A_465] {strides = array<i32>} : memref<80x128xi32, #tpu.memory_space<vmem>>, vector<1x16xi32>,
        %get3A_467 = vector.shape_cast %get3A_466 : vector<1x16xi32> to vector<16xi32>
        %shift_right_logical3A_468 = arith.constant 14 : i32
        %shift_right_logical3A_469 = vector.broadcast %shift_right_logical3A_468 : i32 to vector<16xi32>
        %shift_right_logical3A_470 = arith.shrui %get3A_467, %shift_right_logical3A_469 : vector<16xi32>
        %swap3A_471 = arith.constant 3 : i32
        %swap3A_472 = arith.index_cast %swap3A_471 : i32 to index
        %swap3A_473 = arith.constant 0 : index
        %swap3A_474 = tpu.vector_load %arg7[%swap3A_472, %swap3A_473] {strides = array<i32>} : memref<4x128xi32, #tpu.memory_space<vmem>>, vector<1x16xi32>,
        %swap3A_475 = vector.shape_cast %swap3A_474 : vector<1x16xi32> to vector<16xi32>
        %swap3A_476 = vector.shape_cast %shift_right_logical3A_470 : vector<16xi32> to vector<1x16xi32>
        tpu.vector_store %arg7[%swap3A_472, %swap3A_473], %swap3A_476 {strides = array<i32>} : memref<4x128xi32, #tpu.memory_space<vmem>>, vector<1x16xi32>,
        %and3A_477 = arith.constant 16383 : i32
        %and3A_478 = vector.broadcast %and3A_477 : i32 to vector<16xi32>
        %and3A_479 = arith.andi %get3A_467, %and3A_478 : vector<16xi32>
        %swap3A_480 = arith.constant 3 : i32
        %swap3A_481 = arith.index_cast %swap3A_480 : i32 to index
        %swap3A_482 = arith.constant 0 : index
        %swap3A_483 = tpu.vector_load %arg8[%swap3A_481, %swap3A_482] {strides = array<i32>} : memref<4x128xi32, #tpu.memory_space<vmem>>, vector<1x16xi32>,
        %swap3A_484 = vector.shape_cast %swap3A_483 : vector<1x16xi32> to vector<16xi32>
        %swap3A_485 = vector.shape_cast %and3A_479 : vector<16xi32> to vector<1x16xi32>
        tpu.vector_store %arg8[%swap3A_481, %swap3A_482], %swap3A_485 {strides = array<i32>} : memref<4x128xi32, #tpu.memory_space<vmem>>, vector<1x16xi32>,
        %get3A_486 = arith.index_cast %add3A_463 : i32 to index
        %get3A_487 = arith.constant 16 : index
        %get3A_488 = tpu.vector_load %arg6[%get3A_486, %get3A_487] {strides = array<i32>} : memref<80x128xi32, #tpu.memory_space<vmem>>, vector<1x16xi32>,
        %get3A_489 = vector.shape_cast %get3A_488 : vector<1x16xi32> to vector<16xi32>
        %shift_right_logical3A_490 = arith.constant 14 : i32
        %shift_right_logical3A_491 = vector.broadcast %shift_right_logical3A_490 : i32 to vector<16xi32>
        %shift_right_logical3A_492 = arith.shrui %get3A_489, %shift_right_logical3A_491 : vector<16xi32>
        %swap3A_493 = arith.constant 3 : i32
        %swap3A_494 = arith.index_cast %swap3A_493 : i32 to index
        %swap3A_495 = arith.constant 16 : index
        %swap3A_496 = tpu.vector_load %arg7[%swap3A_494, %swap3A_495] {strides = array<i32>} : memref<4x128xi32, #tpu.memory_space<vmem>>, vector<1x16xi32>,
        %swap3A_497 = vector.shape_cast %swap3A_496 : vector<1x16xi32> to vector<16xi32>
        %swap3A_498 = vector.shape_cast %shift_right_logical3A_492 : vector<16xi32> to vector<1x16xi32>
        tpu.vector_store %arg7[%swap3A_494, %swap3A_495], %swap3A_498 {strides = array<i32>} : memref<4x128xi32, #tpu.memory_space<vmem>>, vector<1x16xi32>,
        %and3A_499 = arith.constant 16383 : i32
        %and3A_500 = vector.broadcast %and3A_499 : i32 to vector<16xi32>
        %and3A_501 = arith.andi %get3A_489, %and3A_500 : vector<16xi32>
        %swap3A_502 = arith.constant 3 : i32
        %swap3A_503 = arith.index_cast %swap3A_502 : i32 to index
        %swap3A_504 = arith.constant 16 : index
        %swap3A_505 = tpu.vector_load %arg8[%swap3A_503, %swap3A_504] {strides = array<i32>} : memref<4x128xi32, #tpu.memory_space<vmem>>, vector<1x16xi32>,
        %swap3A_506 = vector.shape_cast %swap3A_505 : vector<1x16xi32> to vector<16xi32>
        %swap3A_507 = vector.shape_cast %and3A_501 : vector<16xi32> to vector<1x16xi32>
        tpu.vector_store %arg8[%swap3A_503, %swap3A_504], %swap3A_507 {strides = array<i32>} : memref<4x128xi32, #tpu.memory_space<vmem>>, vector<1x16xi32>,
        %get3A_508 = arith.index_cast %add3A_463 : i32 to index
        %get3A_509 = arith.constant 32 : index
        %get3A_510 = tpu.vector_load %arg6[%get3A_508, %get3A_509] {strides = array<i32>} : memref<80x128xi32, #tpu.memory_space<vmem>>, vector<1x16xi32>,
        %get3A_511 = vector.shape_cast %get3A_510 : vector<1x16xi32> to vector<16xi32>
        %shift_right_logical3A_512 = arith.constant 14 : i32
        %shift_right_logical3A_513 = vector.broadcast %shift_right_logical3A_512 : i32 to vector<16xi32>
        %shift_right_logical3A_514 = arith.shrui %get3A_511, %shift_right_logical3A_513 : vector<16xi32>
        %swap3A_515 = arith.constant 3 : i32
        %swap3A_516 = arith.index_cast %swap3A_515 : i32 to index
        %swap3A_517 = arith.constant 32 : index
        %swap3A_518 = tpu.vector_load %arg7[%swap3A_516, %swap3A_517] {strides = array<i32>} : memref<4x128xi32, #tpu.memory_space<vmem>>, vector<1x16xi32>,
        %swap3A_519 = vector.shape_cast %swap3A_518 : vector<1x16xi32> to vector<16xi32>
        %swap3A_520 = vector.shape_cast %shift_right_logical3A_514 : vector<16xi32> to vector<1x16xi32>
        tpu.vector_store %arg7[%swap3A_516, %swap3A_517], %swap3A_520 {strides = array<i32>} : memref<4x128xi32, #tpu.memory_space<vmem>>, vector<1x16xi32>,
        %and3A_521 = arith.constant 16383 : i32
        %and3A_522 = vector.broadcast %and3A_521 : i32 to vector<16xi32>
        %and3A_523 = arith.andi %get3A_511, %and3A_522 : vector<16xi32>
        %swap3A_524 = arith.constant 3 : i32
        %swap3A_525 = arith.index_cast %swap3A_524 : i32 to index
        %swap3A_526 = arith.constant 32 : index
        %swap3A_527 = tpu.vector_load %arg8[%swap3A_525, %swap3A_526] {strides = array<i32>} : memref<4x128xi32, #tpu.memory_space<vmem>>, vector<1x16xi32>,
        %swap3A_528 = vector.shape_cast %swap3A_527 : vector<1x16xi32> to vector<16xi32>
        %swap3A_529 = vector.shape_cast %and3A_523 : vector<16xi32> to vector<1x16xi32>
        tpu.vector_store %arg8[%swap3A_525, %swap3A_526], %swap3A_529 {strides = array<i32>} : memref<4x128xi32, #tpu.memory_space<vmem>>, vector<1x16xi32>,
        %get3A_530 = arith.index_cast %add3A_463 : i32 to index
        %get3A_531 = arith.constant 48 : index
        %get3A_532 = tpu.vector_load %arg6[%get3A_530, %get3A_531] {strides = array<i32>} : memref<80x128xi32, #tpu.memory_space<vmem>>, vector<1x16xi32>,
        %get3A_533 = vector.shape_cast %get3A_532 : vector<1x16xi32> to vector<16xi32>
        %shift_right_logical3A_534 = arith.constant 14 : i32
        %shift_right_logical3A_535 = vector.broadcast %shift_right_logical3A_534 : i32 to vector<16xi32>
        %shift_right_logical3A_536 = arith.shrui %get3A_533, %shift_right_logical3A_535 : vector<16xi32>
        %swap3A_537 = arith.constant 3 : i32
        %swap3A_538 = arith.index_cast %swap3A_537 : i32 to index
        %swap3A_539 = arith.constant 48 : index
        %swap3A_540 = tpu.vector_load %arg7[%swap3A_538, %swap3A_539] {strides = array<i32>} : memref<4x128xi32, #tpu.memory_space<vmem>>, vector<1x16xi32>,
        %swap3A_541 = vector.shape_cast %swap3A_540 : vector<1x16xi32> to vector<16xi32>
        %swap3A_542 = vector.shape_cast %shift_right_logical3A_536 : vector<16xi32> to vector<1x16xi32>
        tpu.vector_store %arg7[%swap3A_538, %swap3A_539], %swap3A_542 {strides = array<i32>} : memref<4x128xi32, #tpu.memory_space<vmem>>, vector<1x16xi32>,
        %and3A_543 = arith.constant 16383 : i32
        %and3A_544 = vector.broadcast %and3A_543 : i32 to vector<16xi32>
        %and3A_545 = arith.andi %get3A_533, %and3A_544 : vector<16xi32>
        %swap3A_546 = arith.constant 3 : i32
        %swap3A_547 = arith.index_cast %swap3A_546 : i32 to index
        %swap3A_548 = arith.constant 48 : index
        %swap3A_549 = tpu.vector_load %arg8[%swap3A_547, %swap3A_548] {strides = array<i32>} : memref<4x128xi32, #tpu.memory_space<vmem>>, vector<1x16xi32>,
        %swap3A_550 = vector.shape_cast %swap3A_549 : vector<1x16xi32> to vector<16xi32>
        %swap3A_551 = vector.shape_cast %and3A_545 : vector<16xi32> to vector<1x16xi32>
        tpu.vector_store %arg8[%swap3A_547, %swap3A_548], %swap3A_551 {strides = array<i32>} : memref<4x128xi32, #tpu.memory_space<vmem>>, vector<1x16xi32>,
        %get3A_552 = arith.index_cast %add3A_463 : i32 to index
        %get3A_553 = arith.constant 64 : index
        %get3A_554 = tpu.vector_load %arg6[%get3A_552, %get3A_553] {strides = array<i32>} : memref<80x128xi32, #tpu.memory_space<vmem>>, vector<1x16xi32>,
        %get3A_555 = vector.shape_cast %get3A_554 : vector<1x16xi32> to vector<16xi32>
        %shift_right_logical3A_556 = arith.constant 14 : i32
        %shift_right_logical3A_557 = vector.broadcast %shift_right_logical3A_556 : i32 to vector<16xi32>
        %shift_right_logical3A_558 = arith.shrui %get3A_555, %shift_right_logical3A_557 : vector<16xi32>
        %swap3A_559 = arith.constant 3 : i32
        %swap3A_560 = arith.index_cast %swap3A_559 : i32 to index
        %swap3A_561 = arith.constant 64 : index
        %swap3A_562 = tpu.vector_load %arg7[%swap3A_560, %swap3A_561] {strides = array<i32>} : memref<4x128xi32, #tpu.memory_space<vmem>>, vector<1x16xi32>,
        %swap3A_563 = vector.shape_cast %swap3A_562 : vector<1x16xi32> to vector<16xi32>
        %swap3A_564 = vector.shape_cast %shift_right_logical3A_558 : vector<16xi32> to vector<1x16xi32>
        tpu.vector_store %arg7[%swap3A_560, %swap3A_561], %swap3A_564 {strides = array<i32>} : memref<4x128xi32, #tpu.memory_space<vmem>>, vector<1x16xi32>,
        %and3A_565 = arith.constant 16383 : i32
        %and3A_566 = vector.broadcast %and3A_565 : i32 to vector<16xi32>
        %and3A_567 = arith.andi %get3A_555, %and3A_566 : vector<16xi32>
        %swap3A_568 = arith.constant 3 : i32
        %swap3A_569 = arith.index_cast %swap3A_568 : i32 to index
        %swap3A_570 = arith.constant 64 : index
        %swap3A_571 = tpu.vector_load %arg8[%swap3A_569, %swap3A_570] {strides = array<i32>} : memref<4x128xi32, #tpu.memory_space<vmem>>, vector<1x16xi32>,
        %swap3A_572 = vector.shape_cast %swap3A_571 : vector<1x16xi32> to vector<16xi32>
        %swap3A_573 = vector.shape_cast %and3A_567 : vector<16xi32> to vector<1x16xi32>
        tpu.vector_store %arg8[%swap3A_569, %swap3A_570], %swap3A_573 {strides = array<i32>} : memref<4x128xi32, #tpu.memory_space<vmem>>, vector<1x16xi32>,
        %get3A_574 = arith.index_cast %add3A_463 : i32 to index
        %get3A_575 = arith.constant 80 : index
        %get3A_576 = tpu.vector_load %arg6[%get3A_574, %get3A_575] {strides = array<i32>} : memref<80x128xi32, #tpu.memory_space<vmem>>, vector<1x16xi32>,
        %get3A_577 = vector.shape_cast %get3A_576 : vector<1x16xi32> to vector<16xi32>
        %shift_right_logical3A_578 = arith.constant 14 : i32
        %shift_right_logical3A_579 = vector.broadcast %shift_right_logical3A_578 : i32 to vector<16xi32>
        %shift_right_logical3A_580 = arith.shrui %get3A_577, %shift_right_logical3A_579 : vector<16xi32>
        %swap3A_581 = arith.constant 3 : i32
        %swap3A_582 = arith.index_cast %swap3A_581 : i32 to index
        %swap3A_583 = arith.constant 80 : index
        %swap3A_584 = tpu.vector_load %arg7[%swap3A_582, %swap3A_583] {strides = array<i32>} : memref<4x128xi32, #tpu.memory_space<vmem>>, vector<1x16xi32>,
        %swap3A_585 = vector.shape_cast %swap3A_584 : vector<1x16xi32> to vector<16xi32>
        %swap3A_586 = vector.shape_cast %shift_right_logical3A_580 : vector<16xi32> to vector<1x16xi32>
        tpu.vector_store %arg7[%swap3A_582, %swap3A_583], %swap3A_586 {strides = array<i32>} : memref<4x128xi32, #tpu.memory_space<vmem>>, vector<1x16xi32>,
        %and3A_587 = arith.constant 16383 : i32
        %and3A_588 = vector.broadcast %and3A_587 : i32 to vector<16xi32>
        %and3A_589 = arith.andi %get3A_577, %and3A_588 : vector<16xi32>
        %swap3A_590 = arith.constant 3 : i32
        %swap3A_591 = arith.index_cast %swap3A_590 : i32 to index
        %swap3A_592 = arith.constant 80 : index
        %swap3A_593 = tpu.vector_load %arg8[%swap3A_591, %swap3A_592] {strides = array<i32>} : memref<4x128xi32, #tpu.memory_space<vmem>>, vector<1x16xi32>,
        %swap3A_594 = vector.shape_cast %swap3A_593 : vector<1x16xi32> to vector<16xi32>
        %swap3A_595 = vector.shape_cast %and3A_589 : vector<16xi32> to vector<1x16xi32>
        tpu.vector_store %arg8[%swap3A_591, %swap3A_592], %swap3A_595 {strides = array<i32>} : memref<4x128xi32, #tpu.memory_space<vmem>>, vector<1x16xi32>,
        %get3A_596 = arith.index_cast %add3A_463 : i32 to index
        %get3A_597 = arith.constant 96 : index
        %get3A_598 = tpu.vector_load %arg6[%get3A_596, %get3A_597] {strides = array<i32>} : memref<80x128xi32, #tpu.memory_space<vmem>>, vector<1x16xi32>,
        %get3A_599 = vector.shape_cast %get3A_598 : vector<1x16xi32> to vector<16xi32>
        %shift_right_logical3A_600 = arith.constant 14 : i32
        %shift_right_logical3A_601 = vector.broadcast %shift_right_logical3A_600 : i32 to vector<16xi32>
        %shift_right_logical3A_602 = arith.shrui %get3A_599, %shift_right_logical3A_601 : vector<16xi32>
        %swap3A_603 = arith.constant 3 : i32
        %swap3A_604 = arith.index_cast %swap3A_603 : i32 to index
        %swap3A_605 = arith.constant 96 : index
        %swap3A_606 = tpu.vector_load %arg7[%swap3A_604, %swap3A_605] {strides = array<i32>} : memref<4x128xi32, #tpu.memory_space<vmem>>, vector<1x16xi32>,
        %swap3A_607 = vector.shape_cast %swap3A_606 : vector<1x16xi32> to vector<16xi32>
        %swap3A_608 = vector.shape_cast %shift_right_logical3A_602 : vector<16xi32> to vector<1x16xi32>
        tpu.vector_store %arg7[%swap3A_604, %swap3A_605], %swap3A_608 {strides = array<i32>} : memref<4x128xi32, #tpu.memory_space<vmem>>, vector<1x16xi32>,
        %and3A_609 = arith.constant 16383 : i32
        %and3A_610 = vector.broadcast %and3A_609 : i32 to vector<16xi32>
        %and3A_611 = arith.andi %get3A_599, %and3A_610 : vector<16xi32>
        %swap3A_612 = arith.constant 3 : i32
        %swap3A_613 = arith.index_cast %swap3A_612 : i32 to index
        %swap3A_614 = arith.constant 96 : index
        %swap3A_615 = tpu.vector_load %arg8[%swap3A_613, %swap3A_614] {strides = array<i32>} : memref<4x128xi32, #tpu.memory_space<vmem>>, vector<1x16xi32>,
        %swap3A_616 = vector.shape_cast %swap3A_615 : vector<1x16xi32> to vector<16xi32>
        %swap3A_617 = vector.shape_cast %and3A_611 : vector<16xi32> to vector<1x16xi32>
        tpu.vector_store %arg8[%swap3A_613, %swap3A_614], %swap3A_617 {strides = array<i32>} : memref<4x128xi32, #tpu.memory_space<vmem>>, vector<1x16xi32>,
        %get3A_618 = arith.index_cast %add3A_463 : i32 to index
        %get3A_619 = arith.constant 112 : index
        %get3A_620 = tpu.vector_load %arg6[%get3A_618, %get3A_619] {strides = array<i32>} : memref<80x128xi32, #tpu.memory_space<vmem>>, vector<1x16xi32>,
        %get3A_621 = vector.shape_cast %get3A_620 : vector<1x16xi32> to vector<16xi32>
        %shift_right_logical3A_622 = arith.constant 14 : i32
        %shift_right_logical3A_623 = vector.broadcast %shift_right_logical3A_622 : i32 to vector<16xi32>
        %shift_right_logical3A_624 = arith.shrui %get3A_621, %shift_right_logical3A_623 : vector<16xi32>
        %swap3A_625 = arith.constant 3 : i32
        %swap3A_626 = arith.index_cast %swap3A_625 : i32 to index
        %swap3A_627 = arith.constant 112 : index
        %swap3A_628 = tpu.vector_load %arg7[%swap3A_626, %swap3A_627] {strides = array<i32>} : memref<4x128xi32, #tpu.memory_space<vmem>>, vector<1x16xi32>,
        %swap3A_629 = vector.shape_cast %swap3A_628 : vector<1x16xi32> to vector<16xi32>
        %swap3A_630 = vector.shape_cast %shift_right_logical3A_624 : vector<16xi32> to vector<1x16xi32>
        tpu.vector_store %arg7[%swap3A_626, %swap3A_627], %swap3A_630 {strides = array<i32>} : memref<4x128xi32, #tpu.memory_space<vmem>>, vector<1x16xi32>,
        %and3A_631 = arith.constant 16383 : i32
        %and3A_632 = vector.broadcast %and3A_631 : i32 to vector<16xi32>
        %and3A_633 = arith.andi %get3A_621, %and3A_632 : vector<16xi32>
        %swap3A_634 = arith.constant 3 : i32
        %swap3A_635 = arith.index_cast %swap3A_634 : i32 to index
        %swap3A_636 = arith.constant 112 : index
        %swap3A_637 = tpu.vector_load %arg8[%swap3A_635, %swap3A_636] {strides = array<i32>} : memref<4x128xi32, #tpu.memory_space<vmem>>, vector<1x16xi32>,
        %swap3A_638 = vector.shape_cast %swap3A_637 : vector<1x16xi32> to vector<16xi32>
        %swap3A_639 = vector.shape_cast %and3A_633 : vector<16xi32> to vector<1x16xi32>
        tpu.vector_store %arg8[%swap3A_635, %swap3A_636], %swap3A_639 {strides = array<i32>} : memref<4x128xi32, #tpu.memory_space<vmem>>, vector<1x16xi32>,
        %dma_start3A_640 = arith.constant 3 : i32
        %dma_start3A_641 = arith.constant 0 : i32
        %dma_start3A_642 = tpu.memref_slice %arg7[%dma_start3A_640, %dma_start3A_641] : memref<4x128xi32, #tpu.memory_space<vmem>> -> memref<1x128xi32, #tpu.memory_space<vmem>>
        %dma_start3A_643 = tpu.memref_squeeze %dma_start3A_642 : memref<1x128xi32, #tpu.memory_space<vmem>> -> memref<128xi32, #tpu.memory_space<vmem>>
        %dma_start3A_644 = arith.constant 0 : i32
        %dma_start3A_645 = arith.constant 0 : i32
        %dma_start3A_646 = tpu.memref_slice %arg2[%dma_start3A_644, %dma_start3A_645] : memref<10000x128xf32, #tpu.memory_space<hbm>> -> memref<10000x128xf32, #tpu.memory_space<hbm>>
        tpu.enqueue_indirect_dma source(%dma_start3A_646 : memref<10000x128xf32, #tpu.memory_space<hbm>>) target(%arg10 : memref<128x128xf32, #tpu.memory_space<vmem>>) offsets(%dma_start3A_643 : memref<128xi32, #tpu.memory_space<vmem>>) semaphore(%arg13 : memref<!tpu.dma_semaphore, #tpu.memory_space<semaphore_mem>>)
      } else {
      }
      %mul3A_424 = arith.constant 4 : i32
      %mul3A_425 = arith.muli %scan3A_390, %mul3A_424 : i32
      %add3A_426 = arith.constant 2 : i32
      %add3A_427 = arith.addi %mul3A_425, %add3A_426 : i32
      %dma_wait3A_428 = arith.constant 2 : i32
      %dma_wait3A_429 = arith.constant 0 : i32
      %dma_wait3A_430 = tpu.memref_slice %arg7[%dma_wait3A_428, %dma_wait3A_429] : memref<4x128xi32, #tpu.memory_space<vmem>> -> memref<1x128xi32, #tpu.memory_space<vmem>>
      %dma_wait3A_431 = tpu.memref_squeeze %dma_wait3A_430 : memref<1x128xi32, #tpu.memory_space<vmem>> -> memref<128xi32, #tpu.memory_space<vmem>>
      %dma_wait3A_432 = arith.constant 0 : i32
      %dma_wait3A_433 = arith.constant 0 : i32
      %dma_wait3A_434 = tpu.memref_slice %arg2[%dma_wait3A_432, %dma_wait3A_433] : memref<10000x128xf32, #tpu.memory_space<hbm>> -> memref<10000x128xf32, #tpu.memory_space<hbm>>
      tpu.wait_indirect_dma semaphore(%arg12 : memref<!tpu.dma_semaphore, #tpu.memory_space<semaphore_mem>>) src(%dma_wait3A_434 : memref<10000x128xf32, #tpu.memory_space<hbm>>) dst(%arg9 : memref<128x128xf32, #tpu.memory_space<vmem>>)
      %run_scoped3A_435 = arith.constant 2 : i32
      "tpu.region"() ({
        %run_scoped3A_462 = tpu.sem_alloc : memref<!tpu.dma_semaphore, #tpu.memory_space<semaphore_mem>>
        %dma_start3A_463 = arith.constant 0 : i32
        %dma_start3A_464 = tpu.memref_slice %arg8[%run_scoped3A_435, %dma_start3A_463] : memref<4x128xi32, #tpu.memory_space<vmem>> -> memref<1x128xi32, #tpu.memory_space<vmem>>
        %dma_start3A_465 = tpu.memref_squeeze %dma_start3A_464 : memref<1x128xi32, #tpu.memory_space<vmem>> -> memref<128xi32, #tpu.memory_space<vmem>>
        %dma_start3A_466 = arith.constant 0 : i32
        %dma_start3A_467 = arith.constant 0 : i32
        %dma_start3A_468 = tpu.memref_slice %arg11[%dma_start3A_466, %dma_start3A_467] : memref<10240x128xf32, #tpu.memory_space<vmem_shared>> -> memref<10240x128xf32, #tpu.memory_space<vmem_shared>>
        tpu.enqueue_indirect_dma source(%arg9 : memref<128x128xf32, #tpu.memory_space<vmem>>) target(%dma_start3A_468 : memref<10240x128xf32, #tpu.memory_space<vmem_shared>>) offsets(%dma_start3A_465 : memref<128xi32, #tpu.memory_space<vmem>>) semaphore(%run_scoped3A_462 : memref<!tpu.dma_semaphore, #tpu.memory_space<semaphore_mem>>) {add = true}
        %dma_wait3A_469 = arith.constant 0 : i32
        %dma_wait3A_470 = tpu.memref_slice %arg8[%run_scoped3A_435, %dma_wait3A_469] : memref<4x128xi32, #tpu.memory_space<vmem>> -> memref<1x128xi32, #tpu.memory_space<vmem>>
        %dma_wait3A_471 = tpu.memref_squeeze %dma_wait3A_470 : memref<1x128xi32, #tpu.memory_space<vmem>> -> memref<128xi32, #tpu.memory_space<vmem>>
        %dma_wait3A_472 = arith.constant 0 : i32
        %dma_wait3A_473 = arith.constant 0 : i32
        %dma_wait3A_474 = tpu.memref_slice %arg11[%dma_wait3A_472, %dma_wait3A_473] : memref<10240x128xf32, #tpu.memory_space<vmem_shared>> -> memref<10240x128xf32, #tpu.memory_space<vmem_shared>>
        tpu.wait_indirect_dma semaphore(%run_scoped3A_462 : memref<!tpu.dma_semaphore, #tpu.memory_space<semaphore_mem>>) src(%arg9 : memref<128x128xf32, #tpu.memory_space<vmem>>) dst(%dma_wait3A_474 : memref<10240x128xf32, #tpu.memory_space<vmem_shared>>)
        tpu.yield
      }) : () -> ()
      %add3A_436 = arith.constant 2 : i32
      %add3A_437 = arith.addi %add3A_427, %add3A_436 : i32
      %lt3A_438 = arith.constant 80 : i32
      %lt3A_439 = arith.cmpi slt, %add3A_437, %lt3A_438 : i32
      %convert_element_type3A_440 = arith.extui %lt3A_439 : i1 to i32
      %cond3A_441 = arith.constant 0 : i32
      %cond3A_442 = arith.cmpi ne, %convert_element_type3A_440, %cond3A_441 : i32
      scf.if %cond3A_442 {
        %add3A_462 = arith.constant 2 : i32
        %add3A_463 = arith.addi %add3A_427, %add3A_462 : i32
        %get3A_464 = arith.index_cast %add3A_463 : i32 to index
        %get3A_465 = arith.constant 0 : index
        %get3A_466 = tpu.vector_load %arg6[%get3A_464, %get3A_465] {strides = array<i32>} : memref<80x128xi32, #tpu.memory_space<vmem>>, vector<1x16xi32>,
        %get3A_467 = vector.shape_cast %get3A_466 : vector<1x16xi32> to vector<16xi32>
        %shift_right_logical3A_468 = arith.constant 14 : i32
        %shift_right_logical3A_469 = vector.broadcast %shift_right_logical3A_468 : i32 to vector<16xi32>
        %shift_right_logical3A_470 = arith.shrui %get3A_467, %shift_right_logical3A_469 : vector<16xi32>
        %swap3A_471 = arith.constant 0 : i32
        %swap3A_472 = arith.index_cast %swap3A_471 : i32 to index
        %swap3A_473 = arith.constant 0 : index
        %swap3A_474 = tpu.vector_load %arg7[%swap3A_472, %swap3A_473] {strides = array<i32>} : memref<4x128xi32, #tpu.memory_space<vmem>>, vector<1x16xi32>,
        %swap3A_475 = vector.shape_cast %swap3A_474 : vector<1x16xi32> to vector<16xi32>
        %swap3A_476 = vector.shape_cast %shift_right_logical3A_470 : vector<16xi32> to vector<1x16xi32>
        tpu.vector_store %arg7[%swap3A_472, %swap3A_473], %swap3A_476 {strides = array<i32>} : memref<4x128xi32, #tpu.memory_space<vmem>>, vector<1x16xi32>,
        %and3A_477 = arith.constant 16383 : i32
        %and3A_478 = vector.broadcast %and3A_477 : i32 to vector<16xi32>
        %and3A_479 = arith.andi %get3A_467, %and3A_478 : vector<16xi32>
        %swap3A_480 = arith.constant 0 : i32
        %swap3A_481 = arith.index_cast %swap3A_480 : i32 to index
        %swap3A_482 = arith.constant 0 : index
        %swap3A_483 = tpu.vector_load %arg8[%swap3A_481, %swap3A_482] {strides = array<i32>} : memref<4x128xi32, #tpu.memory_space<vmem>>, vector<1x16xi32>,
        %swap3A_484 = vector.shape_cast %swap3A_483 : vector<1x16xi32> to vector<16xi32>
        %swap3A_485 = vector.shape_cast %and3A_479 : vector<16xi32> to vector<1x16xi32>
        tpu.vector_store %arg8[%swap3A_481, %swap3A_482], %swap3A_485 {strides = array<i32>} : memref<4x128xi32, #tpu.memory_space<vmem>>, vector<1x16xi32>,
        %get3A_486 = arith.index_cast %add3A_463 : i32 to index
        %get3A_487 = arith.constant 16 : index
        %get3A_488 = tpu.vector_load %arg6[%get3A_486, %get3A_487] {strides = array<i32>} : memref<80x128xi32, #tpu.memory_space<vmem>>, vector<1x16xi32>,
        %get3A_489 = vector.shape_cast %get3A_488 : vector<1x16xi32> to vector<16xi32>
        %shift_right_logical3A_490 = arith.constant 14 : i32
        %shift_right_logical3A_491 = vector.broadcast %shift_right_logical3A_490 : i32 to vector<16xi32>
        %shift_right_logical3A_492 = arith.shrui %get3A_489, %shift_right_logical3A_491 : vector<16xi32>
        %swap3A_493 = arith.constant 0 : i32
        %swap3A_494 = arith.index_cast %swap3A_493 : i32 to index
        %swap3A_495 = arith.constant 16 : index
        %swap3A_496 = tpu.vector_load %arg7[%swap3A_494, %swap3A_495] {strides = array<i32>} : memref<4x128xi32, #tpu.memory_space<vmem>>, vector<1x16xi32>,
        %swap3A_497 = vector.shape_cast %swap3A_496 : vector<1x16xi32> to vector<16xi32>
        %swap3A_498 = vector.shape_cast %shift_right_logical3A_492 : vector<16xi32> to vector<1x16xi32>
        tpu.vector_store %arg7[%swap3A_494, %swap3A_495], %swap3A_498 {strides = array<i32>} : memref<4x128xi32, #tpu.memory_space<vmem>>, vector<1x16xi32>,
        %and3A_499 = arith.constant 16383 : i32
        %and3A_500 = vector.broadcast %and3A_499 : i32 to vector<16xi32>
        %and3A_501 = arith.andi %get3A_489, %and3A_500 : vector<16xi32>
        %swap3A_502 = arith.constant 0 : i32
        %swap3A_503 = arith.index_cast %swap3A_502 : i32 to index
        %swap3A_504 = arith.constant 16 : index
        %swap3A_505 = tpu.vector_load %arg8[%swap3A_503, %swap3A_504] {strides = array<i32>} : memref<4x128xi32, #tpu.memory_space<vmem>>, vector<1x16xi32>,
        %swap3A_506 = vector.shape_cast %swap3A_505 : vector<1x16xi32> to vector<16xi32>
        %swap3A_507 = vector.shape_cast %and3A_501 : vector<16xi32> to vector<1x16xi32>
        tpu.vector_store %arg8[%swap3A_503, %swap3A_504], %swap3A_507 {strides = array<i32>} : memref<4x128xi32, #tpu.memory_space<vmem>>, vector<1x16xi32>,
        %get3A_508 = arith.index_cast %add3A_463 : i32 to index
        %get3A_509 = arith.constant 32 : index
        %get3A_510 = tpu.vector_load %arg6[%get3A_508, %get3A_509] {strides = array<i32>} : memref<80x128xi32, #tpu.memory_space<vmem>>, vector<1x16xi32>,
        %get3A_511 = vector.shape_cast %get3A_510 : vector<1x16xi32> to vector<16xi32>
        %shift_right_logical3A_512 = arith.constant 14 : i32
        %shift_right_logical3A_513 = vector.broadcast %shift_right_logical3A_512 : i32 to vector<16xi32>
        %shift_right_logical3A_514 = arith.shrui %get3A_511, %shift_right_logical3A_513 : vector<16xi32>
        %swap3A_515 = arith.constant 0 : i32
        %swap3A_516 = arith.index_cast %swap3A_515 : i32 to index
        %swap3A_517 = arith.constant 32 : index
        %swap3A_518 = tpu.vector_load %arg7[%swap3A_516, %swap3A_517] {strides = array<i32>} : memref<4x128xi32, #tpu.memory_space<vmem>>, vector<1x16xi32>,
        %swap3A_519 = vector.shape_cast %swap3A_518 : vector<1x16xi32> to vector<16xi32>
        %swap3A_520 = vector.shape_cast %shift_right_logical3A_514 : vector<16xi32> to vector<1x16xi32>
        tpu.vector_store %arg7[%swap3A_516, %swap3A_517], %swap3A_520 {strides = array<i32>} : memref<4x128xi32, #tpu.memory_space<vmem>>, vector<1x16xi32>,
        %and3A_521 = arith.constant 16383 : i32
        %and3A_522 = vector.broadcast %and3A_521 : i32 to vector<16xi32>
        %and3A_523 = arith.andi %get3A_511, %and3A_522 : vector<16xi32>
        %swap3A_524 = arith.constant 0 : i32
        %swap3A_525 = arith.index_cast %swap3A_524 : i32 to index
        %swap3A_526 = arith.constant 32 : index
        %swap3A_527 = tpu.vector_load %arg8[%swap3A_525, %swap3A_526] {strides = array<i32>} : memref<4x128xi32, #tpu.memory_space<vmem>>, vector<1x16xi32>,
        %swap3A_528 = vector.shape_cast %swap3A_527 : vector<1x16xi32> to vector<16xi32>
        %swap3A_529 = vector.shape_cast %and3A_523 : vector<16xi32> to vector<1x16xi32>
        tpu.vector_store %arg8[%swap3A_525, %swap3A_526], %swap3A_529 {strides = array<i32>} : memref<4x128xi32, #tpu.memory_space<vmem>>, vector<1x16xi32>,
        %get3A_530 = arith.index_cast %add3A_463 : i32 to index
        %get3A_531 = arith.constant 48 : index
        %get3A_532 = tpu.vector_load %arg6[%get3A_530, %get3A_531] {strides = array<i32>} : memref<80x128xi32, #tpu.memory_space<vmem>>, vector<1x16xi32>,
        %get3A_533 = vector.shape_cast %get3A_532 : vector<1x16xi32> to vector<16xi32>
        %shift_right_logical3A_534 = arith.constant 14 : i32
        %shift_right_logical3A_535 = vector.broadcast %shift_right_logical3A_534 : i32 to vector<16xi32>
        %shift_right_logical3A_536 = arith.shrui %get3A_533, %shift_right_logical3A_535 : vector<16xi32>
        %swap3A_537 = arith.constant 0 : i32
        %swap3A_538 = arith.index_cast %swap3A_537 : i32 to index
        %swap3A_539 = arith.constant 48 : index
        %swap3A_540 = tpu.vector_load %arg7[%swap3A_538, %swap3A_539] {strides = array<i32>} : memref<4x128xi32, #tpu.memory_space<vmem>>, vector<1x16xi32>,
        %swap3A_541 = vector.shape_cast %swap3A_540 : vector<1x16xi32> to vector<16xi32>
        %swap3A_542 = vector.shape_cast %shift_right_logical3A_536 : vector<16xi32> to vector<1x16xi32>
        tpu.vector_store %arg7[%swap3A_538, %swap3A_539], %swap3A_542 {strides = array<i32>} : memref<4x128xi32, #tpu.memory_space<vmem>>, vector<1x16xi32>,
        %and3A_543 = arith.constant 16383 : i32
        %and3A_544 = vector.broadcast %and3A_543 : i32 to vector<16xi32>
        %and3A_545 = arith.andi %get3A_533, %and3A_544 : vector<16xi32>
        %swap3A_546 = arith.constant 0 : i32
        %swap3A_547 = arith.index_cast %swap3A_546 : i32 to index
        %swap3A_548 = arith.constant 48 : index
        %swap3A_549 = tpu.vector_load %arg8[%swap3A_547, %swap3A_548] {strides = array<i32>} : memref<4x128xi32, #tpu.memory_space<vmem>>, vector<1x16xi32>,
        %swap3A_550 = vector.shape_cast %swap3A_549 : vector<1x16xi32> to vector<16xi32>
        %swap3A_551 = vector.shape_cast %and3A_545 : vector<16xi32> to vector<1x16xi32>
        tpu.vector_store %arg8[%swap3A_547, %swap3A_548], %swap3A_551 {strides = array<i32>} : memref<4x128xi32, #tpu.memory_space<vmem>>, vector<1x16xi32>,
        %get3A_552 = arith.index_cast %add3A_463 : i32 to index
        %get3A_553 = arith.constant 64 : index
        %get3A_554 = tpu.vector_load %arg6[%get3A_552, %get3A_553] {strides = array<i32>} : memref<80x128xi32, #tpu.memory_space<vmem>>, vector<1x16xi32>,
        %get3A_555 = vector.shape_cast %get3A_554 : vector<1x16xi32> to vector<16xi32>
        %shift_right_logical3A_556 = arith.constant 14 : i32
        %shift_right_logical3A_557 = vector.broadcast %shift_right_logical3A_556 : i32 to vector<16xi32>
        %shift_right_logical3A_558 = arith.shrui %get3A_555, %shift_right_logical3A_557 : vector<16xi32>
        %swap3A_559 = arith.constant 0 : i32
        %swap3A_560 = arith.index_cast %swap3A_559 : i32 to index
        %swap3A_561 = arith.constant 64 : index
        %swap3A_562 = tpu.vector_load %arg7[%swap3A_560, %swap3A_561] {strides = array<i32>} : memref<4x128xi32, #tpu.memory_space<vmem>>, vector<1x16xi32>,
        %swap3A_563 = vector.shape_cast %swap3A_562 : vector<1x16xi32> to vector<16xi32>
        %swap3A_564 = vector.shape_cast %shift_right_logical3A_558 : vector<16xi32> to vector<1x16xi32>
        tpu.vector_store %arg7[%swap3A_560, %swap3A_561], %swap3A_564 {strides = array<i32>} : memref<4x128xi32, #tpu.memory_space<vmem>>, vector<1x16xi32>,
        %and3A_565 = arith.constant 16383 : i32
        %and3A_566 = vector.broadcast %and3A_565 : i32 to vector<16xi32>
        %and3A_567 = arith.andi %get3A_555, %and3A_566 : vector<16xi32>
        %swap3A_568 = arith.constant 0 : i32
        %swap3A_569 = arith.index_cast %swap3A_568 : i32 to index
        %swap3A_570 = arith.constant 64 : index
        %swap3A_571 = tpu.vector_load %arg8[%swap3A_569, %swap3A_570] {strides = array<i32>} : memref<4x128xi32, #tpu.memory_space<vmem>>, vector<1x16xi32>,
        %swap3A_572 = vector.shape_cast %swap3A_571 : vector<1x16xi32> to vector<16xi32>
        %swap3A_573 = vector.shape_cast %and3A_567 : vector<16xi32> to vector<1x16xi32>
        tpu.vector_store %arg8[%swap3A_569, %swap3A_570], %swap3A_573 {strides = array<i32>} : memref<4x128xi32, #tpu.memory_space<vmem>>, vector<1x16xi32>,
        %get3A_574 = arith.index_cast %add3A_463 : i32 to index
        %get3A_575 = arith.constant 80 : index
        %get3A_576 = tpu.vector_load %arg6[%get3A_574, %get3A_575] {strides = array<i32>} : memref<80x128xi32, #tpu.memory_space<vmem>>, vector<1x16xi32>,
        %get3A_577 = vector.shape_cast %get3A_576 : vector<1x16xi32> to vector<16xi32>
        %shift_right_logical3A_578 = arith.constant 14 : i32
        %shift_right_logical3A_579 = vector.broadcast %shift_right_logical3A_578 : i32 to vector<16xi32>
        %shift_right_logical3A_580 = arith.shrui %get3A_577, %shift_right_logical3A_579 : vector<16xi32>
        %swap3A_581 = arith.constant 0 : i32
        %swap3A_582 = arith.index_cast %swap3A_581 : i32 to index
        %swap3A_583 = arith.constant 80 : index
        %swap3A_584 = tpu.vector_load %arg7[%swap3A_582, %swap3A_583] {strides = array<i32>} : memref<4x128xi32, #tpu.memory_space<vmem>>, vector<1x16xi32>,
        %swap3A_585 = vector.shape_cast %swap3A_584 : vector<1x16xi32> to vector<16xi32>
        %swap3A_586 = vector.shape_cast %shift_right_logical3A_580 : vector<16xi32> to vector<1x16xi32>
        tpu.vector_store %arg7[%swap3A_582, %swap3A_583], %swap3A_586 {strides = array<i32>} : memref<4x128xi32, #tpu.memory_space<vmem>>, vector<1x16xi32>,
        %and3A_587 = arith.constant 16383 : i32
        %and3A_588 = vector.broadcast %and3A_587 : i32 to vector<16xi32>
        %and3A_589 = arith.andi %get3A_577, %and3A_588 : vector<16xi32>
        %swap3A_590 = arith.constant 0 : i32
        %swap3A_591 = arith.index_cast %swap3A_590 : i32 to index
        %swap3A_592 = arith.constant 80 : index
        %swap3A_593 = tpu.vector_load %arg8[%swap3A_591, %swap3A_592] {strides = array<i32>} : memref<4x128xi32, #tpu.memory_space<vmem>>, vector<1x16xi32>,
        %swap3A_594 = vector.shape_cast %swap3A_593 : vector<1x16xi32> to vector<16xi32>
        %swap3A_595 = vector.shape_cast %and3A_589 : vector<16xi32> to vector<1x16xi32>
        tpu.vector_store %arg8[%swap3A_591, %swap3A_592], %swap3A_595 {strides = array<i32>} : memref<4x128xi32, #tpu.memory_space<vmem>>, vector<1x16xi32>,
        %get3A_596 = arith.index_cast %add3A_463 : i32 to index
        %get3A_597 = arith.constant 96 : index
        %get3A_598 = tpu.vector_load %arg6[%get3A_596, %get3A_597] {strides = array<i32>} : memref<80x128xi32, #tpu.memory_space<vmem>>, vector<1x16xi32>,
        %get3A_599 = vector.shape_cast %get3A_598 : vector<1x16xi32> to vector<16xi32>
        %shift_right_logical3A_600 = arith.constant 14 : i32
        %shift_right_logical3A_601 = vector.broadcast %shift_right_logical3A_600 : i32 to vector<16xi32>
        %shift_right_logical3A_602 = arith.shrui %get3A_599, %shift_right_logical3A_601 : vector<16xi32>
        %swap3A_603 = arith.constant 0 : i32
        %swap3A_604 = arith.index_cast %swap3A_603 : i32 to index
        %swap3A_605 = arith.constant 96 : index
        %swap3A_606 = tpu.vector_load %arg7[%swap3A_604, %swap3A_605] {strides = array<i32>} : memref<4x128xi32, #tpu.memory_space<vmem>>, vector<1x16xi32>,
        %swap3A_607 = vector.shape_cast %swap3A_606 : vector<1x16xi32> to vector<16xi32>
        %swap3A_608 = vector.shape_cast %shift_right_logical3A_602 : vector<16xi32> to vector<1x16xi32>
        tpu.vector_store %arg7[%swap3A_604, %swap3A_605], %swap3A_608 {strides = array<i32>} : memref<4x128xi32, #tpu.memory_space<vmem>>, vector<1x16xi32>,
        %and3A_609 = arith.constant 16383 : i32
        %and3A_610 = vector.broadcast %and3A_609 : i32 to vector<16xi32>
        %and3A_611 = arith.andi %get3A_599, %and3A_610 : vector<16xi32>
        %swap3A_612 = arith.constant 0 : i32
        %swap3A_613 = arith.index_cast %swap3A_612 : i32 to index
        %swap3A_614 = arith.constant 96 : index
        %swap3A_615 = tpu.vector_load %arg8[%swap3A_613, %swap3A_614] {strides = array<i32>} : memref<4x128xi32, #tpu.memory_space<vmem>>, vector<1x16xi32>,
        %swap3A_616 = vector.shape_cast %swap3A_615 : vector<1x16xi32> to vector<16xi32>
        %swap3A_617 = vector.shape_cast %and3A_611 : vector<16xi32> to vector<1x16xi32>
        tpu.vector_store %arg8[%swap3A_613, %swap3A_614], %swap3A_617 {strides = array<i32>} : memref<4x128xi32, #tpu.memory_space<vmem>>, vector<1x16xi32>,
        %get3A_618 = arith.index_cast %add3A_463 : i32 to index
        %get3A_619 = arith.constant 112 : index
        %get3A_620 = tpu.vector_load %arg6[%get3A_618, %get3A_619] {strides = array<i32>} : memref<80x128xi32, #tpu.memory_space<vmem>>, vector<1x16xi32>,
        %get3A_621 = vector.shape_cast %get3A_620 : vector<1x16xi32> to vector<16xi32>
        %shift_right_logical3A_622 = arith.constant 14 : i32
        %shift_right_logical3A_623 = vector.broadcast %shift_right_logical3A_622 : i32 to vector<16xi32>
        %shift_right_logical3A_624 = arith.shrui %get3A_621, %shift_right_logical3A_623 : vector<16xi32>
        %swap3A_625 = arith.constant 0 : i32
        %swap3A_626 = arith.index_cast %swap3A_625 : i32 to index
        %swap3A_627 = arith.constant 112 : index
        %swap3A_628 = tpu.vector_load %arg7[%swap3A_626, %swap3A_627] {strides = array<i32>} : memref<4x128xi32, #tpu.memory_space<vmem>>, vector<1x16xi32>,
        %swap3A_629 = vector.shape_cast %swap3A_628 : vector<1x16xi32> to vector<16xi32>
        %swap3A_630 = vector.shape_cast %shift_right_logical3A_624 : vector<16xi32> to vector<1x16xi32>
        tpu.vector_store %arg7[%swap3A_626, %swap3A_627], %swap3A_630 {strides = array<i32>} : memref<4x128xi32, #tpu.memory_space<vmem>>, vector<1x16xi32>,
        %and3A_631 = arith.constant 16383 : i32
        %and3A_632 = vector.broadcast %and3A_631 : i32 to vector<16xi32>
        %and3A_633 = arith.andi %get3A_621, %and3A_632 : vector<16xi32>
        %swap3A_634 = arith.constant 0 : i32
        %swap3A_635 = arith.index_cast %swap3A_634 : i32 to index
        %swap3A_636 = arith.constant 112 : index
        %swap3A_637 = tpu.vector_load %arg8[%swap3A_635, %swap3A_636] {strides = array<i32>} : memref<4x128xi32, #tpu.memory_space<vmem>>, vector<1x16xi32>,
        %swap3A_638 = vector.shape_cast %swap3A_637 : vector<1x16xi32> to vector<16xi32>
        %swap3A_639 = vector.shape_cast %and3A_633 : vector<16xi32> to vector<1x16xi32>
        tpu.vector_store %arg8[%swap3A_635, %swap3A_636], %swap3A_639 {strides = array<i32>} : memref<4x128xi32, #tpu.memory_space<vmem>>, vector<1x16xi32>,
        %dma_start3A_640 = arith.constant 0 : i32
        %dma_start3A_641 = arith.constant 0 : i32
        %dma_start3A_642 = tpu.memref_slice %arg7[%dma_start3A_640, %dma_start3A_641] : memref<4x128xi32, #tpu.memory_space<vmem>> -> memref<1x128xi32, #tpu.memory_space<vmem>>
        %dma_start3A_643 = tpu.memref_squeeze %dma_start3A_642 : memref<1x128xi32, #tpu.memory_space<vmem>> -> memref<128xi32, #tpu.memory_space<vmem>>
        %dma_start3A_644 = arith.constant 0 : i32
        %dma_start3A_645 = arith.constant 0 : i32
        %dma_start3A_646 = tpu.memref_slice %arg2[%dma_start3A_644, %dma_start3A_645] : memref<10000x128xf32, #tpu.memory_space<hbm>> -> memref<10000x128xf32, #tpu.memory_space<hbm>>
        tpu.enqueue_indirect_dma source(%dma_start3A_646 : memref<10000x128xf32, #tpu.memory_space<hbm>>) target(%arg9 : memref<128x128xf32, #tpu.memory_space<vmem>>) offsets(%dma_start3A_643 : memref<128xi32, #tpu.memory_space<vmem>>) semaphore(%arg12 : memref<!tpu.dma_semaphore, #tpu.memory_space<semaphore_mem>>)
      } else {
      }
      %mul3A_443 = arith.constant 4 : i32
      %mul3A_444 = arith.muli %scan3A_390, %mul3A_443 : i32
      %add3A_445 = arith.constant 3 : i32
      %add3A_446 = arith.addi %mul3A_444, %add3A_445 : i32
      %dma_wait3A_447 = arith.constant 3 : i32
      %dma_wait3A_448 = arith.constant 0 : i32
      %dma_wait3A_449 = tpu.memref_slice %arg7[%dma_wait3A_447, %dma_wait3A_448] : memref<4x128xi32, #tpu.memory_space<vmem>> -> memref<1x128xi32, #tpu.memory_space<vmem>>
      %dma_wait3A_450 = tpu.memref_squeeze %dma_wait3A_449 : memref<1x128xi32, #tpu.memory_space<vmem>> -> memref<128xi32, #tpu.memory_space<vmem>>
      %dma_wait3A_451 = arith.constant 0 : i32
      %dma_wait3A_452 = arith.constant 0 : i32
      %dma_wait3A_453 = tpu.memref_slice %arg2[%dma_wait3A_451, %dma_wait3A_452] : memref<10000x128xf32, #tpu.memory_space<hbm>> -> memref<10000x128xf32, #tpu.memory_space<hbm>>
      tpu.wait_indirect_dma semaphore(%arg13 : memref<!tpu.dma_semaphore, #tpu.memory_space<semaphore_mem>>) src(%dma_wait3A_453 : memref<10000x128xf32, #tpu.memory_space<hbm>>) dst(%arg10 : memref<128x128xf32, #tpu.memory_space<vmem>>)
      %run_scoped3A_454 = arith.constant 3 : i32
      "tpu.region"() ({
        %run_scoped3A_462 = tpu.sem_alloc : memref<!tpu.dma_semaphore, #tpu.memory_space<semaphore_mem>>
        %dma_start3A_463 = arith.constant 0 : i32
        %dma_start3A_464 = tpu.memref_slice %arg8[%run_scoped3A_454, %dma_start3A_463] : memref<4x128xi32, #tpu.memory_space<vmem>> -> memref<1x128xi32, #tpu.memory_space<vmem>>
        %dma_start3A_465 = tpu.memref_squeeze %dma_start3A_464 : memref<1x128xi32, #tpu.memory_space<vmem>> -> memref<128xi32, #tpu.memory_space<vmem>>
        %dma_start3A_466 = arith.constant 0 : i32
        %dma_start3A_467 = arith.constant 0 : i32
        %dma_start3A_468 = tpu.memref_slice %arg11[%dma_start3A_466, %dma_start3A_467] : memref<10240x128xf32, #tpu.memory_space<vmem_shared>> -> memref<10240x128xf32, #tpu.memory_space<vmem_shared>>
        tpu.enqueue_indirect_dma source(%arg10 : memref<128x128xf32, #tpu.memory_space<vmem>>) target(%dma_start3A_468 : memref<10240x128xf32, #tpu.memory_space<vmem_shared>>) offsets(%dma_start3A_465 : memref<128xi32, #tpu.memory_space<vmem>>) semaphore(%run_scoped3A_462 : memref<!tpu.dma_semaphore, #tpu.memory_space<semaphore_mem>>) {add = true}
        %dma_wait3A_469 = arith.constant 0 : i32
        %dma_wait3A_470 = tpu.memref_slice %arg8[%run_scoped3A_454, %dma_wait3A_469] : memref<4x128xi32, #tpu.memory_space<vmem>> -> memref<1x128xi32, #tpu.memory_space<vmem>>
        %dma_wait3A_471 = tpu.memref_squeeze %dma_wait3A_470 : memref<1x128xi32, #tpu.memory_space<vmem>> -> memref<128xi32, #tpu.memory_space<vmem>>
        %dma_wait3A_472 = arith.constant 0 : i32
        %dma_wait3A_473 = arith.constant 0 : i32
        %dma_wait3A_474 = tpu.memref_slice %arg11[%dma_wait3A_472, %dma_wait3A_473] : memref<10240x128xf32, #tpu.memory_space<vmem_shared>> -> memref<10240x128xf32, #tpu.memory_space<vmem_shared>>
        tpu.wait_indirect_dma semaphore(%run_scoped3A_462 : memref<!tpu.dma_semaphore, #tpu.memory_space<semaphore_mem>>) src(%arg10 : memref<128x128xf32, #tpu.memory_space<vmem>>) dst(%dma_wait3A_474 : memref<10240x128xf32, #tpu.memory_space<vmem_shared>>)
        tpu.yield
      }) : () -> ()
      %add3A_455 = arith.constant 2 : i32
      %add3A_456 = arith.addi %add3A_446, %add3A_455 : i32
      %lt3A_457 = arith.constant 80 : i32
      %lt3A_458 = arith.cmpi slt, %add3A_456, %lt3A_457 : i32
      %convert_element_type3A_459 = arith.extui %lt3A_458 : i1 to i32
      %cond3A_460 = arith.constant 0 : i32
      %cond3A_461 = arith.cmpi ne, %convert_element_type3A_459, %cond3A_460 : i32
      scf.if %cond3A_461 {
        %add3A_462 = arith.constant 2 : i32
        %add3A_463 = arith.addi %add3A_446, %add3A_462 : i32
        %get3A_464 = arith.index_cast %add3A_463 : i32 to index
        %get3A_465 = arith.constant 0 : index
        %get3A_466 = tpu.vector_load %arg6[%get3A_464, %get3A_465] {strides = array<i32>} : memref<80x128xi32, #tpu.memory_space<vmem>>, vector<1x16xi32>,
        %get3A_467 = vector.shape_cast %get3A_466 : vector<1x16xi32> to vector<16xi32>
        %shift_right_logical3A_468 = arith.constant 14 : i32
        %shift_right_logical3A_469 = vector.broadcast %shift_right_logical3A_468 : i32 to vector<16xi32>
        %shift_right_logical3A_470 = arith.shrui %get3A_467, %shift_right_logical3A_469 : vector<16xi32>
        %swap3A_471 = arith.constant 1 : i32
        %swap3A_472 = arith.index_cast %swap3A_471 : i32 to index
        %swap3A_473 = arith.constant 0 : index
        %swap3A_474 = tpu.vector_load %arg7[%swap3A_472, %swap3A_473] {strides = array<i32>} : memref<4x128xi32, #tpu.memory_space<vmem>>, vector<1x16xi32>,
        %swap3A_475 = vector.shape_cast %swap3A_474 : vector<1x16xi32> to vector<16xi32>
        %swap3A_476 = vector.shape_cast %shift_right_logical3A_470 : vector<16xi32> to vector<1x16xi32>
        tpu.vector_store %arg7[%swap3A_472, %swap3A_473], %swap3A_476 {strides = array<i32>} : memref<4x128xi32, #tpu.memory_space<vmem>>, vector<1x16xi32>,
        %and3A_477 = arith.constant 16383 : i32
        %and3A_478 = vector.broadcast %and3A_477 : i32 to vector<16xi32>
        %and3A_479 = arith.andi %get3A_467, %and3A_478 : vector<16xi32>
        %swap3A_480 = arith.constant 1 : i32
        %swap3A_481 = arith.index_cast %swap3A_480 : i32 to index
        %swap3A_482 = arith.constant 0 : index
        %swap3A_483 = tpu.vector_load %arg8[%swap3A_481, %swap3A_482] {strides = array<i32>} : memref<4x128xi32, #tpu.memory_space<vmem>>, vector<1x16xi32>,
        %swap3A_484 = vector.shape_cast %swap3A_483 : vector<1x16xi32> to vector<16xi32>
        %swap3A_485 = vector.shape_cast %and3A_479 : vector<16xi32> to vector<1x16xi32>
        tpu.vector_store %arg8[%swap3A_481, %swap3A_482], %swap3A_485 {strides = array<i32>} : memref<4x128xi32, #tpu.memory_space<vmem>>, vector<1x16xi32>,
        %get3A_486 = arith.index_cast %add3A_463 : i32 to index
        %get3A_487 = arith.constant 16 : index
        %get3A_488 = tpu.vector_load %arg6[%get3A_486, %get3A_487] {strides = array<i32>} : memref<80x128xi32, #tpu.memory_space<vmem>>, vector<1x16xi32>,
        %get3A_489 = vector.shape_cast %get3A_488 : vector<1x16xi32> to vector<16xi32>
        %shift_right_logical3A_490 = arith.constant 14 : i32
        %shift_right_logical3A_491 = vector.broadcast %shift_right_logical3A_490 : i32 to vector<16xi32>
        %shift_right_logical3A_492 = arith.shrui %get3A_489, %shift_right_logical3A_491 : vector<16xi32>
        %swap3A_493 = arith.constant 1 : i32
        %swap3A_494 = arith.index_cast %swap3A_493 : i32 to index
        %swap3A_495 = arith.constant 16 : index
        %swap3A_496 = tpu.vector_load %arg7[%swap3A_494, %swap3A_495] {strides = array<i32>} : memref<4x128xi32, #tpu.memory_space<vmem>>, vector<1x16xi32>,
        %swap3A_497 = vector.shape_cast %swap3A_496 : vector<1x16xi32> to vector<16xi32>
        %swap3A_498 = vector.shape_cast %shift_right_logical3A_492 : vector<16xi32> to vector<1x16xi32>
        tpu.vector_store %arg7[%swap3A_494, %swap3A_495], %swap3A_498 {strides = array<i32>} : memref<4x128xi32, #tpu.memory_space<vmem>>, vector<1x16xi32>,
        %and3A_499 = arith.constant 16383 : i32
        %and3A_500 = vector.broadcast %and3A_499 : i32 to vector<16xi32>
        %and3A_501 = arith.andi %get3A_489, %and3A_500 : vector<16xi32>
        %swap3A_502 = arith.constant 1 : i32
        %swap3A_503 = arith.index_cast %swap3A_502 : i32 to index
        %swap3A_504 = arith.constant 16 : index
        %swap3A_505 = tpu.vector_load %arg8[%swap3A_503, %swap3A_504] {strides = array<i32>} : memref<4x128xi32, #tpu.memory_space<vmem>>, vector<1x16xi32>,
        %swap3A_506 = vector.shape_cast %swap3A_505 : vector<1x16xi32> to vector<16xi32>
        %swap3A_507 = vector.shape_cast %and3A_501 : vector<16xi32> to vector<1x16xi32>
        tpu.vector_store %arg8[%swap3A_503, %swap3A_504], %swap3A_507 {strides = array<i32>} : memref<4x128xi32, #tpu.memory_space<vmem>>, vector<1x16xi32>,
        %get3A_508 = arith.index_cast %add3A_463 : i32 to index
        %get3A_509 = arith.constant 32 : index
        %get3A_510 = tpu.vector_load %arg6[%get3A_508, %get3A_509] {strides = array<i32>} : memref<80x128xi32, #tpu.memory_space<vmem>>, vector<1x16xi32>,
        %get3A_511 = vector.shape_cast %get3A_510 : vector<1x16xi32> to vector<16xi32>
        %shift_right_logical3A_512 = arith.constant 14 : i32
        %shift_right_logical3A_513 = vector.broadcast %shift_right_logical3A_512 : i32 to vector<16xi32>
        %shift_right_logical3A_514 = arith.shrui %get3A_511, %shift_right_logical3A_513 : vector<16xi32>
        %swap3A_515 = arith.constant 1 : i32
        %swap3A_516 = arith.index_cast %swap3A_515 : i32 to index
        %swap3A_517 = arith.constant 32 : index
        %swap3A_518 = tpu.vector_load %arg7[%swap3A_516, %swap3A_517] {strides = array<i32>} : memref<4x128xi32, #tpu.memory_space<vmem>>, vector<1x16xi32>,
        %swap3A_519 = vector.shape_cast %swap3A_518 : vector<1x16xi32> to vector<16xi32>
        %swap3A_520 = vector.shape_cast %shift_right_logical3A_514 : vector<16xi32> to vector<1x16xi32>
        tpu.vector_store %arg7[%swap3A_516, %swap3A_517], %swap3A_520 {strides = array<i32>} : memref<4x128xi32, #tpu.memory_space<vmem>>, vector<1x16xi32>,
        %and3A_521 = arith.constant 16383 : i32
        %and3A_522 = vector.broadcast %and3A_521 : i32 to vector<16xi32>
        %and3A_523 = arith.andi %get3A_511, %and3A_522 : vector<16xi32>
        %swap3A_524 = arith.constant 1 : i32
        %swap3A_525 = arith.index_cast %swap3A_524 : i32 to index
        %swap3A_526 = arith.constant 32 : index
        %swap3A_527 = tpu.vector_load %arg8[%swap3A_525, %swap3A_526] {strides = array<i32>} : memref<4x128xi32, #tpu.memory_space<vmem>>, vector<1x16xi32>,
        %swap3A_528 = vector.shape_cast %swap3A_527 : vector<1x16xi32> to vector<16xi32>
        %swap3A_529 = vector.shape_cast %and3A_523 : vector<16xi32> to vector<1x16xi32>
        tpu.vector_store %arg8[%swap3A_525, %swap3A_526], %swap3A_529 {strides = array<i32>} : memref<4x128xi32, #tpu.memory_space<vmem>>, vector<1x16xi32>,
        %get3A_530 = arith.index_cast %add3A_463 : i32 to index
        %get3A_531 = arith.constant 48 : index
        %get3A_532 = tpu.vector_load %arg6[%get3A_530, %get3A_531] {strides = array<i32>} : memref<80x128xi32, #tpu.memory_space<vmem>>, vector<1x16xi32>,
        %get3A_533 = vector.shape_cast %get3A_532 : vector<1x16xi32> to vector<16xi32>
        %shift_right_logical3A_534 = arith.constant 14 : i32
        %shift_right_logical3A_535 = vector.broadcast %shift_right_logical3A_534 : i32 to vector<16xi32>
        %shift_right_logical3A_536 = arith.shrui %get3A_533, %shift_right_logical3A_535 : vector<16xi32>
        %swap3A_537 = arith.constant 1 : i32
        %swap3A_538 = arith.index_cast %swap3A_537 : i32 to index
        %swap3A_539 = arith.constant 48 : index
        %swap3A_540 = tpu.vector_load %arg7[%swap3A_538, %swap3A_539] {strides = array<i32>} : memref<4x128xi32, #tpu.memory_space<vmem>>, vector<1x16xi32>,
        %swap3A_541 = vector.shape_cast %swap3A_540 : vector<1x16xi32> to vector<16xi32>
        %swap3A_542 = vector.shape_cast %shift_right_logical3A_536 : vector<16xi32> to vector<1x16xi32>
        tpu.vector_store %arg7[%swap3A_538, %swap3A_539], %swap3A_542 {strides = array<i32>} : memref<4x128xi32, #tpu.memory_space<vmem>>, vector<1x16xi32>,
        %and3A_543 = arith.constant 16383 : i32
        %and3A_544 = vector.broadcast %and3A_543 : i32 to vector<16xi32>
        %and3A_545 = arith.andi %get3A_533, %and3A_544 : vector<16xi32>
        %swap3A_546 = arith.constant 1 : i32
        %swap3A_547 = arith.index_cast %swap3A_546 : i32 to index
        %swap3A_548 = arith.constant 48 : index
        %swap3A_549 = tpu.vector_load %arg8[%swap3A_547, %swap3A_548] {strides = array<i32>} : memref<4x128xi32, #tpu.memory_space<vmem>>, vector<1x16xi32>,
        %swap3A_550 = vector.shape_cast %swap3A_549 : vector<1x16xi32> to vector<16xi32>
        %swap3A_551 = vector.shape_cast %and3A_545 : vector<16xi32> to vector<1x16xi32>
        tpu.vector_store %arg8[%swap3A_547, %swap3A_548], %swap3A_551 {strides = array<i32>} : memref<4x128xi32, #tpu.memory_space<vmem>>, vector<1x16xi32>,
        %get3A_552 = arith.index_cast %add3A_463 : i32 to index
        %get3A_553 = arith.constant 64 : index
        %get3A_554 = tpu.vector_load %arg6[%get3A_552, %get3A_553] {strides = array<i32>} : memref<80x128xi32, #tpu.memory_space<vmem>>, vector<1x16xi32>,
        %get3A_555 = vector.shape_cast %get3A_554 : vector<1x16xi32> to vector<16xi32>
        %shift_right_logical3A_556 = arith.constant 14 : i32
        %shift_right_logical3A_557 = vector.broadcast %shift_right_logical3A_556 : i32 to vector<16xi32>
        %shift_right_logical3A_558 = arith.shrui %get3A_555, %shift_right_logical3A_557 : vector<16xi32>
        %swap3A_559 = arith.constant 1 : i32
        %swap3A_560 = arith.index_cast %swap3A_559 : i32 to index
        %swap3A_561 = arith.constant 64 : index
        %swap3A_562 = tpu.vector_load %arg7[%swap3A_560, %swap3A_561] {strides = array<i32>} : memref<4x128xi32, #tpu.memory_space<vmem>>, vector<1x16xi32>,
        %swap3A_563 = vector.shape_cast %swap3A_562 : vector<1x16xi32> to vector<16xi32>
        %swap3A_564 = vector.shape_cast %shift_right_logical3A_558 : vector<16xi32> to vector<1x16xi32>
        tpu.vector_store %arg7[%swap3A_560, %swap3A_561], %swap3A_564 {strides = array<i32>} : memref<4x128xi32, #tpu.memory_space<vmem>>, vector<1x16xi32>,
        %and3A_565 = arith.constant 16383 : i32
        %and3A_566 = vector.broadcast %and3A_565 : i32 to vector<16xi32>
        %and3A_567 = arith.andi %get3A_555, %and3A_566 : vector<16xi32>
        %swap3A_568 = arith.constant 1 : i32
        %swap3A_569 = arith.index_cast %swap3A_568 : i32 to index
        %swap3A_570 = arith.constant 64 : index
        %swap3A_571 = tpu.vector_load %arg8[%swap3A_569, %swap3A_570] {strides = array<i32>} : memref<4x128xi32, #tpu.memory_space<vmem>>, vector<1x16xi32>,
        %swap3A_572 = vector.shape_cast %swap3A_571 : vector<1x16xi32> to vector<16xi32>
        %swap3A_573 = vector.shape_cast %and3A_567 : vector<16xi32> to vector<1x16xi32>
        tpu.vector_store %arg8[%swap3A_569, %swap3A_570], %swap3A_573 {strides = array<i32>} : memref<4x128xi32, #tpu.memory_space<vmem>>, vector<1x16xi32>,
        %get3A_574 = arith.index_cast %add3A_463 : i32 to index
        %get3A_575 = arith.constant 80 : index
        %get3A_576 = tpu.vector_load %arg6[%get3A_574, %get3A_575] {strides = array<i32>} : memref<80x128xi32, #tpu.memory_space<vmem>>, vector<1x16xi32>,
        %get3A_577 = vector.shape_cast %get3A_576 : vector<1x16xi32> to vector<16xi32>
        %shift_right_logical3A_578 = arith.constant 14 : i32
        %shift_right_logical3A_579 = vector.broadcast %shift_right_logical3A_578 : i32 to vector<16xi32>
        %shift_right_logical3A_580 = arith.shrui %get3A_577, %shift_right_logical3A_579 : vector<16xi32>
        %swap3A_581 = arith.constant 1 : i32
        %swap3A_582 = arith.index_cast %swap3A_581 : i32 to index
        %swap3A_583 = arith.constant 80 : index
        %swap3A_584 = tpu.vector_load %arg7[%swap3A_582, %swap3A_583] {strides = array<i32>} : memref<4x128xi32, #tpu.memory_space<vmem>>, vector<1x16xi32>,
        %swap3A_585 = vector.shape_cast %swap3A_584 : vector<1x16xi32> to vector<16xi32>
        %swap3A_586 = vector.shape_cast %shift_right_logical3A_580 : vector<16xi32> to vector<1x16xi32>
        tpu.vector_store %arg7[%swap3A_582, %swap3A_583], %swap3A_586 {strides = array<i32>} : memref<4x128xi32, #tpu.memory_space<vmem>>, vector<1x16xi32>,
        %and3A_587 = arith.constant 16383 : i32
        %and3A_588 = vector.broadcast %and3A_587 : i32 to vector<16xi32>
        %and3A_589 = arith.andi %get3A_577, %and3A_588 : vector<16xi32>
        %swap3A_590 = arith.constant 1 : i32
        %swap3A_591 = arith.index_cast %swap3A_590 : i32 to index
        %swap3A_592 = arith.constant 80 : index
        %swap3A_593 = tpu.vector_load %arg8[%swap3A_591, %swap3A_592] {strides = array<i32>} : memref<4x128xi32, #tpu.memory_space<vmem>>, vector<1x16xi32>,
        %swap3A_594 = vector.shape_cast %swap3A_593 : vector<1x16xi32> to vector<16xi32>
        %swap3A_595 = vector.shape_cast %and3A_589 : vector<16xi32> to vector<1x16xi32>
        tpu.vector_store %arg8[%swap3A_591, %swap3A_592], %swap3A_595 {strides = array<i32>} : memref<4x128xi32, #tpu.memory_space<vmem>>, vector<1x16xi32>,
        %get3A_596 = arith.index_cast %add3A_463 : i32 to index
        %get3A_597 = arith.constant 96 : index
        %get3A_598 = tpu.vector_load %arg6[%get3A_596, %get3A_597] {strides = array<i32>} : memref<80x128xi32, #tpu.memory_space<vmem>>, vector<1x16xi32>,
        %get3A_599 = vector.shape_cast %get3A_598 : vector<1x16xi32> to vector<16xi32>
        %shift_right_logical3A_600 = arith.constant 14 : i32
        %shift_right_logical3A_601 = vector.broadcast %shift_right_logical3A_600 : i32 to vector<16xi32>
        %shift_right_logical3A_602 = arith.shrui %get3A_599, %shift_right_logical3A_601 : vector<16xi32>
        %swap3A_603 = arith.constant 1 : i32
        %swap3A_604 = arith.index_cast %swap3A_603 : i32 to index
        %swap3A_605 = arith.constant 96 : index
        %swap3A_606 = tpu.vector_load %arg7[%swap3A_604, %swap3A_605] {strides = array<i32>} : memref<4x128xi32, #tpu.memory_space<vmem>>, vector<1x16xi32>,
        %swap3A_607 = vector.shape_cast %swap3A_606 : vector<1x16xi32> to vector<16xi32>
        %swap3A_608 = vector.shape_cast %shift_right_logical3A_602 : vector<16xi32> to vector<1x16xi32>
        tpu.vector_store %arg7[%swap3A_604, %swap3A_605], %swap3A_608 {strides = array<i32>} : memref<4x128xi32, #tpu.memory_space<vmem>>, vector<1x16xi32>,
        %and3A_609 = arith.constant 16383 : i32
        %and3A_610 = vector.broadcast %and3A_609 : i32 to vector<16xi32>
        %and3A_611 = arith.andi %get3A_599, %and3A_610 : vector<16xi32>
        %swap3A_612 = arith.constant 1 : i32
        %swap3A_613 = arith.index_cast %swap3A_612 : i32 to index
        %swap3A_614 = arith.constant 96 : index
        %swap3A_615 = tpu.vector_load %arg8[%swap3A_613, %swap3A_614] {strides = array<i32>} : memref<4x128xi32, #tpu.memory_space<vmem>>, vector<1x16xi32>,
        %swap3A_616 = vector.shape_cast %swap3A_615 : vector<1x16xi32> to vector<16xi32>
        %swap3A_617 = vector.shape_cast %and3A_611 : vector<16xi32> to vector<1x16xi32>
        tpu.vector_store %arg8[%swap3A_613, %swap3A_614], %swap3A_617 {strides = array<i32>} : memref<4x128xi32, #tpu.memory_space<vmem>>, vector<1x16xi32>,
        %get3A_618 = arith.index_cast %add3A_463 : i32 to index
        %get3A_619 = arith.constant 112 : index
        %get3A_620 = tpu.vector_load %arg6[%get3A_618, %get3A_619] {strides = array<i32>} : memref<80x128xi32, #tpu.memory_space<vmem>>, vector<1x16xi32>,
        %get3A_621 = vector.shape_cast %get3A_620 : vector<1x16xi32> to vector<16xi32>
        %shift_right_logical3A_622 = arith.constant 14 : i32
        %shift_right_logical3A_623 = vector.broadcast %shift_right_logical3A_622 : i32 to vector<16xi32>
        %shift_right_logical3A_624 = arith.shrui %get3A_621, %shift_right_logical3A_623 : vector<16xi32>
        %swap3A_625 = arith.constant 1 : i32
        %swap3A_626 = arith.index_cast %swap3A_625 : i32 to index
        %swap3A_627 = arith.constant 112 : index
        %swap3A_628 = tpu.vector_load %arg7[%swap3A_626, %swap3A_627] {strides = array<i32>} : memref<4x128xi32, #tpu.memory_space<vmem>>, vector<1x16xi32>,
        %swap3A_629 = vector.shape_cast %swap3A_628 : vector<1x16xi32> to vector<16xi32>
        %swap3A_630 = vector.shape_cast %shift_right_logical3A_624 : vector<16xi32> to vector<1x16xi32>
        tpu.vector_store %arg7[%swap3A_626, %swap3A_627], %swap3A_630 {strides = array<i32>} : memref<4x128xi32, #tpu.memory_space<vmem>>, vector<1x16xi32>,
        %and3A_631 = arith.constant 16383 : i32
        %and3A_632 = vector.broadcast %and3A_631 : i32 to vector<16xi32>
        %and3A_633 = arith.andi %get3A_621, %and3A_632 : vector<16xi32>
        %swap3A_634 = arith.constant 1 : i32
        %swap3A_635 = arith.index_cast %swap3A_634 : i32 to index
        %swap3A_636 = arith.constant 112 : index
        %swap3A_637 = tpu.vector_load %arg8[%swap3A_635, %swap3A_636] {strides = array<i32>} : memref<4x128xi32, #tpu.memory_space<vmem>>, vector<1x16xi32>,
        %swap3A_638 = vector.shape_cast %swap3A_637 : vector<1x16xi32> to vector<16xi32>
        %swap3A_639 = vector.shape_cast %and3A_633 : vector<16xi32> to vector<1x16xi32>
        tpu.vector_store %arg8[%swap3A_635, %swap3A_636], %swap3A_639 {strides = array<i32>} : memref<4x128xi32, #tpu.memory_space<vmem>>, vector<1x16xi32>,
        %dma_start3A_640 = arith.constant 1 : i32
        %dma_start3A_641 = arith.constant 0 : i32
        %dma_start3A_642 = tpu.memref_slice %arg7[%dma_start3A_640, %dma_start3A_641] : memref<4x128xi32, #tpu.memory_space<vmem>> -> memref<1x128xi32, #tpu.memory_space<vmem>>
        %dma_start3A_643 = tpu.memref_squeeze %dma_start3A_642 : memref<1x128xi32, #tpu.memory_space<vmem>> -> memref<128xi32, #tpu.memory_space<vmem>>
        %dma_start3A_644 = arith.constant 0 : i32
        %dma_start3A_645 = arith.constant 0 : i32
        %dma_start3A_646 = tpu.memref_slice %arg2[%dma_start3A_644, %dma_start3A_645] : memref<10000x128xf32, #tpu.memory_space<hbm>> -> memref<10000x128xf32, #tpu.memory_space<hbm>>
        tpu.enqueue_indirect_dma source(%dma_start3A_646 : memref<10000x128xf32, #tpu.memory_space<hbm>>) target(%arg10 : memref<128x128xf32, #tpu.memory_space<vmem>>) offsets(%dma_start3A_643 : memref<128xi32, #tpu.memory_space<vmem>>) semaphore(%arg13 : memref<!tpu.dma_semaphore, #tpu.memory_space<semaphore_mem>>)
      } else {
      }
    }
    %scan3A_384 = arith.constant 20 : i32
    %barrier3A_385 = arith.constant 0 : index
    tpu.barrier barrier_id(%barrier3A_385)
    %mul3A_386 = arith.constant 640 : i32
    %mul3A_387 = arith.muli %arg1, %mul3A_386 : i32
    %mul3A_388 = arith.constant 640 : i32
    %mul3A_389 = arith.muli %arg1, %mul3A_388 : i32
    "tpu.region"() ({
      %run_scoped3A = tpu.sem_alloc : memref<!tpu.dma_semaphore, #tpu.memory_space<semaphore_mem>>
      %dma_start3A_390 = arith.constant 0 : i32
      %dma_start3A_391 = tpu.memref_slice %arg5[%arg0, %mul3A_389, %dma_start3A_390] : memref<2x10240x128xf32, #tpu.memory_space<hbm>> -> memref<1x640x128xf32, #tpu.memory_space<hbm>>
      %dma_start3A_392 = tpu.memref_squeeze %dma_start3A_391 : memref<1x640x128xf32, #tpu.memory_space<hbm>> -> memref<640x128xf32, #tpu.memory_space<hbm>>
      %dma_start3A_393 = arith.constant 0 : i32
      %dma_start3A_394 = tpu.memref_slice %arg11[%mul3A_387, %dma_start3A_393] : memref<10240x128xf32, #tpu.memory_space<vmem_shared>> -> memref<640x128xf32, #tpu.memory_space<vmem_shared>>
      tpu.enqueue_dma source(%dma_start3A_394 : memref<640x128xf32, #tpu.memory_space<vmem_shared>>) target(%dma_start3A_392 : memref<640x128xf32, #tpu.memory_space<hbm>>) target_semaphore(%run_scoped3A : memref<!tpu.dma_semaphore, #tpu.memory_space<semaphore_mem>>)
      %dma_wait3A = arith.constant 0 : i32
      %dma_wait3A_395 = tpu.memref_slice %arg5[%arg0, %mul3A_389, %dma_wait3A] : memref<2x10240x128xf32, #tpu.memory_space<hbm>> -> memref<1x640x128xf32, #tpu.memory_space<hbm>>
      %dma_wait3A_396 = tpu.memref_squeeze %dma_wait3A_395 : memref<1x640x128xf32, #tpu.memory_space<hbm>> -> memref<640x128xf32, #tpu.memory_space<hbm>>
      %dma_wait3A_397 = arith.constant 0 : i32
      %dma_wait3A_398 = tpu.memref_slice %arg11[%mul3A_387, %dma_wait3A_397] : memref<10240x128xf32, #tpu.memory_space<vmem_shared>> -> memref<640x128xf32, #tpu.memory_space<vmem_shared>>
      tpu.wait_dma2 semaphore(%run_scoped3A : memref<!tpu.dma_semaphore, #tpu.memory_space<semaphore_mem>>) src(%dma_wait3A_398 : memref<640x128xf32, #tpu.memory_space<vmem_shared>>) dst(%dma_wait3A_396 : memref<640x128xf32, #tpu.memory_space<hbm>>)
      tpu.yield
    }) : () -> ()
    return
  }
}

#map = affine_map<(d0, d1) -> (0, 0)>
#map1 = affine_map<(d0, d1) -> (0, 0, 0)>
module attributes {stable_mosaic.version = 14 : i64} {
  func.func @_segsum_body(%arg0: i32, %arg1: i32, %arg2: memref<10000x128xf32, #tpu.memory_space<hbm>>, %arg3: memref<32x80x128xi32, #tpu.memory_space<hbm>>, %arg4: memref<16x640x128xf32, #tpu.memory_space<hbm>>, %arg5: memref<2x10240x128xf32, #tpu.memory_space<hbm>>, %arg6: memref<80x128xi32, #tpu.memory_space<vmem>>, %arg7: memref<4x128xi32, #tpu.memory_space<vmem>>, %arg8: memref<4x128xi32, #tpu.memory_space<vmem>>, %arg9: memref<128x128xf32, #tpu.memory_space<vmem>>, %arg10: memref<128x128xf32, #tpu.memory_space<vmem>>, %arg11: memref<10240x128xf32, #tpu.memory_space<vmem_shared>>, %arg12: memref<!tpu.dma_semaphore, #tpu.memory_space<semaphore_mem>>, %arg13: memref<!tpu.dma_semaphore, #tpu.memory_space<semaphore_mem>>) attributes {dimension_semantics = [#tpu.dimension_semantics<core_parallel>, #tpu.dimension_semantics<subcore_parallel>], iteration_bounds = array<i64: 2, 16>, scalar_prefetch = 0 : i64, scratch_operands = 8 : i64, tpu.core_type = #tpu.core_type<sc_vector_subcore>, window_params = [{transform_indices = #map}, {transform_indices = #map1}, {transform_indices = #map1}, {transform_indices = #map1}]} {
    %mul3A = arith.constant 16 : i32
    %mul3A_0 = arith.muli %arg0, %mul3A : i32
    %add3A = arith.addi %mul3A_0, %arg1 : i32
    "tpu.region"() ({
      %run_scoped3A = tpu.sem_alloc : memref<!tpu.dma_semaphore, #tpu.memory_space<semaphore_mem>>
      %dma_start3A_390 = arith.constant 0 : i32
      %dma_start3A_391 = arith.constant 0 : i32
      %dma_start3A_392 = tpu.memref_slice %arg3[%add3A, %dma_start3A_390, %dma_start3A_391] : memref<32x80x128xi32, #tpu.memory_space<hbm>> -> memref<1x80x128xi32, #tpu.memory_space<hbm>>
      %dma_start3A_393 = tpu.memref_squeeze %dma_start3A_392 : memref<1x80x128xi32, #tpu.memory_space<hbm>> -> memref<80x128xi32, #tpu.memory_space<hbm>>
      %dma_start3A_394 = arith.constant 0 : i32
      %dma_start3A_395 = arith.constant 0 : i32
      %dma_start3A_396 = tpu.memref_slice %arg3[%add3A, %dma_start3A_394, %dma_start3A_395] : memref<32x80x128xi32, #tpu.memory_space<hbm>> -> memref<1x80x128xi32, #tpu.memory_space<hbm>>
      %dma_start3A_397 = tpu.memref_squeeze %dma_start3A_396 : memref<1x80x128xi32, #tpu.memory_space<hbm>> -> memref<80x128xi32, #tpu.memory_space<hbm>>
      tpu.enqueue_dma source(%dma_start3A_397 : memref<80x128xi32, #tpu.memory_space<hbm>>) target(%arg6 : memref<80x128xi32, #tpu.memory_space<vmem>>) target_semaphore(%run_scoped3A : memref<!tpu.dma_semaphore, #tpu.memory_space<semaphore_mem>>)
      %dma_wait3A = arith.constant 0 : i32
      %dma_wait3A_398 = arith.constant 0 : i32
      %dma_wait3A_399 = tpu.memref_slice %arg3[%add3A, %dma_wait3A, %dma_wait3A_398] : memref<32x80x128xi32, #tpu.memory_space<hbm>> -> memref<1x80x128xi32, #tpu.memory_space<hbm>>
      %dma_wait3A_400 = tpu.memref_squeeze %dma_wait3A_399 : memref<1x80x128xi32, #tpu.memory_space<hbm>> -> memref<80x128xi32, #tpu.memory_space<hbm>>
      %dma_wait3A_401 = arith.constant 0 : i32
      %dma_wait3A_402 = arith.constant 0 : i32
      %dma_wait3A_403 = tpu.memref_slice %arg3[%add3A, %dma_wait3A_401, %dma_wait3A_402] : memref<32x80x128xi32, #tpu.memory_space<hbm>> -> memref<1x80x128xi32, #tpu.memory_space<hbm>>
      %dma_wait3A_404 = tpu.memref_squeeze %dma_wait3A_403 : memref<1x80x128xi32, #tpu.memory_space<hbm>> -> memref<80x128xi32, #tpu.memory_space<hbm>>
      tpu.wait_dma2 semaphore(%run_scoped3A : memref<!tpu.dma_semaphore, #tpu.memory_space<semaphore_mem>>) src(%dma_wait3A_404 : memref<80x128xi32, #tpu.memory_space<hbm>>) dst(%arg6 : memref<80x128xi32, #tpu.memory_space<vmem>>)
      tpu.yield
    }) : () -> ()
    %get3A = arith.constant 0 : i32
    %get3A_1 = arith.index_cast %get3A : i32 to index
    %get3A_2 = arith.constant 0 : index
    %get3A_3 = tpu.vector_load %arg6[%get3A_1, %get3A_2] {strides = array<i32>} : memref<80x128xi32, #tpu.memory_space<vmem>>, vector<1x16xi32>,
    %get3A_4 = vector.shape_cast %get3A_3 : vector<1x16xi32> to vector<16xi32>
    %shift_right_logical3A = arith.constant 14 : i32
    %shift_right_logical3A_5 = vector.broadcast %shift_right_logical3A : i32 to vector<16xi32>
    %shift_right_logical3A_6 = arith.shrui %get3A_4, %shift_right_logical3A_5 : vector<16xi32>
    %swap3A = arith.constant 0 : i32
    %swap3A_7 = arith.index_cast %swap3A : i32 to index
    %swap3A_8 = arith.constant 0 : index
    %swap3A_9 = tpu.vector_load %arg7[%swap3A_7, %swap3A_8] {strides = array<i32>} : memref<4x128xi32, #tpu.memory_space<vmem>>, vector<1x16xi32>,
    %swap3A_10 = vector.shape_cast %swap3A_9 : vector<1x16xi32> to vector<16xi32>
    %swap3A_11 = vector.shape_cast %shift_right_logical3A_6 : vector<16xi32> to vector<1x16xi32>
    tpu.vector_store %arg7[%swap3A_7, %swap3A_8], %swap3A_11 {strides = array<i32>} : memref<4x128xi32, #tpu.memory_space<vmem>>, vector<1x16xi32>,
    %and3A = arith.constant 16383 : i32
    %and3A_12 = vector.broadcast %and3A : i32 to vector<16xi32>
    %and3A_13 = arith.andi %get3A_4, %and3A_12 : vector<16xi32>
    %swap3A_14 = arith.constant 0 : i32
    %swap3A_15 = arith.index_cast %swap3A_14 : i32 to index
    %swap3A_16 = arith.constant 0 : index
    %swap3A_17 = tpu.vector_load %arg8[%swap3A_15, %swap3A_16] {strides = array<i32>} : memref<4x128xi32, #tpu.memory_space<vmem>>, vector<1x16xi32>,
    %swap3A_18 = vector.shape_cast %swap3A_17 : vector<1x16xi32> to vector<16xi32>
    %swap3A_19 = vector.shape_cast %and3A_13 : vector<16xi32> to vector<1x16xi32>
    tpu.vector_store %arg8[%swap3A_15, %swap3A_16], %swap3A_19 {strides = array<i32>} : memref<4x128xi32, #tpu.memory_space<vmem>>, vector<1x16xi32>,
    %get3A_20 = arith.constant 0 : i32
    %get3A_21 = arith.index_cast %get3A_20 : i32 to index
    %get3A_22 = arith.constant 16 : index
    %get3A_23 = tpu.vector_load %arg6[%get3A_21, %get3A_22] {strides = array<i32>} : memref<80x128xi32, #tpu.memory_space<vmem>>, vector<1x16xi32>,
    %get3A_24 = vector.shape_cast %get3A_23 : vector<1x16xi32> to vector<16xi32>
    %shift_right_logical3A_25 = arith.constant 14 : i32
    %shift_right_logical3A_26 = vector.broadcast %shift_right_logical3A_25 : i32 to vector<16xi32>
    %shift_right_logical3A_27 = arith.shrui %get3A_24, %shift_right_logical3A_26 : vector<16xi32>
    %swap3A_28 = arith.constant 0 : i32
    %swap3A_29 = arith.index_cast %swap3A_28 : i32 to index
    %swap3A_30 = arith.constant 16 : index
    %swap3A_31 = tpu.vector_load %arg7[%swap3A_29, %swap3A_30] {strides = array<i32>} : memref<4x128xi32, #tpu.memory_space<vmem>>, vector<1x16xi32>,
    %swap3A_32 = vector.shape_cast %swap3A_31 : vector<1x16xi32> to vector<16xi32>
    %swap3A_33 = vector.shape_cast %shift_right_logical3A_27 : vector<16xi32> to vector<1x16xi32>
    tpu.vector_store %arg7[%swap3A_29, %swap3A_30], %swap3A_33 {strides = array<i32>} : memref<4x128xi32, #tpu.memory_space<vmem>>, vector<1x16xi32>,
    %and3A_34 = arith.constant 16383 : i32
    %and3A_35 = vector.broadcast %and3A_34 : i32 to vector<16xi32>
    %and3A_36 = arith.andi %get3A_24, %and3A_35 : vector<16xi32>
    %swap3A_37 = arith.constant 0 : i32
    %swap3A_38 = arith.index_cast %swap3A_37 : i32 to index
    %swap3A_39 = arith.constant 16 : index
    %swap3A_40 = tpu.vector_load %arg8[%swap3A_38, %swap3A_39] {strides = array<i32>} : memref<4x128xi32, #tpu.memory_space<vmem>>, vector<1x16xi32>,
    %swap3A_41 = vector.shape_cast %swap3A_40 : vector<1x16xi32> to vector<16xi32>
    %swap3A_42 = vector.shape_cast %and3A_36 : vector<16xi32> to vector<1x16xi32>
    tpu.vector_store %arg8[%swap3A_38, %swap3A_39], %swap3A_42 {strides = array<i32>} : memref<4x128xi32, #tpu.memory_space<vmem>>, vector<1x16xi32>,
    %get3A_43 = arith.constant 0 : i32
    %get3A_44 = arith.index_cast %get3A_43 : i32 to index
    %get3A_45 = arith.constant 32 : index
    %get3A_46 = tpu.vector_load %arg6[%get3A_44, %get3A_45] {strides = array<i32>} : memref<80x128xi32, #tpu.memory_space<vmem>>, vector<1x16xi32>,
    %get3A_47 = vector.shape_cast %get3A_46 : vector<1x16xi32> to vector<16xi32>
    %shift_right_logical3A_48 = arith.constant 14 : i32
    %shift_right_logical3A_49 = vector.broadcast %shift_right_logical3A_48 : i32 to vector<16xi32>
    %shift_right_logical3A_50 = arith.shrui %get3A_47, %shift_right_logical3A_49 : vector<16xi32>
    %swap3A_51 = arith.constant 0 : i32
    %swap3A_52 = arith.index_cast %swap3A_51 : i32 to index
    %swap3A_53 = arith.constant 32 : index
    %swap3A_54 = tpu.vector_load %arg7[%swap3A_52, %swap3A_53] {strides = array<i32>} : memref<4x128xi32, #tpu.memory_space<vmem>>, vector<1x16xi32>,
    %swap3A_55 = vector.shape_cast %swap3A_54 : vector<1x16xi32> to vector<16xi32>
    %swap3A_56 = vector.shape_cast %shift_right_logical3A_50 : vector<16xi32> to vector<1x16xi32>
    tpu.vector_store %arg7[%swap3A_52, %swap3A_53], %swap3A_56 {strides = array<i32>} : memref<4x128xi32, #tpu.memory_space<vmem>>, vector<1x16xi32>,
    %and3A_57 = arith.constant 16383 : i32
    %and3A_58 = vector.broadcast %and3A_57 : i32 to vector<16xi32>
    %and3A_59 = arith.andi %get3A_47, %and3A_58 : vector<16xi32>
    %swap3A_60 = arith.constant 0 : i32
    %swap3A_61 = arith.index_cast %swap3A_60 : i32 to index
    %swap3A_62 = arith.constant 32 : index
    %swap3A_63 = tpu.vector_load %arg8[%swap3A_61, %swap3A_62] {strides = array<i32>} : memref<4x128xi32, #tpu.memory_space<vmem>>, vector<1x16xi32>,
    %swap3A_64 = vector.shape_cast %swap3A_63 : vector<1x16xi32> to vector<16xi32>
    %swap3A_65 = vector.shape_cast %and3A_59 : vector<16xi32> to vector<1x16xi32>
    tpu.vector_store %arg8[%swap3A_61, %swap3A_62], %swap3A_65 {strides = array<i32>} : memref<4x128xi32, #tpu.memory_space<vmem>>, vector<1x16xi32>,
    %get3A_66 = arith.constant 0 : i32
    %get3A_67 = arith.index_cast %get3A_66 : i32 to index
    %get3A_68 = arith.constant 48 : index
    %get3A_69 = tpu.vector_load %arg6[%get3A_67, %get3A_68] {strides = array<i32>} : memref<80x128xi32, #tpu.memory_space<vmem>>, vector<1x16xi32>,
    %get3A_70 = vector.shape_cast %get3A_69 : vector<1x16xi32> to vector<16xi32>
    %shift_right_logical3A_71 = arith.constant 14 : i32
    %shift_right_logical3A_72 = vector.broadcast %shift_right_logical3A_71 : i32 to vector<16xi32>
    %shift_right_logical3A_73 = arith.shrui %get3A_70, %shift_right_logical3A_72 : vector<16xi32>
    %swap3A_74 = arith.constant 0 : i32
    %swap3A_75 = arith.index_cast %swap3A_74 : i32 to index
    %swap3A_76 = arith.constant 48 : index
    %swap3A_77 = tpu.vector_load %arg7[%swap3A_75, %swap3A_76] {strides = array<i32>} : memref<4x128xi32, #tpu.memory_space<vmem>>, vector<1x16xi32>,
    %swap3A_78 = vector.shape_cast %swap3A_77 : vector<1x16xi32> to vector<16xi32>
    %swap3A_79 = vector.shape_cast %shift_right_logical3A_73 : vector<16xi32> to vector<1x16xi32>
    tpu.vector_store %arg7[%swap3A_75, %swap3A_76], %swap3A_79 {strides = array<i32>} : memref<4x128xi32, #tpu.memory_space<vmem>>, vector<1x16xi32>,
    %and3A_80 = arith.constant 16383 : i32
    %and3A_81 = vector.broadcast %and3A_80 : i32 to vector<16xi32>
    %and3A_82 = arith.andi %get3A_70, %and3A_81 : vector<16xi32>
    %swap3A_83 = arith.constant 0 : i32
    %swap3A_84 = arith.index_cast %swap3A_83 : i32 to index
    %swap3A_85 = arith.constant 48 : index
    %swap3A_86 = tpu.vector_load %arg8[%swap3A_84, %swap3A_85] {strides = array<i32>} : memref<4x128xi32, #tpu.memory_space<vmem>>, vector<1x16xi32>,
    %swap3A_87 = vector.shape_cast %swap3A_86 : vector<1x16xi32> to vector<16xi32>
    %swap3A_88 = vector.shape_cast %and3A_82 : vector<16xi32> to vector<1x16xi32>
    tpu.vector_store %arg8[%swap3A_84, %swap3A_85], %swap3A_88 {strides = array<i32>} : memref<4x128xi32, #tpu.memory_space<vmem>>, vector<1x16xi32>,
    %get3A_89 = arith.constant 0 : i32
    %get3A_90 = arith.index_cast %get3A_89 : i32 to index
    %get3A_91 = arith.constant 64 : index
    %get3A_92 = tpu.vector_load %arg6[%get3A_90, %get3A_91] {strides = array<i32>} : memref<80x128xi32, #tpu.memory_space<vmem>>, vector<1x16xi32>,
    %get3A_93 = vector.shape_cast %get3A_92 : vector<1x16xi32> to vector<16xi32>
    %shift_right_logical3A_94 = arith.constant 14 : i32
    %shift_right_logical3A_95 = vector.broadcast %shift_right_logical3A_94 : i32 to vector<16xi32>
    %shift_right_logical3A_96 = arith.shrui %get3A_93, %shift_right_logical3A_95 : vector<16xi32>
    %swap3A_97 = arith.constant 0 : i32
    %swap3A_98 = arith.index_cast %swap3A_97 : i32 to index
    %swap3A_99 = arith.constant 64 : index
    %swap3A_100 = tpu.vector_load %arg7[%swap3A_98, %swap3A_99] {strides = array<i32>} : memref<4x128xi32, #tpu.memory_space<vmem>>, vector<1x16xi32>,
    %swap3A_101 = vector.shape_cast %swap3A_100 : vector<1x16xi32> to vector<16xi32>
    %swap3A_102 = vector.shape_cast %shift_right_logical3A_96 : vector<16xi32> to vector<1x16xi32>
    tpu.vector_store %arg7[%swap3A_98, %swap3A_99], %swap3A_102 {strides = array<i32>} : memref<4x128xi32, #tpu.memory_space<vmem>>, vector<1x16xi32>,
    %and3A_103 = arith.constant 16383 : i32
    %and3A_104 = vector.broadcast %and3A_103 : i32 to vector<16xi32>
    %and3A_105 = arith.andi %get3A_93, %and3A_104 : vector<16xi32>
    %swap3A_106 = arith.constant 0 : i32
    %swap3A_107 = arith.index_cast %swap3A_106 : i32 to index
    %swap3A_108 = arith.constant 64 : index
    %swap3A_109 = tpu.vector_load %arg8[%swap3A_107, %swap3A_108] {strides = array<i32>} : memref<4x128xi32, #tpu.memory_space<vmem>>, vector<1x16xi32>,
    %swap3A_110 = vector.shape_cast %swap3A_109 : vector<1x16xi32> to vector<16xi32>
    %swap3A_111 = vector.shape_cast %and3A_105 : vector<16xi32> to vector<1x16xi32>
    tpu.vector_store %arg8[%swap3A_107, %swap3A_108], %swap3A_111 {strides = array<i32>} : memref<4x128xi32, #tpu.memory_space<vmem>>, vector<1x16xi32>,
    %get3A_112 = arith.constant 0 : i32
    %get3A_113 = arith.index_cast %get3A_112 : i32 to index
    %get3A_114 = arith.constant 80 : index
    %get3A_115 = tpu.vector_load %arg6[%get3A_113, %get3A_114] {strides = array<i32>} : memref<80x128xi32, #tpu.memory_space<vmem>>, vector<1x16xi32>,
    %get3A_116 = vector.shape_cast %get3A_115 : vector<1x16xi32> to vector<16xi32>
    %shift_right_logical3A_117 = arith.constant 14 : i32
    %shift_right_logical3A_118 = vector.broadcast %shift_right_logical3A_117 : i32 to vector<16xi32>
    %shift_right_logical3A_119 = arith.shrui %get3A_116, %shift_right_logical3A_118 : vector<16xi32>
    %swap3A_120 = arith.constant 0 : i32
    %swap3A_121 = arith.index_cast %swap3A_120 : i32 to index
    %swap3A_122 = arith.constant 80 : index
    %swap3A_123 = tpu.vector_load %arg7[%swap3A_121, %swap3A_122] {strides = array<i32>} : memref<4x128xi32, #tpu.memory_space<vmem>>, vector<1x16xi32>,
    %swap3A_124 = vector.shape_cast %swap3A_123 : vector<1x16xi32> to vector<16xi32>
    %swap3A_125 = vector.shape_cast %shift_right_logical3A_119 : vector<16xi32> to vector<1x16xi32>
    tpu.vector_store %arg7[%swap3A_121, %swap3A_122], %swap3A_125 {strides = array<i32>} : memref<4x128xi32, #tpu.memory_space<vmem>>, vector<1x16xi32>,
    %and3A_126 = arith.constant 16383 : i32
    %and3A_127 = vector.broadcast %and3A_126 : i32 to vector<16xi32>
    %and3A_128 = arith.andi %get3A_116, %and3A_127 : vector<16xi32>
    %swap3A_129 = arith.constant 0 : i32
    %swap3A_130 = arith.index_cast %swap3A_129 : i32 to index
    %swap3A_131 = arith.constant 80 : index
    %swap3A_132 = tpu.vector_load %arg8[%swap3A_130, %swap3A_131] {strides = array<i32>} : memref<4x128xi32, #tpu.memory_space<vmem>>, vector<1x16xi32>,
    %swap3A_133 = vector.shape_cast %swap3A_132 : vector<1x16xi32> to vector<16xi32>
    %swap3A_134 = vector.shape_cast %and3A_128 : vector<16xi32> to vector<1x16xi32>
    tpu.vector_store %arg8[%swap3A_130, %swap3A_131], %swap3A_134 {strides = array<i32>} : memref<4x128xi32, #tpu.memory_space<vmem>>, vector<1x16xi32>,
    %get3A_135 = arith.constant 0 : i32
    %get3A_136 = arith.index_cast %get3A_135 : i32 to index
    %get3A_137 = arith.constant 96 : index
    %get3A_138 = tpu.vector_load %arg6[%get3A_136, %get3A_137] {strides = array<i32>} : memref<80x128xi32, #tpu.memory_space<vmem>>, vector<1x16xi32>,
    %get3A_139 = vector.shape_cast %get3A_138 : vector<1x16xi32> to vector<16xi32>
    %shift_right_logical3A_140 = arith.constant 14 : i32
    %shift_right_logical3A_141 = vector.broadcast %shift_right_logical3A_140 : i32 to vector<16xi32>
    %shift_right_logical3A_142 = arith.shrui %get3A_139, %shift_right_logical3A_141 : vector<16xi32>
    %swap3A_143 = arith.constant 0 : i32
    %swap3A_144 = arith.index_cast %swap3A_143 : i32 to index
    %swap3A_145 = arith.constant 96 : index
    %swap3A_146 = tpu.vector_load %arg7[%swap3A_144, %swap3A_145] {strides = array<i32>} : memref<4x128xi32, #tpu.memory_space<vmem>>, vector<1x16xi32>,
    %swap3A_147 = vector.shape_cast %swap3A_146 : vector<1x16xi32> to vector<16xi32>
    %swap3A_148 = vector.shape_cast %shift_right_logical3A_142 : vector<16xi32> to vector<1x16xi32>
    tpu.vector_store %arg7[%swap3A_144, %swap3A_145], %swap3A_148 {strides = array<i32>} : memref<4x128xi32, #tpu.memory_space<vmem>>, vector<1x16xi32>,
    %and3A_149 = arith.constant 16383 : i32
    %and3A_150 = vector.broadcast %and3A_149 : i32 to vector<16xi32>
    %and3A_151 = arith.andi %get3A_139, %and3A_150 : vector<16xi32>
    %swap3A_152 = arith.constant 0 : i32
    %swap3A_153 = arith.index_cast %swap3A_152 : i32 to index
    %swap3A_154 = arith.constant 96 : index
    %swap3A_155 = tpu.vector_load %arg8[%swap3A_153, %swap3A_154] {strides = array<i32>} : memref<4x128xi32, #tpu.memory_space<vmem>>, vector<1x16xi32>,
    %swap3A_156 = vector.shape_cast %swap3A_155 : vector<1x16xi32> to vector<16xi32>
    %swap3A_157 = vector.shape_cast %and3A_151 : vector<16xi32> to vector<1x16xi32>
    tpu.vector_store %arg8[%swap3A_153, %swap3A_154], %swap3A_157 {strides = array<i32>} : memref<4x128xi32, #tpu.memory_space<vmem>>, vector<1x16xi32>,
    %get3A_158 = arith.constant 0 : i32
    %get3A_159 = arith.index_cast %get3A_158 : i32 to index
    %get3A_160 = arith.constant 112 : index
    %get3A_161 = tpu.vector_load %arg6[%get3A_159, %get3A_160] {strides = array<i32>} : memref<80x128xi32, #tpu.memory_space<vmem>>, vector<1x16xi32>,
    %get3A_162 = vector.shape_cast %get3A_161 : vector<1x16xi32> to vector<16xi32>
    %shift_right_logical3A_163 = arith.constant 14 : i32
    %shift_right_logical3A_164 = vector.broadcast %shift_right_logical3A_163 : i32 to vector<16xi32>
    %shift_right_logical3A_165 = arith.shrui %get3A_162, %shift_right_logical3A_164 : vector<16xi32>
    %swap3A_166 = arith.constant 0 : i32
    %swap3A_167 = arith.index_cast %swap3A_166 : i32 to index
    %swap3A_168 = arith.constant 112 : index
    %swap3A_169 = tpu.vector_load %arg7[%swap3A_167, %swap3A_168] {strides = array<i32>} : memref<4x128xi32, #tpu.memory_space<vmem>>, vector<1x16xi32>,
    %swap3A_170 = vector.shape_cast %swap3A_169 : vector<1x16xi32> to vector<16xi32>
    %swap3A_171 = vector.shape_cast %shift_right_logical3A_165 : vector<16xi32> to vector<1x16xi32>
    tpu.vector_store %arg7[%swap3A_167, %swap3A_168], %swap3A_171 {strides = array<i32>} : memref<4x128xi32, #tpu.memory_space<vmem>>, vector<1x16xi32>,
    %and3A_172 = arith.constant 16383 : i32
    %and3A_173 = vector.broadcast %and3A_172 : i32 to vector<16xi32>
    %and3A_174 = arith.andi %get3A_162, %and3A_173 : vector<16xi32>
    %swap3A_175 = arith.constant 0 : i32
    %swap3A_176 = arith.index_cast %swap3A_175 : i32 to index
    %swap3A_177 = arith.constant 112 : index
    %swap3A_178 = tpu.vector_load %arg8[%swap3A_176, %swap3A_177] {strides = array<i32>} : memref<4x128xi32, #tpu.memory_space<vmem>>, vector<1x16xi32>,
    %swap3A_179 = vector.shape_cast %swap3A_178 : vector<1x16xi32> to vector<16xi32>
    %swap3A_180 = vector.shape_cast %and3A_174 : vector<16xi32> to vector<1x16xi32>
    tpu.vector_store %arg8[%swap3A_176, %swap3A_177], %swap3A_180 {strides = array<i32>} : memref<4x128xi32, #tpu.memory_space<vmem>>, vector<1x16xi32>,
    %dma_start3A = arith.constant 0 : i32
    %dma_start3A_181 = arith.constant 0 : i32
    %dma_start3A_182 = tpu.memref_slice %arg7[%dma_start3A, %dma_start3A_181] : memref<4x128xi32, #tpu.memory_space<vmem>> -> memref<1x128xi32, #tpu.memory_space<vmem>>
    %dma_start3A_183 = tpu.memref_squeeze %dma_start3A_182 : memref<1x128xi32, #tpu.memory_space<vmem>> -> memref<128xi32, #tpu.memory_space<vmem>>
    %dma_start3A_184 = arith.constant 0 : i32
    %dma_start3A_185 = arith.constant 0 : i32
    %dma_start3A_186 = tpu.memref_slice %arg2[%dma_start3A_184, %dma_start3A_185] : memref<10000x128xf32, #tpu.memory_space<hbm>> -> memref<10000x128xf32, #tpu.memory_space<hbm>>
    tpu.enqueue_indirect_dma source(%dma_start3A_186 : memref<10000x128xf32, #tpu.memory_space<hbm>>) target(%arg9 : memref<128x128xf32, #tpu.memory_space<vmem>>) offsets(%dma_start3A_183 : memref<128xi32, #tpu.memory_space<vmem>>) semaphore(%arg12 : memref<!tpu.dma_semaphore, #tpu.memory_space<semaphore_mem>>)
    %get3A_187 = arith.constant 1 : i32
    %get3A_188 = arith.index_cast %get3A_187 : i32 to index
    %get3A_189 = arith.constant 0 : index
    %get3A_190 = tpu.vector_load %arg6[%get3A_188, %get3A_189] {strides = array<i32>} : memref<80x128xi32, #tpu.memory_space<vmem>>, vector<1x16xi32>,
    %get3A_191 = vector.shape_cast %get3A_190 : vector<1x16xi32> to vector<16xi32>
    %shift_right_logical3A_192 = arith.constant 14 : i32
    %shift_right_logical3A_193 = vector.broadcast %shift_right_logical3A_192 : i32 to vector<16xi32>
    %shift_right_logical3A_194 = arith.shrui %get3A_191, %shift_right_logical3A_193 : vector<16xi32>
    %swap3A_195 = arith.constant 1 : i32
    %swap3A_196 = arith.index_cast %swap3A_195 : i32 to index
    %swap3A_197 = arith.constant 0 : index
    %swap3A_198 = tpu.vector_load %arg7[%swap3A_196, %swap3A_197] {strides = array<i32>} : memref<4x128xi32, #tpu.memory_space<vmem>>, vector<1x16xi32>,
    %swap3A_199 = vector.shape_cast %swap3A_198 : vector<1x16xi32> to vector<16xi32>
    %swap3A_200 = vector.shape_cast %shift_right_logical3A_194 : vector<16xi32> to vector<1x16xi32>
    tpu.vector_store %arg7[%swap3A_196, %swap3A_197], %swap3A_200 {strides = array<i32>} : memref<4x128xi32, #tpu.memory_space<vmem>>, vector<1x16xi32>,
    %and3A_201 = arith.constant 16383 : i32
    %and3A_202 = vector.broadcast %and3A_201 : i32 to vector<16xi32>
    %and3A_203 = arith.andi %get3A_191, %and3A_202 : vector<16xi32>
    %swap3A_204 = arith.constant 1 : i32
    %swap3A_205 = arith.index_cast %swap3A_204 : i32 to index
    %swap3A_206 = arith.constant 0 : index
    %swap3A_207 = tpu.vector_load %arg8[%swap3A_205, %swap3A_206] {strides = array<i32>} : memref<4x128xi32, #tpu.memory_space<vmem>>, vector<1x16xi32>,
    %swap3A_208 = vector.shape_cast %swap3A_207 : vector<1x16xi32> to vector<16xi32>
    %swap3A_209 = vector.shape_cast %and3A_203 : vector<16xi32> to vector<1x16xi32>
    tpu.vector_store %arg8[%swap3A_205, %swap3A_206], %swap3A_209 {strides = array<i32>} : memref<4x128xi32, #tpu.memory_space<vmem>>, vector<1x16xi32>,
    %get3A_210 = arith.constant 1 : i32
    %get3A_211 = arith.index_cast %get3A_210 : i32 to index
    %get3A_212 = arith.constant 16 : index
    %get3A_213 = tpu.vector_load %arg6[%get3A_211, %get3A_212] {strides = array<i32>} : memref<80x128xi32, #tpu.memory_space<vmem>>, vector<1x16xi32>,
    %get3A_214 = vector.shape_cast %get3A_213 : vector<1x16xi32> to vector<16xi32>
    %shift_right_logical3A_215 = arith.constant 14 : i32
    %shift_right_logical3A_216 = vector.broadcast %shift_right_logical3A_215 : i32 to vector<16xi32>
    %shift_right_logical3A_217 = arith.shrui %get3A_214, %shift_right_logical3A_216 : vector<16xi32>
    %swap3A_218 = arith.constant 1 : i32
    %swap3A_219 = arith.index_cast %swap3A_218 : i32 to index
    %swap3A_220 = arith.constant 16 : index
    %swap3A_221 = tpu.vector_load %arg7[%swap3A_219, %swap3A_220] {strides = array<i32>} : memref<4x128xi32, #tpu.memory_space<vmem>>, vector<1x16xi32>,
    %swap3A_222 = vector.shape_cast %swap3A_221 : vector<1x16xi32> to vector<16xi32>
    %swap3A_223 = vector.shape_cast %shift_right_logical3A_217 : vector<16xi32> to vector<1x16xi32>
    tpu.vector_store %arg7[%swap3A_219, %swap3A_220], %swap3A_223 {strides = array<i32>} : memref<4x128xi32, #tpu.memory_space<vmem>>, vector<1x16xi32>,
    %and3A_224 = arith.constant 16383 : i32
    %and3A_225 = vector.broadcast %and3A_224 : i32 to vector<16xi32>
    %and3A_226 = arith.andi %get3A_214, %and3A_225 : vector<16xi32>
    %swap3A_227 = arith.constant 1 : i32
    %swap3A_228 = arith.index_cast %swap3A_227 : i32 to index
    %swap3A_229 = arith.constant 16 : index
    %swap3A_230 = tpu.vector_load %arg8[%swap3A_228, %swap3A_229] {strides = array<i32>} : memref<4x128xi32, #tpu.memory_space<vmem>>, vector<1x16xi32>,
    %swap3A_231 = vector.shape_cast %swap3A_230 : vector<1x16xi32> to vector<16xi32>
    %swap3A_232 = vector.shape_cast %and3A_226 : vector<16xi32> to vector<1x16xi32>
    tpu.vector_store %arg8[%swap3A_228, %swap3A_229], %swap3A_232 {strides = array<i32>} : memref<4x128xi32, #tpu.memory_space<vmem>>, vector<1x16xi32>,
    %get3A_233 = arith.constant 1 : i32
    %get3A_234 = arith.index_cast %get3A_233 : i32 to index
    %get3A_235 = arith.constant 32 : index
    %get3A_236 = tpu.vector_load %arg6[%get3A_234, %get3A_235] {strides = array<i32>} : memref<80x128xi32, #tpu.memory_space<vmem>>, vector<1x16xi32>,
    %get3A_237 = vector.shape_cast %get3A_236 : vector<1x16xi32> to vector<16xi32>
    %shift_right_logical3A_238 = arith.constant 14 : i32
    %shift_right_logical3A_239 = vector.broadcast %shift_right_logical3A_238 : i32 to vector<16xi32>
    %shift_right_logical3A_240 = arith.shrui %get3A_237, %shift_right_logical3A_239 : vector<16xi32>
    %swap3A_241 = arith.constant 1 : i32
    %swap3A_242 = arith.index_cast %swap3A_241 : i32 to index
    %swap3A_243 = arith.constant 32 : index
    %swap3A_244 = tpu.vector_load %arg7[%swap3A_242, %swap3A_243] {strides = array<i32>} : memref<4x128xi32, #tpu.memory_space<vmem>>, vector<1x16xi32>,
    %swap3A_245 = vector.shape_cast %swap3A_244 : vector<1x16xi32> to vector<16xi32>
    %swap3A_246 = vector.shape_cast %shift_right_logical3A_240 : vector<16xi32> to vector<1x16xi32>
    tpu.vector_store %arg7[%swap3A_242, %swap3A_243], %swap3A_246 {strides = array<i32>} : memref<4x128xi32, #tpu.memory_space<vmem>>, vector<1x16xi32>,
    %and3A_247 = arith.constant 16383 : i32
    %and3A_248 = vector.broadcast %and3A_247 : i32 to vector<16xi32>
    %and3A_249 = arith.andi %get3A_237, %and3A_248 : vector<16xi32>
    %swap3A_250 = arith.constant 1 : i32
    %swap3A_251 = arith.index_cast %swap3A_250 : i32 to index
    %swap3A_252 = arith.constant 32 : index
    %swap3A_253 = tpu.vector_load %arg8[%swap3A_251, %swap3A_252] {strides = array<i32>} : memref<4x128xi32, #tpu.memory_space<vmem>>, vector<1x16xi32>,
    %swap3A_254 = vector.shape_cast %swap3A_253 : vector<1x16xi32> to vector<16xi32>
    %swap3A_255 = vector.shape_cast %and3A_249 : vector<16xi32> to vector<1x16xi32>
    tpu.vector_store %arg8[%swap3A_251, %swap3A_252], %swap3A_255 {strides = array<i32>} : memref<4x128xi32, #tpu.memory_space<vmem>>, vector<1x16xi32>,
    %get3A_256 = arith.constant 1 : i32
    %get3A_257 = arith.index_cast %get3A_256 : i32 to index
    %get3A_258 = arith.constant 48 : index
    %get3A_259 = tpu.vector_load %arg6[%get3A_257, %get3A_258] {strides = array<i32>} : memref<80x128xi32, #tpu.memory_space<vmem>>, vector<1x16xi32>,
    %get3A_260 = vector.shape_cast %get3A_259 : vector<1x16xi32> to vector<16xi32>
    %shift_right_logical3A_261 = arith.constant 14 : i32
    %shift_right_logical3A_262 = vector.broadcast %shift_right_logical3A_261 : i32 to vector<16xi32>
    %shift_right_logical3A_263 = arith.shrui %get3A_260, %shift_right_logical3A_262 : vector<16xi32>
    %swap3A_264 = arith.constant 1 : i32
    %swap3A_265 = arith.index_cast %swap3A_264 : i32 to index
    %swap3A_266 = arith.constant 48 : index
    %swap3A_267 = tpu.vector_load %arg7[%swap3A_265, %swap3A_266] {strides = array<i32>} : memref<4x128xi32, #tpu.memory_space<vmem>>, vector<1x16xi32>,
    %swap3A_268 = vector.shape_cast %swap3A_267 : vector<1x16xi32> to vector<16xi32>
    %swap3A_269 = vector.shape_cast %shift_right_logical3A_263 : vector<16xi32> to vector<1x16xi32>
    tpu.vector_store %arg7[%swap3A_265, %swap3A_266], %swap3A_269 {strides = array<i32>} : memref<4x128xi32, #tpu.memory_space<vmem>>, vector<1x16xi32>,
    %and3A_270 = arith.constant 16383 : i32
    %and3A_271 = vector.broadcast %and3A_270 : i32 to vector<16xi32>
    %and3A_272 = arith.andi %get3A_260, %and3A_271 : vector<16xi32>
    %swap3A_273 = arith.constant 1 : i32
    %swap3A_274 = arith.index_cast %swap3A_273 : i32 to index
    %swap3A_275 = arith.constant 48 : index
    %swap3A_276 = tpu.vector_load %arg8[%swap3A_274, %swap3A_275] {strides = array<i32>} : memref<4x128xi32, #tpu.memory_space<vmem>>, vector<1x16xi32>,
    %swap3A_277 = vector.shape_cast %swap3A_276 : vector<1x16xi32> to vector<16xi32>
    %swap3A_278 = vector.shape_cast %and3A_272 : vector<16xi32> to vector<1x16xi32>
    tpu.vector_store %arg8[%swap3A_274, %swap3A_275], %swap3A_278 {strides = array<i32>} : memref<4x128xi32, #tpu.memory_space<vmem>>, vector<1x16xi32>,
    %get3A_279 = arith.constant 1 : i32
    %get3A_280 = arith.index_cast %get3A_279 : i32 to index
    %get3A_281 = arith.constant 64 : index
    %get3A_282 = tpu.vector_load %arg6[%get3A_280, %get3A_281] {strides = array<i32>} : memref<80x128xi32, #tpu.memory_space<vmem>>, vector<1x16xi32>,
    %get3A_283 = vector.shape_cast %get3A_282 : vector<1x16xi32> to vector<16xi32>
    %shift_right_logical3A_284 = arith.constant 14 : i32
    %shift_right_logical3A_285 = vector.broadcast %shift_right_logical3A_284 : i32 to vector<16xi32>
    %shift_right_logical3A_286 = arith.shrui %get3A_283, %shift_right_logical3A_285 : vector<16xi32>
    %swap3A_287 = arith.constant 1 : i32
    %swap3A_288 = arith.index_cast %swap3A_287 : i32 to index
    %swap3A_289 = arith.constant 64 : index
    %swap3A_290 = tpu.vector_load %arg7[%swap3A_288, %swap3A_289] {strides = array<i32>} : memref<4x128xi32, #tpu.memory_space<vmem>>, vector<1x16xi32>,
    %swap3A_291 = vector.shape_cast %swap3A_290 : vector<1x16xi32> to vector<16xi32>
    %swap3A_292 = vector.shape_cast %shift_right_logical3A_286 : vector<16xi32> to vector<1x16xi32>
    tpu.vector_store %arg7[%swap3A_288, %swap3A_289], %swap3A_292 {strides = array<i32>} : memref<4x128xi32, #tpu.memory_space<vmem>>, vector<1x16xi32>,
    %and3A_293 = arith.constant 16383 : i32
    %and3A_294 = vector.broadcast %and3A_293 : i32 to vector<16xi32>
    %and3A_295 = arith.andi %get3A_283, %and3A_294 : vector<16xi32>
    %swap3A_296 = arith.constant 1 : i32
    %swap3A_297 = arith.index_cast %swap3A_296 : i32 to index
    %swap3A_298 = arith.constant 64 : index
    %swap3A_299 = tpu.vector_load %arg8[%swap3A_297, %swap3A_298] {strides = array<i32>} : memref<4x128xi32, #tpu.memory_space<vmem>>, vector<1x16xi32>,
    %swap3A_300 = vector.shape_cast %swap3A_299 : vector<1x16xi32> to vector<16xi32>
    %swap3A_301 = vector.shape_cast %and3A_295 : vector<16xi32> to vector<1x16xi32>
    tpu.vector_store %arg8[%swap3A_297, %swap3A_298], %swap3A_301 {strides = array<i32>} : memref<4x128xi32, #tpu.memory_space<vmem>>, vector<1x16xi32>,
    %get3A_302 = arith.constant 1 : i32
    %get3A_303 = arith.index_cast %get3A_302 : i32 to index
    %get3A_304 = arith.constant 80 : index
    %get3A_305 = tpu.vector_load %arg6[%get3A_303, %get3A_304] {strides = array<i32>} : memref<80x128xi32, #tpu.memory_space<vmem>>, vector<1x16xi32>,
    %get3A_306 = vector.shape_cast %get3A_305 : vector<1x16xi32> to vector<16xi32>
    %shift_right_logical3A_307 = arith.constant 14 : i32
    %shift_right_logical3A_308 = vector.broadcast %shift_right_logical3A_307 : i32 to vector<16xi32>
    %shift_right_logical3A_309 = arith.shrui %get3A_306, %shift_right_logical3A_308 : vector<16xi32>
    %swap3A_310 = arith.constant 1 : i32
    %swap3A_311 = arith.index_cast %swap3A_310 : i32 to index
    %swap3A_312 = arith.constant 80 : index
    %swap3A_313 = tpu.vector_load %arg7[%swap3A_311, %swap3A_312] {strides = array<i32>} : memref<4x128xi32, #tpu.memory_space<vmem>>, vector<1x16xi32>,
    %swap3A_314 = vector.shape_cast %swap3A_313 : vector<1x16xi32> to vector<16xi32>
    %swap3A_315 = vector.shape_cast %shift_right_logical3A_309 : vector<16xi32> to vector<1x16xi32>
    tpu.vector_store %arg7[%swap3A_311, %swap3A_312], %swap3A_315 {strides = array<i32>} : memref<4x128xi32, #tpu.memory_space<vmem>>, vector<1x16xi32>,
    %and3A_316 = arith.constant 16383 : i32
    %and3A_317 = vector.broadcast %and3A_316 : i32 to vector<16xi32>
    %and3A_318 = arith.andi %get3A_306, %and3A_317 : vector<16xi32>
    %swap3A_319 = arith.constant 1 : i32
    %swap3A_320 = arith.index_cast %swap3A_319 : i32 to index
    %swap3A_321 = arith.constant 80 : index
    %swap3A_322 = tpu.vector_load %arg8[%swap3A_320, %swap3A_321] {strides = array<i32>} : memref<4x128xi32, #tpu.memory_space<vmem>>, vector<1x16xi32>,
    %swap3A_323 = vector.shape_cast %swap3A_322 : vector<1x16xi32> to vector<16xi32>
    %swap3A_324 = vector.shape_cast %and3A_318 : vector<16xi32> to vector<1x16xi32>
    tpu.vector_store %arg8[%swap3A_320, %swap3A_321], %swap3A_324 {strides = array<i32>} : memref<4x128xi32, #tpu.memory_space<vmem>>, vector<1x16xi32>,
    %get3A_325 = arith.constant 1 : i32
    %get3A_326 = arith.index_cast %get3A_325 : i32 to index
    %get3A_327 = arith.constant 96 : index
    %get3A_328 = tpu.vector_load %arg6[%get3A_326, %get3A_327] {strides = array<i32>} : memref<80x128xi32, #tpu.memory_space<vmem>>, vector<1x16xi32>,
    %get3A_329 = vector.shape_cast %get3A_328 : vector<1x16xi32> to vector<16xi32>
    %shift_right_logical3A_330 = arith.constant 14 : i32
    %shift_right_logical3A_331 = vector.broadcast %shift_right_logical3A_330 : i32 to vector<16xi32>
    %shift_right_logical3A_332 = arith.shrui %get3A_329, %shift_right_logical3A_331 : vector<16xi32>
    %swap3A_333 = arith.constant 1 : i32
    %swap3A_334 = arith.index_cast %swap3A_333 : i32 to index
    %swap3A_335 = arith.constant 96 : index
    %swap3A_336 = tpu.vector_load %arg7[%swap3A_334, %swap3A_335] {strides = array<i32>} : memref<4x128xi32, #tpu.memory_space<vmem>>, vector<1x16xi32>,
    %swap3A_337 = vector.shape_cast %swap3A_336 : vector<1x16xi32> to vector<16xi32>
    %swap3A_338 = vector.shape_cast %shift_right_logical3A_332 : vector<16xi32> to vector<1x16xi32>
    tpu.vector_store %arg7[%swap3A_334, %swap3A_335], %swap3A_338 {strides = array<i32>} : memref<4x128xi32, #tpu.memory_space<vmem>>, vector<1x16xi32>,
    %and3A_339 = arith.constant 16383 : i32
    %and3A_340 = vector.broadcast %and3A_339 : i32 to vector<16xi32>
    %and3A_341 = arith.andi %get3A_329, %and3A_340 : vector<16xi32>
    %swap3A_342 = arith.constant 1 : i32
    %swap3A_343 = arith.index_cast %swap3A_342 : i32 to index
    %swap3A_344 = arith.constant 96 : index
    %swap3A_345 = tpu.vector_load %arg8[%swap3A_343, %swap3A_344] {strides = array<i32>} : memref<4x128xi32, #tpu.memory_space<vmem>>, vector<1x16xi32>,
    %swap3A_346 = vector.shape_cast %swap3A_345 : vector<1x16xi32> to vector<16xi32>
    %swap3A_347 = vector.shape_cast %and3A_341 : vector<16xi32> to vector<1x16xi32>
    tpu.vector_store %arg8[%swap3A_343, %swap3A_344], %swap3A_347 {strides = array<i32>} : memref<4x128xi32, #tpu.memory_space<vmem>>, vector<1x16xi32>,
    %get3A_348 = arith.constant 1 : i32
    %get3A_349 = arith.index_cast %get3A_348 : i32 to index
    %get3A_350 = arith.constant 112 : index
    %get3A_351 = tpu.vector_load %arg6[%get3A_349, %get3A_350] {strides = array<i32>} : memref<80x128xi32, #tpu.memory_space<vmem>>, vector<1x16xi32>,
    %get3A_352 = vector.shape_cast %get3A_351 : vector<1x16xi32> to vector<16xi32>
    %shift_right_logical3A_353 = arith.constant 14 : i32
    %shift_right_logical3A_354 = vector.broadcast %shift_right_logical3A_353 : i32 to vector<16xi32>
    %shift_right_logical3A_355 = arith.shrui %get3A_352, %shift_right_logical3A_354 : vector<16xi32>
    %swap3A_356 = arith.constant 1 : i32
    %swap3A_357 = arith.index_cast %swap3A_356 : i32 to index
    %swap3A_358 = arith.constant 112 : index
    %swap3A_359 = tpu.vector_load %arg7[%swap3A_357, %swap3A_358] {strides = array<i32>} : memref<4x128xi32, #tpu.memory_space<vmem>>, vector<1x16xi32>,
    %swap3A_360 = vector.shape_cast %swap3A_359 : vector<1x16xi32> to vector<16xi32>
    %swap3A_361 = vector.shape_cast %shift_right_logical3A_355 : vector<16xi32> to vector<1x16xi32>
    tpu.vector_store %arg7[%swap3A_357, %swap3A_358], %swap3A_361 {strides = array<i32>} : memref<4x128xi32, #tpu.memory_space<vmem>>, vector<1x16xi32>,
    %and3A_362 = arith.constant 16383 : i32
    %and3A_363 = vector.broadcast %and3A_362 : i32 to vector<16xi32>
    %and3A_364 = arith.andi %get3A_352, %and3A_363 : vector<16xi32>
    %swap3A_365 = arith.constant 1 : i32
    %swap3A_366 = arith.index_cast %swap3A_365 : i32 to index
    %swap3A_367 = arith.constant 112 : index
    %swap3A_368 = tpu.vector_load %arg8[%swap3A_366, %swap3A_367] {strides = array<i32>} : memref<4x128xi32, #tpu.memory_space<vmem>>, vector<1x16xi32>,
    %swap3A_369 = vector.shape_cast %swap3A_368 : vector<1x16xi32> to vector<16xi32>
    %swap3A_370 = vector.shape_cast %and3A_364 : vector<16xi32> to vector<1x16xi32>
    tpu.vector_store %arg8[%swap3A_366, %swap3A_367], %swap3A_370 {strides = array<i32>} : memref<4x128xi32, #tpu.memory_space<vmem>>, vector<1x16xi32>,
    %dma_start3A_371 = arith.constant 1 : i32
    %dma_start3A_372 = arith.constant 0 : i32
    %dma_start3A_373 = tpu.memref_slice %arg7[%dma_start3A_371, %dma_start3A_372] : memref<4x128xi32, #tpu.memory_space<vmem>> -> memref<1x128xi32, #tpu.memory_space<vmem>>
    %dma_start3A_374 = tpu.memref_squeeze %dma_start3A_373 : memref<1x128xi32, #tpu.memory_space<vmem>> -> memref<128xi32, #tpu.memory_space<vmem>>
    %dma_start3A_375 = arith.constant 0 : i32
    %dma_start3A_376 = arith.constant 0 : i32
    %dma_start3A_377 = tpu.memref_slice %arg2[%dma_start3A_375, %dma_start3A_376] : memref<10000x128xf32, #tpu.memory_space<hbm>> -> memref<10000x128xf32, #tpu.memory_space<hbm>>
    tpu.enqueue_indirect_dma source(%dma_start3A_377 : memref<10000x128xf32, #tpu.memory_space<hbm>>) target(%arg10 : memref<128x128xf32, #tpu.memory_space<vmem>>) offsets(%dma_start3A_374 : memref<128xi32, #tpu.memory_space<vmem>>) semaphore(%arg13 : memref<!tpu.dma_semaphore, #tpu.memory_space<semaphore_mem>>)
    %mul3A_378 = arith.constant 640 : i32
    %mul3A_379 = arith.muli %arg1, %mul3A_378 : i32
    "tpu.region"() ({
      %run_scoped3A = tpu.sem_alloc : memref<!tpu.dma_semaphore, #tpu.memory_space<semaphore_mem>>
      %dma_start3A_390 = arith.constant 0 : i32
      %dma_start3A_391 = tpu.memref_slice %arg11[%mul3A_379, %dma_start3A_390] : memref<10240x128xf32, #tpu.memory_space<vmem_shared>> -> memref<640x128xf32, #tpu.memory_space<vmem_shared>>
      %dma_start3A_392 = arith.constant 0 : i32
      %dma_start3A_393 = arith.constant 0 : i32
      %dma_start3A_394 = tpu.memref_slice %arg4[%arg1, %dma_start3A_392, %dma_start3A_393] : memref<16x640x128xf32, #tpu.memory_space<hbm>> -> memref<1x640x128xf32, #tpu.memory_space<hbm>>
      %dma_start3A_395 = tpu.memref_squeeze %dma_start3A_394 : memref<1x640x128xf32, #tpu.memory_space<hbm>> -> memref<640x128xf32, #tpu.memory_space<hbm>>
      tpu.enqueue_dma source(%dma_start3A_395 : memref<640x128xf32, #tpu.memory_space<hbm>>) target(%dma_start3A_391 : memref<640x128xf32, #tpu.memory_space<vmem_shared>>) target_semaphore(%run_scoped3A : memref<!tpu.dma_semaphore, #tpu.memory_space<semaphore_mem>>)
      %dma_wait3A = arith.constant 0 : i32
      %dma_wait3A_396 = tpu.memref_slice %arg11[%mul3A_379, %dma_wait3A] : memref<10240x128xf32, #tpu.memory_space<vmem_shared>> -> memref<640x128xf32, #tpu.memory_space<vmem_shared>>
      %dma_wait3A_397 = arith.constant 0 : i32
      %dma_wait3A_398 = arith.constant 0 : i32
      %dma_wait3A_399 = tpu.memref_slice %arg4[%arg1, %dma_wait3A_397, %dma_wait3A_398] : memref<16x640x128xf32, #tpu.memory_space<hbm>> -> memref<1x640x128xf32, #tpu.memory_space<hbm>>
      %dma_wait3A_400 = tpu.memref_squeeze %dma_wait3A_399 : memref<1x640x128xf32, #tpu.memory_space<hbm>> -> memref<640x128xf32, #tpu.memory_space<hbm>>
      tpu.wait_dma2 semaphore(%run_scoped3A : memref<!tpu.dma_semaphore, #tpu.memory_space<semaphore_mem>>) src(%dma_wait3A_400 : memref<640x128xf32, #tpu.memory_space<hbm>>) dst(%dma_wait3A_396 : memref<640x128xf32, #tpu.memory_space<vmem_shared>>)
      tpu.yield
    }) : () -> ()
    %barrier3A = arith.constant 0 : index
    tpu.barrier barrier_id(%barrier3A)
    %scan3A = arith.constant 0 : i32
    %scan3A_380 = arith.constant 0 : i32
    %scan3A_381 = arith.constant 20 : i32
    %scan3A_382 = arith.addi %scan3A_380, %scan3A_381 : i32
    %scan3A_383 = arith.constant 1 : i32
    scf.for %scan3A_390 = %scan3A_380 to %scan3A_382 step %scan3A_383  : i32 {
      %mul3A_391 = arith.constant 4 : i32
      %mul3A_392 = arith.muli %scan3A_390, %mul3A_391 : i32
      %add3A_393 = arith.constant 0 : i32
      %add3A_394 = arith.addi %mul3A_392, %add3A_393 : i32
      %dma_wait3A = arith.constant 0 : i32
      %dma_wait3A_395 = arith.constant 0 : i32
      %dma_wait3A_396 = tpu.memref_slice %arg7[%dma_wait3A, %dma_wait3A_395] : memref<4x128xi32, #tpu.memory_space<vmem>> -> memref<1x128xi32, #tpu.memory_space<vmem>>
      %dma_wait3A_397 = tpu.memref_squeeze %dma_wait3A_396 : memref<1x128xi32, #tpu.memory_space<vmem>> -> memref<128xi32, #tpu.memory_space<vmem>>
      %dma_wait3A_398 = arith.constant 0 : i32
      %dma_wait3A_399 = arith.constant 0 : i32
      %dma_wait3A_400 = tpu.memref_slice %arg2[%dma_wait3A_398, %dma_wait3A_399] : memref<10000x128xf32, #tpu.memory_space<hbm>> -> memref<10000x128xf32, #tpu.memory_space<hbm>>
      tpu.wait_indirect_dma semaphore(%arg12 : memref<!tpu.dma_semaphore, #tpu.memory_space<semaphore_mem>>) src(%dma_wait3A_400 : memref<10000x128xf32, #tpu.memory_space<hbm>>) dst(%arg9 : memref<128x128xf32, #tpu.memory_space<vmem>>)
      %run_scoped3A = arith.constant 0 : i32
      "tpu.region"() ({
        %run_scoped3A_462 = tpu.sem_alloc : memref<!tpu.dma_semaphore, #tpu.memory_space<semaphore_mem>>
        %dma_start3A_463 = arith.constant 0 : i32
        %dma_start3A_464 = tpu.memref_slice %arg8[%run_scoped3A, %dma_start3A_463] : memref<4x128xi32, #tpu.memory_space<vmem>> -> memref<1x128xi32, #tpu.memory_space<vmem>>
        %dma_start3A_465 = tpu.memref_squeeze %dma_start3A_464 : memref<1x128xi32, #tpu.memory_space<vmem>> -> memref<128xi32, #tpu.memory_space<vmem>>
        %dma_start3A_466 = arith.constant 0 : i32
        %dma_start3A_467 = arith.constant 0 : i32
        %dma_start3A_468 = tpu.memref_slice %arg11[%dma_start3A_466, %dma_start3A_467] : memref<10240x128xf32, #tpu.memory_space<vmem_shared>> -> memref<10240x128xf32, #tpu.memory_space<vmem_shared>>
        tpu.enqueue_indirect_dma source(%arg9 : memref<128x128xf32, #tpu.memory_space<vmem>>) target(%dma_start3A_468 : memref<10240x128xf32, #tpu.memory_space<vmem_shared>>) offsets(%dma_start3A_465 : memref<128xi32, #tpu.memory_space<vmem>>) semaphore(%run_scoped3A_462 : memref<!tpu.dma_semaphore, #tpu.memory_space<semaphore_mem>>) {add = true}
        %dma_wait3A_469 = arith.constant 0 : i32
        %dma_wait3A_470 = tpu.memref_slice %arg8[%run_scoped3A, %dma_wait3A_469] : memref<4x128xi32, #tpu.memory_space<vmem>> -> memref<1x128xi32, #tpu.memory_space<vmem>>
        %dma_wait3A_471 = tpu.memref_squeeze %dma_wait3A_470 : memref<1x128xi32, #tpu.memory_space<vmem>> -> memref<128xi32, #tpu.memory_space<vmem>>
        %dma_wait3A_472 = arith.constant 0 : i32
        %dma_wait3A_473 = arith.constant 0 : i32
        %dma_wait3A_474 = tpu.memref_slice %arg11[%dma_wait3A_472, %dma_wait3A_473] : memref<10240x128xf32, #tpu.memory_space<vmem_shared>> -> memref<10240x128xf32, #tpu.memory_space<vmem_shared>>
        tpu.wait_indirect_dma semaphore(%run_scoped3A_462 : memref<!tpu.dma_semaphore, #tpu.memory_space<semaphore_mem>>) src(%arg9 : memref<128x128xf32, #tpu.memory_space<vmem>>) dst(%dma_wait3A_474 : memref<10240x128xf32, #tpu.memory_space<vmem_shared>>)
        tpu.yield
      }) : () -> ()
      %add3A_401 = arith.constant 2 : i32
      %add3A_402 = arith.addi %add3A_394, %add3A_401 : i32
      %lt3A = arith.constant 80 : i32
      %lt3A_403 = arith.cmpi slt, %add3A_402, %lt3A : i32
      %convert_element_type3A = arith.extui %lt3A_403 : i1 to i32
      %cond3A = arith.constant 0 : i32
      %cond3A_404 = arith.cmpi ne, %convert_element_type3A, %cond3A : i32
      scf.if %cond3A_404 {
        %add3A_462 = arith.constant 2 : i32
        %add3A_463 = arith.addi %add3A_394, %add3A_462 : i32
        %get3A_464 = arith.index_cast %add3A_463 : i32 to index
        %get3A_465 = arith.constant 0 : index
        %get3A_466 = tpu.vector_load %arg6[%get3A_464, %get3A_465] {strides = array<i32>} : memref<80x128xi32, #tpu.memory_space<vmem>>, vector<1x16xi32>,
        %get3A_467 = vector.shape_cast %get3A_466 : vector<1x16xi32> to vector<16xi32>
        %shift_right_logical3A_468 = arith.constant 14 : i32
        %shift_right_logical3A_469 = vector.broadcast %shift_right_logical3A_468 : i32 to vector<16xi32>
        %shift_right_logical3A_470 = arith.shrui %get3A_467, %shift_right_logical3A_469 : vector<16xi32>
        %swap3A_471 = arith.constant 2 : i32
        %swap3A_472 = arith.index_cast %swap3A_471 : i32 to index
        %swap3A_473 = arith.constant 0 : index
        %swap3A_474 = tpu.vector_load %arg7[%swap3A_472, %swap3A_473] {strides = array<i32>} : memref<4x128xi32, #tpu.memory_space<vmem>>, vector<1x16xi32>,
        %swap3A_475 = vector.shape_cast %swap3A_474 : vector<1x16xi32> to vector<16xi32>
        %swap3A_476 = vector.shape_cast %shift_right_logical3A_470 : vector<16xi32> to vector<1x16xi32>
        tpu.vector_store %arg7[%swap3A_472, %swap3A_473], %swap3A_476 {strides = array<i32>} : memref<4x128xi32, #tpu.memory_space<vmem>>, vector<1x16xi32>,
        %and3A_477 = arith.constant 16383 : i32
        %and3A_478 = vector.broadcast %and3A_477 : i32 to vector<16xi32>
        %and3A_479 = arith.andi %get3A_467, %and3A_478 : vector<16xi32>
        %swap3A_480 = arith.constant 2 : i32
        %swap3A_481 = arith.index_cast %swap3A_480 : i32 to index
        %swap3A_482 = arith.constant 0 : index
        %swap3A_483 = tpu.vector_load %arg8[%swap3A_481, %swap3A_482] {strides = array<i32>} : memref<4x128xi32, #tpu.memory_space<vmem>>, vector<1x16xi32>,
        %swap3A_484 = vector.shape_cast %swap3A_483 : vector<1x16xi32> to vector<16xi32>
        %swap3A_485 = vector.shape_cast %and3A_479 : vector<16xi32> to vector<1x16xi32>
        tpu.vector_store %arg8[%swap3A_481, %swap3A_482], %swap3A_485 {strides = array<i32>} : memref<4x128xi32, #tpu.memory_space<vmem>>, vector<1x16xi32>,
        %get3A_486 = arith.index_cast %add3A_463 : i32 to index
        %get3A_487 = arith.constant 16 : index
        %get3A_488 = tpu.vector_load %arg6[%get3A_486, %get3A_487] {strides = array<i32>} : memref<80x128xi32, #tpu.memory_space<vmem>>, vector<1x16xi32>,
        %get3A_489 = vector.shape_cast %get3A_488 : vector<1x16xi32> to vector<16xi32>
        %shift_right_logical3A_490 = arith.constant 14 : i32
        %shift_right_logical3A_491 = vector.broadcast %shift_right_logical3A_490 : i32 to vector<16xi32>
        %shift_right_logical3A_492 = arith.shrui %get3A_489, %shift_right_logical3A_491 : vector<16xi32>
        %swap3A_493 = arith.constant 2 : i32
        %swap3A_494 = arith.index_cast %swap3A_493 : i32 to index
        %swap3A_495 = arith.constant 16 : index
        %swap3A_496 = tpu.vector_load %arg7[%swap3A_494, %swap3A_495] {strides = array<i32>} : memref<4x128xi32, #tpu.memory_space<vmem>>, vector<1x16xi32>,
        %swap3A_497 = vector.shape_cast %swap3A_496 : vector<1x16xi32> to vector<16xi32>
        %swap3A_498 = vector.shape_cast %shift_right_logical3A_492 : vector<16xi32> to vector<1x16xi32>
        tpu.vector_store %arg7[%swap3A_494, %swap3A_495], %swap3A_498 {strides = array<i32>} : memref<4x128xi32, #tpu.memory_space<vmem>>, vector<1x16xi32>,
        %and3A_499 = arith.constant 16383 : i32
        %and3A_500 = vector.broadcast %and3A_499 : i32 to vector<16xi32>
        %and3A_501 = arith.andi %get3A_489, %and3A_500 : vector<16xi32>
        %swap3A_502 = arith.constant 2 : i32
        %swap3A_503 = arith.index_cast %swap3A_502 : i32 to index
        %swap3A_504 = arith.constant 16 : index
        %swap3A_505 = tpu.vector_load %arg8[%swap3A_503, %swap3A_504] {strides = array<i32>} : memref<4x128xi32, #tpu.memory_space<vmem>>, vector<1x16xi32>,
        %swap3A_506 = vector.shape_cast %swap3A_505 : vector<1x16xi32> to vector<16xi32>
        %swap3A_507 = vector.shape_cast %and3A_501 : vector<16xi32> to vector<1x16xi32>
        tpu.vector_store %arg8[%swap3A_503, %swap3A_504], %swap3A_507 {strides = array<i32>} : memref<4x128xi32, #tpu.memory_space<vmem>>, vector<1x16xi32>,
        %get3A_508 = arith.index_cast %add3A_463 : i32 to index
        %get3A_509 = arith.constant 32 : index
        %get3A_510 = tpu.vector_load %arg6[%get3A_508, %get3A_509] {strides = array<i32>} : memref<80x128xi32, #tpu.memory_space<vmem>>, vector<1x16xi32>,
        %get3A_511 = vector.shape_cast %get3A_510 : vector<1x16xi32> to vector<16xi32>
        %shift_right_logical3A_512 = arith.constant 14 : i32
        %shift_right_logical3A_513 = vector.broadcast %shift_right_logical3A_512 : i32 to vector<16xi32>
        %shift_right_logical3A_514 = arith.shrui %get3A_511, %shift_right_logical3A_513 : vector<16xi32>
        %swap3A_515 = arith.constant 2 : i32
        %swap3A_516 = arith.index_cast %swap3A_515 : i32 to index
        %swap3A_517 = arith.constant 32 : index
        %swap3A_518 = tpu.vector_load %arg7[%swap3A_516, %swap3A_517] {strides = array<i32>} : memref<4x128xi32, #tpu.memory_space<vmem>>, vector<1x16xi32>,
        %swap3A_519 = vector.shape_cast %swap3A_518 : vector<1x16xi32> to vector<16xi32>
        %swap3A_520 = vector.shape_cast %shift_right_logical3A_514 : vector<16xi32> to vector<1x16xi32>
        tpu.vector_store %arg7[%swap3A_516, %swap3A_517], %swap3A_520 {strides = array<i32>} : memref<4x128xi32, #tpu.memory_space<vmem>>, vector<1x16xi32>,
        %and3A_521 = arith.constant 16383 : i32
        %and3A_522 = vector.broadcast %and3A_521 : i32 to vector<16xi32>
        %and3A_523 = arith.andi %get3A_511, %and3A_522 : vector<16xi32>
        %swap3A_524 = arith.constant 2 : i32
        %swap3A_525 = arith.index_cast %swap3A_524 : i32 to index
        %swap3A_526 = arith.constant 32 : index
        %swap3A_527 = tpu.vector_load %arg8[%swap3A_525, %swap3A_526] {strides = array<i32>} : memref<4x128xi32, #tpu.memory_space<vmem>>, vector<1x16xi32>,
        %swap3A_528 = vector.shape_cast %swap3A_527 : vector<1x16xi32> to vector<16xi32>
        %swap3A_529 = vector.shape_cast %and3A_523 : vector<16xi32> to vector<1x16xi32>
        tpu.vector_store %arg8[%swap3A_525, %swap3A_526], %swap3A_529 {strides = array<i32>} : memref<4x128xi32, #tpu.memory_space<vmem>>, vector<1x16xi32>,
        %get3A_530 = arith.index_cast %add3A_463 : i32 to index
        %get3A_531 = arith.constant 48 : index
        %get3A_532 = tpu.vector_load %arg6[%get3A_530, %get3A_531] {strides = array<i32>} : memref<80x128xi32, #tpu.memory_space<vmem>>, vector<1x16xi32>,
        %get3A_533 = vector.shape_cast %get3A_532 : vector<1x16xi32> to vector<16xi32>
        %shift_right_logical3A_534 = arith.constant 14 : i32
        %shift_right_logical3A_535 = vector.broadcast %shift_right_logical3A_534 : i32 to vector<16xi32>
        %shift_right_logical3A_536 = arith.shrui %get3A_533, %shift_right_logical3A_535 : vector<16xi32>
        %swap3A_537 = arith.constant 2 : i32
        %swap3A_538 = arith.index_cast %swap3A_537 : i32 to index
        %swap3A_539 = arith.constant 48 : index
        %swap3A_540 = tpu.vector_load %arg7[%swap3A_538, %swap3A_539] {strides = array<i32>} : memref<4x128xi32, #tpu.memory_space<vmem>>, vector<1x16xi32>,
        %swap3A_541 = vector.shape_cast %swap3A_540 : vector<1x16xi32> to vector<16xi32>
        %swap3A_542 = vector.shape_cast %shift_right_logical3A_536 : vector<16xi32> to vector<1x16xi32>
        tpu.vector_store %arg7[%swap3A_538, %swap3A_539], %swap3A_542 {strides = array<i32>} : memref<4x128xi32, #tpu.memory_space<vmem>>, vector<1x16xi32>,
        %and3A_543 = arith.constant 16383 : i32
        %and3A_544 = vector.broadcast %and3A_543 : i32 to vector<16xi32>
        %and3A_545 = arith.andi %get3A_533, %and3A_544 : vector<16xi32>
        %swap3A_546 = arith.constant 2 : i32
        %swap3A_547 = arith.index_cast %swap3A_546 : i32 to index
        %swap3A_548 = arith.constant 48 : index
        %swap3A_549 = tpu.vector_load %arg8[%swap3A_547, %swap3A_548] {strides = array<i32>} : memref<4x128xi32, #tpu.memory_space<vmem>>, vector<1x16xi32>,
        %swap3A_550 = vector.shape_cast %swap3A_549 : vector<1x16xi32> to vector<16xi32>
        %swap3A_551 = vector.shape_cast %and3A_545 : vector<16xi32> to vector<1x16xi32>
        tpu.vector_store %arg8[%swap3A_547, %swap3A_548], %swap3A_551 {strides = array<i32>} : memref<4x128xi32, #tpu.memory_space<vmem>>, vector<1x16xi32>,
        %get3A_552 = arith.index_cast %add3A_463 : i32 to index
        %get3A_553 = arith.constant 64 : index
        %get3A_554 = tpu.vector_load %arg6[%get3A_552, %get3A_553] {strides = array<i32>} : memref<80x128xi32, #tpu.memory_space<vmem>>, vector<1x16xi32>,
        %get3A_555 = vector.shape_cast %get3A_554 : vector<1x16xi32> to vector<16xi32>
        %shift_right_logical3A_556 = arith.constant 14 : i32
        %shift_right_logical3A_557 = vector.broadcast %shift_right_logical3A_556 : i32 to vector<16xi32>
        %shift_right_logical3A_558 = arith.shrui %get3A_555, %shift_right_logical3A_557 : vector<16xi32>
        %swap3A_559 = arith.constant 2 : i32
        %swap3A_560 = arith.index_cast %swap3A_559 : i32 to index
        %swap3A_561 = arith.constant 64 : index
        %swap3A_562 = tpu.vector_load %arg7[%swap3A_560, %swap3A_561] {strides = array<i32>} : memref<4x128xi32, #tpu.memory_space<vmem>>, vector<1x16xi32>,
        %swap3A_563 = vector.shape_cast %swap3A_562 : vector<1x16xi32> to vector<16xi32>
        %swap3A_564 = vector.shape_cast %shift_right_logical3A_558 : vector<16xi32> to vector<1x16xi32>
        tpu.vector_store %arg7[%swap3A_560, %swap3A_561], %swap3A_564 {strides = array<i32>} : memref<4x128xi32, #tpu.memory_space<vmem>>, vector<1x16xi32>,
        %and3A_565 = arith.constant 16383 : i32
        %and3A_566 = vector.broadcast %and3A_565 : i32 to vector<16xi32>
        %and3A_567 = arith.andi %get3A_555, %and3A_566 : vector<16xi32>
        %swap3A_568 = arith.constant 2 : i32
        %swap3A_569 = arith.index_cast %swap3A_568 : i32 to index
        %swap3A_570 = arith.constant 64 : index
        %swap3A_571 = tpu.vector_load %arg8[%swap3A_569, %swap3A_570] {strides = array<i32>} : memref<4x128xi32, #tpu.memory_space<vmem>>, vector<1x16xi32>,
        %swap3A_572 = vector.shape_cast %swap3A_571 : vector<1x16xi32> to vector<16xi32>
        %swap3A_573 = vector.shape_cast %and3A_567 : vector<16xi32> to vector<1x16xi32>
        tpu.vector_store %arg8[%swap3A_569, %swap3A_570], %swap3A_573 {strides = array<i32>} : memref<4x128xi32, #tpu.memory_space<vmem>>, vector<1x16xi32>,
        %get3A_574 = arith.index_cast %add3A_463 : i32 to index
        %get3A_575 = arith.constant 80 : index
        %get3A_576 = tpu.vector_load %arg6[%get3A_574, %get3A_575] {strides = array<i32>} : memref<80x128xi32, #tpu.memory_space<vmem>>, vector<1x16xi32>,
        %get3A_577 = vector.shape_cast %get3A_576 : vector<1x16xi32> to vector<16xi32>
        %shift_right_logical3A_578 = arith.constant 14 : i32
        %shift_right_logical3A_579 = vector.broadcast %shift_right_logical3A_578 : i32 to vector<16xi32>
        %shift_right_logical3A_580 = arith.shrui %get3A_577, %shift_right_logical3A_579 : vector<16xi32>
        %swap3A_581 = arith.constant 2 : i32
        %swap3A_582 = arith.index_cast %swap3A_581 : i32 to index
        %swap3A_583 = arith.constant 80 : index
        %swap3A_584 = tpu.vector_load %arg7[%swap3A_582, %swap3A_583] {strides = array<i32>} : memref<4x128xi32, #tpu.memory_space<vmem>>, vector<1x16xi32>,
        %swap3A_585 = vector.shape_cast %swap3A_584 : vector<1x16xi32> to vector<16xi32>
        %swap3A_586 = vector.shape_cast %shift_right_logical3A_580 : vector<16xi32> to vector<1x16xi32>
        tpu.vector_store %arg7[%swap3A_582, %swap3A_583], %swap3A_586 {strides = array<i32>} : memref<4x128xi32, #tpu.memory_space<vmem>>, vector<1x16xi32>,
        %and3A_587 = arith.constant 16383 : i32
        %and3A_588 = vector.broadcast %and3A_587 : i32 to vector<16xi32>
        %and3A_589 = arith.andi %get3A_577, %and3A_588 : vector<16xi32>
        %swap3A_590 = arith.constant 2 : i32
        %swap3A_591 = arith.index_cast %swap3A_590 : i32 to index
        %swap3A_592 = arith.constant 80 : index
        %swap3A_593 = tpu.vector_load %arg8[%swap3A_591, %swap3A_592] {strides = array<i32>} : memref<4x128xi32, #tpu.memory_space<vmem>>, vector<1x16xi32>,
        %swap3A_594 = vector.shape_cast %swap3A_593 : vector<1x16xi32> to vector<16xi32>
        %swap3A_595 = vector.shape_cast %and3A_589 : vector<16xi32> to vector<1x16xi32>
        tpu.vector_store %arg8[%swap3A_591, %swap3A_592], %swap3A_595 {strides = array<i32>} : memref<4x128xi32, #tpu.memory_space<vmem>>, vector<1x16xi32>,
        %get3A_596 = arith.index_cast %add3A_463 : i32 to index
        %get3A_597 = arith.constant 96 : index
        %get3A_598 = tpu.vector_load %arg6[%get3A_596, %get3A_597] {strides = array<i32>} : memref<80x128xi32, #tpu.memory_space<vmem>>, vector<1x16xi32>,
        %get3A_599 = vector.shape_cast %get3A_598 : vector<1x16xi32> to vector<16xi32>
        %shift_right_logical3A_600 = arith.constant 14 : i32
        %shift_right_logical3A_601 = vector.broadcast %shift_right_logical3A_600 : i32 to vector<16xi32>
        %shift_right_logical3A_602 = arith.shrui %get3A_599, %shift_right_logical3A_601 : vector<16xi32>
        %swap3A_603 = arith.constant 2 : i32
        %swap3A_604 = arith.index_cast %swap3A_603 : i32 to index
        %swap3A_605 = arith.constant 96 : index
        %swap3A_606 = tpu.vector_load %arg7[%swap3A_604, %swap3A_605] {strides = array<i32>} : memref<4x128xi32, #tpu.memory_space<vmem>>, vector<1x16xi32>,
        %swap3A_607 = vector.shape_cast %swap3A_606 : vector<1x16xi32> to vector<16xi32>
        %swap3A_608 = vector.shape_cast %shift_right_logical3A_602 : vector<16xi32> to vector<1x16xi32>
        tpu.vector_store %arg7[%swap3A_604, %swap3A_605], %swap3A_608 {strides = array<i32>} : memref<4x128xi32, #tpu.memory_space<vmem>>, vector<1x16xi32>,
        %and3A_609 = arith.constant 16383 : i32
        %and3A_610 = vector.broadcast %and3A_609 : i32 to vector<16xi32>
        %and3A_611 = arith.andi %get3A_599, %and3A_610 : vector<16xi32>
        %swap3A_612 = arith.constant 2 : i32
        %swap3A_613 = arith.index_cast %swap3A_612 : i32 to index
        %swap3A_614 = arith.constant 96 : index
        %swap3A_615 = tpu.vector_load %arg8[%swap3A_613, %swap3A_614] {strides = array<i32>} : memref<4x128xi32, #tpu.memory_space<vmem>>, vector<1x16xi32>,
        %swap3A_616 = vector.shape_cast %swap3A_615 : vector<1x16xi32> to vector<16xi32>
        %swap3A_617 = vector.shape_cast %and3A_611 : vector<16xi32> to vector<1x16xi32>
        tpu.vector_store %arg8[%swap3A_613, %swap3A_614], %swap3A_617 {strides = array<i32>} : memref<4x128xi32, #tpu.memory_space<vmem>>, vector<1x16xi32>,
        %get3A_618 = arith.index_cast %add3A_463 : i32 to index
        %get3A_619 = arith.constant 112 : index
        %get3A_620 = tpu.vector_load %arg6[%get3A_618, %get3A_619] {strides = array<i32>} : memref<80x128xi32, #tpu.memory_space<vmem>>, vector<1x16xi32>,
        %get3A_621 = vector.shape_cast %get3A_620 : vector<1x16xi32> to vector<16xi32>
        %shift_right_logical3A_622 = arith.constant 14 : i32
        %shift_right_logical3A_623 = vector.broadcast %shift_right_logical3A_622 : i32 to vector<16xi32>
        %shift_right_logical3A_624 = arith.shrui %get3A_621, %shift_right_logical3A_623 : vector<16xi32>
        %swap3A_625 = arith.constant 2 : i32
        %swap3A_626 = arith.index_cast %swap3A_625 : i32 to index
        %swap3A_627 = arith.constant 112 : index
        %swap3A_628 = tpu.vector_load %arg7[%swap3A_626, %swap3A_627] {strides = array<i32>} : memref<4x128xi32, #tpu.memory_space<vmem>>, vector<1x16xi32>,
        %swap3A_629 = vector.shape_cast %swap3A_628 : vector<1x16xi32> to vector<16xi32>
        %swap3A_630 = vector.shape_cast %shift_right_logical3A_624 : vector<16xi32> to vector<1x16xi32>
        tpu.vector_store %arg7[%swap3A_626, %swap3A_627], %swap3A_630 {strides = array<i32>} : memref<4x128xi32, #tpu.memory_space<vmem>>, vector<1x16xi32>,
        %and3A_631 = arith.constant 16383 : i32
        %and3A_632 = vector.broadcast %and3A_631 : i32 to vector<16xi32>
        %and3A_633 = arith.andi %get3A_621, %and3A_632 : vector<16xi32>
        %swap3A_634 = arith.constant 2 : i32
        %swap3A_635 = arith.index_cast %swap3A_634 : i32 to index
        %swap3A_636 = arith.constant 112 : index
        %swap3A_637 = tpu.vector_load %arg8[%swap3A_635, %swap3A_636] {strides = array<i32>} : memref<4x128xi32, #tpu.memory_space<vmem>>, vector<1x16xi32>,
        %swap3A_638 = vector.shape_cast %swap3A_637 : vector<1x16xi32> to vector<16xi32>
        %swap3A_639 = vector.shape_cast %and3A_633 : vector<16xi32> to vector<1x16xi32>
        tpu.vector_store %arg8[%swap3A_635, %swap3A_636], %swap3A_639 {strides = array<i32>} : memref<4x128xi32, #tpu.memory_space<vmem>>, vector<1x16xi32>,
        %dma_start3A_640 = arith.constant 2 : i32
        %dma_start3A_641 = arith.constant 0 : i32
        %dma_start3A_642 = tpu.memref_slice %arg7[%dma_start3A_640, %dma_start3A_641] : memref<4x128xi32, #tpu.memory_space<vmem>> -> memref<1x128xi32, #tpu.memory_space<vmem>>
        %dma_start3A_643 = tpu.memref_squeeze %dma_start3A_642 : memref<1x128xi32, #tpu.memory_space<vmem>> -> memref<128xi32, #tpu.memory_space<vmem>>
        %dma_start3A_644 = arith.constant 0 : i32
        %dma_start3A_645 = arith.constant 0 : i32
        %dma_start3A_646 = tpu.memref_slice %arg2[%dma_start3A_644, %dma_start3A_645] : memref<10000x128xf32, #tpu.memory_space<hbm>> -> memref<10000x128xf32, #tpu.memory_space<hbm>>
        tpu.enqueue_indirect_dma source(%dma_start3A_646 : memref<10000x128xf32, #tpu.memory_space<hbm>>) target(%arg9 : memref<128x128xf32, #tpu.memory_space<vmem>>) offsets(%dma_start3A_643 : memref<128xi32, #tpu.memory_space<vmem>>) semaphore(%arg12 : memref<!tpu.dma_semaphore, #tpu.memory_space<semaphore_mem>>)
      } else {
      }
      %mul3A_405 = arith.constant 4 : i32
      %mul3A_406 = arith.muli %scan3A_390, %mul3A_405 : i32
      %add3A_407 = arith.constant 1 : i32
      %add3A_408 = arith.addi %mul3A_406, %add3A_407 : i32
      %dma_wait3A_409 = arith.constant 1 : i32
      %dma_wait3A_410 = arith.constant 0 : i32
      %dma_wait3A_411 = tpu.memref_slice %arg7[%dma_wait3A_409, %dma_wait3A_410] : memref<4x128xi32, #tpu.memory_space<vmem>> -> memref<1x128xi32, #tpu.memory_space<vmem>>
      %dma_wait3A_412 = tpu.memref_squeeze %dma_wait3A_411 : memref<1x128xi32, #tpu.memory_space<vmem>> -> memref<128xi32, #tpu.memory_space<vmem>>
      %dma_wait3A_413 = arith.constant 0 : i32
      %dma_wait3A_414 = arith.constant 0 : i32
      %dma_wait3A_415 = tpu.memref_slice %arg2[%dma_wait3A_413, %dma_wait3A_414] : memref<10000x128xf32, #tpu.memory_space<hbm>> -> memref<10000x128xf32, #tpu.memory_space<hbm>>
      tpu.wait_indirect_dma semaphore(%arg13 : memref<!tpu.dma_semaphore, #tpu.memory_space<semaphore_mem>>) src(%dma_wait3A_415 : memref<10000x128xf32, #tpu.memory_space<hbm>>) dst(%arg10 : memref<128x128xf32, #tpu.memory_space<vmem>>)
      %run_scoped3A_416 = arith.constant 1 : i32
      "tpu.region"() ({
        %run_scoped3A_462 = tpu.sem_alloc : memref<!tpu.dma_semaphore, #tpu.memory_space<semaphore_mem>>
        %dma_start3A_463 = arith.constant 0 : i32
        %dma_start3A_464 = tpu.memref_slice %arg8[%run_scoped3A_416, %dma_start3A_463] : memref<4x128xi32, #tpu.memory_space<vmem>> -> memref<1x128xi32, #tpu.memory_space<vmem>>
        %dma_start3A_465 = tpu.memref_squeeze %dma_start3A_464 : memref<1x128xi32, #tpu.memory_space<vmem>> -> memref<128xi32, #tpu.memory_space<vmem>>
        %dma_start3A_466 = arith.constant 0 : i32
        %dma_start3A_467 = arith.constant 0 : i32
        %dma_start3A_468 = tpu.memref_slice %arg11[%dma_start3A_466, %dma_start3A_467] : memref<10240x128xf32, #tpu.memory_space<vmem_shared>> -> memref<10240x128xf32, #tpu.memory_space<vmem_shared>>
        tpu.enqueue_indirect_dma source(%arg10 : memref<128x128xf32, #tpu.memory_space<vmem>>) target(%dma_start3A_468 : memref<10240x128xf32, #tpu.memory_space<vmem_shared>>) offsets(%dma_start3A_465 : memref<128xi32, #tpu.memory_space<vmem>>) semaphore(%run_scoped3A_462 : memref<!tpu.dma_semaphore, #tpu.memory_space<semaphore_mem>>) {add = true}
        %dma_wait3A_469 = arith.constant 0 : i32
        %dma_wait3A_470 = tpu.memref_slice %arg8[%run_scoped3A_416, %dma_wait3A_469] : memref<4x128xi32, #tpu.memory_space<vmem>> -> memref<1x128xi32, #tpu.memory_space<vmem>>
        %dma_wait3A_471 = tpu.memref_squeeze %dma_wait3A_470 : memref<1x128xi32, #tpu.memory_space<vmem>> -> memref<128xi32, #tpu.memory_space<vmem>>
        %dma_wait3A_472 = arith.constant 0 : i32
        %dma_wait3A_473 = arith.constant 0 : i32
        %dma_wait3A_474 = tpu.memref_slice %arg11[%dma_wait3A_472, %dma_wait3A_473] : memref<10240x128xf32, #tpu.memory_space<vmem_shared>> -> memref<10240x128xf32, #tpu.memory_space<vmem_shared>>
        tpu.wait_indirect_dma semaphore(%run_scoped3A_462 : memref<!tpu.dma_semaphore, #tpu.memory_space<semaphore_mem>>) src(%arg10 : memref<128x128xf32, #tpu.memory_space<vmem>>) dst(%dma_wait3A_474 : memref<10240x128xf32, #tpu.memory_space<vmem_shared>>)
        tpu.yield
      }) : () -> ()
      %add3A_417 = arith.constant 2 : i32
      %add3A_418 = arith.addi %add3A_408, %add3A_417 : i32
      %lt3A_419 = arith.constant 80 : i32
      %lt3A_420 = arith.cmpi slt, %add3A_418, %lt3A_419 : i32
      %convert_element_type3A_421 = arith.extui %lt3A_420 : i1 to i32
      %cond3A_422 = arith.constant 0 : i32
      %cond3A_423 = arith.cmpi ne, %convert_element_type3A_421, %cond3A_422 : i32
      scf.if %cond3A_423 {
        %add3A_462 = arith.constant 2 : i32
        %add3A_463 = arith.addi %add3A_408, %add3A_462 : i32
        %get3A_464 = arith.index_cast %add3A_463 : i32 to index
        %get3A_465 = arith.constant 0 : index
        %get3A_466 = tpu.vector_load %arg6[%get3A_464, %get3A_465] {strides = array<i32>} : memref<80x128xi32, #tpu.memory_space<vmem>>, vector<1x16xi32>,
        %get3A_467 = vector.shape_cast %get3A_466 : vector<1x16xi32> to vector<16xi32>
        %shift_right_logical3A_468 = arith.constant 14 : i32
        %shift_right_logical3A_469 = vector.broadcast %shift_right_logical3A_468 : i32 to vector<16xi32>
        %shift_right_logical3A_470 = arith.shrui %get3A_467, %shift_right_logical3A_469 : vector<16xi32>
        %swap3A_471 = arith.constant 3 : i32
        %swap3A_472 = arith.index_cast %swap3A_471 : i32 to index
        %swap3A_473 = arith.constant 0 : index
        %swap3A_474 = tpu.vector_load %arg7[%swap3A_472, %swap3A_473] {strides = array<i32>} : memref<4x128xi32, #tpu.memory_space<vmem>>, vector<1x16xi32>,
        %swap3A_475 = vector.shape_cast %swap3A_474 : vector<1x16xi32> to vector<16xi32>
        %swap3A_476 = vector.shape_cast %shift_right_logical3A_470 : vector<16xi32> to vector<1x16xi32>
        tpu.vector_store %arg7[%swap3A_472, %swap3A_473], %swap3A_476 {strides = array<i32>} : memref<4x128xi32, #tpu.memory_space<vmem>>, vector<1x16xi32>,
        %and3A_477 = arith.constant 16383 : i32
        %and3A_478 = vector.broadcast %and3A_477 : i32 to vector<16xi32>
        %and3A_479 = arith.andi %get3A_467, %and3A_478 : vector<16xi32>
        %swap3A_480 = arith.constant 3 : i32
        %swap3A_481 = arith.index_cast %swap3A_480 : i32 to index
        %swap3A_482 = arith.constant 0 : index
        %swap3A_483 = tpu.vector_load %arg8[%swap3A_481, %swap3A_482] {strides = array<i32>} : memref<4x128xi32, #tpu.memory_space<vmem>>, vector<1x16xi32>,
        %swap3A_484 = vector.shape_cast %swap3A_483 : vector<1x16xi32> to vector<16xi32>
        %swap3A_485 = vector.shape_cast %and3A_479 : vector<16xi32> to vector<1x16xi32>
        tpu.vector_store %arg8[%swap3A_481, %swap3A_482], %swap3A_485 {strides = array<i32>} : memref<4x128xi32, #tpu.memory_space<vmem>>, vector<1x16xi32>,
        %get3A_486 = arith.index_cast %add3A_463 : i32 to index
        %get3A_487 = arith.constant 16 : index
        %get3A_488 = tpu.vector_load %arg6[%get3A_486, %get3A_487] {strides = array<i32>} : memref<80x128xi32, #tpu.memory_space<vmem>>, vector<1x16xi32>,
        %get3A_489 = vector.shape_cast %get3A_488 : vector<1x16xi32> to vector<16xi32>
        %shift_right_logical3A_490 = arith.constant 14 : i32
        %shift_right_logical3A_491 = vector.broadcast %shift_right_logical3A_490 : i32 to vector<16xi32>
        %shift_right_logical3A_492 = arith.shrui %get3A_489, %shift_right_logical3A_491 : vector<16xi32>
        %swap3A_493 = arith.constant 3 : i32
        %swap3A_494 = arith.index_cast %swap3A_493 : i32 to index
        %swap3A_495 = arith.constant 16 : index
        %swap3A_496 = tpu.vector_load %arg7[%swap3A_494, %swap3A_495] {strides = array<i32>} : memref<4x128xi32, #tpu.memory_space<vmem>>, vector<1x16xi32>,
        %swap3A_497 = vector.shape_cast %swap3A_496 : vector<1x16xi32> to vector<16xi32>
        %swap3A_498 = vector.shape_cast %shift_right_logical3A_492 : vector<16xi32> to vector<1x16xi32>
        tpu.vector_store %arg7[%swap3A_494, %swap3A_495], %swap3A_498 {strides = array<i32>} : memref<4x128xi32, #tpu.memory_space<vmem>>, vector<1x16xi32>,
        %and3A_499 = arith.constant 16383 : i32
        %and3A_500 = vector.broadcast %and3A_499 : i32 to vector<16xi32>
        %and3A_501 = arith.andi %get3A_489, %and3A_500 : vector<16xi32>
        %swap3A_502 = arith.constant 3 : i32
        %swap3A_503 = arith.index_cast %swap3A_502 : i32 to index
        %swap3A_504 = arith.constant 16 : index
        %swap3A_505 = tpu.vector_load %arg8[%swap3A_503, %swap3A_504] {strides = array<i32>} : memref<4x128xi32, #tpu.memory_space<vmem>>, vector<1x16xi32>,
        %swap3A_506 = vector.shape_cast %swap3A_505 : vector<1x16xi32> to vector<16xi32>
        %swap3A_507 = vector.shape_cast %and3A_501 : vector<16xi32> to vector<1x16xi32>
        tpu.vector_store %arg8[%swap3A_503, %swap3A_504], %swap3A_507 {strides = array<i32>} : memref<4x128xi32, #tpu.memory_space<vmem>>, vector<1x16xi32>,
        %get3A_508 = arith.index_cast %add3A_463 : i32 to index
        %get3A_509 = arith.constant 32 : index
        %get3A_510 = tpu.vector_load %arg6[%get3A_508, %get3A_509] {strides = array<i32>} : memref<80x128xi32, #tpu.memory_space<vmem>>, vector<1x16xi32>,
        %get3A_511 = vector.shape_cast %get3A_510 : vector<1x16xi32> to vector<16xi32>
        %shift_right_logical3A_512 = arith.constant 14 : i32
        %shift_right_logical3A_513 = vector.broadcast %shift_right_logical3A_512 : i32 to vector<16xi32>
        %shift_right_logical3A_514 = arith.shrui %get3A_511, %shift_right_logical3A_513 : vector<16xi32>
        %swap3A_515 = arith.constant 3 : i32
        %swap3A_516 = arith.index_cast %swap3A_515 : i32 to index
        %swap3A_517 = arith.constant 32 : index
        %swap3A_518 = tpu.vector_load %arg7[%swap3A_516, %swap3A_517] {strides = array<i32>} : memref<4x128xi32, #tpu.memory_space<vmem>>, vector<1x16xi32>,
        %swap3A_519 = vector.shape_cast %swap3A_518 : vector<1x16xi32> to vector<16xi32>
        %swap3A_520 = vector.shape_cast %shift_right_logical3A_514 : vector<16xi32> to vector<1x16xi32>
        tpu.vector_store %arg7[%swap3A_516, %swap3A_517], %swap3A_520 {strides = array<i32>} : memref<4x128xi32, #tpu.memory_space<vmem>>, vector<1x16xi32>,
        %and3A_521 = arith.constant 16383 : i32
        %and3A_522 = vector.broadcast %and3A_521 : i32 to vector<16xi32>
        %and3A_523 = arith.andi %get3A_511, %and3A_522 : vector<16xi32>
        %swap3A_524 = arith.constant 3 : i32
        %swap3A_525 = arith.index_cast %swap3A_524 : i32 to index
        %swap3A_526 = arith.constant 32 : index
        %swap3A_527 = tpu.vector_load %arg8[%swap3A_525, %swap3A_526] {strides = array<i32>} : memref<4x128xi32, #tpu.memory_space<vmem>>, vector<1x16xi32>,
        %swap3A_528 = vector.shape_cast %swap3A_527 : vector<1x16xi32> to vector<16xi32>
        %swap3A_529 = vector.shape_cast %and3A_523 : vector<16xi32> to vector<1x16xi32>
        tpu.vector_store %arg8[%swap3A_525, %swap3A_526], %swap3A_529 {strides = array<i32>} : memref<4x128xi32, #tpu.memory_space<vmem>>, vector<1x16xi32>,
        %get3A_530 = arith.index_cast %add3A_463 : i32 to index
        %get3A_531 = arith.constant 48 : index
        %get3A_532 = tpu.vector_load %arg6[%get3A_530, %get3A_531] {strides = array<i32>} : memref<80x128xi32, #tpu.memory_space<vmem>>, vector<1x16xi32>,
        %get3A_533 = vector.shape_cast %get3A_532 : vector<1x16xi32> to vector<16xi32>
        %shift_right_logical3A_534 = arith.constant 14 : i32
        %shift_right_logical3A_535 = vector.broadcast %shift_right_logical3A_534 : i32 to vector<16xi32>
        %shift_right_logical3A_536 = arith.shrui %get3A_533, %shift_right_logical3A_535 : vector<16xi32>
        %swap3A_537 = arith.constant 3 : i32
        %swap3A_538 = arith.index_cast %swap3A_537 : i32 to index
        %swap3A_539 = arith.constant 48 : index
        %swap3A_540 = tpu.vector_load %arg7[%swap3A_538, %swap3A_539] {strides = array<i32>} : memref<4x128xi32, #tpu.memory_space<vmem>>, vector<1x16xi32>,
        %swap3A_541 = vector.shape_cast %swap3A_540 : vector<1x16xi32> to vector<16xi32>
        %swap3A_542 = vector.shape_cast %shift_right_logical3A_536 : vector<16xi32> to vector<1x16xi32>
        tpu.vector_store %arg7[%swap3A_538, %swap3A_539], %swap3A_542 {strides = array<i32>} : memref<4x128xi32, #tpu.memory_space<vmem>>, vector<1x16xi32>,
        %and3A_543 = arith.constant 16383 : i32
        %and3A_544 = vector.broadcast %and3A_543 : i32 to vector<16xi32>
        %and3A_545 = arith.andi %get3A_533, %and3A_544 : vector<16xi32>
        %swap3A_546 = arith.constant 3 : i32
        %swap3A_547 = arith.index_cast %swap3A_546 : i32 to index
        %swap3A_548 = arith.constant 48 : index
        %swap3A_549 = tpu.vector_load %arg8[%swap3A_547, %swap3A_548] {strides = array<i32>} : memref<4x128xi32, #tpu.memory_space<vmem>>, vector<1x16xi32>,
        %swap3A_550 = vector.shape_cast %swap3A_549 : vector<1x16xi32> to vector<16xi32>
        %swap3A_551 = vector.shape_cast %and3A_545 : vector<16xi32> to vector<1x16xi32>
        tpu.vector_store %arg8[%swap3A_547, %swap3A_548], %swap3A_551 {strides = array<i32>} : memref<4x128xi32, #tpu.memory_space<vmem>>, vector<1x16xi32>,
        %get3A_552 = arith.index_cast %add3A_463 : i32 to index
        %get3A_553 = arith.constant 64 : index
        %get3A_554 = tpu.vector_load %arg6[%get3A_552, %get3A_553] {strides = array<i32>} : memref<80x128xi32, #tpu.memory_space<vmem>>, vector<1x16xi32>,
        %get3A_555 = vector.shape_cast %get3A_554 : vector<1x16xi32> to vector<16xi32>
        %shift_right_logical3A_556 = arith.constant 14 : i32
        %shift_right_logical3A_557 = vector.broadcast %shift_right_logical3A_556 : i32 to vector<16xi32>
        %shift_right_logical3A_558 = arith.shrui %get3A_555, %shift_right_logical3A_557 : vector<16xi32>
        %swap3A_559 = arith.constant 3 : i32
        %swap3A_560 = arith.index_cast %swap3A_559 : i32 to index
        %swap3A_561 = arith.constant 64 : index
        %swap3A_562 = tpu.vector_load %arg7[%swap3A_560, %swap3A_561] {strides = array<i32>} : memref<4x128xi32, #tpu.memory_space<vmem>>, vector<1x16xi32>,
        %swap3A_563 = vector.shape_cast %swap3A_562 : vector<1x16xi32> to vector<16xi32>
        %swap3A_564 = vector.shape_cast %shift_right_logical3A_558 : vector<16xi32> to vector<1x16xi32>
        tpu.vector_store %arg7[%swap3A_560, %swap3A_561], %swap3A_564 {strides = array<i32>} : memref<4x128xi32, #tpu.memory_space<vmem>>, vector<1x16xi32>,
        %and3A_565 = arith.constant 16383 : i32
        %and3A_566 = vector.broadcast %and3A_565 : i32 to vector<16xi32>
        %and3A_567 = arith.andi %get3A_555, %and3A_566 : vector<16xi32>
        %swap3A_568 = arith.constant 3 : i32
        %swap3A_569 = arith.index_cast %swap3A_568 : i32 to index
        %swap3A_570 = arith.constant 64 : index
        %swap3A_571 = tpu.vector_load %arg8[%swap3A_569, %swap3A_570] {strides = array<i32>} : memref<4x128xi32, #tpu.memory_space<vmem>>, vector<1x16xi32>,
        %swap3A_572 = vector.shape_cast %swap3A_571 : vector<1x16xi32> to vector<16xi32>
        %swap3A_573 = vector.shape_cast %and3A_567 : vector<16xi32> to vector<1x16xi32>
        tpu.vector_store %arg8[%swap3A_569, %swap3A_570], %swap3A_573 {strides = array<i32>} : memref<4x128xi32, #tpu.memory_space<vmem>>, vector<1x16xi32>,
        %get3A_574 = arith.index_cast %add3A_463 : i32 to index
        %get3A_575 = arith.constant 80 : index
        %get3A_576 = tpu.vector_load %arg6[%get3A_574, %get3A_575] {strides = array<i32>} : memref<80x128xi32, #tpu.memory_space<vmem>>, vector<1x16xi32>,
        %get3A_577 = vector.shape_cast %get3A_576 : vector<1x16xi32> to vector<16xi32>
        %shift_right_logical3A_578 = arith.constant 14 : i32
        %shift_right_logical3A_579 = vector.broadcast %shift_right_logical3A_578 : i32 to vector<16xi32>
        %shift_right_logical3A_580 = arith.shrui %get3A_577, %shift_right_logical3A_579 : vector<16xi32>
        %swap3A_581 = arith.constant 3 : i32
        %swap3A_582 = arith.index_cast %swap3A_581 : i32 to index
        %swap3A_583 = arith.constant 80 : index
        %swap3A_584 = tpu.vector_load %arg7[%swap3A_582, %swap3A_583] {strides = array<i32>} : memref<4x128xi32, #tpu.memory_space<vmem>>, vector<1x16xi32>,
        %swap3A_585 = vector.shape_cast %swap3A_584 : vector<1x16xi32> to vector<16xi32>
        %swap3A_586 = vector.shape_cast %shift_right_logical3A_580 : vector<16xi32> to vector<1x16xi32>
        tpu.vector_store %arg7[%swap3A_582, %swap3A_583], %swap3A_586 {strides = array<i32>} : memref<4x128xi32, #tpu.memory_space<vmem>>, vector<1x16xi32>,
        %and3A_587 = arith.constant 16383 : i32
        %and3A_588 = vector.broadcast %and3A_587 : i32 to vector<16xi32>
        %and3A_589 = arith.andi %get3A_577, %and3A_588 : vector<16xi32>
        %swap3A_590 = arith.constant 3 : i32
        %swap3A_591 = arith.index_cast %swap3A_590 : i32 to index
        %swap3A_592 = arith.constant 80 : index
        %swap3A_593 = tpu.vector_load %arg8[%swap3A_591, %swap3A_592] {strides = array<i32>} : memref<4x128xi32, #tpu.memory_space<vmem>>, vector<1x16xi32>,
        %swap3A_594 = vector.shape_cast %swap3A_593 : vector<1x16xi32> to vector<16xi32>
        %swap3A_595 = vector.shape_cast %and3A_589 : vector<16xi32> to vector<1x16xi32>
        tpu.vector_store %arg8[%swap3A_591, %swap3A_592], %swap3A_595 {strides = array<i32>} : memref<4x128xi32, #tpu.memory_space<vmem>>, vector<1x16xi32>,
        %get3A_596 = arith.index_cast %add3A_463 : i32 to index
        %get3A_597 = arith.constant 96 : index
        %get3A_598 = tpu.vector_load %arg6[%get3A_596, %get3A_597] {strides = array<i32>} : memref<80x128xi32, #tpu.memory_space<vmem>>, vector<1x16xi32>,
        %get3A_599 = vector.shape_cast %get3A_598 : vector<1x16xi32> to vector<16xi32>
        %shift_right_logical3A_600 = arith.constant 14 : i32
        %shift_right_logical3A_601 = vector.broadcast %shift_right_logical3A_600 : i32 to vector<16xi32>
        %shift_right_logical3A_602 = arith.shrui %get3A_599, %shift_right_logical3A_601 : vector<16xi32>
        %swap3A_603 = arith.constant 3 : i32
        %swap3A_604 = arith.index_cast %swap3A_603 : i32 to index
        %swap3A_605 = arith.constant 96 : index
        %swap3A_606 = tpu.vector_load %arg7[%swap3A_604, %swap3A_605] {strides = array<i32>} : memref<4x128xi32, #tpu.memory_space<vmem>>, vector<1x16xi32>,
        %swap3A_607 = vector.shape_cast %swap3A_606 : vector<1x16xi32> to vector<16xi32>
        %swap3A_608 = vector.shape_cast %shift_right_logical3A_602 : vector<16xi32> to vector<1x16xi32>
        tpu.vector_store %arg7[%swap3A_604, %swap3A_605], %swap3A_608 {strides = array<i32>} : memref<4x128xi32, #tpu.memory_space<vmem>>, vector<1x16xi32>,
        %and3A_609 = arith.constant 16383 : i32
        %and3A_610 = vector.broadcast %and3A_609 : i32 to vector<16xi32>
        %and3A_611 = arith.andi %get3A_599, %and3A_610 : vector<16xi32>
        %swap3A_612 = arith.constant 3 : i32
        %swap3A_613 = arith.index_cast %swap3A_612 : i32 to index
        %swap3A_614 = arith.constant 96 : index
        %swap3A_615 = tpu.vector_load %arg8[%swap3A_613, %swap3A_614] {strides = array<i32>} : memref<4x128xi32, #tpu.memory_space<vmem>>, vector<1x16xi32>,
        %swap3A_616 = vector.shape_cast %swap3A_615 : vector<1x16xi32> to vector<16xi32>
        %swap3A_617 = vector.shape_cast %and3A_611 : vector<16xi32> to vector<1x16xi32>
        tpu.vector_store %arg8[%swap3A_613, %swap3A_614], %swap3A_617 {strides = array<i32>} : memref<4x128xi32, #tpu.memory_space<vmem>>, vector<1x16xi32>,
        %get3A_618 = arith.index_cast %add3A_463 : i32 to index
        %get3A_619 = arith.constant 112 : index
        %get3A_620 = tpu.vector_load %arg6[%get3A_618, %get3A_619] {strides = array<i32>} : memref<80x128xi32, #tpu.memory_space<vmem>>, vector<1x16xi32>,
        %get3A_621 = vector.shape_cast %get3A_620 : vector<1x16xi32> to vector<16xi32>
        %shift_right_logical3A_622 = arith.constant 14 : i32
        %shift_right_logical3A_623 = vector.broadcast %shift_right_logical3A_622 : i32 to vector<16xi32>
        %shift_right_logical3A_624 = arith.shrui %get3A_621, %shift_right_logical3A_623 : vector<16xi32>
        %swap3A_625 = arith.constant 3 : i32
        %swap3A_626 = arith.index_cast %swap3A_625 : i32 to index
        %swap3A_627 = arith.constant 112 : index
        %swap3A_628 = tpu.vector_load %arg7[%swap3A_626, %swap3A_627] {strides = array<i32>} : memref<4x128xi32, #tpu.memory_space<vmem>>, vector<1x16xi32>,
        %swap3A_629 = vector.shape_cast %swap3A_628 : vector<1x16xi32> to vector<16xi32>
        %swap3A_630 = vector.shape_cast %shift_right_logical3A_624 : vector<16xi32> to vector<1x16xi32>
        tpu.vector_store %arg7[%swap3A_626, %swap3A_627], %swap3A_630 {strides = array<i32>} : memref<4x128xi32, #tpu.memory_space<vmem>>, vector<1x16xi32>,
        %and3A_631 = arith.constant 16383 : i32
        %and3A_632 = vector.broadcast %and3A_631 : i32 to vector<16xi32>
        %and3A_633 = arith.andi %get3A_621, %and3A_632 : vector<16xi32>
        %swap3A_634 = arith.constant 3 : i32
        %swap3A_635 = arith.index_cast %swap3A_634 : i32 to index
        %swap3A_636 = arith.constant 112 : index
        %swap3A_637 = tpu.vector_load %arg8[%swap3A_635, %swap3A_636] {strides = array<i32>} : memref<4x128xi32, #tpu.memory_space<vmem>>, vector<1x16xi32>,
        %swap3A_638 = vector.shape_cast %swap3A_637 : vector<1x16xi32> to vector<16xi32>
        %swap3A_639 = vector.shape_cast %and3A_633 : vector<16xi32> to vector<1x16xi32>
        tpu.vector_store %arg8[%swap3A_635, %swap3A_636], %swap3A_639 {strides = array<i32>} : memref<4x128xi32, #tpu.memory_space<vmem>>, vector<1x16xi32>,
        %dma_start3A_640 = arith.constant 3 : i32
        %dma_start3A_641 = arith.constant 0 : i32
        %dma_start3A_642 = tpu.memref_slice %arg7[%dma_start3A_640, %dma_start3A_641] : memref<4x128xi32, #tpu.memory_space<vmem>> -> memref<1x128xi32, #tpu.memory_space<vmem>>
        %dma_start3A_643 = tpu.memref_squeeze %dma_start3A_642 : memref<1x128xi32, #tpu.memory_space<vmem>> -> memref<128xi32, #tpu.memory_space<vmem>>
        %dma_start3A_644 = arith.constant 0 : i32
        %dma_start3A_645 = arith.constant 0 : i32
        %dma_start3A_646 = tpu.memref_slice %arg2[%dma_start3A_644, %dma_start3A_645] : memref<10000x128xf32, #tpu.memory_space<hbm>> -> memref<10000x128xf32, #tpu.memory_space<hbm>>
        tpu.enqueue_indirect_dma source(%dma_start3A_646 : memref<10000x128xf32, #tpu.memory_space<hbm>>) target(%arg10 : memref<128x128xf32, #tpu.memory_space<vmem>>) offsets(%dma_start3A_643 : memref<128xi32, #tpu.memory_space<vmem>>) semaphore(%arg13 : memref<!tpu.dma_semaphore, #tpu.memory_space<semaphore_mem>>)
      } else {
      }
      %mul3A_424 = arith.constant 4 : i32
      %mul3A_425 = arith.muli %scan3A_390, %mul3A_424 : i32
      %add3A_426 = arith.constant 2 : i32
      %add3A_427 = arith.addi %mul3A_425, %add3A_426 : i32
      %dma_wait3A_428 = arith.constant 2 : i32
      %dma_wait3A_429 = arith.constant 0 : i32
      %dma_wait3A_430 = tpu.memref_slice %arg7[%dma_wait3A_428, %dma_wait3A_429] : memref<4x128xi32, #tpu.memory_space<vmem>> -> memref<1x128xi32, #tpu.memory_space<vmem>>
      %dma_wait3A_431 = tpu.memref_squeeze %dma_wait3A_430 : memref<1x128xi32, #tpu.memory_space<vmem>> -> memref<128xi32, #tpu.memory_space<vmem>>
      %dma_wait3A_432 = arith.constant 0 : i32
      %dma_wait3A_433 = arith.constant 0 : i32
      %dma_wait3A_434 = tpu.memref_slice %arg2[%dma_wait3A_432, %dma_wait3A_433] : memref<10000x128xf32, #tpu.memory_space<hbm>> -> memref<10000x128xf32, #tpu.memory_space<hbm>>
      tpu.wait_indirect_dma semaphore(%arg12 : memref<!tpu.dma_semaphore, #tpu.memory_space<semaphore_mem>>) src(%dma_wait3A_434 : memref<10000x128xf32, #tpu.memory_space<hbm>>) dst(%arg9 : memref<128x128xf32, #tpu.memory_space<vmem>>)
      %run_scoped3A_435 = arith.constant 2 : i32
      "tpu.region"() ({
        %run_scoped3A_462 = tpu.sem_alloc : memref<!tpu.dma_semaphore, #tpu.memory_space<semaphore_mem>>
        %dma_start3A_463 = arith.constant 0 : i32
        %dma_start3A_464 = tpu.memref_slice %arg8[%run_scoped3A_435, %dma_start3A_463] : memref<4x128xi32, #tpu.memory_space<vmem>> -> memref<1x128xi32, #tpu.memory_space<vmem>>
        %dma_start3A_465 = tpu.memref_squeeze %dma_start3A_464 : memref<1x128xi32, #tpu.memory_space<vmem>> -> memref<128xi32, #tpu.memory_space<vmem>>
        %dma_start3A_466 = arith.constant 0 : i32
        %dma_start3A_467 = arith.constant 0 : i32
        %dma_start3A_468 = tpu.memref_slice %arg11[%dma_start3A_466, %dma_start3A_467] : memref<10240x128xf32, #tpu.memory_space<vmem_shared>> -> memref<10240x128xf32, #tpu.memory_space<vmem_shared>>
        tpu.enqueue_indirect_dma source(%arg9 : memref<128x128xf32, #tpu.memory_space<vmem>>) target(%dma_start3A_468 : memref<10240x128xf32, #tpu.memory_space<vmem_shared>>) offsets(%dma_start3A_465 : memref<128xi32, #tpu.memory_space<vmem>>) semaphore(%run_scoped3A_462 : memref<!tpu.dma_semaphore, #tpu.memory_space<semaphore_mem>>) {add = true}
        %dma_wait3A_469 = arith.constant 0 : i32
        %dma_wait3A_470 = tpu.memref_slice %arg8[%run_scoped3A_435, %dma_wait3A_469] : memref<4x128xi32, #tpu.memory_space<vmem>> -> memref<1x128xi32, #tpu.memory_space<vmem>>
        %dma_wait3A_471 = tpu.memref_squeeze %dma_wait3A_470 : memref<1x128xi32, #tpu.memory_space<vmem>> -> memref<128xi32, #tpu.memory_space<vmem>>
        %dma_wait3A_472 = arith.constant 0 : i32
        %dma_wait3A_473 = arith.constant 0 : i32
        %dma_wait3A_474 = tpu.memref_slice %arg11[%dma_wait3A_472, %dma_wait3A_473] : memref<10240x128xf32, #tpu.memory_space<vmem_shared>> -> memref<10240x128xf32, #tpu.memory_space<vmem_shared>>
        tpu.wait_indirect_dma semaphore(%run_scoped3A_462 : memref<!tpu.dma_semaphore, #tpu.memory_space<semaphore_mem>>) src(%arg9 : memref<128x128xf32, #tpu.memory_space<vmem>>) dst(%dma_wait3A_474 : memref<10240x128xf32, #tpu.memory_space<vmem_shared>>)
        tpu.yield
      }) : () -> ()
      %add3A_436 = arith.constant 2 : i32
      %add3A_437 = arith.addi %add3A_427, %add3A_436 : i32
      %lt3A_438 = arith.constant 80 : i32
      %lt3A_439 = arith.cmpi slt, %add3A_437, %lt3A_438 : i32
      %convert_element_type3A_440 = arith.extui %lt3A_439 : i1 to i32
      %cond3A_441 = arith.constant 0 : i32
      %cond3A_442 = arith.cmpi ne, %convert_element_type3A_440, %cond3A_441 : i32
      scf.if %cond3A_442 {
        %add3A_462 = arith.constant 2 : i32
        %add3A_463 = arith.addi %add3A_427, %add3A_462 : i32
        %get3A_464 = arith.index_cast %add3A_463 : i32 to index
        %get3A_465 = arith.constant 0 : index
        %get3A_466 = tpu.vector_load %arg6[%get3A_464, %get3A_465] {strides = array<i32>} : memref<80x128xi32, #tpu.memory_space<vmem>>, vector<1x16xi32>,
        %get3A_467 = vector.shape_cast %get3A_466 : vector<1x16xi32> to vector<16xi32>
        %shift_right_logical3A_468 = arith.constant 14 : i32
        %shift_right_logical3A_469 = vector.broadcast %shift_right_logical3A_468 : i32 to vector<16xi32>
        %shift_right_logical3A_470 = arith.shrui %get3A_467, %shift_right_logical3A_469 : vector<16xi32>
        %swap3A_471 = arith.constant 0 : i32
        %swap3A_472 = arith.index_cast %swap3A_471 : i32 to index
        %swap3A_473 = arith.constant 0 : index
        %swap3A_474 = tpu.vector_load %arg7[%swap3A_472, %swap3A_473] {strides = array<i32>} : memref<4x128xi32, #tpu.memory_space<vmem>>, vector<1x16xi32>,
        %swap3A_475 = vector.shape_cast %swap3A_474 : vector<1x16xi32> to vector<16xi32>
        %swap3A_476 = vector.shape_cast %shift_right_logical3A_470 : vector<16xi32> to vector<1x16xi32>
        tpu.vector_store %arg7[%swap3A_472, %swap3A_473], %swap3A_476 {strides = array<i32>} : memref<4x128xi32, #tpu.memory_space<vmem>>, vector<1x16xi32>,
        %and3A_477 = arith.constant 16383 : i32
        %and3A_478 = vector.broadcast %and3A_477 : i32 to vector<16xi32>
        %and3A_479 = arith.andi %get3A_467, %and3A_478 : vector<16xi32>
        %swap3A_480 = arith.constant 0 : i32
        %swap3A_481 = arith.index_cast %swap3A_480 : i32 to index
        %swap3A_482 = arith.constant 0 : index
        %swap3A_483 = tpu.vector_load %arg8[%swap3A_481, %swap3A_482] {strides = array<i32>} : memref<4x128xi32, #tpu.memory_space<vmem>>, vector<1x16xi32>,
        %swap3A_484 = vector.shape_cast %swap3A_483 : vector<1x16xi32> to vector<16xi32>
        %swap3A_485 = vector.shape_cast %and3A_479 : vector<16xi32> to vector<1x16xi32>
        tpu.vector_store %arg8[%swap3A_481, %swap3A_482], %swap3A_485 {strides = array<i32>} : memref<4x128xi32, #tpu.memory_space<vmem>>, vector<1x16xi32>,
        %get3A_486 = arith.index_cast %add3A_463 : i32 to index
        %get3A_487 = arith.constant 16 : index
        %get3A_488 = tpu.vector_load %arg6[%get3A_486, %get3A_487] {strides = array<i32>} : memref<80x128xi32, #tpu.memory_space<vmem>>, vector<1x16xi32>,
        %get3A_489 = vector.shape_cast %get3A_488 : vector<1x16xi32> to vector<16xi32>
        %shift_right_logical3A_490 = arith.constant 14 : i32
        %shift_right_logical3A_491 = vector.broadcast %shift_right_logical3A_490 : i32 to vector<16xi32>
        %shift_right_logical3A_492 = arith.shrui %get3A_489, %shift_right_logical3A_491 : vector<16xi32>
        %swap3A_493 = arith.constant 0 : i32
        %swap3A_494 = arith.index_cast %swap3A_493 : i32 to index
        %swap3A_495 = arith.constant 16 : index
        %swap3A_496 = tpu.vector_load %arg7[%swap3A_494, %swap3A_495] {strides = array<i32>} : memref<4x128xi32, #tpu.memory_space<vmem>>, vector<1x16xi32>,
        %swap3A_497 = vector.shape_cast %swap3A_496 : vector<1x16xi32> to vector<16xi32>
        %swap3A_498 = vector.shape_cast %shift_right_logical3A_492 : vector<16xi32> to vector<1x16xi32>
        tpu.vector_store %arg7[%swap3A_494, %swap3A_495], %swap3A_498 {strides = array<i32>} : memref<4x128xi32, #tpu.memory_space<vmem>>, vector<1x16xi32>,
        %and3A_499 = arith.constant 16383 : i32
        %and3A_500 = vector.broadcast %and3A_499 : i32 to vector<16xi32>
        %and3A_501 = arith.andi %get3A_489, %and3A_500 : vector<16xi32>
        %swap3A_502 = arith.constant 0 : i32
        %swap3A_503 = arith.index_cast %swap3A_502 : i32 to index
        %swap3A_504 = arith.constant 16 : index
        %swap3A_505 = tpu.vector_load %arg8[%swap3A_503, %swap3A_504] {strides = array<i32>} : memref<4x128xi32, #tpu.memory_space<vmem>>, vector<1x16xi32>,
        %swap3A_506 = vector.shape_cast %swap3A_505 : vector<1x16xi32> to vector<16xi32>
        %swap3A_507 = vector.shape_cast %and3A_501 : vector<16xi32> to vector<1x16xi32>
        tpu.vector_store %arg8[%swap3A_503, %swap3A_504], %swap3A_507 {strides = array<i32>} : memref<4x128xi32, #tpu.memory_space<vmem>>, vector<1x16xi32>,
        %get3A_508 = arith.index_cast %add3A_463 : i32 to index
        %get3A_509 = arith.constant 32 : index
        %get3A_510 = tpu.vector_load %arg6[%get3A_508, %get3A_509] {strides = array<i32>} : memref<80x128xi32, #tpu.memory_space<vmem>>, vector<1x16xi32>,
        %get3A_511 = vector.shape_cast %get3A_510 : vector<1x16xi32> to vector<16xi32>
        %shift_right_logical3A_512 = arith.constant 14 : i32
        %shift_right_logical3A_513 = vector.broadcast %shift_right_logical3A_512 : i32 to vector<16xi32>
        %shift_right_logical3A_514 = arith.shrui %get3A_511, %shift_right_logical3A_513 : vector<16xi32>
        %swap3A_515 = arith.constant 0 : i32
        %swap3A_516 = arith.index_cast %swap3A_515 : i32 to index
        %swap3A_517 = arith.constant 32 : index
        %swap3A_518 = tpu.vector_load %arg7[%swap3A_516, %swap3A_517] {strides = array<i32>} : memref<4x128xi32, #tpu.memory_space<vmem>>, vector<1x16xi32>,
        %swap3A_519 = vector.shape_cast %swap3A_518 : vector<1x16xi32> to vector<16xi32>
        %swap3A_520 = vector.shape_cast %shift_right_logical3A_514 : vector<16xi32> to vector<1x16xi32>
        tpu.vector_store %arg7[%swap3A_516, %swap3A_517], %swap3A_520 {strides = array<i32>} : memref<4x128xi32, #tpu.memory_space<vmem>>, vector<1x16xi32>,
        %and3A_521 = arith.constant 16383 : i32
        %and3A_522 = vector.broadcast %and3A_521 : i32 to vector<16xi32>
        %and3A_523 = arith.andi %get3A_511, %and3A_522 : vector<16xi32>
        %swap3A_524 = arith.constant 0 : i32
        %swap3A_525 = arith.index_cast %swap3A_524 : i32 to index
        %swap3A_526 = arith.constant 32 : index
        %swap3A_527 = tpu.vector_load %arg8[%swap3A_525, %swap3A_526] {strides = array<i32>} : memref<4x128xi32, #tpu.memory_space<vmem>>, vector<1x16xi32>,
        %swap3A_528 = vector.shape_cast %swap3A_527 : vector<1x16xi32> to vector<16xi32>
        %swap3A_529 = vector.shape_cast %and3A_523 : vector<16xi32> to vector<1x16xi32>
        tpu.vector_store %arg8[%swap3A_525, %swap3A_526], %swap3A_529 {strides = array<i32>} : memref<4x128xi32, #tpu.memory_space<vmem>>, vector<1x16xi32>,
        %get3A_530 = arith.index_cast %add3A_463 : i32 to index
        %get3A_531 = arith.constant 48 : index
        %get3A_532 = tpu.vector_load %arg6[%get3A_530, %get3A_531] {strides = array<i32>} : memref<80x128xi32, #tpu.memory_space<vmem>>, vector<1x16xi32>,
        %get3A_533 = vector.shape_cast %get3A_532 : vector<1x16xi32> to vector<16xi32>
        %shift_right_logical3A_534 = arith.constant 14 : i32
        %shift_right_logical3A_535 = vector.broadcast %shift_right_logical3A_534 : i32 to vector<16xi32>
        %shift_right_logical3A_536 = arith.shrui %get3A_533, %shift_right_logical3A_535 : vector<16xi32>
        %swap3A_537 = arith.constant 0 : i32
        %swap3A_538 = arith.index_cast %swap3A_537 : i32 to index
        %swap3A_539 = arith.constant 48 : index
        %swap3A_540 = tpu.vector_load %arg7[%swap3A_538, %swap3A_539] {strides = array<i32>} : memref<4x128xi32, #tpu.memory_space<vmem>>, vector<1x16xi32>,
        %swap3A_541 = vector.shape_cast %swap3A_540 : vector<1x16xi32> to vector<16xi32>
        %swap3A_542 = vector.shape_cast %shift_right_logical3A_536 : vector<16xi32> to vector<1x16xi32>
        tpu.vector_store %arg7[%swap3A_538, %swap3A_539], %swap3A_542 {strides = array<i32>} : memref<4x128xi32, #tpu.memory_space<vmem>>, vector<1x16xi32>,
        %and3A_543 = arith.constant 16383 : i32
        %and3A_544 = vector.broadcast %and3A_543 : i32 to vector<16xi32>
        %and3A_545 = arith.andi %get3A_533, %and3A_544 : vector<16xi32>
        %swap3A_546 = arith.constant 0 : i32
        %swap3A_547 = arith.index_cast %swap3A_546 : i32 to index
        %swap3A_548 = arith.constant 48 : index
        %swap3A_549 = tpu.vector_load %arg8[%swap3A_547, %swap3A_548] {strides = array<i32>} : memref<4x128xi32, #tpu.memory_space<vmem>>, vector<1x16xi32>,
        %swap3A_550 = vector.shape_cast %swap3A_549 : vector<1x16xi32> to vector<16xi32>
        %swap3A_551 = vector.shape_cast %and3A_545 : vector<16xi32> to vector<1x16xi32>
        tpu.vector_store %arg8[%swap3A_547, %swap3A_548], %swap3A_551 {strides = array<i32>} : memref<4x128xi32, #tpu.memory_space<vmem>>, vector<1x16xi32>,
        %get3A_552 = arith.index_cast %add3A_463 : i32 to index
        %get3A_553 = arith.constant 64 : index
        %get3A_554 = tpu.vector_load %arg6[%get3A_552, %get3A_553] {strides = array<i32>} : memref<80x128xi32, #tpu.memory_space<vmem>>, vector<1x16xi32>,
        %get3A_555 = vector.shape_cast %get3A_554 : vector<1x16xi32> to vector<16xi32>
        %shift_right_logical3A_556 = arith.constant 14 : i32
        %shift_right_logical3A_557 = vector.broadcast %shift_right_logical3A_556 : i32 to vector<16xi32>
        %shift_right_logical3A_558 = arith.shrui %get3A_555, %shift_right_logical3A_557 : vector<16xi32>
        %swap3A_559 = arith.constant 0 : i32
        %swap3A_560 = arith.index_cast %swap3A_559 : i32 to index
        %swap3A_561 = arith.constant 64 : index
        %swap3A_562 = tpu.vector_load %arg7[%swap3A_560, %swap3A_561] {strides = array<i32>} : memref<4x128xi32, #tpu.memory_space<vmem>>, vector<1x16xi32>,
        %swap3A_563 = vector.shape_cast %swap3A_562 : vector<1x16xi32> to vector<16xi32>
        %swap3A_564 = vector.shape_cast %shift_right_logical3A_558 : vector<16xi32> to vector<1x16xi32>
        tpu.vector_store %arg7[%swap3A_560, %swap3A_561], %swap3A_564 {strides = array<i32>} : memref<4x128xi32, #tpu.memory_space<vmem>>, vector<1x16xi32>,
        %and3A_565 = arith.constant 16383 : i32
        %and3A_566 = vector.broadcast %and3A_565 : i32 to vector<16xi32>
        %and3A_567 = arith.andi %get3A_555, %and3A_566 : vector<16xi32>
        %swap3A_568 = arith.constant 0 : i32
        %swap3A_569 = arith.index_cast %swap3A_568 : i32 to index
        %swap3A_570 = arith.constant 64 : index
        %swap3A_571 = tpu.vector_load %arg8[%swap3A_569, %swap3A_570] {strides = array<i32>} : memref<4x128xi32, #tpu.memory_space<vmem>>, vector<1x16xi32>,
        %swap3A_572 = vector.shape_cast %swap3A_571 : vector<1x16xi32> to vector<16xi32>
        %swap3A_573 = vector.shape_cast %and3A_567 : vector<16xi32> to vector<1x16xi32>
        tpu.vector_store %arg8[%swap3A_569, %swap3A_570], %swap3A_573 {strides = array<i32>} : memref<4x128xi32, #tpu.memory_space<vmem>>, vector<1x16xi32>,
        %get3A_574 = arith.index_cast %add3A_463 : i32 to index
        %get3A_575 = arith.constant 80 : index
        %get3A_576 = tpu.vector_load %arg6[%get3A_574, %get3A_575] {strides = array<i32>} : memref<80x128xi32, #tpu.memory_space<vmem>>, vector<1x16xi32>,
        %get3A_577 = vector.shape_cast %get3A_576 : vector<1x16xi32> to vector<16xi32>
        %shift_right_logical3A_578 = arith.constant 14 : i32
        %shift_right_logical3A_579 = vector.broadcast %shift_right_logical3A_578 : i32 to vector<16xi32>
        %shift_right_logical3A_580 = arith.shrui %get3A_577, %shift_right_logical3A_579 : vector<16xi32>
        %swap3A_581 = arith.constant 0 : i32
        %swap3A_582 = arith.index_cast %swap3A_581 : i32 to index
        %swap3A_583 = arith.constant 80 : index
        %swap3A_584 = tpu.vector_load %arg7[%swap3A_582, %swap3A_583] {strides = array<i32>} : memref<4x128xi32, #tpu.memory_space<vmem>>, vector<1x16xi32>,
        %swap3A_585 = vector.shape_cast %swap3A_584 : vector<1x16xi32> to vector<16xi32>
        %swap3A_586 = vector.shape_cast %shift_right_logical3A_580 : vector<16xi32> to vector<1x16xi32>
        tpu.vector_store %arg7[%swap3A_582, %swap3A_583], %swap3A_586 {strides = array<i32>} : memref<4x128xi32, #tpu.memory_space<vmem>>, vector<1x16xi32>,
        %and3A_587 = arith.constant 16383 : i32
        %and3A_588 = vector.broadcast %and3A_587 : i32 to vector<16xi32>
        %and3A_589 = arith.andi %get3A_577, %and3A_588 : vector<16xi32>
        %swap3A_590 = arith.constant 0 : i32
        %swap3A_591 = arith.index_cast %swap3A_590 : i32 to index
        %swap3A_592 = arith.constant 80 : index
        %swap3A_593 = tpu.vector_load %arg8[%swap3A_591, %swap3A_592] {strides = array<i32>} : memref<4x128xi32, #tpu.memory_space<vmem>>, vector<1x16xi32>,
        %swap3A_594 = vector.shape_cast %swap3A_593 : vector<1x16xi32> to vector<16xi32>
        %swap3A_595 = vector.shape_cast %and3A_589 : vector<16xi32> to vector<1x16xi32>
        tpu.vector_store %arg8[%swap3A_591, %swap3A_592], %swap3A_595 {strides = array<i32>} : memref<4x128xi32, #tpu.memory_space<vmem>>, vector<1x16xi32>,
        %get3A_596 = arith.index_cast %add3A_463 : i32 to index
        %get3A_597 = arith.constant 96 : index
        %get3A_598 = tpu.vector_load %arg6[%get3A_596, %get3A_597] {strides = array<i32>} : memref<80x128xi32, #tpu.memory_space<vmem>>, vector<1x16xi32>,
        %get3A_599 = vector.shape_cast %get3A_598 : vector<1x16xi32> to vector<16xi32>
        %shift_right_logical3A_600 = arith.constant 14 : i32
        %shift_right_logical3A_601 = vector.broadcast %shift_right_logical3A_600 : i32 to vector<16xi32>
        %shift_right_logical3A_602 = arith.shrui %get3A_599, %shift_right_logical3A_601 : vector<16xi32>
        %swap3A_603 = arith.constant 0 : i32
        %swap3A_604 = arith.index_cast %swap3A_603 : i32 to index
        %swap3A_605 = arith.constant 96 : index
        %swap3A_606 = tpu.vector_load %arg7[%swap3A_604, %swap3A_605] {strides = array<i32>} : memref<4x128xi32, #tpu.memory_space<vmem>>, vector<1x16xi32>,
        %swap3A_607 = vector.shape_cast %swap3A_606 : vector<1x16xi32> to vector<16xi32>
        %swap3A_608 = vector.shape_cast %shift_right_logical3A_602 : vector<16xi32> to vector<1x16xi32>
        tpu.vector_store %arg7[%swap3A_604, %swap3A_605], %swap3A_608 {strides = array<i32>} : memref<4x128xi32, #tpu.memory_space<vmem>>, vector<1x16xi32>,
        %and3A_609 = arith.constant 16383 : i32
        %and3A_610 = vector.broadcast %and3A_609 : i32 to vector<16xi32>
        %and3A_611 = arith.andi %get3A_599, %and3A_610 : vector<16xi32>
        %swap3A_612 = arith.constant 0 : i32
        %swap3A_613 = arith.index_cast %swap3A_612 : i32 to index
        %swap3A_614 = arith.constant 96 : index
        %swap3A_615 = tpu.vector_load %arg8[%swap3A_613, %swap3A_614] {strides = array<i32>} : memref<4x128xi32, #tpu.memory_space<vmem>>, vector<1x16xi32>,
        %swap3A_616 = vector.shape_cast %swap3A_615 : vector<1x16xi32> to vector<16xi32>
        %swap3A_617 = vector.shape_cast %and3A_611 : vector<16xi32> to vector<1x16xi32>
        tpu.vector_store %arg8[%swap3A_613, %swap3A_614], %swap3A_617 {strides = array<i32>} : memref<4x128xi32, #tpu.memory_space<vmem>>, vector<1x16xi32>,
        %get3A_618 = arith.index_cast %add3A_463 : i32 to index
        %get3A_619 = arith.constant 112 : index
        %get3A_620 = tpu.vector_load %arg6[%get3A_618, %get3A_619] {strides = array<i32>} : memref<80x128xi32, #tpu.memory_space<vmem>>, vector<1x16xi32>,
        %get3A_621 = vector.shape_cast %get3A_620 : vector<1x16xi32> to vector<16xi32>
        %shift_right_logical3A_622 = arith.constant 14 : i32
        %shift_right_logical3A_623 = vector.broadcast %shift_right_logical3A_622 : i32 to vector<16xi32>
        %shift_right_logical3A_624 = arith.shrui %get3A_621, %shift_right_logical3A_623 : vector<16xi32>
        %swap3A_625 = arith.constant 0 : i32
        %swap3A_626 = arith.index_cast %swap3A_625 : i32 to index
        %swap3A_627 = arith.constant 112 : index
        %swap3A_628 = tpu.vector_load %arg7[%swap3A_626, %swap3A_627] {strides = array<i32>} : memref<4x128xi32, #tpu.memory_space<vmem>>, vector<1x16xi32>,
        %swap3A_629 = vector.shape_cast %swap3A_628 : vector<1x16xi32> to vector<16xi32>
        %swap3A_630 = vector.shape_cast %shift_right_logical3A_624 : vector<16xi32> to vector<1x16xi32>
        tpu.vector_store %arg7[%swap3A_626, %swap3A_627], %swap3A_630 {strides = array<i32>} : memref<4x128xi32, #tpu.memory_space<vmem>>, vector<1x16xi32>,
        %and3A_631 = arith.constant 16383 : i32
        %and3A_632 = vector.broadcast %and3A_631 : i32 to vector<16xi32>
        %and3A_633 = arith.andi %get3A_621, %and3A_632 : vector<16xi32>
        %swap3A_634 = arith.constant 0 : i32
        %swap3A_635 = arith.index_cast %swap3A_634 : i32 to index
        %swap3A_636 = arith.constant 112 : index
        %swap3A_637 = tpu.vector_load %arg8[%swap3A_635, %swap3A_636] {strides = array<i32>} : memref<4x128xi32, #tpu.memory_space<vmem>>, vector<1x16xi32>,
        %swap3A_638 = vector.shape_cast %swap3A_637 : vector<1x16xi32> to vector<16xi32>
        %swap3A_639 = vector.shape_cast %and3A_633 : vector<16xi32> to vector<1x16xi32>
        tpu.vector_store %arg8[%swap3A_635, %swap3A_636], %swap3A_639 {strides = array<i32>} : memref<4x128xi32, #tpu.memory_space<vmem>>, vector<1x16xi32>,
        %dma_start3A_640 = arith.constant 0 : i32
        %dma_start3A_641 = arith.constant 0 : i32
        %dma_start3A_642 = tpu.memref_slice %arg7[%dma_start3A_640, %dma_start3A_641] : memref<4x128xi32, #tpu.memory_space<vmem>> -> memref<1x128xi32, #tpu.memory_space<vmem>>
        %dma_start3A_643 = tpu.memref_squeeze %dma_start3A_642 : memref<1x128xi32, #tpu.memory_space<vmem>> -> memref<128xi32, #tpu.memory_space<vmem>>
        %dma_start3A_644 = arith.constant 0 : i32
        %dma_start3A_645 = arith.constant 0 : i32
        %dma_start3A_646 = tpu.memref_slice %arg2[%dma_start3A_644, %dma_start3A_645] : memref<10000x128xf32, #tpu.memory_space<hbm>> -> memref<10000x128xf32, #tpu.memory_space<hbm>>
        tpu.enqueue_indirect_dma source(%dma_start3A_646 : memref<10000x128xf32, #tpu.memory_space<hbm>>) target(%arg9 : memref<128x128xf32, #tpu.memory_space<vmem>>) offsets(%dma_start3A_643 : memref<128xi32, #tpu.memory_space<vmem>>) semaphore(%arg12 : memref<!tpu.dma_semaphore, #tpu.memory_space<semaphore_mem>>)
      } else {
      }
      %mul3A_443 = arith.constant 4 : i32
      %mul3A_444 = arith.muli %scan3A_390, %mul3A_443 : i32
      %add3A_445 = arith.constant 3 : i32
      %add3A_446 = arith.addi %mul3A_444, %add3A_445 : i32
      %dma_wait3A_447 = arith.constant 3 : i32
      %dma_wait3A_448 = arith.constant 0 : i32
      %dma_wait3A_449 = tpu.memref_slice %arg7[%dma_wait3A_447, %dma_wait3A_448] : memref<4x128xi32, #tpu.memory_space<vmem>> -> memref<1x128xi32, #tpu.memory_space<vmem>>
      %dma_wait3A_450 = tpu.memref_squeeze %dma_wait3A_449 : memref<1x128xi32, #tpu.memory_space<vmem>> -> memref<128xi32, #tpu.memory_space<vmem>>
      %dma_wait3A_451 = arith.constant 0 : i32
      %dma_wait3A_452 = arith.constant 0 : i32
      %dma_wait3A_453 = tpu.memref_slice %arg2[%dma_wait3A_451, %dma_wait3A_452] : memref<10000x128xf32, #tpu.memory_space<hbm>> -> memref<10000x128xf32, #tpu.memory_space<hbm>>
      tpu.wait_indirect_dma semaphore(%arg13 : memref<!tpu.dma_semaphore, #tpu.memory_space<semaphore_mem>>) src(%dma_wait3A_453 : memref<10000x128xf32, #tpu.memory_space<hbm>>) dst(%arg10 : memref<128x128xf32, #tpu.memory_space<vmem>>)
      %run_scoped3A_454 = arith.constant 3 : i32
      "tpu.region"() ({
        %run_scoped3A_462 = tpu.sem_alloc : memref<!tpu.dma_semaphore, #tpu.memory_space<semaphore_mem>>
        %dma_start3A_463 = arith.constant 0 : i32
        %dma_start3A_464 = tpu.memref_slice %arg8[%run_scoped3A_454, %dma_start3A_463] : memref<4x128xi32, #tpu.memory_space<vmem>> -> memref<1x128xi32, #tpu.memory_space<vmem>>
        %dma_start3A_465 = tpu.memref_squeeze %dma_start3A_464 : memref<1x128xi32, #tpu.memory_space<vmem>> -> memref<128xi32, #tpu.memory_space<vmem>>
        %dma_start3A_466 = arith.constant 0 : i32
        %dma_start3A_467 = arith.constant 0 : i32
        %dma_start3A_468 = tpu.memref_slice %arg11[%dma_start3A_466, %dma_start3A_467] : memref<10240x128xf32, #tpu.memory_space<vmem_shared>> -> memref<10240x128xf32, #tpu.memory_space<vmem_shared>>
        tpu.enqueue_indirect_dma source(%arg10 : memref<128x128xf32, #tpu.memory_space<vmem>>) target(%dma_start3A_468 : memref<10240x128xf32, #tpu.memory_space<vmem_shared>>) offsets(%dma_start3A_465 : memref<128xi32, #tpu.memory_space<vmem>>) semaphore(%run_scoped3A_462 : memref<!tpu.dma_semaphore, #tpu.memory_space<semaphore_mem>>) {add = true}
        %dma_wait3A_469 = arith.constant 0 : i32
        %dma_wait3A_470 = tpu.memref_slice %arg8[%run_scoped3A_454, %dma_wait3A_469] : memref<4x128xi32, #tpu.memory_space<vmem>> -> memref<1x128xi32, #tpu.memory_space<vmem>>
        %dma_wait3A_471 = tpu.memref_squeeze %dma_wait3A_470 : memref<1x128xi32, #tpu.memory_space<vmem>> -> memref<128xi32, #tpu.memory_space<vmem>>
        %dma_wait3A_472 = arith.constant 0 : i32
        %dma_wait3A_473 = arith.constant 0 : i32
        %dma_wait3A_474 = tpu.memref_slice %arg11[%dma_wait3A_472, %dma_wait3A_473] : memref<10240x128xf32, #tpu.memory_space<vmem_shared>> -> memref<10240x128xf32, #tpu.memory_space<vmem_shared>>
        tpu.wait_indirect_dma semaphore(%run_scoped3A_462 : memref<!tpu.dma_semaphore, #tpu.memory_space<semaphore_mem>>) src(%arg10 : memref<128x128xf32, #tpu.memory_space<vmem>>) dst(%dma_wait3A_474 : memref<10240x128xf32, #tpu.memory_space<vmem_shared>>)
        tpu.yield
      }) : () -> ()
      %add3A_455 = arith.constant 2 : i32
      %add3A_456 = arith.addi %add3A_446, %add3A_455 : i32
      %lt3A_457 = arith.constant 80 : i32
      %lt3A_458 = arith.cmpi slt, %add3A_456, %lt3A_457 : i32
      %convert_element_type3A_459 = arith.extui %lt3A_458 : i1 to i32
      %cond3A_460 = arith.constant 0 : i32
      %cond3A_461 = arith.cmpi ne, %convert_element_type3A_459, %cond3A_460 : i32
      scf.if %cond3A_461 {
        %add3A_462 = arith.constant 2 : i32
        %add3A_463 = arith.addi %add3A_446, %add3A_462 : i32
        %get3A_464 = arith.index_cast %add3A_463 : i32 to index
        %get3A_465 = arith.constant 0 : index
        %get3A_466 = tpu.vector_load %arg6[%get3A_464, %get3A_465] {strides = array<i32>} : memref<80x128xi32, #tpu.memory_space<vmem>>, vector<1x16xi32>,
        %get3A_467 = vector.shape_cast %get3A_466 : vector<1x16xi32> to vector<16xi32>
        %shift_right_logical3A_468 = arith.constant 14 : i32
        %shift_right_logical3A_469 = vector.broadcast %shift_right_logical3A_468 : i32 to vector<16xi32>
        %shift_right_logical3A_470 = arith.shrui %get3A_467, %shift_right_logical3A_469 : vector<16xi32>
        %swap3A_471 = arith.constant 1 : i32
        %swap3A_472 = arith.index_cast %swap3A_471 : i32 to index
        %swap3A_473 = arith.constant 0 : index
        %swap3A_474 = tpu.vector_load %arg7[%swap3A_472, %swap3A_473] {strides = array<i32>} : memref<4x128xi32, #tpu.memory_space<vmem>>, vector<1x16xi32>,
        %swap3A_475 = vector.shape_cast %swap3A_474 : vector<1x16xi32> to vector<16xi32>
        %swap3A_476 = vector.shape_cast %shift_right_logical3A_470 : vector<16xi32> to vector<1x16xi32>
        tpu.vector_store %arg7[%swap3A_472, %swap3A_473], %swap3A_476 {strides = array<i32>} : memref<4x128xi32, #tpu.memory_space<vmem>>, vector<1x16xi32>,
        %and3A_477 = arith.constant 16383 : i32
        %and3A_478 = vector.broadcast %and3A_477 : i32 to vector<16xi32>
        %and3A_479 = arith.andi %get3A_467, %and3A_478 : vector<16xi32>
        %swap3A_480 = arith.constant 1 : i32
        %swap3A_481 = arith.index_cast %swap3A_480 : i32 to index
        %swap3A_482 = arith.constant 0 : index
        %swap3A_483 = tpu.vector_load %arg8[%swap3A_481, %swap3A_482] {strides = array<i32>} : memref<4x128xi32, #tpu.memory_space<vmem>>, vector<1x16xi32>,
        %swap3A_484 = vector.shape_cast %swap3A_483 : vector<1x16xi32> to vector<16xi32>
        %swap3A_485 = vector.shape_cast %and3A_479 : vector<16xi32> to vector<1x16xi32>
        tpu.vector_store %arg8[%swap3A_481, %swap3A_482], %swap3A_485 {strides = array<i32>} : memref<4x128xi32, #tpu.memory_space<vmem>>, vector<1x16xi32>,
        %get3A_486 = arith.index_cast %add3A_463 : i32 to index
        %get3A_487 = arith.constant 16 : index
        %get3A_488 = tpu.vector_load %arg6[%get3A_486, %get3A_487] {strides = array<i32>} : memref<80x128xi32, #tpu.memory_space<vmem>>, vector<1x16xi32>,
        %get3A_489 = vector.shape_cast %get3A_488 : vector<1x16xi32> to vector<16xi32>
        %shift_right_logical3A_490 = arith.constant 14 : i32
        %shift_right_logical3A_491 = vector.broadcast %shift_right_logical3A_490 : i32 to vector<16xi32>
        %shift_right_logical3A_492 = arith.shrui %get3A_489, %shift_right_logical3A_491 : vector<16xi32>
        %swap3A_493 = arith.constant 1 : i32
        %swap3A_494 = arith.index_cast %swap3A_493 : i32 to index
        %swap3A_495 = arith.constant 16 : index
        %swap3A_496 = tpu.vector_load %arg7[%swap3A_494, %swap3A_495] {strides = array<i32>} : memref<4x128xi32, #tpu.memory_space<vmem>>, vector<1x16xi32>,
        %swap3A_497 = vector.shape_cast %swap3A_496 : vector<1x16xi32> to vector<16xi32>
        %swap3A_498 = vector.shape_cast %shift_right_logical3A_492 : vector<16xi32> to vector<1x16xi32>
        tpu.vector_store %arg7[%swap3A_494, %swap3A_495], %swap3A_498 {strides = array<i32>} : memref<4x128xi32, #tpu.memory_space<vmem>>, vector<1x16xi32>,
        %and3A_499 = arith.constant 16383 : i32
        %and3A_500 = vector.broadcast %and3A_499 : i32 to vector<16xi32>
        %and3A_501 = arith.andi %get3A_489, %and3A_500 : vector<16xi32>
        %swap3A_502 = arith.constant 1 : i32
        %swap3A_503 = arith.index_cast %swap3A_502 : i32 to index
        %swap3A_504 = arith.constant 16 : index
        %swap3A_505 = tpu.vector_load %arg8[%swap3A_503, %swap3A_504] {strides = array<i32>} : memref<4x128xi32, #tpu.memory_space<vmem>>, vector<1x16xi32>,
        %swap3A_506 = vector.shape_cast %swap3A_505 : vector<1x16xi32> to vector<16xi32>
        %swap3A_507 = vector.shape_cast %and3A_501 : vector<16xi32> to vector<1x16xi32>
        tpu.vector_store %arg8[%swap3A_503, %swap3A_504], %swap3A_507 {strides = array<i32>} : memref<4x128xi32, #tpu.memory_space<vmem>>, vector<1x16xi32>,
        %get3A_508 = arith.index_cast %add3A_463 : i32 to index
        %get3A_509 = arith.constant 32 : index
        %get3A_510 = tpu.vector_load %arg6[%get3A_508, %get3A_509] {strides = array<i32>} : memref<80x128xi32, #tpu.memory_space<vmem>>, vector<1x16xi32>,
        %get3A_511 = vector.shape_cast %get3A_510 : vector<1x16xi32> to vector<16xi32>
        %shift_right_logical3A_512 = arith.constant 14 : i32
        %shift_right_logical3A_513 = vector.broadcast %shift_right_logical3A_512 : i32 to vector<16xi32>
        %shift_right_logical3A_514 = arith.shrui %get3A_511, %shift_right_logical3A_513 : vector<16xi32>
        %swap3A_515 = arith.constant 1 : i32
        %swap3A_516 = arith.index_cast %swap3A_515 : i32 to index
        %swap3A_517 = arith.constant 32 : index
        %swap3A_518 = tpu.vector_load %arg7[%swap3A_516, %swap3A_517] {strides = array<i32>} : memref<4x128xi32, #tpu.memory_space<vmem>>, vector<1x16xi32>,
        %swap3A_519 = vector.shape_cast %swap3A_518 : vector<1x16xi32> to vector<16xi32>
        %swap3A_520 = vector.shape_cast %shift_right_logical3A_514 : vector<16xi32> to vector<1x16xi32>
        tpu.vector_store %arg7[%swap3A_516, %swap3A_517], %swap3A_520 {strides = array<i32>} : memref<4x128xi32, #tpu.memory_space<vmem>>, vector<1x16xi32>,
        %and3A_521 = arith.constant 16383 : i32
        %and3A_522 = vector.broadcast %and3A_521 : i32 to vector<16xi32>
        %and3A_523 = arith.andi %get3A_511, %and3A_522 : vector<16xi32>
        %swap3A_524 = arith.constant 1 : i32
        %swap3A_525 = arith.index_cast %swap3A_524 : i32 to index
        %swap3A_526 = arith.constant 32 : index
        %swap3A_527 = tpu.vector_load %arg8[%swap3A_525, %swap3A_526] {strides = array<i32>} : memref<4x128xi32, #tpu.memory_space<vmem>>, vector<1x16xi32>,
        %swap3A_528 = vector.shape_cast %swap3A_527 : vector<1x16xi32> to vector<16xi32>
        %swap3A_529 = vector.shape_cast %and3A_523 : vector<16xi32> to vector<1x16xi32>
        tpu.vector_store %arg8[%swap3A_525, %swap3A_526], %swap3A_529 {strides = array<i32>} : memref<4x128xi32, #tpu.memory_space<vmem>>, vector<1x16xi32>,
        %get3A_530 = arith.index_cast %add3A_463 : i32 to index
        %get3A_531 = arith.constant 48 : index
        %get3A_532 = tpu.vector_load %arg6[%get3A_530, %get3A_531] {strides = array<i32>} : memref<80x128xi32, #tpu.memory_space<vmem>>, vector<1x16xi32>,
        %get3A_533 = vector.shape_cast %get3A_532 : vector<1x16xi32> to vector<16xi32>
        %shift_right_logical3A_534 = arith.constant 14 : i32
        %shift_right_logical3A_535 = vector.broadcast %shift_right_logical3A_534 : i32 to vector<16xi32>
        %shift_right_logical3A_536 = arith.shrui %get3A_533, %shift_right_logical3A_535 : vector<16xi32>
        %swap3A_537 = arith.constant 1 : i32
        %swap3A_538 = arith.index_cast %swap3A_537 : i32 to index
        %swap3A_539 = arith.constant 48 : index
        %swap3A_540 = tpu.vector_load %arg7[%swap3A_538, %swap3A_539] {strides = array<i32>} : memref<4x128xi32, #tpu.memory_space<vmem>>, vector<1x16xi32>,
        %swap3A_541 = vector.shape_cast %swap3A_540 : vector<1x16xi32> to vector<16xi32>
        %swap3A_542 = vector.shape_cast %shift_right_logical3A_536 : vector<16xi32> to vector<1x16xi32>
        tpu.vector_store %arg7[%swap3A_538, %swap3A_539], %swap3A_542 {strides = array<i32>} : memref<4x128xi32, #tpu.memory_space<vmem>>, vector<1x16xi32>,
        %and3A_543 = arith.constant 16383 : i32
        %and3A_544 = vector.broadcast %and3A_543 : i32 to vector<16xi32>
        %and3A_545 = arith.andi %get3A_533, %and3A_544 : vector<16xi32>
        %swap3A_546 = arith.constant 1 : i32
        %swap3A_547 = arith.index_cast %swap3A_546 : i32 to index
        %swap3A_548 = arith.constant 48 : index
        %swap3A_549 = tpu.vector_load %arg8[%swap3A_547, %swap3A_548] {strides = array<i32>} : memref<4x128xi32, #tpu.memory_space<vmem>>, vector<1x16xi32>,
        %swap3A_550 = vector.shape_cast %swap3A_549 : vector<1x16xi32> to vector<16xi32>
        %swap3A_551 = vector.shape_cast %and3A_545 : vector<16xi32> to vector<1x16xi32>
        tpu.vector_store %arg8[%swap3A_547, %swap3A_548], %swap3A_551 {strides = array<i32>} : memref<4x128xi32, #tpu.memory_space<vmem>>, vector<1x16xi32>,
        %get3A_552 = arith.index_cast %add3A_463 : i32 to index
        %get3A_553 = arith.constant 64 : index
        %get3A_554 = tpu.vector_load %arg6[%get3A_552, %get3A_553] {strides = array<i32>} : memref<80x128xi32, #tpu.memory_space<vmem>>, vector<1x16xi32>,
        %get3A_555 = vector.shape_cast %get3A_554 : vector<1x16xi32> to vector<16xi32>
        %shift_right_logical3A_556 = arith.constant 14 : i32
        %shift_right_logical3A_557 = vector.broadcast %shift_right_logical3A_556 : i32 to vector<16xi32>
        %shift_right_logical3A_558 = arith.shrui %get3A_555, %shift_right_logical3A_557 : vector<16xi32>
        %swap3A_559 = arith.constant 1 : i32
        %swap3A_560 = arith.index_cast %swap3A_559 : i32 to index
        %swap3A_561 = arith.constant 64 : index
        %swap3A_562 = tpu.vector_load %arg7[%swap3A_560, %swap3A_561] {strides = array<i32>} : memref<4x128xi32, #tpu.memory_space<vmem>>, vector<1x16xi32>,
        %swap3A_563 = vector.shape_cast %swap3A_562 : vector<1x16xi32> to vector<16xi32>
        %swap3A_564 = vector.shape_cast %shift_right_logical3A_558 : vector<16xi32> to vector<1x16xi32>
        tpu.vector_store %arg7[%swap3A_560, %swap3A_561], %swap3A_564 {strides = array<i32>} : memref<4x128xi32, #tpu.memory_space<vmem>>, vector<1x16xi32>,
        %and3A_565 = arith.constant 16383 : i32
        %and3A_566 = vector.broadcast %and3A_565 : i32 to vector<16xi32>
        %and3A_567 = arith.andi %get3A_555, %and3A_566 : vector<16xi32>
        %swap3A_568 = arith.constant 1 : i32
        %swap3A_569 = arith.index_cast %swap3A_568 : i32 to index
        %swap3A_570 = arith.constant 64 : index
        %swap3A_571 = tpu.vector_load %arg8[%swap3A_569, %swap3A_570] {strides = array<i32>} : memref<4x128xi32, #tpu.memory_space<vmem>>, vector<1x16xi32>,
        %swap3A_572 = vector.shape_cast %swap3A_571 : vector<1x16xi32> to vector<16xi32>
        %swap3A_573 = vector.shape_cast %and3A_567 : vector<16xi32> to vector<1x16xi32>
        tpu.vector_store %arg8[%swap3A_569, %swap3A_570], %swap3A_573 {strides = array<i32>} : memref<4x128xi32, #tpu.memory_space<vmem>>, vector<1x16xi32>,
        %get3A_574 = arith.index_cast %add3A_463 : i32 to index
        %get3A_575 = arith.constant 80 : index
        %get3A_576 = tpu.vector_load %arg6[%get3A_574, %get3A_575] {strides = array<i32>} : memref<80x128xi32, #tpu.memory_space<vmem>>, vector<1x16xi32>,
        %get3A_577 = vector.shape_cast %get3A_576 : vector<1x16xi32> to vector<16xi32>
        %shift_right_logical3A_578 = arith.constant 14 : i32
        %shift_right_logical3A_579 = vector.broadcast %shift_right_logical3A_578 : i32 to vector<16xi32>
        %shift_right_logical3A_580 = arith.shrui %get3A_577, %shift_right_logical3A_579 : vector<16xi32>
        %swap3A_581 = arith.constant 1 : i32
        %swap3A_582 = arith.index_cast %swap3A_581 : i32 to index
        %swap3A_583 = arith.constant 80 : index
        %swap3A_584 = tpu.vector_load %arg7[%swap3A_582, %swap3A_583] {strides = array<i32>} : memref<4x128xi32, #tpu.memory_space<vmem>>, vector<1x16xi32>,
        %swap3A_585 = vector.shape_cast %swap3A_584 : vector<1x16xi32> to vector<16xi32>
        %swap3A_586 = vector.shape_cast %shift_right_logical3A_580 : vector<16xi32> to vector<1x16xi32>
        tpu.vector_store %arg7[%swap3A_582, %swap3A_583], %swap3A_586 {strides = array<i32>} : memref<4x128xi32, #tpu.memory_space<vmem>>, vector<1x16xi32>,
        %and3A_587 = arith.constant 16383 : i32
        %and3A_588 = vector.broadcast %and3A_587 : i32 to vector<16xi32>
        %and3A_589 = arith.andi %get3A_577, %and3A_588 : vector<16xi32>
        %swap3A_590 = arith.constant 1 : i32
        %swap3A_591 = arith.index_cast %swap3A_590 : i32 to index
        %swap3A_592 = arith.constant 80 : index
        %swap3A_593 = tpu.vector_load %arg8[%swap3A_591, %swap3A_592] {strides = array<i32>} : memref<4x128xi32, #tpu.memory_space<vmem>>, vector<1x16xi32>,
        %swap3A_594 = vector.shape_cast %swap3A_593 : vector<1x16xi32> to vector<16xi32>
        %swap3A_595 = vector.shape_cast %and3A_589 : vector<16xi32> to vector<1x16xi32>
        tpu.vector_store %arg8[%swap3A_591, %swap3A_592], %swap3A_595 {strides = array<i32>} : memref<4x128xi32, #tpu.memory_space<vmem>>, vector<1x16xi32>,
        %get3A_596 = arith.index_cast %add3A_463 : i32 to index
        %get3A_597 = arith.constant 96 : index
        %get3A_598 = tpu.vector_load %arg6[%get3A_596, %get3A_597] {strides = array<i32>} : memref<80x128xi32, #tpu.memory_space<vmem>>, vector<1x16xi32>,
        %get3A_599 = vector.shape_cast %get3A_598 : vector<1x16xi32> to vector<16xi32>
        %shift_right_logical3A_600 = arith.constant 14 : i32
        %shift_right_logical3A_601 = vector.broadcast %shift_right_logical3A_600 : i32 to vector<16xi32>
        %shift_right_logical3A_602 = arith.shrui %get3A_599, %shift_right_logical3A_601 : vector<16xi32>
        %swap3A_603 = arith.constant 1 : i32
        %swap3A_604 = arith.index_cast %swap3A_603 : i32 to index
        %swap3A_605 = arith.constant 96 : index
        %swap3A_606 = tpu.vector_load %arg7[%swap3A_604, %swap3A_605] {strides = array<i32>} : memref<4x128xi32, #tpu.memory_space<vmem>>, vector<1x16xi32>,
        %swap3A_607 = vector.shape_cast %swap3A_606 : vector<1x16xi32> to vector<16xi32>
        %swap3A_608 = vector.shape_cast %shift_right_logical3A_602 : vector<16xi32> to vector<1x16xi32>
        tpu.vector_store %arg7[%swap3A_604, %swap3A_605], %swap3A_608 {strides = array<i32>} : memref<4x128xi32, #tpu.memory_space<vmem>>, vector<1x16xi32>,
        %and3A_609 = arith.constant 16383 : i32
        %and3A_610 = vector.broadcast %and3A_609 : i32 to vector<16xi32>
        %and3A_611 = arith.andi %get3A_599, %and3A_610 : vector<16xi32>
        %swap3A_612 = arith.constant 1 : i32
        %swap3A_613 = arith.index_cast %swap3A_612 : i32 to index
        %swap3A_614 = arith.constant 96 : index
        %swap3A_615 = tpu.vector_load %arg8[%swap3A_613, %swap3A_614] {strides = array<i32>} : memref<4x128xi32, #tpu.memory_space<vmem>>, vector<1x16xi32>,
        %swap3A_616 = vector.shape_cast %swap3A_615 : vector<1x16xi32> to vector<16xi32>
        %swap3A_617 = vector.shape_cast %and3A_611 : vector<16xi32> to vector<1x16xi32>
        tpu.vector_store %arg8[%swap3A_613, %swap3A_614], %swap3A_617 {strides = array<i32>} : memref<4x128xi32, #tpu.memory_space<vmem>>, vector<1x16xi32>,
        %get3A_618 = arith.index_cast %add3A_463 : i32 to index
        %get3A_619 = arith.constant 112 : index
        %get3A_620 = tpu.vector_load %arg6[%get3A_618, %get3A_619] {strides = array<i32>} : memref<80x128xi32, #tpu.memory_space<vmem>>, vector<1x16xi32>,
        %get3A_621 = vector.shape_cast %get3A_620 : vector<1x16xi32> to vector<16xi32>
        %shift_right_logical3A_622 = arith.constant 14 : i32
        %shift_right_logical3A_623 = vector.broadcast %shift_right_logical3A_622 : i32 to vector<16xi32>
        %shift_right_logical3A_624 = arith.shrui %get3A_621, %shift_right_logical3A_623 : vector<16xi32>
        %swap3A_625 = arith.constant 1 : i32
        %swap3A_626 = arith.index_cast %swap3A_625 : i32 to index
        %swap3A_627 = arith.constant 112 : index
        %swap3A_628 = tpu.vector_load %arg7[%swap3A_626, %swap3A_627] {strides = array<i32>} : memref<4x128xi32, #tpu.memory_space<vmem>>, vector<1x16xi32>,
        %swap3A_629 = vector.shape_cast %swap3A_628 : vector<1x16xi32> to vector<16xi32>
        %swap3A_630 = vector.shape_cast %shift_right_logical3A_624 : vector<16xi32> to vector<1x16xi32>
        tpu.vector_store %arg7[%swap3A_626, %swap3A_627], %swap3A_630 {strides = array<i32>} : memref<4x128xi32, #tpu.memory_space<vmem>>, vector<1x16xi32>,
        %and3A_631 = arith.constant 16383 : i32
        %and3A_632 = vector.broadcast %and3A_631 : i32 to vector<16xi32>
        %and3A_633 = arith.andi %get3A_621, %and3A_632 : vector<16xi32>
        %swap3A_634 = arith.constant 1 : i32
        %swap3A_635 = arith.index_cast %swap3A_634 : i32 to index
        %swap3A_636 = arith.constant 112 : index
        %swap3A_637 = tpu.vector_load %arg8[%swap3A_635, %swap3A_636] {strides = array<i32>} : memref<4x128xi32, #tpu.memory_space<vmem>>, vector<1x16xi32>,
        %swap3A_638 = vector.shape_cast %swap3A_637 : vector<1x16xi32> to vector<16xi32>
        %swap3A_639 = vector.shape_cast %and3A_633 : vector<16xi32> to vector<1x16xi32>
        tpu.vector_store %arg8[%swap3A_635, %swap3A_636], %swap3A_639 {strides = array<i32>} : memref<4x128xi32, #tpu.memory_space<vmem>>, vector<1x16xi32>,
        %dma_start3A_640 = arith.constant 1 : i32
        %dma_start3A_641 = arith.constant 0 : i32
        %dma_start3A_642 = tpu.memref_slice %arg7[%dma_start3A_640, %dma_start3A_641] : memref<4x128xi32, #tpu.memory_space<vmem>> -> memref<1x128xi32, #tpu.memory_space<vmem>>
        %dma_start3A_643 = tpu.memref_squeeze %dma_start3A_642 : memref<1x128xi32, #tpu.memory_space<vmem>> -> memref<128xi32, #tpu.memory_space<vmem>>
        %dma_start3A_644 = arith.constant 0 : i32
        %dma_start3A_645 = arith.constant 0 : i32
        %dma_start3A_646 = tpu.memref_slice %arg2[%dma_start3A_644, %dma_start3A_645] : memref<10000x128xf32, #tpu.memory_space<hbm>> -> memref<10000x128xf32, #tpu.memory_space<hbm>>
        tpu.enqueue_indirect_dma source(%dma_start3A_646 : memref<10000x128xf32, #tpu.memory_space<hbm>>) target(%arg10 : memref<128x128xf32, #tpu.memory_space<vmem>>) offsets(%dma_start3A_643 : memref<128xi32, #tpu.memory_space<vmem>>) semaphore(%arg13 : memref<!tpu.dma_semaphore, #tpu.memory_space<semaphore_mem>>)
      } else {
      }
    }
    %scan3A_384 = arith.constant 20 : i32
    %barrier3A_385 = arith.constant 0 : index
    tpu.barrier barrier_id(%barrier3A_385)
    %mul3A_386 = arith.constant 640 : i32
    %mul3A_387 = arith.muli %arg1, %mul3A_386 : i32
    %mul3A_388 = arith.constant 640 : i32
    %mul3A_389 = arith.muli %arg1, %mul3A_388 : i32
    "tpu.region"() ({
      %run_scoped3A = tpu.sem_alloc : memref<!tpu.dma_semaphore, #tpu.memory_space<semaphore_mem>>
      %dma_start3A_390 = arith.constant 0 : i32
      %dma_start3A_391 = tpu.memref_slice %arg5[%arg0, %mul3A_389, %dma_start3A_390] : memref<2x10240x128xf32, #tpu.memory_space<hbm>> -> memref<1x640x128xf32, #tpu.memory_space<hbm>>
      %dma_start3A_392 = tpu.memref_squeeze %dma_start3A_391 : memref<1x640x128xf32, #tpu.memory_space<hbm>> -> memref<640x128xf32, #tpu.memory_space<hbm>>
      %dma_start3A_393 = arith.constant 0 : i32
      %dma_start3A_394 = tpu.memref_slice %arg11[%mul3A_387, %dma_start3A_393] : memref<10240x128xf32, #tpu.memory_space<vmem_shared>> -> memref<640x128xf32, #tpu.memory_space<vmem_shared>>
      tpu.enqueue_dma source(%dma_start3A_394 : memref<640x128xf32, #tpu.memory_space<vmem_shared>>) target(%dma_start3A_392 : memref<640x128xf32, #tpu.memory_space<hbm>>) target_semaphore(%run_scoped3A : memref<!tpu.dma_semaphore, #tpu.memory_space<semaphore_mem>>)
      %dma_wait3A = arith.constant 0 : i32
      %dma_wait3A_395 = tpu.memref_slice %arg5[%arg0, %mul3A_389, %dma_wait3A] : memref<2x10240x128xf32, #tpu.memory_space<hbm>> -> memref<1x640x128xf32, #tpu.memory_space<hbm>>
      %dma_wait3A_396 = tpu.memref_squeeze %dma_wait3A_395 : memref<1x640x128xf32, #tpu.memory_space<hbm>> -> memref<640x128xf32, #tpu.memory_space<hbm>>
      %dma_wait3A_397 = arith.constant 0 : i32
      %dma_wait3A_398 = tpu.memref_slice %arg11[%mul3A_387, %dma_wait3A_397] : memref<10240x128xf32, #tpu.memory_space<vmem_shared>> -> memref<640x128xf32, #tpu.memory_space<vmem_shared>>
      tpu.wait_dma2 semaphore(%run_scoped3A : memref<!tpu.dma_semaphore, #tpu.memory_space<semaphore_mem>>) src(%dma_wait3A_398 : memref<640x128xf32, #tpu.memory_space<vmem_shared>>) dst(%dma_wait3A_396 : memref<640x128xf32, #tpu.memory_space<hbm>>)
      tpu.yield
    }) : () -> ()
    return
  }
}

#map = affine_map<(d0, d1) -> (0, 0)>
#map1 = affine_map<(d0, d1) -> (0, 0, 0)>
module attributes {stable_mosaic.version = 14 : i64} {
  func.func @_segsum_body(%arg0: i32, %arg1: i32, %arg2: memref<10000x128xf32, #tpu.memory_space<hbm>>, %arg3: memref<32x80x128xi32, #tpu.memory_space<hbm>>, %arg4: memref<16x640x128xf32, #tpu.memory_space<hbm>>, %arg5: memref<2x10240x128xf32, #tpu.memory_space<hbm>>, %arg6: memref<80x128xi32, #tpu.memory_space<vmem>>, %arg7: memref<4x128xi32, #tpu.memory_space<vmem>>, %arg8: memref<4x128xi32, #tpu.memory_space<vmem>>, %arg9: memref<128x128xf32, #tpu.memory_space<vmem>>, %arg10: memref<128x128xf32, #tpu.memory_space<vmem>>, %arg11: memref<10240x128xf32, #tpu.memory_space<vmem_shared>>, %arg12: memref<!tpu.dma_semaphore, #tpu.memory_space<semaphore_mem>>, %arg13: memref<!tpu.dma_semaphore, #tpu.memory_space<semaphore_mem>>) attributes {dimension_semantics = [#tpu.dimension_semantics<core_parallel>, #tpu.dimension_semantics<subcore_parallel>], iteration_bounds = array<i64: 2, 16>, scalar_prefetch = 0 : i64, scratch_operands = 8 : i64, tpu.core_type = #tpu.core_type<sc_vector_subcore>, window_params = [{transform_indices = #map}, {transform_indices = #map1}, {transform_indices = #map1}, {transform_indices = #map1}]} {
    %mul3A = arith.constant 16 : i32
    %mul3A_0 = arith.muli %arg0, %mul3A : i32
    %add3A = arith.addi %mul3A_0, %arg1 : i32
    "tpu.region"() ({
      %run_scoped3A = tpu.sem_alloc : memref<!tpu.dma_semaphore, #tpu.memory_space<semaphore_mem>>
      %dma_start3A_390 = arith.constant 0 : i32
      %dma_start3A_391 = arith.constant 0 : i32
      %dma_start3A_392 = tpu.memref_slice %arg3[%add3A, %dma_start3A_390, %dma_start3A_391] : memref<32x80x128xi32, #tpu.memory_space<hbm>> -> memref<1x80x128xi32, #tpu.memory_space<hbm>>
      %dma_start3A_393 = tpu.memref_squeeze %dma_start3A_392 : memref<1x80x128xi32, #tpu.memory_space<hbm>> -> memref<80x128xi32, #tpu.memory_space<hbm>>
      %dma_start3A_394 = arith.constant 0 : i32
      %dma_start3A_395 = arith.constant 0 : i32
      %dma_start3A_396 = tpu.memref_slice %arg3[%add3A, %dma_start3A_394, %dma_start3A_395] : memref<32x80x128xi32, #tpu.memory_space<hbm>> -> memref<1x80x128xi32, #tpu.memory_space<hbm>>
      %dma_start3A_397 = tpu.memref_squeeze %dma_start3A_396 : memref<1x80x128xi32, #tpu.memory_space<hbm>> -> memref<80x128xi32, #tpu.memory_space<hbm>>
      tpu.enqueue_dma source(%dma_start3A_397 : memref<80x128xi32, #tpu.memory_space<hbm>>) target(%arg6 : memref<80x128xi32, #tpu.memory_space<vmem>>) target_semaphore(%run_scoped3A : memref<!tpu.dma_semaphore, #tpu.memory_space<semaphore_mem>>)
      %dma_wait3A = arith.constant 0 : i32
      %dma_wait3A_398 = arith.constant 0 : i32
      %dma_wait3A_399 = tpu.memref_slice %arg3[%add3A, %dma_wait3A, %dma_wait3A_398] : memref<32x80x128xi32, #tpu.memory_space<hbm>> -> memref<1x80x128xi32, #tpu.memory_space<hbm>>
      %dma_wait3A_400 = tpu.memref_squeeze %dma_wait3A_399 : memref<1x80x128xi32, #tpu.memory_space<hbm>> -> memref<80x128xi32, #tpu.memory_space<hbm>>
      %dma_wait3A_401 = arith.constant 0 : i32
      %dma_wait3A_402 = arith.constant 0 : i32
      %dma_wait3A_403 = tpu.memref_slice %arg3[%add3A, %dma_wait3A_401, %dma_wait3A_402] : memref<32x80x128xi32, #tpu.memory_space<hbm>> -> memref<1x80x128xi32, #tpu.memory_space<hbm>>
      %dma_wait3A_404 = tpu.memref_squeeze %dma_wait3A_403 : memref<1x80x128xi32, #tpu.memory_space<hbm>> -> memref<80x128xi32, #tpu.memory_space<hbm>>
      tpu.wait_dma2 semaphore(%run_scoped3A : memref<!tpu.dma_semaphore, #tpu.memory_space<semaphore_mem>>) src(%dma_wait3A_404 : memref<80x128xi32, #tpu.memory_space<hbm>>) dst(%arg6 : memref<80x128xi32, #tpu.memory_space<vmem>>)
      tpu.yield
    }) : () -> ()
    %get3A = arith.constant 0 : i32
    %get3A_1 = arith.index_cast %get3A : i32 to index
    %get3A_2 = arith.constant 0 : index
    %get3A_3 = tpu.vector_load %arg6[%get3A_1, %get3A_2] {strides = array<i32>} : memref<80x128xi32, #tpu.memory_space<vmem>>, vector<1x16xi32>,
    %get3A_4 = vector.shape_cast %get3A_3 : vector<1x16xi32> to vector<16xi32>
    %shift_right_logical3A = arith.constant 14 : i32
    %shift_right_logical3A_5 = vector.broadcast %shift_right_logical3A : i32 to vector<16xi32>
    %shift_right_logical3A_6 = arith.shrui %get3A_4, %shift_right_logical3A_5 : vector<16xi32>
    %swap3A = arith.constant 0 : i32
    %swap3A_7 = arith.index_cast %swap3A : i32 to index
    %swap3A_8 = arith.constant 0 : index
    %swap3A_9 = tpu.vector_load %arg7[%swap3A_7, %swap3A_8] {strides = array<i32>} : memref<4x128xi32, #tpu.memory_space<vmem>>, vector<1x16xi32>,
    %swap3A_10 = vector.shape_cast %swap3A_9 : vector<1x16xi32> to vector<16xi32>
    %swap3A_11 = vector.shape_cast %shift_right_logical3A_6 : vector<16xi32> to vector<1x16xi32>
    tpu.vector_store %arg7[%swap3A_7, %swap3A_8], %swap3A_11 {strides = array<i32>} : memref<4x128xi32, #tpu.memory_space<vmem>>, vector<1x16xi32>,
    %and3A = arith.constant 16383 : i32
    %and3A_12 = vector.broadcast %and3A : i32 to vector<16xi32>
    %and3A_13 = arith.andi %get3A_4, %and3A_12 : vector<16xi32>
    %swap3A_14 = arith.constant 0 : i32
    %swap3A_15 = arith.index_cast %swap3A_14 : i32 to index
    %swap3A_16 = arith.constant 0 : index
    %swap3A_17 = tpu.vector_load %arg8[%swap3A_15, %swap3A_16] {strides = array<i32>} : memref<4x128xi32, #tpu.memory_space<vmem>>, vector<1x16xi32>,
    %swap3A_18 = vector.shape_cast %swap3A_17 : vector<1x16xi32> to vector<16xi32>
    %swap3A_19 = vector.shape_cast %and3A_13 : vector<16xi32> to vector<1x16xi32>
    tpu.vector_store %arg8[%swap3A_15, %swap3A_16], %swap3A_19 {strides = array<i32>} : memref<4x128xi32, #tpu.memory_space<vmem>>, vector<1x16xi32>,
    %get3A_20 = arith.constant 0 : i32
    %get3A_21 = arith.index_cast %get3A_20 : i32 to index
    %get3A_22 = arith.constant 16 : index
    %get3A_23 = tpu.vector_load %arg6[%get3A_21, %get3A_22] {strides = array<i32>} : memref<80x128xi32, #tpu.memory_space<vmem>>, vector<1x16xi32>,
    %get3A_24 = vector.shape_cast %get3A_23 : vector<1x16xi32> to vector<16xi32>
    %shift_right_logical3A_25 = arith.constant 14 : i32
    %shift_right_logical3A_26 = vector.broadcast %shift_right_logical3A_25 : i32 to vector<16xi32>
    %shift_right_logical3A_27 = arith.shrui %get3A_24, %shift_right_logical3A_26 : vector<16xi32>
    %swap3A_28 = arith.constant 0 : i32
    %swap3A_29 = arith.index_cast %swap3A_28 : i32 to index
    %swap3A_30 = arith.constant 16 : index
    %swap3A_31 = tpu.vector_load %arg7[%swap3A_29, %swap3A_30] {strides = array<i32>} : memref<4x128xi32, #tpu.memory_space<vmem>>, vector<1x16xi32>,
    %swap3A_32 = vector.shape_cast %swap3A_31 : vector<1x16xi32> to vector<16xi32>
    %swap3A_33 = vector.shape_cast %shift_right_logical3A_27 : vector<16xi32> to vector<1x16xi32>
    tpu.vector_store %arg7[%swap3A_29, %swap3A_30], %swap3A_33 {strides = array<i32>} : memref<4x128xi32, #tpu.memory_space<vmem>>, vector<1x16xi32>,
    %and3A_34 = arith.constant 16383 : i32
    %and3A_35 = vector.broadcast %and3A_34 : i32 to vector<16xi32>
    %and3A_36 = arith.andi %get3A_24, %and3A_35 : vector<16xi32>
    %swap3A_37 = arith.constant 0 : i32
    %swap3A_38 = arith.index_cast %swap3A_37 : i32 to index
    %swap3A_39 = arith.constant 16 : index
    %swap3A_40 = tpu.vector_load %arg8[%swap3A_38, %swap3A_39] {strides = array<i32>} : memref<4x128xi32, #tpu.memory_space<vmem>>, vector<1x16xi32>,
    %swap3A_41 = vector.shape_cast %swap3A_40 : vector<1x16xi32> to vector<16xi32>
    %swap3A_42 = vector.shape_cast %and3A_36 : vector<16xi32> to vector<1x16xi32>
    tpu.vector_store %arg8[%swap3A_38, %swap3A_39], %swap3A_42 {strides = array<i32>} : memref<4x128xi32, #tpu.memory_space<vmem>>, vector<1x16xi32>,
    %get3A_43 = arith.constant 0 : i32
    %get3A_44 = arith.index_cast %get3A_43 : i32 to index
    %get3A_45 = arith.constant 32 : index
    %get3A_46 = tpu.vector_load %arg6[%get3A_44, %get3A_45] {strides = array<i32>} : memref<80x128xi32, #tpu.memory_space<vmem>>, vector<1x16xi32>,
    %get3A_47 = vector.shape_cast %get3A_46 : vector<1x16xi32> to vector<16xi32>
    %shift_right_logical3A_48 = arith.constant 14 : i32
    %shift_right_logical3A_49 = vector.broadcast %shift_right_logical3A_48 : i32 to vector<16xi32>
    %shift_right_logical3A_50 = arith.shrui %get3A_47, %shift_right_logical3A_49 : vector<16xi32>
    %swap3A_51 = arith.constant 0 : i32
    %swap3A_52 = arith.index_cast %swap3A_51 : i32 to index
    %swap3A_53 = arith.constant 32 : index
    %swap3A_54 = tpu.vector_load %arg7[%swap3A_52, %swap3A_53] {strides = array<i32>} : memref<4x128xi32, #tpu.memory_space<vmem>>, vector<1x16xi32>,
    %swap3A_55 = vector.shape_cast %swap3A_54 : vector<1x16xi32> to vector<16xi32>
    %swap3A_56 = vector.shape_cast %shift_right_logical3A_50 : vector<16xi32> to vector<1x16xi32>
    tpu.vector_store %arg7[%swap3A_52, %swap3A_53], %swap3A_56 {strides = array<i32>} : memref<4x128xi32, #tpu.memory_space<vmem>>, vector<1x16xi32>,
    %and3A_57 = arith.constant 16383 : i32
    %and3A_58 = vector.broadcast %and3A_57 : i32 to vector<16xi32>
    %and3A_59 = arith.andi %get3A_47, %and3A_58 : vector<16xi32>
    %swap3A_60 = arith.constant 0 : i32
    %swap3A_61 = arith.index_cast %swap3A_60 : i32 to index
    %swap3A_62 = arith.constant 32 : index
    %swap3A_63 = tpu.vector_load %arg8[%swap3A_61, %swap3A_62] {strides = array<i32>} : memref<4x128xi32, #tpu.memory_space<vmem>>, vector<1x16xi32>,
    %swap3A_64 = vector.shape_cast %swap3A_63 : vector<1x16xi32> to vector<16xi32>
    %swap3A_65 = vector.shape_cast %and3A_59 : vector<16xi32> to vector<1x16xi32>
    tpu.vector_store %arg8[%swap3A_61, %swap3A_62], %swap3A_65 {strides = array<i32>} : memref<4x128xi32, #tpu.memory_space<vmem>>, vector<1x16xi32>,
    %get3A_66 = arith.constant 0 : i32
    %get3A_67 = arith.index_cast %get3A_66 : i32 to index
    %get3A_68 = arith.constant 48 : index
    %get3A_69 = tpu.vector_load %arg6[%get3A_67, %get3A_68] {strides = array<i32>} : memref<80x128xi32, #tpu.memory_space<vmem>>, vector<1x16xi32>,
    %get3A_70 = vector.shape_cast %get3A_69 : vector<1x16xi32> to vector<16xi32>
    %shift_right_logical3A_71 = arith.constant 14 : i32
    %shift_right_logical3A_72 = vector.broadcast %shift_right_logical3A_71 : i32 to vector<16xi32>
    %shift_right_logical3A_73 = arith.shrui %get3A_70, %shift_right_logical3A_72 : vector<16xi32>
    %swap3A_74 = arith.constant 0 : i32
    %swap3A_75 = arith.index_cast %swap3A_74 : i32 to index
    %swap3A_76 = arith.constant 48 : index
    %swap3A_77 = tpu.vector_load %arg7[%swap3A_75, %swap3A_76] {strides = array<i32>} : memref<4x128xi32, #tpu.memory_space<vmem>>, vector<1x16xi32>,
    %swap3A_78 = vector.shape_cast %swap3A_77 : vector<1x16xi32> to vector<16xi32>
    %swap3A_79 = vector.shape_cast %shift_right_logical3A_73 : vector<16xi32> to vector<1x16xi32>
    tpu.vector_store %arg7[%swap3A_75, %swap3A_76], %swap3A_79 {strides = array<i32>} : memref<4x128xi32, #tpu.memory_space<vmem>>, vector<1x16xi32>,
    %and3A_80 = arith.constant 16383 : i32
    %and3A_81 = vector.broadcast %and3A_80 : i32 to vector<16xi32>
    %and3A_82 = arith.andi %get3A_70, %and3A_81 : vector<16xi32>
    %swap3A_83 = arith.constant 0 : i32
    %swap3A_84 = arith.index_cast %swap3A_83 : i32 to index
    %swap3A_85 = arith.constant 48 : index
    %swap3A_86 = tpu.vector_load %arg8[%swap3A_84, %swap3A_85] {strides = array<i32>} : memref<4x128xi32, #tpu.memory_space<vmem>>, vector<1x16xi32>,
    %swap3A_87 = vector.shape_cast %swap3A_86 : vector<1x16xi32> to vector<16xi32>
    %swap3A_88 = vector.shape_cast %and3A_82 : vector<16xi32> to vector<1x16xi32>
    tpu.vector_store %arg8[%swap3A_84, %swap3A_85], %swap3A_88 {strides = array<i32>} : memref<4x128xi32, #tpu.memory_space<vmem>>, vector<1x16xi32>,
    %get3A_89 = arith.constant 0 : i32
    %get3A_90 = arith.index_cast %get3A_89 : i32 to index
    %get3A_91 = arith.constant 64 : index
    %get3A_92 = tpu.vector_load %arg6[%get3A_90, %get3A_91] {strides = array<i32>} : memref<80x128xi32, #tpu.memory_space<vmem>>, vector<1x16xi32>,
    %get3A_93 = vector.shape_cast %get3A_92 : vector<1x16xi32> to vector<16xi32>
    %shift_right_logical3A_94 = arith.constant 14 : i32
    %shift_right_logical3A_95 = vector.broadcast %shift_right_logical3A_94 : i32 to vector<16xi32>
    %shift_right_logical3A_96 = arith.shrui %get3A_93, %shift_right_logical3A_95 : vector<16xi32>
    %swap3A_97 = arith.constant 0 : i32
    %swap3A_98 = arith.index_cast %swap3A_97 : i32 to index
    %swap3A_99 = arith.constant 64 : index
    %swap3A_100 = tpu.vector_load %arg7[%swap3A_98, %swap3A_99] {strides = array<i32>} : memref<4x128xi32, #tpu.memory_space<vmem>>, vector<1x16xi32>,
    %swap3A_101 = vector.shape_cast %swap3A_100 : vector<1x16xi32> to vector<16xi32>
    %swap3A_102 = vector.shape_cast %shift_right_logical3A_96 : vector<16xi32> to vector<1x16xi32>
    tpu.vector_store %arg7[%swap3A_98, %swap3A_99], %swap3A_102 {strides = array<i32>} : memref<4x128xi32, #tpu.memory_space<vmem>>, vector<1x16xi32>,
    %and3A_103 = arith.constant 16383 : i32
    %and3A_104 = vector.broadcast %and3A_103 : i32 to vector<16xi32>
    %and3A_105 = arith.andi %get3A_93, %and3A_104 : vector<16xi32>
    %swap3A_106 = arith.constant 0 : i32
    %swap3A_107 = arith.index_cast %swap3A_106 : i32 to index
    %swap3A_108 = arith.constant 64 : index
    %swap3A_109 = tpu.vector_load %arg8[%swap3A_107, %swap3A_108] {strides = array<i32>} : memref<4x128xi32, #tpu.memory_space<vmem>>, vector<1x16xi32>,
    %swap3A_110 = vector.shape_cast %swap3A_109 : vector<1x16xi32> to vector<16xi32>
    %swap3A_111 = vector.shape_cast %and3A_105 : vector<16xi32> to vector<1x16xi32>
    tpu.vector_store %arg8[%swap3A_107, %swap3A_108], %swap3A_111 {strides = array<i32>} : memref<4x128xi32, #tpu.memory_space<vmem>>, vector<1x16xi32>,
    %get3A_112 = arith.constant 0 : i32
    %get3A_113 = arith.index_cast %get3A_112 : i32 to index
    %get3A_114 = arith.constant 80 : index
    %get3A_115 = tpu.vector_load %arg6[%get3A_113, %get3A_114] {strides = array<i32>} : memref<80x128xi32, #tpu.memory_space<vmem>>, vector<1x16xi32>,
    %get3A_116 = vector.shape_cast %get3A_115 : vector<1x16xi32> to vector<16xi32>
    %shift_right_logical3A_117 = arith.constant 14 : i32
    %shift_right_logical3A_118 = vector.broadcast %shift_right_logical3A_117 : i32 to vector<16xi32>
    %shift_right_logical3A_119 = arith.shrui %get3A_116, %shift_right_logical3A_118 : vector<16xi32>
    %swap3A_120 = arith.constant 0 : i32
    %swap3A_121 = arith.index_cast %swap3A_120 : i32 to index
    %swap3A_122 = arith.constant 80 : index
    %swap3A_123 = tpu.vector_load %arg7[%swap3A_121, %swap3A_122] {strides = array<i32>} : memref<4x128xi32, #tpu.memory_space<vmem>>, vector<1x16xi32>,
    %swap3A_124 = vector.shape_cast %swap3A_123 : vector<1x16xi32> to vector<16xi32>
    %swap3A_125 = vector.shape_cast %shift_right_logical3A_119 : vector<16xi32> to vector<1x16xi32>
    tpu.vector_store %arg7[%swap3A_121, %swap3A_122], %swap3A_125 {strides = array<i32>} : memref<4x128xi32, #tpu.memory_space<vmem>>, vector<1x16xi32>,
    %and3A_126 = arith.constant 16383 : i32
    %and3A_127 = vector.broadcast %and3A_126 : i32 to vector<16xi32>
    %and3A_128 = arith.andi %get3A_116, %and3A_127 : vector<16xi32>
    %swap3A_129 = arith.constant 0 : i32
    %swap3A_130 = arith.index_cast %swap3A_129 : i32 to index
    %swap3A_131 = arith.constant 80 : index
    %swap3A_132 = tpu.vector_load %arg8[%swap3A_130, %swap3A_131] {strides = array<i32>} : memref<4x128xi32, #tpu.memory_space<vmem>>, vector<1x16xi32>,
    %swap3A_133 = vector.shape_cast %swap3A_132 : vector<1x16xi32> to vector<16xi32>
    %swap3A_134 = vector.shape_cast %and3A_128 : vector<16xi32> to vector<1x16xi32>
    tpu.vector_store %arg8[%swap3A_130, %swap3A_131], %swap3A_134 {strides = array<i32>} : memref<4x128xi32, #tpu.memory_space<vmem>>, vector<1x16xi32>,
    %get3A_135 = arith.constant 0 : i32
    %get3A_136 = arith.index_cast %get3A_135 : i32 to index
    %get3A_137 = arith.constant 96 : index
    %get3A_138 = tpu.vector_load %arg6[%get3A_136, %get3A_137] {strides = array<i32>} : memref<80x128xi32, #tpu.memory_space<vmem>>, vector<1x16xi32>,
    %get3A_139 = vector.shape_cast %get3A_138 : vector<1x16xi32> to vector<16xi32>
    %shift_right_logical3A_140 = arith.constant 14 : i32
    %shift_right_logical3A_141 = vector.broadcast %shift_right_logical3A_140 : i32 to vector<16xi32>
    %shift_right_logical3A_142 = arith.shrui %get3A_139, %shift_right_logical3A_141 : vector<16xi32>
    %swap3A_143 = arith.constant 0 : i32
    %swap3A_144 = arith.index_cast %swap3A_143 : i32 to index
    %swap3A_145 = arith.constant 96 : index
    %swap3A_146 = tpu.vector_load %arg7[%swap3A_144, %swap3A_145] {strides = array<i32>} : memref<4x128xi32, #tpu.memory_space<vmem>>, vector<1x16xi32>,
    %swap3A_147 = vector.shape_cast %swap3A_146 : vector<1x16xi32> to vector<16xi32>
    %swap3A_148 = vector.shape_cast %shift_right_logical3A_142 : vector<16xi32> to vector<1x16xi32>
    tpu.vector_store %arg7[%swap3A_144, %swap3A_145], %swap3A_148 {strides = array<i32>} : memref<4x128xi32, #tpu.memory_space<vmem>>, vector<1x16xi32>,
    %and3A_149 = arith.constant 16383 : i32
    %and3A_150 = vector.broadcast %and3A_149 : i32 to vector<16xi32>
    %and3A_151 = arith.andi %get3A_139, %and3A_150 : vector<16xi32>
    %swap3A_152 = arith.constant 0 : i32
    %swap3A_153 = arith.index_cast %swap3A_152 : i32 to index
    %swap3A_154 = arith.constant 96 : index
    %swap3A_155 = tpu.vector_load %arg8[%swap3A_153, %swap3A_154] {strides = array<i32>} : memref<4x128xi32, #tpu.memory_space<vmem>>, vector<1x16xi32>,
    %swap3A_156 = vector.shape_cast %swap3A_155 : vector<1x16xi32> to vector<16xi32>
    %swap3A_157 = vector.shape_cast %and3A_151 : vector<16xi32> to vector<1x16xi32>
    tpu.vector_store %arg8[%swap3A_153, %swap3A_154], %swap3A_157 {strides = array<i32>} : memref<4x128xi32, #tpu.memory_space<vmem>>, vector<1x16xi32>,
    %get3A_158 = arith.constant 0 : i32
    %get3A_159 = arith.index_cast %get3A_158 : i32 to index
    %get3A_160 = arith.constant 112 : index
    %get3A_161 = tpu.vector_load %arg6[%get3A_159, %get3A_160] {strides = array<i32>} : memref<80x128xi32, #tpu.memory_space<vmem>>, vector<1x16xi32>,
    %get3A_162 = vector.shape_cast %get3A_161 : vector<1x16xi32> to vector<16xi32>
    %shift_right_logical3A_163 = arith.constant 14 : i32
    %shift_right_logical3A_164 = vector.broadcast %shift_right_logical3A_163 : i32 to vector<16xi32>
    %shift_right_logical3A_165 = arith.shrui %get3A_162, %shift_right_logical3A_164 : vector<16xi32>
    %swap3A_166 = arith.constant 0 : i32
    %swap3A_167 = arith.index_cast %swap3A_166 : i32 to index
    %swap3A_168 = arith.constant 112 : index
    %swap3A_169 = tpu.vector_load %arg7[%swap3A_167, %swap3A_168] {strides = array<i32>} : memref<4x128xi32, #tpu.memory_space<vmem>>, vector<1x16xi32>,
    %swap3A_170 = vector.shape_cast %swap3A_169 : vector<1x16xi32> to vector<16xi32>
    %swap3A_171 = vector.shape_cast %shift_right_logical3A_165 : vector<16xi32> to vector<1x16xi32>
    tpu.vector_store %arg7[%swap3A_167, %swap3A_168], %swap3A_171 {strides = array<i32>} : memref<4x128xi32, #tpu.memory_space<vmem>>, vector<1x16xi32>,
    %and3A_172 = arith.constant 16383 : i32
    %and3A_173 = vector.broadcast %and3A_172 : i32 to vector<16xi32>
    %and3A_174 = arith.andi %get3A_162, %and3A_173 : vector<16xi32>
    %swap3A_175 = arith.constant 0 : i32
    %swap3A_176 = arith.index_cast %swap3A_175 : i32 to index
    %swap3A_177 = arith.constant 112 : index
    %swap3A_178 = tpu.vector_load %arg8[%swap3A_176, %swap3A_177] {strides = array<i32>} : memref<4x128xi32, #tpu.memory_space<vmem>>, vector<1x16xi32>,
    %swap3A_179 = vector.shape_cast %swap3A_178 : vector<1x16xi32> to vector<16xi32>
    %swap3A_180 = vector.shape_cast %and3A_174 : vector<16xi32> to vector<1x16xi32>
    tpu.vector_store %arg8[%swap3A_176, %swap3A_177], %swap3A_180 {strides = array<i32>} : memref<4x128xi32, #tpu.memory_space<vmem>>, vector<1x16xi32>,
    %dma_start3A = arith.constant 0 : i32
    %dma_start3A_181 = arith.constant 0 : i32
    %dma_start3A_182 = tpu.memref_slice %arg7[%dma_start3A, %dma_start3A_181] : memref<4x128xi32, #tpu.memory_space<vmem>> -> memref<1x128xi32, #tpu.memory_space<vmem>>
    %dma_start3A_183 = tpu.memref_squeeze %dma_start3A_182 : memref<1x128xi32, #tpu.memory_space<vmem>> -> memref<128xi32, #tpu.memory_space<vmem>>
    %dma_start3A_184 = arith.constant 0 : i32
    %dma_start3A_185 = arith.constant 0 : i32
    %dma_start3A_186 = tpu.memref_slice %arg2[%dma_start3A_184, %dma_start3A_185] : memref<10000x128xf32, #tpu.memory_space<hbm>> -> memref<10000x128xf32, #tpu.memory_space<hbm>>
    tpu.enqueue_indirect_dma source(%dma_start3A_186 : memref<10000x128xf32, #tpu.memory_space<hbm>>) target(%arg9 : memref<128x128xf32, #tpu.memory_space<vmem>>) offsets(%dma_start3A_183 : memref<128xi32, #tpu.memory_space<vmem>>) semaphore(%arg12 : memref<!tpu.dma_semaphore, #tpu.memory_space<semaphore_mem>>)
    %get3A_187 = arith.constant 1 : i32
    %get3A_188 = arith.index_cast %get3A_187 : i32 to index
    %get3A_189 = arith.constant 0 : index
    %get3A_190 = tpu.vector_load %arg6[%get3A_188, %get3A_189] {strides = array<i32>} : memref<80x128xi32, #tpu.memory_space<vmem>>, vector<1x16xi32>,
    %get3A_191 = vector.shape_cast %get3A_190 : vector<1x16xi32> to vector<16xi32>
    %shift_right_logical3A_192 = arith.constant 14 : i32
    %shift_right_logical3A_193 = vector.broadcast %shift_right_logical3A_192 : i32 to vector<16xi32>
    %shift_right_logical3A_194 = arith.shrui %get3A_191, %shift_right_logical3A_193 : vector<16xi32>
    %swap3A_195 = arith.constant 1 : i32
    %swap3A_196 = arith.index_cast %swap3A_195 : i32 to index
    %swap3A_197 = arith.constant 0 : index
    %swap3A_198 = tpu.vector_load %arg7[%swap3A_196, %swap3A_197] {strides = array<i32>} : memref<4x128xi32, #tpu.memory_space<vmem>>, vector<1x16xi32>,
    %swap3A_199 = vector.shape_cast %swap3A_198 : vector<1x16xi32> to vector<16xi32>
    %swap3A_200 = vector.shape_cast %shift_right_logical3A_194 : vector<16xi32> to vector<1x16xi32>
    tpu.vector_store %arg7[%swap3A_196, %swap3A_197], %swap3A_200 {strides = array<i32>} : memref<4x128xi32, #tpu.memory_space<vmem>>, vector<1x16xi32>,
    %and3A_201 = arith.constant 16383 : i32
    %and3A_202 = vector.broadcast %and3A_201 : i32 to vector<16xi32>
    %and3A_203 = arith.andi %get3A_191, %and3A_202 : vector<16xi32>
    %swap3A_204 = arith.constant 1 : i32
    %swap3A_205 = arith.index_cast %swap3A_204 : i32 to index
    %swap3A_206 = arith.constant 0 : index
    %swap3A_207 = tpu.vector_load %arg8[%swap3A_205, %swap3A_206] {strides = array<i32>} : memref<4x128xi32, #tpu.memory_space<vmem>>, vector<1x16xi32>,
    %swap3A_208 = vector.shape_cast %swap3A_207 : vector<1x16xi32> to vector<16xi32>
    %swap3A_209 = vector.shape_cast %and3A_203 : vector<16xi32> to vector<1x16xi32>
    tpu.vector_store %arg8[%swap3A_205, %swap3A_206], %swap3A_209 {strides = array<i32>} : memref<4x128xi32, #tpu.memory_space<vmem>>, vector<1x16xi32>,
    %get3A_210 = arith.constant 1 : i32
    %get3A_211 = arith.index_cast %get3A_210 : i32 to index
    %get3A_212 = arith.constant 16 : index
    %get3A_213 = tpu.vector_load %arg6[%get3A_211, %get3A_212] {strides = array<i32>} : memref<80x128xi32, #tpu.memory_space<vmem>>, vector<1x16xi32>,
    %get3A_214 = vector.shape_cast %get3A_213 : vector<1x16xi32> to vector<16xi32>
    %shift_right_logical3A_215 = arith.constant 14 : i32
    %shift_right_logical3A_216 = vector.broadcast %shift_right_logical3A_215 : i32 to vector<16xi32>
    %shift_right_logical3A_217 = arith.shrui %get3A_214, %shift_right_logical3A_216 : vector<16xi32>
    %swap3A_218 = arith.constant 1 : i32
    %swap3A_219 = arith.index_cast %swap3A_218 : i32 to index
    %swap3A_220 = arith.constant 16 : index
    %swap3A_221 = tpu.vector_load %arg7[%swap3A_219, %swap3A_220] {strides = array<i32>} : memref<4x128xi32, #tpu.memory_space<vmem>>, vector<1x16xi32>,
    %swap3A_222 = vector.shape_cast %swap3A_221 : vector<1x16xi32> to vector<16xi32>
    %swap3A_223 = vector.shape_cast %shift_right_logical3A_217 : vector<16xi32> to vector<1x16xi32>
    tpu.vector_store %arg7[%swap3A_219, %swap3A_220], %swap3A_223 {strides = array<i32>} : memref<4x128xi32, #tpu.memory_space<vmem>>, vector<1x16xi32>,
    %and3A_224 = arith.constant 16383 : i32
    %and3A_225 = vector.broadcast %and3A_224 : i32 to vector<16xi32>
    %and3A_226 = arith.andi %get3A_214, %and3A_225 : vector<16xi32>
    %swap3A_227 = arith.constant 1 : i32
    %swap3A_228 = arith.index_cast %swap3A_227 : i32 to index
    %swap3A_229 = arith.constant 16 : index
    %swap3A_230 = tpu.vector_load %arg8[%swap3A_228, %swap3A_229] {strides = array<i32>} : memref<4x128xi32, #tpu.memory_space<vmem>>, vector<1x16xi32>,
    %swap3A_231 = vector.shape_cast %swap3A_230 : vector<1x16xi32> to vector<16xi32>
    %swap3A_232 = vector.shape_cast %and3A_226 : vector<16xi32> to vector<1x16xi32>
    tpu.vector_store %arg8[%swap3A_228, %swap3A_229], %swap3A_232 {strides = array<i32>} : memref<4x128xi32, #tpu.memory_space<vmem>>, vector<1x16xi32>,
    %get3A_233 = arith.constant 1 : i32
    %get3A_234 = arith.index_cast %get3A_233 : i32 to index
    %get3A_235 = arith.constant 32 : index
    %get3A_236 = tpu.vector_load %arg6[%get3A_234, %get3A_235] {strides = array<i32>} : memref<80x128xi32, #tpu.memory_space<vmem>>, vector<1x16xi32>,
    %get3A_237 = vector.shape_cast %get3A_236 : vector<1x16xi32> to vector<16xi32>
    %shift_right_logical3A_238 = arith.constant 14 : i32
    %shift_right_logical3A_239 = vector.broadcast %shift_right_logical3A_238 : i32 to vector<16xi32>
    %shift_right_logical3A_240 = arith.shrui %get3A_237, %shift_right_logical3A_239 : vector<16xi32>
    %swap3A_241 = arith.constant 1 : i32
    %swap3A_242 = arith.index_cast %swap3A_241 : i32 to index
    %swap3A_243 = arith.constant 32 : index
    %swap3A_244 = tpu.vector_load %arg7[%swap3A_242, %swap3A_243] {strides = array<i32>} : memref<4x128xi32, #tpu.memory_space<vmem>>, vector<1x16xi32>,
    %swap3A_245 = vector.shape_cast %swap3A_244 : vector<1x16xi32> to vector<16xi32>
    %swap3A_246 = vector.shape_cast %shift_right_logical3A_240 : vector<16xi32> to vector<1x16xi32>
    tpu.vector_store %arg7[%swap3A_242, %swap3A_243], %swap3A_246 {strides = array<i32>} : memref<4x128xi32, #tpu.memory_space<vmem>>, vector<1x16xi32>,
    %and3A_247 = arith.constant 16383 : i32
    %and3A_248 = vector.broadcast %and3A_247 : i32 to vector<16xi32>
    %and3A_249 = arith.andi %get3A_237, %and3A_248 : vector<16xi32>
    %swap3A_250 = arith.constant 1 : i32
    %swap3A_251 = arith.index_cast %swap3A_250 : i32 to index
    %swap3A_252 = arith.constant 32 : index
    %swap3A_253 = tpu.vector_load %arg8[%swap3A_251, %swap3A_252] {strides = array<i32>} : memref<4x128xi32, #tpu.memory_space<vmem>>, vector<1x16xi32>,
    %swap3A_254 = vector.shape_cast %swap3A_253 : vector<1x16xi32> to vector<16xi32>
    %swap3A_255 = vector.shape_cast %and3A_249 : vector<16xi32> to vector<1x16xi32>
    tpu.vector_store %arg8[%swap3A_251, %swap3A_252], %swap3A_255 {strides = array<i32>} : memref<4x128xi32, #tpu.memory_space<vmem>>, vector<1x16xi32>,
    %get3A_256 = arith.constant 1 : i32
    %get3A_257 = arith.index_cast %get3A_256 : i32 to index
    %get3A_258 = arith.constant 48 : index
    %get3A_259 = tpu.vector_load %arg6[%get3A_257, %get3A_258] {strides = array<i32>} : memref<80x128xi32, #tpu.memory_space<vmem>>, vector<1x16xi32>,
    %get3A_260 = vector.shape_cast %get3A_259 : vector<1x16xi32> to vector<16xi32>
    %shift_right_logical3A_261 = arith.constant 14 : i32
    %shift_right_logical3A_262 = vector.broadcast %shift_right_logical3A_261 : i32 to vector<16xi32>
    %shift_right_logical3A_263 = arith.shrui %get3A_260, %shift_right_logical3A_262 : vector<16xi32>
    %swap3A_264 = arith.constant 1 : i32
    %swap3A_265 = arith.index_cast %swap3A_264 : i32 to index
    %swap3A_266 = arith.constant 48 : index
    %swap3A_267 = tpu.vector_load %arg7[%swap3A_265, %swap3A_266] {strides = array<i32>} : memref<4x128xi32, #tpu.memory_space<vmem>>, vector<1x16xi32>,
    %swap3A_268 = vector.shape_cast %swap3A_267 : vector<1x16xi32> to vector<16xi32>
    %swap3A_269 = vector.shape_cast %shift_right_logical3A_263 : vector<16xi32> to vector<1x16xi32>
    tpu.vector_store %arg7[%swap3A_265, %swap3A_266], %swap3A_269 {strides = array<i32>} : memref<4x128xi32, #tpu.memory_space<vmem>>, vector<1x16xi32>,
    %and3A_270 = arith.constant 16383 : i32
    %and3A_271 = vector.broadcast %and3A_270 : i32 to vector<16xi32>
    %and3A_272 = arith.andi %get3A_260, %and3A_271 : vector<16xi32>
    %swap3A_273 = arith.constant 1 : i32
    %swap3A_274 = arith.index_cast %swap3A_273 : i32 to index
    %swap3A_275 = arith.constant 48 : index
    %swap3A_276 = tpu.vector_load %arg8[%swap3A_274, %swap3A_275] {strides = array<i32>} : memref<4x128xi32, #tpu.memory_space<vmem>>, vector<1x16xi32>,
    %swap3A_277 = vector.shape_cast %swap3A_276 : vector<1x16xi32> to vector<16xi32>
    %swap3A_278 = vector.shape_cast %and3A_272 : vector<16xi32> to vector<1x16xi32>
    tpu.vector_store %arg8[%swap3A_274, %swap3A_275], %swap3A_278 {strides = array<i32>} : memref<4x128xi32, #tpu.memory_space<vmem>>, vector<1x16xi32>,
    %get3A_279 = arith.constant 1 : i32
    %get3A_280 = arith.index_cast %get3A_279 : i32 to index
    %get3A_281 = arith.constant 64 : index
    %get3A_282 = tpu.vector_load %arg6[%get3A_280, %get3A_281] {strides = array<i32>} : memref<80x128xi32, #tpu.memory_space<vmem>>, vector<1x16xi32>,
    %get3A_283 = vector.shape_cast %get3A_282 : vector<1x16xi32> to vector<16xi32>
    %shift_right_logical3A_284 = arith.constant 14 : i32
    %shift_right_logical3A_285 = vector.broadcast %shift_right_logical3A_284 : i32 to vector<16xi32>
    %shift_right_logical3A_286 = arith.shrui %get3A_283, %shift_right_logical3A_285 : vector<16xi32>
    %swap3A_287 = arith.constant 1 : i32
    %swap3A_288 = arith.index_cast %swap3A_287 : i32 to index
    %swap3A_289 = arith.constant 64 : index
    %swap3A_290 = tpu.vector_load %arg7[%swap3A_288, %swap3A_289] {strides = array<i32>} : memref<4x128xi32, #tpu.memory_space<vmem>>, vector<1x16xi32>,
    %swap3A_291 = vector.shape_cast %swap3A_290 : vector<1x16xi32> to vector<16xi32>
    %swap3A_292 = vector.shape_cast %shift_right_logical3A_286 : vector<16xi32> to vector<1x16xi32>
    tpu.vector_store %arg7[%swap3A_288, %swap3A_289], %swap3A_292 {strides = array<i32>} : memref<4x128xi32, #tpu.memory_space<vmem>>, vector<1x16xi32>,
    %and3A_293 = arith.constant 16383 : i32
    %and3A_294 = vector.broadcast %and3A_293 : i32 to vector<16xi32>
    %and3A_295 = arith.andi %get3A_283, %and3A_294 : vector<16xi32>
    %swap3A_296 = arith.constant 1 : i32
    %swap3A_297 = arith.index_cast %swap3A_296 : i32 to index
    %swap3A_298 = arith.constant 64 : index
    %swap3A_299 = tpu.vector_load %arg8[%swap3A_297, %swap3A_298] {strides = array<i32>} : memref<4x128xi32, #tpu.memory_space<vmem>>, vector<1x16xi32>,
    %swap3A_300 = vector.shape_cast %swap3A_299 : vector<1x16xi32> to vector<16xi32>
    %swap3A_301 = vector.shape_cast %and3A_295 : vector<16xi32> to vector<1x16xi32>
    tpu.vector_store %arg8[%swap3A_297, %swap3A_298], %swap3A_301 {strides = array<i32>} : memref<4x128xi32, #tpu.memory_space<vmem>>, vector<1x16xi32>,
    %get3A_302 = arith.constant 1 : i32
    %get3A_303 = arith.index_cast %get3A_302 : i32 to index
    %get3A_304 = arith.constant 80 : index
    %get3A_305 = tpu.vector_load %arg6[%get3A_303, %get3A_304] {strides = array<i32>} : memref<80x128xi32, #tpu.memory_space<vmem>>, vector<1x16xi32>,
    %get3A_306 = vector.shape_cast %get3A_305 : vector<1x16xi32> to vector<16xi32>
    %shift_right_logical3A_307 = arith.constant 14 : i32
    %shift_right_logical3A_308 = vector.broadcast %shift_right_logical3A_307 : i32 to vector<16xi32>
    %shift_right_logical3A_309 = arith.shrui %get3A_306, %shift_right_logical3A_308 : vector<16xi32>
    %swap3A_310 = arith.constant 1 : i32
    %swap3A_311 = arith.index_cast %swap3A_310 : i32 to index
    %swap3A_312 = arith.constant 80 : index
    %swap3A_313 = tpu.vector_load %arg7[%swap3A_311, %swap3A_312] {strides = array<i32>} : memref<4x128xi32, #tpu.memory_space<vmem>>, vector<1x16xi32>,
    %swap3A_314 = vector.shape_cast %swap3A_313 : vector<1x16xi32> to vector<16xi32>
    %swap3A_315 = vector.shape_cast %shift_right_logical3A_309 : vector<16xi32> to vector<1x16xi32>
    tpu.vector_store %arg7[%swap3A_311, %swap3A_312], %swap3A_315 {strides = array<i32>} : memref<4x128xi32, #tpu.memory_space<vmem>>, vector<1x16xi32>,
    %and3A_316 = arith.constant 16383 : i32
    %and3A_317 = vector.broadcast %and3A_316 : i32 to vector<16xi32>
    %and3A_318 = arith.andi %get3A_306, %and3A_317 : vector<16xi32>
    %swap3A_319 = arith.constant 1 : i32
    %swap3A_320 = arith.index_cast %swap3A_319 : i32 to index
    %swap3A_321 = arith.constant 80 : index
    %swap3A_322 = tpu.vector_load %arg8[%swap3A_320, %swap3A_321] {strides = array<i32>} : memref<4x128xi32, #tpu.memory_space<vmem>>, vector<1x16xi32>,
    %swap3A_323 = vector.shape_cast %swap3A_322 : vector<1x16xi32> to vector<16xi32>
    %swap3A_324 = vector.shape_cast %and3A_318 : vector<16xi32> to vector<1x16xi32>
    tpu.vector_store %arg8[%swap3A_320, %swap3A_321], %swap3A_324 {strides = array<i32>} : memref<4x128xi32, #tpu.memory_space<vmem>>, vector<1x16xi32>,
    %get3A_325 = arith.constant 1 : i32
    %get3A_326 = arith.index_cast %get3A_325 : i32 to index
    %get3A_327 = arith.constant 96 : index
    %get3A_328 = tpu.vector_load %arg6[%get3A_326, %get3A_327] {strides = array<i32>} : memref<80x128xi32, #tpu.memory_space<vmem>>, vector<1x16xi32>,
    %get3A_329 = vector.shape_cast %get3A_328 : vector<1x16xi32> to vector<16xi32>
    %shift_right_logical3A_330 = arith.constant 14 : i32
    %shift_right_logical3A_331 = vector.broadcast %shift_right_logical3A_330 : i32 to vector<16xi32>
    %shift_right_logical3A_332 = arith.shrui %get3A_329, %shift_right_logical3A_331 : vector<16xi32>
    %swap3A_333 = arith.constant 1 : i32
    %swap3A_334 = arith.index_cast %swap3A_333 : i32 to index
    %swap3A_335 = arith.constant 96 : index
    %swap3A_336 = tpu.vector_load %arg7[%swap3A_334, %swap3A_335] {strides = array<i32>} : memref<4x128xi32, #tpu.memory_space<vmem>>, vector<1x16xi32>,
    %swap3A_337 = vector.shape_cast %swap3A_336 : vector<1x16xi32> to vector<16xi32>
    %swap3A_338 = vector.shape_cast %shift_right_logical3A_332 : vector<16xi32> to vector<1x16xi32>
    tpu.vector_store %arg7[%swap3A_334, %swap3A_335], %swap3A_338 {strides = array<i32>} : memref<4x128xi32, #tpu.memory_space<vmem>>, vector<1x16xi32>,
    %and3A_339 = arith.constant 16383 : i32
    %and3A_340 = vector.broadcast %and3A_339 : i32 to vector<16xi32>
    %and3A_341 = arith.andi %get3A_329, %and3A_340 : vector<16xi32>
    %swap3A_342 = arith.constant 1 : i32
    %swap3A_343 = arith.index_cast %swap3A_342 : i32 to index
    %swap3A_344 = arith.constant 96 : index
    %swap3A_345 = tpu.vector_load %arg8[%swap3A_343, %swap3A_344] {strides = array<i32>} : memref<4x128xi32, #tpu.memory_space<vmem>>, vector<1x16xi32>,
    %swap3A_346 = vector.shape_cast %swap3A_345 : vector<1x16xi32> to vector<16xi32>
    %swap3A_347 = vector.shape_cast %and3A_341 : vector<16xi32> to vector<1x16xi32>
    tpu.vector_store %arg8[%swap3A_343, %swap3A_344], %swap3A_347 {strides = array<i32>} : memref<4x128xi32, #tpu.memory_space<vmem>>, vector<1x16xi32>,
    %get3A_348 = arith.constant 1 : i32
    %get3A_349 = arith.index_cast %get3A_348 : i32 to index
    %get3A_350 = arith.constant 112 : index
    %get3A_351 = tpu.vector_load %arg6[%get3A_349, %get3A_350] {strides = array<i32>} : memref<80x128xi32, #tpu.memory_space<vmem>>, vector<1x16xi32>,
    %get3A_352 = vector.shape_cast %get3A_351 : vector<1x16xi32> to vector<16xi32>
    %shift_right_logical3A_353 = arith.constant 14 : i32
    %shift_right_logical3A_354 = vector.broadcast %shift_right_logical3A_353 : i32 to vector<16xi32>
    %shift_right_logical3A_355 = arith.shrui %get3A_352, %shift_right_logical3A_354 : vector<16xi32>
    %swap3A_356 = arith.constant 1 : i32
    %swap3A_357 = arith.index_cast %swap3A_356 : i32 to index
    %swap3A_358 = arith.constant 112 : index
    %swap3A_359 = tpu.vector_load %arg7[%swap3A_357, %swap3A_358] {strides = array<i32>} : memref<4x128xi32, #tpu.memory_space<vmem>>, vector<1x16xi32>,
    %swap3A_360 = vector.shape_cast %swap3A_359 : vector<1x16xi32> to vector<16xi32>
    %swap3A_361 = vector.shape_cast %shift_right_logical3A_355 : vector<16xi32> to vector<1x16xi32>
    tpu.vector_store %arg7[%swap3A_357, %swap3A_358], %swap3A_361 {strides = array<i32>} : memref<4x128xi32, #tpu.memory_space<vmem>>, vector<1x16xi32>,
    %and3A_362 = arith.constant 16383 : i32
    %and3A_363 = vector.broadcast %and3A_362 : i32 to vector<16xi32>
    %and3A_364 = arith.andi %get3A_352, %and3A_363 : vector<16xi32>
    %swap3A_365 = arith.constant 1 : i32
    %swap3A_366 = arith.index_cast %swap3A_365 : i32 to index
    %swap3A_367 = arith.constant 112 : index
    %swap3A_368 = tpu.vector_load %arg8[%swap3A_366, %swap3A_367] {strides = array<i32>} : memref<4x128xi32, #tpu.memory_space<vmem>>, vector<1x16xi32>,
    %swap3A_369 = vector.shape_cast %swap3A_368 : vector<1x16xi32> to vector<16xi32>
    %swap3A_370 = vector.shape_cast %and3A_364 : vector<16xi32> to vector<1x16xi32>
    tpu.vector_store %arg8[%swap3A_366, %swap3A_367], %swap3A_370 {strides = array<i32>} : memref<4x128xi32, #tpu.memory_space<vmem>>, vector<1x16xi32>,
    %dma_start3A_371 = arith.constant 1 : i32
    %dma_start3A_372 = arith.constant 0 : i32
    %dma_start3A_373 = tpu.memref_slice %arg7[%dma_start3A_371, %dma_start3A_372] : memref<4x128xi32, #tpu.memory_space<vmem>> -> memref<1x128xi32, #tpu.memory_space<vmem>>
    %dma_start3A_374 = tpu.memref_squeeze %dma_start3A_373 : memref<1x128xi32, #tpu.memory_space<vmem>> -> memref<128xi32, #tpu.memory_space<vmem>>
    %dma_start3A_375 = arith.constant 0 : i32
    %dma_start3A_376 = arith.constant 0 : i32
    %dma_start3A_377 = tpu.memref_slice %arg2[%dma_start3A_375, %dma_start3A_376] : memref<10000x128xf32, #tpu.memory_space<hbm>> -> memref<10000x128xf32, #tpu.memory_space<hbm>>
    tpu.enqueue_indirect_dma source(%dma_start3A_377 : memref<10000x128xf32, #tpu.memory_space<hbm>>) target(%arg10 : memref<128x128xf32, #tpu.memory_space<vmem>>) offsets(%dma_start3A_374 : memref<128xi32, #tpu.memory_space<vmem>>) semaphore(%arg13 : memref<!tpu.dma_semaphore, #tpu.memory_space<semaphore_mem>>)
    %mul3A_378 = arith.constant 640 : i32
    %mul3A_379 = arith.muli %arg1, %mul3A_378 : i32
    "tpu.region"() ({
      %run_scoped3A = tpu.sem_alloc : memref<!tpu.dma_semaphore, #tpu.memory_space<semaphore_mem>>
      %dma_start3A_390 = arith.constant 0 : i32
      %dma_start3A_391 = tpu.memref_slice %arg11[%mul3A_379, %dma_start3A_390] : memref<10240x128xf32, #tpu.memory_space<vmem_shared>> -> memref<640x128xf32, #tpu.memory_space<vmem_shared>>
      %dma_start3A_392 = arith.constant 0 : i32
      %dma_start3A_393 = arith.constant 0 : i32
      %dma_start3A_394 = tpu.memref_slice %arg4[%arg1, %dma_start3A_392, %dma_start3A_393] : memref<16x640x128xf32, #tpu.memory_space<hbm>> -> memref<1x640x128xf32, #tpu.memory_space<hbm>>
      %dma_start3A_395 = tpu.memref_squeeze %dma_start3A_394 : memref<1x640x128xf32, #tpu.memory_space<hbm>> -> memref<640x128xf32, #tpu.memory_space<hbm>>
      tpu.enqueue_dma source(%dma_start3A_395 : memref<640x128xf32, #tpu.memory_space<hbm>>) target(%dma_start3A_391 : memref<640x128xf32, #tpu.memory_space<vmem_shared>>) target_semaphore(%run_scoped3A : memref<!tpu.dma_semaphore, #tpu.memory_space<semaphore_mem>>)
      %dma_wait3A = arith.constant 0 : i32
      %dma_wait3A_396 = tpu.memref_slice %arg11[%mul3A_379, %dma_wait3A] : memref<10240x128xf32, #tpu.memory_space<vmem_shared>> -> memref<640x128xf32, #tpu.memory_space<vmem_shared>>
      %dma_wait3A_397 = arith.constant 0 : i32
      %dma_wait3A_398 = arith.constant 0 : i32
      %dma_wait3A_399 = tpu.memref_slice %arg4[%arg1, %dma_wait3A_397, %dma_wait3A_398] : memref<16x640x128xf32, #tpu.memory_space<hbm>> -> memref<1x640x128xf32, #tpu.memory_space<hbm>>
      %dma_wait3A_400 = tpu.memref_squeeze %dma_wait3A_399 : memref<1x640x128xf32, #tpu.memory_space<hbm>> -> memref<640x128xf32, #tpu.memory_space<hbm>>
      tpu.wait_dma2 semaphore(%run_scoped3A : memref<!tpu.dma_semaphore, #tpu.memory_space<semaphore_mem>>) src(%dma_wait3A_400 : memref<640x128xf32, #tpu.memory_space<hbm>>) dst(%dma_wait3A_396 : memref<640x128xf32, #tpu.memory_space<vmem_shared>>)
      tpu.yield
    }) : () -> ()
    %barrier3A = arith.constant 0 : index
    tpu.barrier barrier_id(%barrier3A)
    %scan3A = arith.constant 0 : i32
    %scan3A_380 = arith.constant 0 : i32
    %scan3A_381 = arith.constant 20 : i32
    %scan3A_382 = arith.addi %scan3A_380, %scan3A_381 : i32
    %scan3A_383 = arith.constant 1 : i32
    scf.for %scan3A_390 = %scan3A_380 to %scan3A_382 step %scan3A_383  : i32 {
      %mul3A_391 = arith.constant 4 : i32
      %mul3A_392 = arith.muli %scan3A_390, %mul3A_391 : i32
      %add3A_393 = arith.constant 0 : i32
      %add3A_394 = arith.addi %mul3A_392, %add3A_393 : i32
      %dma_wait3A = arith.constant 0 : i32
      %dma_wait3A_395 = arith.constant 0 : i32
      %dma_wait3A_396 = tpu.memref_slice %arg7[%dma_wait3A, %dma_wait3A_395] : memref<4x128xi32, #tpu.memory_space<vmem>> -> memref<1x128xi32, #tpu.memory_space<vmem>>
      %dma_wait3A_397 = tpu.memref_squeeze %dma_wait3A_396 : memref<1x128xi32, #tpu.memory_space<vmem>> -> memref<128xi32, #tpu.memory_space<vmem>>
      %dma_wait3A_398 = arith.constant 0 : i32
      %dma_wait3A_399 = arith.constant 0 : i32
      %dma_wait3A_400 = tpu.memref_slice %arg2[%dma_wait3A_398, %dma_wait3A_399] : memref<10000x128xf32, #tpu.memory_space<hbm>> -> memref<10000x128xf32, #tpu.memory_space<hbm>>
      tpu.wait_indirect_dma semaphore(%arg12 : memref<!tpu.dma_semaphore, #tpu.memory_space<semaphore_mem>>) src(%dma_wait3A_400 : memref<10000x128xf32, #tpu.memory_space<hbm>>) dst(%arg9 : memref<128x128xf32, #tpu.memory_space<vmem>>)
      %run_scoped3A = arith.constant 0 : i32
      "tpu.region"() ({
        %run_scoped3A_462 = tpu.sem_alloc : memref<!tpu.dma_semaphore, #tpu.memory_space<semaphore_mem>>
        %dma_start3A_463 = arith.constant 0 : i32
        %dma_start3A_464 = tpu.memref_slice %arg8[%run_scoped3A, %dma_start3A_463] : memref<4x128xi32, #tpu.memory_space<vmem>> -> memref<1x128xi32, #tpu.memory_space<vmem>>
        %dma_start3A_465 = tpu.memref_squeeze %dma_start3A_464 : memref<1x128xi32, #tpu.memory_space<vmem>> -> memref<128xi32, #tpu.memory_space<vmem>>
        %dma_start3A_466 = arith.constant 0 : i32
        %dma_start3A_467 = arith.constant 0 : i32
        %dma_start3A_468 = tpu.memref_slice %arg11[%dma_start3A_466, %dma_start3A_467] : memref<10240x128xf32, #tpu.memory_space<vmem_shared>> -> memref<10240x128xf32, #tpu.memory_space<vmem_shared>>
        tpu.enqueue_indirect_dma source(%arg9 : memref<128x128xf32, #tpu.memory_space<vmem>>) target(%dma_start3A_468 : memref<10240x128xf32, #tpu.memory_space<vmem_shared>>) offsets(%dma_start3A_465 : memref<128xi32, #tpu.memory_space<vmem>>) semaphore(%run_scoped3A_462 : memref<!tpu.dma_semaphore, #tpu.memory_space<semaphore_mem>>) {add = true}
        %dma_wait3A_469 = arith.constant 0 : i32
        %dma_wait3A_470 = tpu.memref_slice %arg8[%run_scoped3A, %dma_wait3A_469] : memref<4x128xi32, #tpu.memory_space<vmem>> -> memref<1x128xi32, #tpu.memory_space<vmem>>
        %dma_wait3A_471 = tpu.memref_squeeze %dma_wait3A_470 : memref<1x128xi32, #tpu.memory_space<vmem>> -> memref<128xi32, #tpu.memory_space<vmem>>
        %dma_wait3A_472 = arith.constant 0 : i32
        %dma_wait3A_473 = arith.constant 0 : i32
        %dma_wait3A_474 = tpu.memref_slice %arg11[%dma_wait3A_472, %dma_wait3A_473] : memref<10240x128xf32, #tpu.memory_space<vmem_shared>> -> memref<10240x128xf32, #tpu.memory_space<vmem_shared>>
        tpu.wait_indirect_dma semaphore(%run_scoped3A_462 : memref<!tpu.dma_semaphore, #tpu.memory_space<semaphore_mem>>) src(%arg9 : memref<128x128xf32, #tpu.memory_space<vmem>>) dst(%dma_wait3A_474 : memref<10240x128xf32, #tpu.memory_space<vmem_shared>>)
        tpu.yield
      }) : () -> ()
      %add3A_401 = arith.constant 2 : i32
      %add3A_402 = arith.addi %add3A_394, %add3A_401 : i32
      %lt3A = arith.constant 80 : i32
      %lt3A_403 = arith.cmpi slt, %add3A_402, %lt3A : i32
      %convert_element_type3A = arith.extui %lt3A_403 : i1 to i32
      %cond3A = arith.constant 0 : i32
      %cond3A_404 = arith.cmpi ne, %convert_element_type3A, %cond3A : i32
      scf.if %cond3A_404 {
        %add3A_462 = arith.constant 2 : i32
        %add3A_463 = arith.addi %add3A_394, %add3A_462 : i32
        %get3A_464 = arith.index_cast %add3A_463 : i32 to index
        %get3A_465 = arith.constant 0 : index
        %get3A_466 = tpu.vector_load %arg6[%get3A_464, %get3A_465] {strides = array<i32>} : memref<80x128xi32, #tpu.memory_space<vmem>>, vector<1x16xi32>,
        %get3A_467 = vector.shape_cast %get3A_466 : vector<1x16xi32> to vector<16xi32>
        %shift_right_logical3A_468 = arith.constant 14 : i32
        %shift_right_logical3A_469 = vector.broadcast %shift_right_logical3A_468 : i32 to vector<16xi32>
        %shift_right_logical3A_470 = arith.shrui %get3A_467, %shift_right_logical3A_469 : vector<16xi32>
        %swap3A_471 = arith.constant 2 : i32
        %swap3A_472 = arith.index_cast %swap3A_471 : i32 to index
        %swap3A_473 = arith.constant 0 : index
        %swap3A_474 = tpu.vector_load %arg7[%swap3A_472, %swap3A_473] {strides = array<i32>} : memref<4x128xi32, #tpu.memory_space<vmem>>, vector<1x16xi32>,
        %swap3A_475 = vector.shape_cast %swap3A_474 : vector<1x16xi32> to vector<16xi32>
        %swap3A_476 = vector.shape_cast %shift_right_logical3A_470 : vector<16xi32> to vector<1x16xi32>
        tpu.vector_store %arg7[%swap3A_472, %swap3A_473], %swap3A_476 {strides = array<i32>} : memref<4x128xi32, #tpu.memory_space<vmem>>, vector<1x16xi32>,
        %and3A_477 = arith.constant 16383 : i32
        %and3A_478 = vector.broadcast %and3A_477 : i32 to vector<16xi32>
        %and3A_479 = arith.andi %get3A_467, %and3A_478 : vector<16xi32>
        %swap3A_480 = arith.constant 2 : i32
        %swap3A_481 = arith.index_cast %swap3A_480 : i32 to index
        %swap3A_482 = arith.constant 0 : index
        %swap3A_483 = tpu.vector_load %arg8[%swap3A_481, %swap3A_482] {strides = array<i32>} : memref<4x128xi32, #tpu.memory_space<vmem>>, vector<1x16xi32>,
        %swap3A_484 = vector.shape_cast %swap3A_483 : vector<1x16xi32> to vector<16xi32>
        %swap3A_485 = vector.shape_cast %and3A_479 : vector<16xi32> to vector<1x16xi32>
        tpu.vector_store %arg8[%swap3A_481, %swap3A_482], %swap3A_485 {strides = array<i32>} : memref<4x128xi32, #tpu.memory_space<vmem>>, vector<1x16xi32>,
        %get3A_486 = arith.index_cast %add3A_463 : i32 to index
        %get3A_487 = arith.constant 16 : index
        %get3A_488 = tpu.vector_load %arg6[%get3A_486, %get3A_487] {strides = array<i32>} : memref<80x128xi32, #tpu.memory_space<vmem>>, vector<1x16xi32>,
        %get3A_489 = vector.shape_cast %get3A_488 : vector<1x16xi32> to vector<16xi32>
        %shift_right_logical3A_490 = arith.constant 14 : i32
        %shift_right_logical3A_491 = vector.broadcast %shift_right_logical3A_490 : i32 to vector<16xi32>
        %shift_right_logical3A_492 = arith.shrui %get3A_489, %shift_right_logical3A_491 : vector<16xi32>
        %swap3A_493 = arith.constant 2 : i32
        %swap3A_494 = arith.index_cast %swap3A_493 : i32 to index
        %swap3A_495 = arith.constant 16 : index
        %swap3A_496 = tpu.vector_load %arg7[%swap3A_494, %swap3A_495] {strides = array<i32>} : memref<4x128xi32, #tpu.memory_space<vmem>>, vector<1x16xi32>,
        %swap3A_497 = vector.shape_cast %swap3A_496 : vector<1x16xi32> to vector<16xi32>
        %swap3A_498 = vector.shape_cast %shift_right_logical3A_492 : vector<16xi32> to vector<1x16xi32>
        tpu.vector_store %arg7[%swap3A_494, %swap3A_495], %swap3A_498 {strides = array<i32>} : memref<4x128xi32, #tpu.memory_space<vmem>>, vector<1x16xi32>,
        %and3A_499 = arith.constant 16383 : i32
        %and3A_500 = vector.broadcast %and3A_499 : i32 to vector<16xi32>
        %and3A_501 = arith.andi %get3A_489, %and3A_500 : vector<16xi32>
        %swap3A_502 = arith.constant 2 : i32
        %swap3A_503 = arith.index_cast %swap3A_502 : i32 to index
        %swap3A_504 = arith.constant 16 : index
        %swap3A_505 = tpu.vector_load %arg8[%swap3A_503, %swap3A_504] {strides = array<i32>} : memref<4x128xi32, #tpu.memory_space<vmem>>, vector<1x16xi32>,
        %swap3A_506 = vector.shape_cast %swap3A_505 : vector<1x16xi32> to vector<16xi32>
        %swap3A_507 = vector.shape_cast %and3A_501 : vector<16xi32> to vector<1x16xi32>
        tpu.vector_store %arg8[%swap3A_503, %swap3A_504], %swap3A_507 {strides = array<i32>} : memref<4x128xi32, #tpu.memory_space<vmem>>, vector<1x16xi32>,
        %get3A_508 = arith.index_cast %add3A_463 : i32 to index
        %get3A_509 = arith.constant 32 : index
        %get3A_510 = tpu.vector_load %arg6[%get3A_508, %get3A_509] {strides = array<i32>} : memref<80x128xi32, #tpu.memory_space<vmem>>, vector<1x16xi32>,
        %get3A_511 = vector.shape_cast %get3A_510 : vector<1x16xi32> to vector<16xi32>
        %shift_right_logical3A_512 = arith.constant 14 : i32
        %shift_right_logical3A_513 = vector.broadcast %shift_right_logical3A_512 : i32 to vector<16xi32>
        %shift_right_logical3A_514 = arith.shrui %get3A_511, %shift_right_logical3A_513 : vector<16xi32>
        %swap3A_515 = arith.constant 2 : i32
        %swap3A_516 = arith.index_cast %swap3A_515 : i32 to index
        %swap3A_517 = arith.constant 32 : index
        %swap3A_518 = tpu.vector_load %arg7[%swap3A_516, %swap3A_517] {strides = array<i32>} : memref<4x128xi32, #tpu.memory_space<vmem>>, vector<1x16xi32>,
        %swap3A_519 = vector.shape_cast %swap3A_518 : vector<1x16xi32> to vector<16xi32>
        %swap3A_520 = vector.shape_cast %shift_right_logical3A_514 : vector<16xi32> to vector<1x16xi32>
        tpu.vector_store %arg7[%swap3A_516, %swap3A_517], %swap3A_520 {strides = array<i32>} : memref<4x128xi32, #tpu.memory_space<vmem>>, vector<1x16xi32>,
        %and3A_521 = arith.constant 16383 : i32
        %and3A_522 = vector.broadcast %and3A_521 : i32 to vector<16xi32>
        %and3A_523 = arith.andi %get3A_511, %and3A_522 : vector<16xi32>
        %swap3A_524 = arith.constant 2 : i32
        %swap3A_525 = arith.index_cast %swap3A_524 : i32 to index
        %swap3A_526 = arith.constant 32 : index
        %swap3A_527 = tpu.vector_load %arg8[%swap3A_525, %swap3A_526] {strides = array<i32>} : memref<4x128xi32, #tpu.memory_space<vmem>>, vector<1x16xi32>,
        %swap3A_528 = vector.shape_cast %swap3A_527 : vector<1x16xi32> to vector<16xi32>
        %swap3A_529 = vector.shape_cast %and3A_523 : vector<16xi32> to vector<1x16xi32>
        tpu.vector_store %arg8[%swap3A_525, %swap3A_526], %swap3A_529 {strides = array<i32>} : memref<4x128xi32, #tpu.memory_space<vmem>>, vector<1x16xi32>,
        %get3A_530 = arith.index_cast %add3A_463 : i32 to index
        %get3A_531 = arith.constant 48 : index
        %get3A_532 = tpu.vector_load %arg6[%get3A_530, %get3A_531] {strides = array<i32>} : memref<80x128xi32, #tpu.memory_space<vmem>>, vector<1x16xi32>,
        %get3A_533 = vector.shape_cast %get3A_532 : vector<1x16xi32> to vector<16xi32>
        %shift_right_logical3A_534 = arith.constant 14 : i32
        %shift_right_logical3A_535 = vector.broadcast %shift_right_logical3A_534 : i32 to vector<16xi32>
        %shift_right_logical3A_536 = arith.shrui %get3A_533, %shift_right_logical3A_535 : vector<16xi32>
        %swap3A_537 = arith.constant 2 : i32
        %swap3A_538 = arith.index_cast %swap3A_537 : i32 to index
        %swap3A_539 = arith.constant 48 : index
        %swap3A_540 = tpu.vector_load %arg7[%swap3A_538, %swap3A_539] {strides = array<i32>} : memref<4x128xi32, #tpu.memory_space<vmem>>, vector<1x16xi32>,
        %swap3A_541 = vector.shape_cast %swap3A_540 : vector<1x16xi32> to vector<16xi32>
        %swap3A_542 = vector.shape_cast %shift_right_logical3A_536 : vector<16xi32> to vector<1x16xi32>
        tpu.vector_store %arg7[%swap3A_538, %swap3A_539], %swap3A_542 {strides = array<i32>} : memref<4x128xi32, #tpu.memory_space<vmem>>, vector<1x16xi32>,
        %and3A_543 = arith.constant 16383 : i32
        %and3A_544 = vector.broadcast %and3A_543 : i32 to vector<16xi32>
        %and3A_545 = arith.andi %get3A_533, %and3A_544 : vector<16xi32>
        %swap3A_546 = arith.constant 2 : i32
        %swap3A_547 = arith.index_cast %swap3A_546 : i32 to index
        %swap3A_548 = arith.constant 48 : index
        %swap3A_549 = tpu.vector_load %arg8[%swap3A_547, %swap3A_548] {strides = array<i32>} : memref<4x128xi32, #tpu.memory_space<vmem>>, vector<1x16xi32>,
        %swap3A_550 = vector.shape_cast %swap3A_549 : vector<1x16xi32> to vector<16xi32>
        %swap3A_551 = vector.shape_cast %and3A_545 : vector<16xi32> to vector<1x16xi32>
        tpu.vector_store %arg8[%swap3A_547, %swap3A_548], %swap3A_551 {strides = array<i32>} : memref<4x128xi32, #tpu.memory_space<vmem>>, vector<1x16xi32>,
        %get3A_552 = arith.index_cast %add3A_463 : i32 to index
        %get3A_553 = arith.constant 64 : index
        %get3A_554 = tpu.vector_load %arg6[%get3A_552, %get3A_553] {strides = array<i32>} : memref<80x128xi32, #tpu.memory_space<vmem>>, vector<1x16xi32>,
        %get3A_555 = vector.shape_cast %get3A_554 : vector<1x16xi32> to vector<16xi32>
        %shift_right_logical3A_556 = arith.constant 14 : i32
        %shift_right_logical3A_557 = vector.broadcast %shift_right_logical3A_556 : i32 to vector<16xi32>
        %shift_right_logical3A_558 = arith.shrui %get3A_555, %shift_right_logical3A_557 : vector<16xi32>
        %swap3A_559 = arith.constant 2 : i32
        %swap3A_560 = arith.index_cast %swap3A_559 : i32 to index
        %swap3A_561 = arith.constant 64 : index
        %swap3A_562 = tpu.vector_load %arg7[%swap3A_560, %swap3A_561] {strides = array<i32>} : memref<4x128xi32, #tpu.memory_space<vmem>>, vector<1x16xi32>,
        %swap3A_563 = vector.shape_cast %swap3A_562 : vector<1x16xi32> to vector<16xi32>
        %swap3A_564 = vector.shape_cast %shift_right_logical3A_558 : vector<16xi32> to vector<1x16xi32>
        tpu.vector_store %arg7[%swap3A_560, %swap3A_561], %swap3A_564 {strides = array<i32>} : memref<4x128xi32, #tpu.memory_space<vmem>>, vector<1x16xi32>,
        %and3A_565 = arith.constant 16383 : i32
        %and3A_566 = vector.broadcast %and3A_565 : i32 to vector<16xi32>
        %and3A_567 = arith.andi %get3A_555, %and3A_566 : vector<16xi32>
        %swap3A_568 = arith.constant 2 : i32
        %swap3A_569 = arith.index_cast %swap3A_568 : i32 to index
        %swap3A_570 = arith.constant 64 : index
        %swap3A_571 = tpu.vector_load %arg8[%swap3A_569, %swap3A_570] {strides = array<i32>} : memref<4x128xi32, #tpu.memory_space<vmem>>, vector<1x16xi32>,
        %swap3A_572 = vector.shape_cast %swap3A_571 : vector<1x16xi32> to vector<16xi32>
        %swap3A_573 = vector.shape_cast %and3A_567 : vector<16xi32> to vector<1x16xi32>
        tpu.vector_store %arg8[%swap3A_569, %swap3A_570], %swap3A_573 {strides = array<i32>} : memref<4x128xi32, #tpu.memory_space<vmem>>, vector<1x16xi32>,
        %get3A_574 = arith.index_cast %add3A_463 : i32 to index
        %get3A_575 = arith.constant 80 : index
        %get3A_576 = tpu.vector_load %arg6[%get3A_574, %get3A_575] {strides = array<i32>} : memref<80x128xi32, #tpu.memory_space<vmem>>, vector<1x16xi32>,
        %get3A_577 = vector.shape_cast %get3A_576 : vector<1x16xi32> to vector<16xi32>
        %shift_right_logical3A_578 = arith.constant 14 : i32
        %shift_right_logical3A_579 = vector.broadcast %shift_right_logical3A_578 : i32 to vector<16xi32>
        %shift_right_logical3A_580 = arith.shrui %get3A_577, %shift_right_logical3A_579 : vector<16xi32>
        %swap3A_581 = arith.constant 2 : i32
        %swap3A_582 = arith.index_cast %swap3A_581 : i32 to index
        %swap3A_583 = arith.constant 80 : index
        %swap3A_584 = tpu.vector_load %arg7[%swap3A_582, %swap3A_583] {strides = array<i32>} : memref<4x128xi32, #tpu.memory_space<vmem>>, vector<1x16xi32>,
        %swap3A_585 = vector.shape_cast %swap3A_584 : vector<1x16xi32> to vector<16xi32>
        %swap3A_586 = vector.shape_cast %shift_right_logical3A_580 : vector<16xi32> to vector<1x16xi32>
        tpu.vector_store %arg7[%swap3A_582, %swap3A_583], %swap3A_586 {strides = array<i32>} : memref<4x128xi32, #tpu.memory_space<vmem>>, vector<1x16xi32>,
        %and3A_587 = arith.constant 16383 : i32
        %and3A_588 = vector.broadcast %and3A_587 : i32 to vector<16xi32>
        %and3A_589 = arith.andi %get3A_577, %and3A_588 : vector<16xi32>
        %swap3A_590 = arith.constant 2 : i32
        %swap3A_591 = arith.index_cast %swap3A_590 : i32 to index
        %swap3A_592 = arith.constant 80 : index
        %swap3A_593 = tpu.vector_load %arg8[%swap3A_591, %swap3A_592] {strides = array<i32>} : memref<4x128xi32, #tpu.memory_space<vmem>>, vector<1x16xi32>,
        %swap3A_594 = vector.shape_cast %swap3A_593 : vector<1x16xi32> to vector<16xi32>
        %swap3A_595 = vector.shape_cast %and3A_589 : vector<16xi32> to vector<1x16xi32>
        tpu.vector_store %arg8[%swap3A_591, %swap3A_592], %swap3A_595 {strides = array<i32>} : memref<4x128xi32, #tpu.memory_space<vmem>>, vector<1x16xi32>,
        %get3A_596 = arith.index_cast %add3A_463 : i32 to index
        %get3A_597 = arith.constant 96 : index
        %get3A_598 = tpu.vector_load %arg6[%get3A_596, %get3A_597] {strides = array<i32>} : memref<80x128xi32, #tpu.memory_space<vmem>>, vector<1x16xi32>,
        %get3A_599 = vector.shape_cast %get3A_598 : vector<1x16xi32> to vector<16xi32>
        %shift_right_logical3A_600 = arith.constant 14 : i32
        %shift_right_logical3A_601 = vector.broadcast %shift_right_logical3A_600 : i32 to vector<16xi32>
        %shift_right_logical3A_602 = arith.shrui %get3A_599, %shift_right_logical3A_601 : vector<16xi32>
        %swap3A_603 = arith.constant 2 : i32
        %swap3A_604 = arith.index_cast %swap3A_603 : i32 to index
        %swap3A_605 = arith.constant 96 : index
        %swap3A_606 = tpu.vector_load %arg7[%swap3A_604, %swap3A_605] {strides = array<i32>} : memref<4x128xi32, #tpu.memory_space<vmem>>, vector<1x16xi32>,
        %swap3A_607 = vector.shape_cast %swap3A_606 : vector<1x16xi32> to vector<16xi32>
        %swap3A_608 = vector.shape_cast %shift_right_logical3A_602 : vector<16xi32> to vector<1x16xi32>
        tpu.vector_store %arg7[%swap3A_604, %swap3A_605], %swap3A_608 {strides = array<i32>} : memref<4x128xi32, #tpu.memory_space<vmem>>, vector<1x16xi32>,
        %and3A_609 = arith.constant 16383 : i32
        %and3A_610 = vector.broadcast %and3A_609 : i32 to vector<16xi32>
        %and3A_611 = arith.andi %get3A_599, %and3A_610 : vector<16xi32>
        %swap3A_612 = arith.constant 2 : i32
        %swap3A_613 = arith.index_cast %swap3A_612 : i32 to index
        %swap3A_614 = arith.constant 96 : index
        %swap3A_615 = tpu.vector_load %arg8[%swap3A_613, %swap3A_614] {strides = array<i32>} : memref<4x128xi32, #tpu.memory_space<vmem>>, vector<1x16xi32>,
        %swap3A_616 = vector.shape_cast %swap3A_615 : vector<1x16xi32> to vector<16xi32>
        %swap3A_617 = vector.shape_cast %and3A_611 : vector<16xi32> to vector<1x16xi32>
        tpu.vector_store %arg8[%swap3A_613, %swap3A_614], %swap3A_617 {strides = array<i32>} : memref<4x128xi32, #tpu.memory_space<vmem>>, vector<1x16xi32>,
        %get3A_618 = arith.index_cast %add3A_463 : i32 to index
        %get3A_619 = arith.constant 112 : index
        %get3A_620 = tpu.vector_load %arg6[%get3A_618, %get3A_619] {strides = array<i32>} : memref<80x128xi32, #tpu.memory_space<vmem>>, vector<1x16xi32>,
        %get3A_621 = vector.shape_cast %get3A_620 : vector<1x16xi32> to vector<16xi32>
        %shift_right_logical3A_622 = arith.constant 14 : i32
        %shift_right_logical3A_623 = vector.broadcast %shift_right_logical3A_622 : i32 to vector<16xi32>
        %shift_right_logical3A_624 = arith.shrui %get3A_621, %shift_right_logical3A_623 : vector<16xi32>
        %swap3A_625 = arith.constant 2 : i32
        %swap3A_626 = arith.index_cast %swap3A_625 : i32 to index
        %swap3A_627 = arith.constant 112 : index
        %swap3A_628 = tpu.vector_load %arg7[%swap3A_626, %swap3A_627] {strides = array<i32>} : memref<4x128xi32, #tpu.memory_space<vmem>>, vector<1x16xi32>,
        %swap3A_629 = vector.shape_cast %swap3A_628 : vector<1x16xi32> to vector<16xi32>
        %swap3A_630 = vector.shape_cast %shift_right_logical3A_624 : vector<16xi32> to vector<1x16xi32>
        tpu.vector_store %arg7[%swap3A_626, %swap3A_627], %swap3A_630 {strides = array<i32>} : memref<4x128xi32, #tpu.memory_space<vmem>>, vector<1x16xi32>,
        %and3A_631 = arith.constant 16383 : i32
        %and3A_632 = vector.broadcast %and3A_631 : i32 to vector<16xi32>
        %and3A_633 = arith.andi %get3A_621, %and3A_632 : vector<16xi32>
        %swap3A_634 = arith.constant 2 : i32
        %swap3A_635 = arith.index_cast %swap3A_634 : i32 to index
        %swap3A_636 = arith.constant 112 : index
        %swap3A_637 = tpu.vector_load %arg8[%swap3A_635, %swap3A_636] {strides = array<i32>} : memref<4x128xi32, #tpu.memory_space<vmem>>, vector<1x16xi32>,
        %swap3A_638 = vector.shape_cast %swap3A_637 : vector<1x16xi32> to vector<16xi32>
        %swap3A_639 = vector.shape_cast %and3A_633 : vector<16xi32> to vector<1x16xi32>
        tpu.vector_store %arg8[%swap3A_635, %swap3A_636], %swap3A_639 {strides = array<i32>} : memref<4x128xi32, #tpu.memory_space<vmem>>, vector<1x16xi32>,
        %dma_start3A_640 = arith.constant 2 : i32
        %dma_start3A_641 = arith.constant 0 : i32
        %dma_start3A_642 = tpu.memref_slice %arg7[%dma_start3A_640, %dma_start3A_641] : memref<4x128xi32, #tpu.memory_space<vmem>> -> memref<1x128xi32, #tpu.memory_space<vmem>>
        %dma_start3A_643 = tpu.memref_squeeze %dma_start3A_642 : memref<1x128xi32, #tpu.memory_space<vmem>> -> memref<128xi32, #tpu.memory_space<vmem>>
        %dma_start3A_644 = arith.constant 0 : i32
        %dma_start3A_645 = arith.constant 0 : i32
        %dma_start3A_646 = tpu.memref_slice %arg2[%dma_start3A_644, %dma_start3A_645] : memref<10000x128xf32, #tpu.memory_space<hbm>> -> memref<10000x128xf32, #tpu.memory_space<hbm>>
        tpu.enqueue_indirect_dma source(%dma_start3A_646 : memref<10000x128xf32, #tpu.memory_space<hbm>>) target(%arg9 : memref<128x128xf32, #tpu.memory_space<vmem>>) offsets(%dma_start3A_643 : memref<128xi32, #tpu.memory_space<vmem>>) semaphore(%arg12 : memref<!tpu.dma_semaphore, #tpu.memory_space<semaphore_mem>>)
      } else {
      }
      %mul3A_405 = arith.constant 4 : i32
      %mul3A_406 = arith.muli %scan3A_390, %mul3A_405 : i32
      %add3A_407 = arith.constant 1 : i32
      %add3A_408 = arith.addi %mul3A_406, %add3A_407 : i32
      %dma_wait3A_409 = arith.constant 1 : i32
      %dma_wait3A_410 = arith.constant 0 : i32
      %dma_wait3A_411 = tpu.memref_slice %arg7[%dma_wait3A_409, %dma_wait3A_410] : memref<4x128xi32, #tpu.memory_space<vmem>> -> memref<1x128xi32, #tpu.memory_space<vmem>>
      %dma_wait3A_412 = tpu.memref_squeeze %dma_wait3A_411 : memref<1x128xi32, #tpu.memory_space<vmem>> -> memref<128xi32, #tpu.memory_space<vmem>>
      %dma_wait3A_413 = arith.constant 0 : i32
      %dma_wait3A_414 = arith.constant 0 : i32
      %dma_wait3A_415 = tpu.memref_slice %arg2[%dma_wait3A_413, %dma_wait3A_414] : memref<10000x128xf32, #tpu.memory_space<hbm>> -> memref<10000x128xf32, #tpu.memory_space<hbm>>
      tpu.wait_indirect_dma semaphore(%arg13 : memref<!tpu.dma_semaphore, #tpu.memory_space<semaphore_mem>>) src(%dma_wait3A_415 : memref<10000x128xf32, #tpu.memory_space<hbm>>) dst(%arg10 : memref<128x128xf32, #tpu.memory_space<vmem>>)
      %run_scoped3A_416 = arith.constant 1 : i32
      "tpu.region"() ({
        %run_scoped3A_462 = tpu.sem_alloc : memref<!tpu.dma_semaphore, #tpu.memory_space<semaphore_mem>>
        %dma_start3A_463 = arith.constant 0 : i32
        %dma_start3A_464 = tpu.memref_slice %arg8[%run_scoped3A_416, %dma_start3A_463] : memref<4x128xi32, #tpu.memory_space<vmem>> -> memref<1x128xi32, #tpu.memory_space<vmem>>
        %dma_start3A_465 = tpu.memref_squeeze %dma_start3A_464 : memref<1x128xi32, #tpu.memory_space<vmem>> -> memref<128xi32, #tpu.memory_space<vmem>>
        %dma_start3A_466 = arith.constant 0 : i32
        %dma_start3A_467 = arith.constant 0 : i32
        %dma_start3A_468 = tpu.memref_slice %arg11[%dma_start3A_466, %dma_start3A_467] : memref<10240x128xf32, #tpu.memory_space<vmem_shared>> -> memref<10240x128xf32, #tpu.memory_space<vmem_shared>>
        tpu.enqueue_indirect_dma source(%arg10 : memref<128x128xf32, #tpu.memory_space<vmem>>) target(%dma_start3A_468 : memref<10240x128xf32, #tpu.memory_space<vmem_shared>>) offsets(%dma_start3A_465 : memref<128xi32, #tpu.memory_space<vmem>>) semaphore(%run_scoped3A_462 : memref<!tpu.dma_semaphore, #tpu.memory_space<semaphore_mem>>) {add = true}
        %dma_wait3A_469 = arith.constant 0 : i32
        %dma_wait3A_470 = tpu.memref_slice %arg8[%run_scoped3A_416, %dma_wait3A_469] : memref<4x128xi32, #tpu.memory_space<vmem>> -> memref<1x128xi32, #tpu.memory_space<vmem>>
        %dma_wait3A_471 = tpu.memref_squeeze %dma_wait3A_470 : memref<1x128xi32, #tpu.memory_space<vmem>> -> memref<128xi32, #tpu.memory_space<vmem>>
        %dma_wait3A_472 = arith.constant 0 : i32
        %dma_wait3A_473 = arith.constant 0 : i32
        %dma_wait3A_474 = tpu.memref_slice %arg11[%dma_wait3A_472, %dma_wait3A_473] : memref<10240x128xf32, #tpu.memory_space<vmem_shared>> -> memref<10240x128xf32, #tpu.memory_space<vmem_shared>>
        tpu.wait_indirect_dma semaphore(%run_scoped3A_462 : memref<!tpu.dma_semaphore, #tpu.memory_space<semaphore_mem>>) src(%arg10 : memref<128x128xf32, #tpu.memory_space<vmem>>) dst(%dma_wait3A_474 : memref<10240x128xf32, #tpu.memory_space<vmem_shared>>)
        tpu.yield
      }) : () -> ()
      %add3A_417 = arith.constant 2 : i32
      %add3A_418 = arith.addi %add3A_408, %add3A_417 : i32
      %lt3A_419 = arith.constant 80 : i32
      %lt3A_420 = arith.cmpi slt, %add3A_418, %lt3A_419 : i32
      %convert_element_type3A_421 = arith.extui %lt3A_420 : i1 to i32
      %cond3A_422 = arith.constant 0 : i32
      %cond3A_423 = arith.cmpi ne, %convert_element_type3A_421, %cond3A_422 : i32
      scf.if %cond3A_423 {
        %add3A_462 = arith.constant 2 : i32
        %add3A_463 = arith.addi %add3A_408, %add3A_462 : i32
        %get3A_464 = arith.index_cast %add3A_463 : i32 to index
        %get3A_465 = arith.constant 0 : index
        %get3A_466 = tpu.vector_load %arg6[%get3A_464, %get3A_465] {strides = array<i32>} : memref<80x128xi32, #tpu.memory_space<vmem>>, vector<1x16xi32>,
        %get3A_467 = vector.shape_cast %get3A_466 : vector<1x16xi32> to vector<16xi32>
        %shift_right_logical3A_468 = arith.constant 14 : i32
        %shift_right_logical3A_469 = vector.broadcast %shift_right_logical3A_468 : i32 to vector<16xi32>
        %shift_right_logical3A_470 = arith.shrui %get3A_467, %shift_right_logical3A_469 : vector<16xi32>
        %swap3A_471 = arith.constant 3 : i32
        %swap3A_472 = arith.index_cast %swap3A_471 : i32 to index
        %swap3A_473 = arith.constant 0 : index
        %swap3A_474 = tpu.vector_load %arg7[%swap3A_472, %swap3A_473] {strides = array<i32>} : memref<4x128xi32, #tpu.memory_space<vmem>>, vector<1x16xi32>,
        %swap3A_475 = vector.shape_cast %swap3A_474 : vector<1x16xi32> to vector<16xi32>
        %swap3A_476 = vector.shape_cast %shift_right_logical3A_470 : vector<16xi32> to vector<1x16xi32>
        tpu.vector_store %arg7[%swap3A_472, %swap3A_473], %swap3A_476 {strides = array<i32>} : memref<4x128xi32, #tpu.memory_space<vmem>>, vector<1x16xi32>,
        %and3A_477 = arith.constant 16383 : i32
        %and3A_478 = vector.broadcast %and3A_477 : i32 to vector<16xi32>
        %and3A_479 = arith.andi %get3A_467, %and3A_478 : vector<16xi32>
        %swap3A_480 = arith.constant 3 : i32
        %swap3A_481 = arith.index_cast %swap3A_480 : i32 to index
        %swap3A_482 = arith.constant 0 : index
        %swap3A_483 = tpu.vector_load %arg8[%swap3A_481, %swap3A_482] {strides = array<i32>} : memref<4x128xi32, #tpu.memory_space<vmem>>, vector<1x16xi32>,
        %swap3A_484 = vector.shape_cast %swap3A_483 : vector<1x16xi32> to vector<16xi32>
        %swap3A_485 = vector.shape_cast %and3A_479 : vector<16xi32> to vector<1x16xi32>
        tpu.vector_store %arg8[%swap3A_481, %swap3A_482], %swap3A_485 {strides = array<i32>} : memref<4x128xi32, #tpu.memory_space<vmem>>, vector<1x16xi32>,
        %get3A_486 = arith.index_cast %add3A_463 : i32 to index
        %get3A_487 = arith.constant 16 : index
        %get3A_488 = tpu.vector_load %arg6[%get3A_486, %get3A_487] {strides = array<i32>} : memref<80x128xi32, #tpu.memory_space<vmem>>, vector<1x16xi32>,
        %get3A_489 = vector.shape_cast %get3A_488 : vector<1x16xi32> to vector<16xi32>
        %shift_right_logical3A_490 = arith.constant 14 : i32
        %shift_right_logical3A_491 = vector.broadcast %shift_right_logical3A_490 : i32 to vector<16xi32>
        %shift_right_logical3A_492 = arith.shrui %get3A_489, %shift_right_logical3A_491 : vector<16xi32>
        %swap3A_493 = arith.constant 3 : i32
        %swap3A_494 = arith.index_cast %swap3A_493 : i32 to index
        %swap3A_495 = arith.constant 16 : index
        %swap3A_496 = tpu.vector_load %arg7[%swap3A_494, %swap3A_495] {strides = array<i32>} : memref<4x128xi32, #tpu.memory_space<vmem>>, vector<1x16xi32>,
        %swap3A_497 = vector.shape_cast %swap3A_496 : vector<1x16xi32> to vector<16xi32>
        %swap3A_498 = vector.shape_cast %shift_right_logical3A_492 : vector<16xi32> to vector<1x16xi32>
        tpu.vector_store %arg7[%swap3A_494, %swap3A_495], %swap3A_498 {strides = array<i32>} : memref<4x128xi32, #tpu.memory_space<vmem>>, vector<1x16xi32>,
        %and3A_499 = arith.constant 16383 : i32
        %and3A_500 = vector.broadcast %and3A_499 : i32 to vector<16xi32>
        %and3A_501 = arith.andi %get3A_489, %and3A_500 : vector<16xi32>
        %swap3A_502 = arith.constant 3 : i32
        %swap3A_503 = arith.index_cast %swap3A_502 : i32 to index
        %swap3A_504 = arith.constant 16 : index
        %swap3A_505 = tpu.vector_load %arg8[%swap3A_503, %swap3A_504] {strides = array<i32>} : memref<4x128xi32, #tpu.memory_space<vmem>>, vector<1x16xi32>,
        %swap3A_506 = vector.shape_cast %swap3A_505 : vector<1x16xi32> to vector<16xi32>
        %swap3A_507 = vector.shape_cast %and3A_501 : vector<16xi32> to vector<1x16xi32>
        tpu.vector_store %arg8[%swap3A_503, %swap3A_504], %swap3A_507 {strides = array<i32>} : memref<4x128xi32, #tpu.memory_space<vmem>>, vector<1x16xi32>,
        %get3A_508 = arith.index_cast %add3A_463 : i32 to index
        %get3A_509 = arith.constant 32 : index
        %get3A_510 = tpu.vector_load %arg6[%get3A_508, %get3A_509] {strides = array<i32>} : memref<80x128xi32, #tpu.memory_space<vmem>>, vector<1x16xi32>,
        %get3A_511 = vector.shape_cast %get3A_510 : vector<1x16xi32> to vector<16xi32>
        %shift_right_logical3A_512 = arith.constant 14 : i32
        %shift_right_logical3A_513 = vector.broadcast %shift_right_logical3A_512 : i32 to vector<16xi32>
        %shift_right_logical3A_514 = arith.shrui %get3A_511, %shift_right_logical3A_513 : vector<16xi32>
        %swap3A_515 = arith.constant 3 : i32
        %swap3A_516 = arith.index_cast %swap3A_515 : i32 to index
        %swap3A_517 = arith.constant 32 : index
        %swap3A_518 = tpu.vector_load %arg7[%swap3A_516, %swap3A_517] {strides = array<i32>} : memref<4x128xi32, #tpu.memory_space<vmem>>, vector<1x16xi32>,
        %swap3A_519 = vector.shape_cast %swap3A_518 : vector<1x16xi32> to vector<16xi32>
        %swap3A_520 = vector.shape_cast %shift_right_logical3A_514 : vector<16xi32> to vector<1x16xi32>
        tpu.vector_store %arg7[%swap3A_516, %swap3A_517], %swap3A_520 {strides = array<i32>} : memref<4x128xi32, #tpu.memory_space<vmem>>, vector<1x16xi32>,
        %and3A_521 = arith.constant 16383 : i32
        %and3A_522 = vector.broadcast %and3A_521 : i32 to vector<16xi32>
        %and3A_523 = arith.andi %get3A_511, %and3A_522 : vector<16xi32>
        %swap3A_524 = arith.constant 3 : i32
        %swap3A_525 = arith.index_cast %swap3A_524 : i32 to index
        %swap3A_526 = arith.constant 32 : index
        %swap3A_527 = tpu.vector_load %arg8[%swap3A_525, %swap3A_526] {strides = array<i32>} : memref<4x128xi32, #tpu.memory_space<vmem>>, vector<1x16xi32>,
        %swap3A_528 = vector.shape_cast %swap3A_527 : vector<1x16xi32> to vector<16xi32>
        %swap3A_529 = vector.shape_cast %and3A_523 : vector<16xi32> to vector<1x16xi32>
        tpu.vector_store %arg8[%swap3A_525, %swap3A_526], %swap3A_529 {strides = array<i32>} : memref<4x128xi32, #tpu.memory_space<vmem>>, vector<1x16xi32>,
        %get3A_530 = arith.index_cast %add3A_463 : i32 to index
        %get3A_531 = arith.constant 48 : index
        %get3A_532 = tpu.vector_load %arg6[%get3A_530, %get3A_531] {strides = array<i32>} : memref<80x128xi32, #tpu.memory_space<vmem>>, vector<1x16xi32>,
        %get3A_533 = vector.shape_cast %get3A_532 : vector<1x16xi32> to vector<16xi32>
        %shift_right_logical3A_534 = arith.constant 14 : i32
        %shift_right_logical3A_535 = vector.broadcast %shift_right_logical3A_534 : i32 to vector<16xi32>
        %shift_right_logical3A_536 = arith.shrui %get3A_533, %shift_right_logical3A_535 : vector<16xi32>
        %swap3A_537 = arith.constant 3 : i32
        %swap3A_538 = arith.index_cast %swap3A_537 : i32 to index
        %swap3A_539 = arith.constant 48 : index
        %swap3A_540 = tpu.vector_load %arg7[%swap3A_538, %swap3A_539] {strides = array<i32>} : memref<4x128xi32, #tpu.memory_space<vmem>>, vector<1x16xi32>,
        %swap3A_541 = vector.shape_cast %swap3A_540 : vector<1x16xi32> to vector<16xi32>
        %swap3A_542 = vector.shape_cast %shift_right_logical3A_536 : vector<16xi32> to vector<1x16xi32>
        tpu.vector_store %arg7[%swap3A_538, %swap3A_539], %swap3A_542 {strides = array<i32>} : memref<4x128xi32, #tpu.memory_space<vmem>>, vector<1x16xi32>,
        %and3A_543 = arith.constant 16383 : i32
        %and3A_544 = vector.broadcast %and3A_543 : i32 to vector<16xi32>
        %and3A_545 = arith.andi %get3A_533, %and3A_544 : vector<16xi32>
        %swap3A_546 = arith.constant 3 : i32
        %swap3A_547 = arith.index_cast %swap3A_546 : i32 to index
        %swap3A_548 = arith.constant 48 : index
        %swap3A_549 = tpu.vector_load %arg8[%swap3A_547, %swap3A_548] {strides = array<i32>} : memref<4x128xi32, #tpu.memory_space<vmem>>, vector<1x16xi32>,
        %swap3A_550 = vector.shape_cast %swap3A_549 : vector<1x16xi32> to vector<16xi32>
        %swap3A_551 = vector.shape_cast %and3A_545 : vector<16xi32> to vector<1x16xi32>
        tpu.vector_store %arg8[%swap3A_547, %swap3A_548], %swap3A_551 {strides = array<i32>} : memref<4x128xi32, #tpu.memory_space<vmem>>, vector<1x16xi32>,
        %get3A_552 = arith.index_cast %add3A_463 : i32 to index
        %get3A_553 = arith.constant 64 : index
        %get3A_554 = tpu.vector_load %arg6[%get3A_552, %get3A_553] {strides = array<i32>} : memref<80x128xi32, #tpu.memory_space<vmem>>, vector<1x16xi32>,
        %get3A_555 = vector.shape_cast %get3A_554 : vector<1x16xi32> to vector<16xi32>
        %shift_right_logical3A_556 = arith.constant 14 : i32
        %shift_right_logical3A_557 = vector.broadcast %shift_right_logical3A_556 : i32 to vector<16xi32>
        %shift_right_logical3A_558 = arith.shrui %get3A_555, %shift_right_logical3A_557 : vector<16xi32>
        %swap3A_559 = arith.constant 3 : i32
        %swap3A_560 = arith.index_cast %swap3A_559 : i32 to index
        %swap3A_561 = arith.constant 64 : index
        %swap3A_562 = tpu.vector_load %arg7[%swap3A_560, %swap3A_561] {strides = array<i32>} : memref<4x128xi32, #tpu.memory_space<vmem>>, vector<1x16xi32>,
        %swap3A_563 = vector.shape_cast %swap3A_562 : vector<1x16xi32> to vector<16xi32>
        %swap3A_564 = vector.shape_cast %shift_right_logical3A_558 : vector<16xi32> to vector<1x16xi32>
        tpu.vector_store %arg7[%swap3A_560, %swap3A_561], %swap3A_564 {strides = array<i32>} : memref<4x128xi32, #tpu.memory_space<vmem>>, vector<1x16xi32>,
        %and3A_565 = arith.constant 16383 : i32
        %and3A_566 = vector.broadcast %and3A_565 : i32 to vector<16xi32>
        %and3A_567 = arith.andi %get3A_555, %and3A_566 : vector<16xi32>
        %swap3A_568 = arith.constant 3 : i32
        %swap3A_569 = arith.index_cast %swap3A_568 : i32 to index
        %swap3A_570 = arith.constant 64 : index
        %swap3A_571 = tpu.vector_load %arg8[%swap3A_569, %swap3A_570] {strides = array<i32>} : memref<4x128xi32, #tpu.memory_space<vmem>>, vector<1x16xi32>,
        %swap3A_572 = vector.shape_cast %swap3A_571 : vector<1x16xi32> to vector<16xi32>
        %swap3A_573 = vector.shape_cast %and3A_567 : vector<16xi32> to vector<1x16xi32>
        tpu.vector_store %arg8[%swap3A_569, %swap3A_570], %swap3A_573 {strides = array<i32>} : memref<4x128xi32, #tpu.memory_space<vmem>>, vector<1x16xi32>,
        %get3A_574 = arith.index_cast %add3A_463 : i32 to index
        %get3A_575 = arith.constant 80 : index
        %get3A_576 = tpu.vector_load %arg6[%get3A_574, %get3A_575] {strides = array<i32>} : memref<80x128xi32, #tpu.memory_space<vmem>>, vector<1x16xi32>,
        %get3A_577 = vector.shape_cast %get3A_576 : vector<1x16xi32> to vector<16xi32>
        %shift_right_logical3A_578 = arith.constant 14 : i32
        %shift_right_logical3A_579 = vector.broadcast %shift_right_logical3A_578 : i32 to vector<16xi32>
        %shift_right_logical3A_580 = arith.shrui %get3A_577, %shift_right_logical3A_579 : vector<16xi32>
        %swap3A_581 = arith.constant 3 : i32
        %swap3A_582 = arith.index_cast %swap3A_581 : i32 to index
        %swap3A_583 = arith.constant 80 : index
        %swap3A_584 = tpu.vector_load %arg7[%swap3A_582, %swap3A_583] {strides = array<i32>} : memref<4x128xi32, #tpu.memory_space<vmem>>, vector<1x16xi32>,
        %swap3A_585 = vector.shape_cast %swap3A_584 : vector<1x16xi32> to vector<16xi32>
        %swap3A_586 = vector.shape_cast %shift_right_logical3A_580 : vector<16xi32> to vector<1x16xi32>
        tpu.vector_store %arg7[%swap3A_582, %swap3A_583], %swap3A_586 {strides = array<i32>} : memref<4x128xi32, #tpu.memory_space<vmem>>, vector<1x16xi32>,
        %and3A_587 = arith.constant 16383 : i32
        %and3A_588 = vector.broadcast %and3A_587 : i32 to vector<16xi32>
        %and3A_589 = arith.andi %get3A_577, %and3A_588 : vector<16xi32>
        %swap3A_590 = arith.constant 3 : i32
        %swap3A_591 = arith.index_cast %swap3A_590 : i32 to index
        %swap3A_592 = arith.constant 80 : index
        %swap3A_593 = tpu.vector_load %arg8[%swap3A_591, %swap3A_592] {strides = array<i32>} : memref<4x128xi32, #tpu.memory_space<vmem>>, vector<1x16xi32>,
        %swap3A_594 = vector.shape_cast %swap3A_593 : vector<1x16xi32> to vector<16xi32>
        %swap3A_595 = vector.shape_cast %and3A_589 : vector<16xi32> to vector<1x16xi32>
        tpu.vector_store %arg8[%swap3A_591, %swap3A_592], %swap3A_595 {strides = array<i32>} : memref<4x128xi32, #tpu.memory_space<vmem>>, vector<1x16xi32>,
        %get3A_596 = arith.index_cast %add3A_463 : i32 to index
        %get3A_597 = arith.constant 96 : index
        %get3A_598 = tpu.vector_load %arg6[%get3A_596, %get3A_597] {strides = array<i32>} : memref<80x128xi32, #tpu.memory_space<vmem>>, vector<1x16xi32>,
        %get3A_599 = vector.shape_cast %get3A_598 : vector<1x16xi32> to vector<16xi32>
        %shift_right_logical3A_600 = arith.constant 14 : i32
        %shift_right_logical3A_601 = vector.broadcast %shift_right_logical3A_600 : i32 to vector<16xi32>
        %shift_right_logical3A_602 = arith.shrui %get3A_599, %shift_right_logical3A_601 : vector<16xi32>
        %swap3A_603 = arith.constant 3 : i32
        %swap3A_604 = arith.index_cast %swap3A_603 : i32 to index
        %swap3A_605 = arith.constant 96 : index
        %swap3A_606 = tpu.vector_load %arg7[%swap3A_604, %swap3A_605] {strides = array<i32>} : memref<4x128xi32, #tpu.memory_space<vmem>>, vector<1x16xi32>,
        %swap3A_607 = vector.shape_cast %swap3A_606 : vector<1x16xi32> to vector<16xi32>
        %swap3A_608 = vector.shape_cast %shift_right_logical3A_602 : vector<16xi32> to vector<1x16xi32>
        tpu.vector_store %arg7[%swap3A_604, %swap3A_605], %swap3A_608 {strides = array<i32>} : memref<4x128xi32, #tpu.memory_space<vmem>>, vector<1x16xi32>,
        %and3A_609 = arith.constant 16383 : i32
        %and3A_610 = vector.broadcast %and3A_609 : i32 to vector<16xi32>
        %and3A_611 = arith.andi %get3A_599, %and3A_610 : vector<16xi32>
        %swap3A_612 = arith.constant 3 : i32
        %swap3A_613 = arith.index_cast %swap3A_612 : i32 to index
        %swap3A_614 = arith.constant 96 : index
        %swap3A_615 = tpu.vector_load %arg8[%swap3A_613, %swap3A_614] {strides = array<i32>} : memref<4x128xi32, #tpu.memory_space<vmem>>, vector<1x16xi32>,
        %swap3A_616 = vector.shape_cast %swap3A_615 : vector<1x16xi32> to vector<16xi32>
        %swap3A_617 = vector.shape_cast %and3A_611 : vector<16xi32> to vector<1x16xi32>
        tpu.vector_store %arg8[%swap3A_613, %swap3A_614], %swap3A_617 {strides = array<i32>} : memref<4x128xi32, #tpu.memory_space<vmem>>, vector<1x16xi32>,
        %get3A_618 = arith.index_cast %add3A_463 : i32 to index
        %get3A_619 = arith.constant 112 : index
        %get3A_620 = tpu.vector_load %arg6[%get3A_618, %get3A_619] {strides = array<i32>} : memref<80x128xi32, #tpu.memory_space<vmem>>, vector<1x16xi32>,
        %get3A_621 = vector.shape_cast %get3A_620 : vector<1x16xi32> to vector<16xi32>
        %shift_right_logical3A_622 = arith.constant 14 : i32
        %shift_right_logical3A_623 = vector.broadcast %shift_right_logical3A_622 : i32 to vector<16xi32>
        %shift_right_logical3A_624 = arith.shrui %get3A_621, %shift_right_logical3A_623 : vector<16xi32>
        %swap3A_625 = arith.constant 3 : i32
        %swap3A_626 = arith.index_cast %swap3A_625 : i32 to index
        %swap3A_627 = arith.constant 112 : index
        %swap3A_628 = tpu.vector_load %arg7[%swap3A_626, %swap3A_627] {strides = array<i32>} : memref<4x128xi32, #tpu.memory_space<vmem>>, vector<1x16xi32>,
        %swap3A_629 = vector.shape_cast %swap3A_628 : vector<1x16xi32> to vector<16xi32>
        %swap3A_630 = vector.shape_cast %shift_right_logical3A_624 : vector<16xi32> to vector<1x16xi32>
        tpu.vector_store %arg7[%swap3A_626, %swap3A_627], %swap3A_630 {strides = array<i32>} : memref<4x128xi32, #tpu.memory_space<vmem>>, vector<1x16xi32>,
        %and3A_631 = arith.constant 16383 : i32
        %and3A_632 = vector.broadcast %and3A_631 : i32 to vector<16xi32>
        %and3A_633 = arith.andi %get3A_621, %and3A_632 : vector<16xi32>
        %swap3A_634 = arith.constant 3 : i32
        %swap3A_635 = arith.index_cast %swap3A_634 : i32 to index
        %swap3A_636 = arith.constant 112 : index
        %swap3A_637 = tpu.vector_load %arg8[%swap3A_635, %swap3A_636] {strides = array<i32>} : memref<4x128xi32, #tpu.memory_space<vmem>>, vector<1x16xi32>,
        %swap3A_638 = vector.shape_cast %swap3A_637 : vector<1x16xi32> to vector<16xi32>
        %swap3A_639 = vector.shape_cast %and3A_633 : vector<16xi32> to vector<1x16xi32>
        tpu.vector_store %arg8[%swap3A_635, %swap3A_636], %swap3A_639 {strides = array<i32>} : memref<4x128xi32, #tpu.memory_space<vmem>>, vector<1x16xi32>,
        %dma_start3A_640 = arith.constant 3 : i32
        %dma_start3A_641 = arith.constant 0 : i32
        %dma_start3A_642 = tpu.memref_slice %arg7[%dma_start3A_640, %dma_start3A_641] : memref<4x128xi32, #tpu.memory_space<vmem>> -> memref<1x128xi32, #tpu.memory_space<vmem>>
        %dma_start3A_643 = tpu.memref_squeeze %dma_start3A_642 : memref<1x128xi32, #tpu.memory_space<vmem>> -> memref<128xi32, #tpu.memory_space<vmem>>
        %dma_start3A_644 = arith.constant 0 : i32
        %dma_start3A_645 = arith.constant 0 : i32
        %dma_start3A_646 = tpu.memref_slice %arg2[%dma_start3A_644, %dma_start3A_645] : memref<10000x128xf32, #tpu.memory_space<hbm>> -> memref<10000x128xf32, #tpu.memory_space<hbm>>
        tpu.enqueue_indirect_dma source(%dma_start3A_646 : memref<10000x128xf32, #tpu.memory_space<hbm>>) target(%arg10 : memref<128x128xf32, #tpu.memory_space<vmem>>) offsets(%dma_start3A_643 : memref<128xi32, #tpu.memory_space<vmem>>) semaphore(%arg13 : memref<!tpu.dma_semaphore, #tpu.memory_space<semaphore_mem>>)
      } else {
      }
      %mul3A_424 = arith.constant 4 : i32
      %mul3A_425 = arith.muli %scan3A_390, %mul3A_424 : i32
      %add3A_426 = arith.constant 2 : i32
      %add3A_427 = arith.addi %mul3A_425, %add3A_426 : i32
      %dma_wait3A_428 = arith.constant 2 : i32
      %dma_wait3A_429 = arith.constant 0 : i32
      %dma_wait3A_430 = tpu.memref_slice %arg7[%dma_wait3A_428, %dma_wait3A_429] : memref<4x128xi32, #tpu.memory_space<vmem>> -> memref<1x128xi32, #tpu.memory_space<vmem>>
      %dma_wait3A_431 = tpu.memref_squeeze %dma_wait3A_430 : memref<1x128xi32, #tpu.memory_space<vmem>> -> memref<128xi32, #tpu.memory_space<vmem>>
      %dma_wait3A_432 = arith.constant 0 : i32
      %dma_wait3A_433 = arith.constant 0 : i32
      %dma_wait3A_434 = tpu.memref_slice %arg2[%dma_wait3A_432, %dma_wait3A_433] : memref<10000x128xf32, #tpu.memory_space<hbm>> -> memref<10000x128xf32, #tpu.memory_space<hbm>>
      tpu.wait_indirect_dma semaphore(%arg12 : memref<!tpu.dma_semaphore, #tpu.memory_space<semaphore_mem>>) src(%dma_wait3A_434 : memref<10000x128xf32, #tpu.memory_space<hbm>>) dst(%arg9 : memref<128x128xf32, #tpu.memory_space<vmem>>)
      %run_scoped3A_435 = arith.constant 2 : i32
      "tpu.region"() ({
        %run_scoped3A_462 = tpu.sem_alloc : memref<!tpu.dma_semaphore, #tpu.memory_space<semaphore_mem>>
        %dma_start3A_463 = arith.constant 0 : i32
        %dma_start3A_464 = tpu.memref_slice %arg8[%run_scoped3A_435, %dma_start3A_463] : memref<4x128xi32, #tpu.memory_space<vmem>> -> memref<1x128xi32, #tpu.memory_space<vmem>>
        %dma_start3A_465 = tpu.memref_squeeze %dma_start3A_464 : memref<1x128xi32, #tpu.memory_space<vmem>> -> memref<128xi32, #tpu.memory_space<vmem>>
        %dma_start3A_466 = arith.constant 0 : i32
        %dma_start3A_467 = arith.constant 0 : i32
        %dma_start3A_468 = tpu.memref_slice %arg11[%dma_start3A_466, %dma_start3A_467] : memref<10240x128xf32, #tpu.memory_space<vmem_shared>> -> memref<10240x128xf32, #tpu.memory_space<vmem_shared>>
        tpu.enqueue_indirect_dma source(%arg9 : memref<128x128xf32, #tpu.memory_space<vmem>>) target(%dma_start3A_468 : memref<10240x128xf32, #tpu.memory_space<vmem_shared>>) offsets(%dma_start3A_465 : memref<128xi32, #tpu.memory_space<vmem>>) semaphore(%run_scoped3A_462 : memref<!tpu.dma_semaphore, #tpu.memory_space<semaphore_mem>>) {add = true}
        %dma_wait3A_469 = arith.constant 0 : i32
        %dma_wait3A_470 = tpu.memref_slice %arg8[%run_scoped3A_435, %dma_wait3A_469] : memref<4x128xi32, #tpu.memory_space<vmem>> -> memref<1x128xi32, #tpu.memory_space<vmem>>
        %dma_wait3A_471 = tpu.memref_squeeze %dma_wait3A_470 : memref<1x128xi32, #tpu.memory_space<vmem>> -> memref<128xi32, #tpu.memory_space<vmem>>
        %dma_wait3A_472 = arith.constant 0 : i32
        %dma_wait3A_473 = arith.constant 0 : i32
        %dma_wait3A_474 = tpu.memref_slice %arg11[%dma_wait3A_472, %dma_wait3A_473] : memref<10240x128xf32, #tpu.memory_space<vmem_shared>> -> memref<10240x128xf32, #tpu.memory_space<vmem_shared>>
        tpu.wait_indirect_dma semaphore(%run_scoped3A_462 : memref<!tpu.dma_semaphore, #tpu.memory_space<semaphore_mem>>) src(%arg9 : memref<128x128xf32, #tpu.memory_space<vmem>>) dst(%dma_wait3A_474 : memref<10240x128xf32, #tpu.memory_space<vmem_shared>>)
        tpu.yield
      }) : () -> ()
      %add3A_436 = arith.constant 2 : i32
      %add3A_437 = arith.addi %add3A_427, %add3A_436 : i32
      %lt3A_438 = arith.constant 80 : i32
      %lt3A_439 = arith.cmpi slt, %add3A_437, %lt3A_438 : i32
      %convert_element_type3A_440 = arith.extui %lt3A_439 : i1 to i32
      %cond3A_441 = arith.constant 0 : i32
      %cond3A_442 = arith.cmpi ne, %convert_element_type3A_440, %cond3A_441 : i32
      scf.if %cond3A_442 {
        %add3A_462 = arith.constant 2 : i32
        %add3A_463 = arith.addi %add3A_427, %add3A_462 : i32
        %get3A_464 = arith.index_cast %add3A_463 : i32 to index
        %get3A_465 = arith.constant 0 : index
        %get3A_466 = tpu.vector_load %arg6[%get3A_464, %get3A_465] {strides = array<i32>} : memref<80x128xi32, #tpu.memory_space<vmem>>, vector<1x16xi32>,
        %get3A_467 = vector.shape_cast %get3A_466 : vector<1x16xi32> to vector<16xi32>
        %shift_right_logical3A_468 = arith.constant 14 : i32
        %shift_right_logical3A_469 = vector.broadcast %shift_right_logical3A_468 : i32 to vector<16xi32>
        %shift_right_logical3A_470 = arith.shrui %get3A_467, %shift_right_logical3A_469 : vector<16xi32>
        %swap3A_471 = arith.constant 0 : i32
        %swap3A_472 = arith.index_cast %swap3A_471 : i32 to index
        %swap3A_473 = arith.constant 0 : index
        %swap3A_474 = tpu.vector_load %arg7[%swap3A_472, %swap3A_473] {strides = array<i32>} : memref<4x128xi32, #tpu.memory_space<vmem>>, vector<1x16xi32>,
        %swap3A_475 = vector.shape_cast %swap3A_474 : vector<1x16xi32> to vector<16xi32>
        %swap3A_476 = vector.shape_cast %shift_right_logical3A_470 : vector<16xi32> to vector<1x16xi32>
        tpu.vector_store %arg7[%swap3A_472, %swap3A_473], %swap3A_476 {strides = array<i32>} : memref<4x128xi32, #tpu.memory_space<vmem>>, vector<1x16xi32>,
        %and3A_477 = arith.constant 16383 : i32
        %and3A_478 = vector.broadcast %and3A_477 : i32 to vector<16xi32>
        %and3A_479 = arith.andi %get3A_467, %and3A_478 : vector<16xi32>
        %swap3A_480 = arith.constant 0 : i32
        %swap3A_481 = arith.index_cast %swap3A_480 : i32 to index
        %swap3A_482 = arith.constant 0 : index
        %swap3A_483 = tpu.vector_load %arg8[%swap3A_481, %swap3A_482] {strides = array<i32>} : memref<4x128xi32, #tpu.memory_space<vmem>>, vector<1x16xi32>,
        %swap3A_484 = vector.shape_cast %swap3A_483 : vector<1x16xi32> to vector<16xi32>
        %swap3A_485 = vector.shape_cast %and3A_479 : vector<16xi32> to vector<1x16xi32>
        tpu.vector_store %arg8[%swap3A_481, %swap3A_482], %swap3A_485 {strides = array<i32>} : memref<4x128xi32, #tpu.memory_space<vmem>>, vector<1x16xi32>,
        %get3A_486 = arith.index_cast %add3A_463 : i32 to index
        %get3A_487 = arith.constant 16 : index
        %get3A_488 = tpu.vector_load %arg6[%get3A_486, %get3A_487] {strides = array<i32>} : memref<80x128xi32, #tpu.memory_space<vmem>>, vector<1x16xi32>,
        %get3A_489 = vector.shape_cast %get3A_488 : vector<1x16xi32> to vector<16xi32>
        %shift_right_logical3A_490 = arith.constant 14 : i32
        %shift_right_logical3A_491 = vector.broadcast %shift_right_logical3A_490 : i32 to vector<16xi32>
        %shift_right_logical3A_492 = arith.shrui %get3A_489, %shift_right_logical3A_491 : vector<16xi32>
        %swap3A_493 = arith.constant 0 : i32
        %swap3A_494 = arith.index_cast %swap3A_493 : i32 to index
        %swap3A_495 = arith.constant 16 : index
        %swap3A_496 = tpu.vector_load %arg7[%swap3A_494, %swap3A_495] {strides = array<i32>} : memref<4x128xi32, #tpu.memory_space<vmem>>, vector<1x16xi32>,
        %swap3A_497 = vector.shape_cast %swap3A_496 : vector<1x16xi32> to vector<16xi32>
        %swap3A_498 = vector.shape_cast %shift_right_logical3A_492 : vector<16xi32> to vector<1x16xi32>
        tpu.vector_store %arg7[%swap3A_494, %swap3A_495], %swap3A_498 {strides = array<i32>} : memref<4x128xi32, #tpu.memory_space<vmem>>, vector<1x16xi32>,
        %and3A_499 = arith.constant 16383 : i32
        %and3A_500 = vector.broadcast %and3A_499 : i32 to vector<16xi32>
        %and3A_501 = arith.andi %get3A_489, %and3A_500 : vector<16xi32>
        %swap3A_502 = arith.constant 0 : i32
        %swap3A_503 = arith.index_cast %swap3A_502 : i32 to index
        %swap3A_504 = arith.constant 16 : index
        %swap3A_505 = tpu.vector_load %arg8[%swap3A_503, %swap3A_504] {strides = array<i32>} : memref<4x128xi32, #tpu.memory_space<vmem>>, vector<1x16xi32>,
        %swap3A_506 = vector.shape_cast %swap3A_505 : vector<1x16xi32> to vector<16xi32>
        %swap3A_507 = vector.shape_cast %and3A_501 : vector<16xi32> to vector<1x16xi32>
        tpu.vector_store %arg8[%swap3A_503, %swap3A_504], %swap3A_507 {strides = array<i32>} : memref<4x128xi32, #tpu.memory_space<vmem>>, vector<1x16xi32>,
        %get3A_508 = arith.index_cast %add3A_463 : i32 to index
        %get3A_509 = arith.constant 32 : index
        %get3A_510 = tpu.vector_load %arg6[%get3A_508, %get3A_509] {strides = array<i32>} : memref<80x128xi32, #tpu.memory_space<vmem>>, vector<1x16xi32>,
        %get3A_511 = vector.shape_cast %get3A_510 : vector<1x16xi32> to vector<16xi32>
        %shift_right_logical3A_512 = arith.constant 14 : i32
        %shift_right_logical3A_513 = vector.broadcast %shift_right_logical3A_512 : i32 to vector<16xi32>
        %shift_right_logical3A_514 = arith.shrui %get3A_511, %shift_right_logical3A_513 : vector<16xi32>
        %swap3A_515 = arith.constant 0 : i32
        %swap3A_516 = arith.index_cast %swap3A_515 : i32 to index
        %swap3A_517 = arith.constant 32 : index
        %swap3A_518 = tpu.vector_load %arg7[%swap3A_516, %swap3A_517] {strides = array<i32>} : memref<4x128xi32, #tpu.memory_space<vmem>>, vector<1x16xi32>,
        %swap3A_519 = vector.shape_cast %swap3A_518 : vector<1x16xi32> to vector<16xi32>
        %swap3A_520 = vector.shape_cast %shift_right_logical3A_514 : vector<16xi32> to vector<1x16xi32>
        tpu.vector_store %arg7[%swap3A_516, %swap3A_517], %swap3A_520 {strides = array<i32>} : memref<4x128xi32, #tpu.memory_space<vmem>>, vector<1x16xi32>,
        %and3A_521 = arith.constant 16383 : i32
        %and3A_522 = vector.broadcast %and3A_521 : i32 to vector<16xi32>
        %and3A_523 = arith.andi %get3A_511, %and3A_522 : vector<16xi32>
        %swap3A_524 = arith.constant 0 : i32
        %swap3A_525 = arith.index_cast %swap3A_524 : i32 to index
        %swap3A_526 = arith.constant 32 : index
        %swap3A_527 = tpu.vector_load %arg8[%swap3A_525, %swap3A_526] {strides = array<i32>} : memref<4x128xi32, #tpu.memory_space<vmem>>, vector<1x16xi32>,
        %swap3A_528 = vector.shape_cast %swap3A_527 : vector<1x16xi32> to vector<16xi32>
        %swap3A_529 = vector.shape_cast %and3A_523 : vector<16xi32> to vector<1x16xi32>
        tpu.vector_store %arg8[%swap3A_525, %swap3A_526], %swap3A_529 {strides = array<i32>} : memref<4x128xi32, #tpu.memory_space<vmem>>, vector<1x16xi32>,
        %get3A_530 = arith.index_cast %add3A_463 : i32 to index
        %get3A_531 = arith.constant 48 : index
        %get3A_532 = tpu.vector_load %arg6[%get3A_530, %get3A_531] {strides = array<i32>} : memref<80x128xi32, #tpu.memory_space<vmem>>, vector<1x16xi32>,
        %get3A_533 = vector.shape_cast %get3A_532 : vector<1x16xi32> to vector<16xi32>
        %shift_right_logical3A_534 = arith.constant 14 : i32
        %shift_right_logical3A_535 = vector.broadcast %shift_right_logical3A_534 : i32 to vector<16xi32>
        %shift_right_logical3A_536 = arith.shrui %get3A_533, %shift_right_logical3A_535 : vector<16xi32>
        %swap3A_537 = arith.constant 0 : i32
        %swap3A_538 = arith.index_cast %swap3A_537 : i32 to index
        %swap3A_539 = arith.constant 48 : index
        %swap3A_540 = tpu.vector_load %arg7[%swap3A_538, %swap3A_539] {strides = array<i32>} : memref<4x128xi32, #tpu.memory_space<vmem>>, vector<1x16xi32>,
        %swap3A_541 = vector.shape_cast %swap3A_540 : vector<1x16xi32> to vector<16xi32>
        %swap3A_542 = vector.shape_cast %shift_right_logical3A_536 : vector<16xi32> to vector<1x16xi32>
        tpu.vector_store %arg7[%swap3A_538, %swap3A_539], %swap3A_542 {strides = array<i32>} : memref<4x128xi32, #tpu.memory_space<vmem>>, vector<1x16xi32>,
        %and3A_543 = arith.constant 16383 : i32
        %and3A_544 = vector.broadcast %and3A_543 : i32 to vector<16xi32>
        %and3A_545 = arith.andi %get3A_533, %and3A_544 : vector<16xi32>
        %swap3A_546 = arith.constant 0 : i32
        %swap3A_547 = arith.index_cast %swap3A_546 : i32 to index
        %swap3A_548 = arith.constant 48 : index
        %swap3A_549 = tpu.vector_load %arg8[%swap3A_547, %swap3A_548] {strides = array<i32>} : memref<4x128xi32, #tpu.memory_space<vmem>>, vector<1x16xi32>,
        %swap3A_550 = vector.shape_cast %swap3A_549 : vector<1x16xi32> to vector<16xi32>
        %swap3A_551 = vector.shape_cast %and3A_545 : vector<16xi32> to vector<1x16xi32>
        tpu.vector_store %arg8[%swap3A_547, %swap3A_548], %swap3A_551 {strides = array<i32>} : memref<4x128xi32, #tpu.memory_space<vmem>>, vector<1x16xi32>,
        %get3A_552 = arith.index_cast %add3A_463 : i32 to index
        %get3A_553 = arith.constant 64 : index
        %get3A_554 = tpu.vector_load %arg6[%get3A_552, %get3A_553] {strides = array<i32>} : memref<80x128xi32, #tpu.memory_space<vmem>>, vector<1x16xi32>,
        %get3A_555 = vector.shape_cast %get3A_554 : vector<1x16xi32> to vector<16xi32>
        %shift_right_logical3A_556 = arith.constant 14 : i32
        %shift_right_logical3A_557 = vector.broadcast %shift_right_logical3A_556 : i32 to vector<16xi32>
        %shift_right_logical3A_558 = arith.shrui %get3A_555, %shift_right_logical3A_557 : vector<16xi32>
        %swap3A_559 = arith.constant 0 : i32
        %swap3A_560 = arith.index_cast %swap3A_559 : i32 to index
        %swap3A_561 = arith.constant 64 : index
        %swap3A_562 = tpu.vector_load %arg7[%swap3A_560, %swap3A_561] {strides = array<i32>} : memref<4x128xi32, #tpu.memory_space<vmem>>, vector<1x16xi32>,
        %swap3A_563 = vector.shape_cast %swap3A_562 : vector<1x16xi32> to vector<16xi32>
        %swap3A_564 = vector.shape_cast %shift_right_logical3A_558 : vector<16xi32> to vector<1x16xi32>
        tpu.vector_store %arg7[%swap3A_560, %swap3A_561], %swap3A_564 {strides = array<i32>} : memref<4x128xi32, #tpu.memory_space<vmem>>, vector<1x16xi32>,
        %and3A_565 = arith.constant 16383 : i32
        %and3A_566 = vector.broadcast %and3A_565 : i32 to vector<16xi32>
        %and3A_567 = arith.andi %get3A_555, %and3A_566 : vector<16xi32>
        %swap3A_568 = arith.constant 0 : i32
        %swap3A_569 = arith.index_cast %swap3A_568 : i32 to index
        %swap3A_570 = arith.constant 64 : index
        %swap3A_571 = tpu.vector_load %arg8[%swap3A_569, %swap3A_570] {strides = array<i32>} : memref<4x128xi32, #tpu.memory_space<vmem>>, vector<1x16xi32>,
        %swap3A_572 = vector.shape_cast %swap3A_571 : vector<1x16xi32> to vector<16xi32>
        %swap3A_573 = vector.shape_cast %and3A_567 : vector<16xi32> to vector<1x16xi32>
        tpu.vector_store %arg8[%swap3A_569, %swap3A_570], %swap3A_573 {strides = array<i32>} : memref<4x128xi32, #tpu.memory_space<vmem>>, vector<1x16xi32>,
        %get3A_574 = arith.index_cast %add3A_463 : i32 to index
        %get3A_575 = arith.constant 80 : index
        %get3A_576 = tpu.vector_load %arg6[%get3A_574, %get3A_575] {strides = array<i32>} : memref<80x128xi32, #tpu.memory_space<vmem>>, vector<1x16xi32>,
        %get3A_577 = vector.shape_cast %get3A_576 : vector<1x16xi32> to vector<16xi32>
        %shift_right_logical3A_578 = arith.constant 14 : i32
        %shift_right_logical3A_579 = vector.broadcast %shift_right_logical3A_578 : i32 to vector<16xi32>
        %shift_right_logical3A_580 = arith.shrui %get3A_577, %shift_right_logical3A_579 : vector<16xi32>
        %swap3A_581 = arith.constant 0 : i32
        %swap3A_582 = arith.index_cast %swap3A_581 : i32 to index
        %swap3A_583 = arith.constant 80 : index
        %swap3A_584 = tpu.vector_load %arg7[%swap3A_582, %swap3A_583] {strides = array<i32>} : memref<4x128xi32, #tpu.memory_space<vmem>>, vector<1x16xi32>,
        %swap3A_585 = vector.shape_cast %swap3A_584 : vector<1x16xi32> to vector<16xi32>
        %swap3A_586 = vector.shape_cast %shift_right_logical3A_580 : vector<16xi32> to vector<1x16xi32>
        tpu.vector_store %arg7[%swap3A_582, %swap3A_583], %swap3A_586 {strides = array<i32>} : memref<4x128xi32, #tpu.memory_space<vmem>>, vector<1x16xi32>,
        %and3A_587 = arith.constant 16383 : i32
        %and3A_588 = vector.broadcast %and3A_587 : i32 to vector<16xi32>
        %and3A_589 = arith.andi %get3A_577, %and3A_588 : vector<16xi32>
        %swap3A_590 = arith.constant 0 : i32
        %swap3A_591 = arith.index_cast %swap3A_590 : i32 to index
        %swap3A_592 = arith.constant 80 : index
        %swap3A_593 = tpu.vector_load %arg8[%swap3A_591, %swap3A_592] {strides = array<i32>} : memref<4x128xi32, #tpu.memory_space<vmem>>, vector<1x16xi32>,
        %swap3A_594 = vector.shape_cast %swap3A_593 : vector<1x16xi32> to vector<16xi32>
        %swap3A_595 = vector.shape_cast %and3A_589 : vector<16xi32> to vector<1x16xi32>
        tpu.vector_store %arg8[%swap3A_591, %swap3A_592], %swap3A_595 {strides = array<i32>} : memref<4x128xi32, #tpu.memory_space<vmem>>, vector<1x16xi32>,
        %get3A_596 = arith.index_cast %add3A_463 : i32 to index
        %get3A_597 = arith.constant 96 : index
        %get3A_598 = tpu.vector_load %arg6[%get3A_596, %get3A_597] {strides = array<i32>} : memref<80x128xi32, #tpu.memory_space<vmem>>, vector<1x16xi32>,
        %get3A_599 = vector.shape_cast %get3A_598 : vector<1x16xi32> to vector<16xi32>
        %shift_right_logical3A_600 = arith.constant 14 : i32
        %shift_right_logical3A_601 = vector.broadcast %shift_right_logical3A_600 : i32 to vector<16xi32>
        %shift_right_logical3A_602 = arith.shrui %get3A_599, %shift_right_logical3A_601 : vector<16xi32>
        %swap3A_603 = arith.constant 0 : i32
        %swap3A_604 = arith.index_cast %swap3A_603 : i32 to index
        %swap3A_605 = arith.constant 96 : index
        %swap3A_606 = tpu.vector_load %arg7[%swap3A_604, %swap3A_605] {strides = array<i32>} : memref<4x128xi32, #tpu.memory_space<vmem>>, vector<1x16xi32>,
        %swap3A_607 = vector.shape_cast %swap3A_606 : vector<1x16xi32> to vector<16xi32>
        %swap3A_608 = vector.shape_cast %shift_right_logical3A_602 : vector<16xi32> to vector<1x16xi32>
        tpu.vector_store %arg7[%swap3A_604, %swap3A_605], %swap3A_608 {strides = array<i32>} : memref<4x128xi32, #tpu.memory_space<vmem>>, vector<1x16xi32>,
        %and3A_609 = arith.constant 16383 : i32
        %and3A_610 = vector.broadcast %and3A_609 : i32 to vector<16xi32>
        %and3A_611 = arith.andi %get3A_599, %and3A_610 : vector<16xi32>
        %swap3A_612 = arith.constant 0 : i32
        %swap3A_613 = arith.index_cast %swap3A_612 : i32 to index
        %swap3A_614 = arith.constant 96 : index
        %swap3A_615 = tpu.vector_load %arg8[%swap3A_613, %swap3A_614] {strides = array<i32>} : memref<4x128xi32, #tpu.memory_space<vmem>>, vector<1x16xi32>,
        %swap3A_616 = vector.shape_cast %swap3A_615 : vector<1x16xi32> to vector<16xi32>
        %swap3A_617 = vector.shape_cast %and3A_611 : vector<16xi32> to vector<1x16xi32>
        tpu.vector_store %arg8[%swap3A_613, %swap3A_614], %swap3A_617 {strides = array<i32>} : memref<4x128xi32, #tpu.memory_space<vmem>>, vector<1x16xi32>,
        %get3A_618 = arith.index_cast %add3A_463 : i32 to index
        %get3A_619 = arith.constant 112 : index
        %get3A_620 = tpu.vector_load %arg6[%get3A_618, %get3A_619] {strides = array<i32>} : memref<80x128xi32, #tpu.memory_space<vmem>>, vector<1x16xi32>,
        %get3A_621 = vector.shape_cast %get3A_620 : vector<1x16xi32> to vector<16xi32>
        %shift_right_logical3A_622 = arith.constant 14 : i32
        %shift_right_logical3A_623 = vector.broadcast %shift_right_logical3A_622 : i32 to vector<16xi32>
        %shift_right_logical3A_624 = arith.shrui %get3A_621, %shift_right_logical3A_623 : vector<16xi32>
        %swap3A_625 = arith.constant 0 : i32
        %swap3A_626 = arith.index_cast %swap3A_625 : i32 to index
        %swap3A_627 = arith.constant 112 : index
        %swap3A_628 = tpu.vector_load %arg7[%swap3A_626, %swap3A_627] {strides = array<i32>} : memref<4x128xi32, #tpu.memory_space<vmem>>, vector<1x16xi32>,
        %swap3A_629 = vector.shape_cast %swap3A_628 : vector<1x16xi32> to vector<16xi32>
        %swap3A_630 = vector.shape_cast %shift_right_logical3A_624 : vector<16xi32> to vector<1x16xi32>
        tpu.vector_store %arg7[%swap3A_626, %swap3A_627], %swap3A_630 {strides = array<i32>} : memref<4x128xi32, #tpu.memory_space<vmem>>, vector<1x16xi32>,
        %and3A_631 = arith.constant 16383 : i32
        %and3A_632 = vector.broadcast %and3A_631 : i32 to vector<16xi32>
        %and3A_633 = arith.andi %get3A_621, %and3A_632 : vector<16xi32>
        %swap3A_634 = arith.constant 0 : i32
        %swap3A_635 = arith.index_cast %swap3A_634 : i32 to index
        %swap3A_636 = arith.constant 112 : index
        %swap3A_637 = tpu.vector_load %arg8[%swap3A_635, %swap3A_636] {strides = array<i32>} : memref<4x128xi32, #tpu.memory_space<vmem>>, vector<1x16xi32>,
        %swap3A_638 = vector.shape_cast %swap3A_637 : vector<1x16xi32> to vector<16xi32>
        %swap3A_639 = vector.shape_cast %and3A_633 : vector<16xi32> to vector<1x16xi32>
        tpu.vector_store %arg8[%swap3A_635, %swap3A_636], %swap3A_639 {strides = array<i32>} : memref<4x128xi32, #tpu.memory_space<vmem>>, vector<1x16xi32>,
        %dma_start3A_640 = arith.constant 0 : i32
        %dma_start3A_641 = arith.constant 0 : i32
        %dma_start3A_642 = tpu.memref_slice %arg7[%dma_start3A_640, %dma_start3A_641] : memref<4x128xi32, #tpu.memory_space<vmem>> -> memref<1x128xi32, #tpu.memory_space<vmem>>
        %dma_start3A_643 = tpu.memref_squeeze %dma_start3A_642 : memref<1x128xi32, #tpu.memory_space<vmem>> -> memref<128xi32, #tpu.memory_space<vmem>>
        %dma_start3A_644 = arith.constant 0 : i32
        %dma_start3A_645 = arith.constant 0 : i32
        %dma_start3A_646 = tpu.memref_slice %arg2[%dma_start3A_644, %dma_start3A_645] : memref<10000x128xf32, #tpu.memory_space<hbm>> -> memref<10000x128xf32, #tpu.memory_space<hbm>>
        tpu.enqueue_indirect_dma source(%dma_start3A_646 : memref<10000x128xf32, #tpu.memory_space<hbm>>) target(%arg9 : memref<128x128xf32, #tpu.memory_space<vmem>>) offsets(%dma_start3A_643 : memref<128xi32, #tpu.memory_space<vmem>>) semaphore(%arg12 : memref<!tpu.dma_semaphore, #tpu.memory_space<semaphore_mem>>)
      } else {
      }
      %mul3A_443 = arith.constant 4 : i32
      %mul3A_444 = arith.muli %scan3A_390, %mul3A_443 : i32
      %add3A_445 = arith.constant 3 : i32
      %add3A_446 = arith.addi %mul3A_444, %add3A_445 : i32
      %dma_wait3A_447 = arith.constant 3 : i32
      %dma_wait3A_448 = arith.constant 0 : i32
      %dma_wait3A_449 = tpu.memref_slice %arg7[%dma_wait3A_447, %dma_wait3A_448] : memref<4x128xi32, #tpu.memory_space<vmem>> -> memref<1x128xi32, #tpu.memory_space<vmem>>
      %dma_wait3A_450 = tpu.memref_squeeze %dma_wait3A_449 : memref<1x128xi32, #tpu.memory_space<vmem>> -> memref<128xi32, #tpu.memory_space<vmem>>
      %dma_wait3A_451 = arith.constant 0 : i32
      %dma_wait3A_452 = arith.constant 0 : i32
      %dma_wait3A_453 = tpu.memref_slice %arg2[%dma_wait3A_451, %dma_wait3A_452] : memref<10000x128xf32, #tpu.memory_space<hbm>> -> memref<10000x128xf32, #tpu.memory_space<hbm>>
      tpu.wait_indirect_dma semaphore(%arg13 : memref<!tpu.dma_semaphore, #tpu.memory_space<semaphore_mem>>) src(%dma_wait3A_453 : memref<10000x128xf32, #tpu.memory_space<hbm>>) dst(%arg10 : memref<128x128xf32, #tpu.memory_space<vmem>>)
      %run_scoped3A_454 = arith.constant 3 : i32
      "tpu.region"() ({
        %run_scoped3A_462 = tpu.sem_alloc : memref<!tpu.dma_semaphore, #tpu.memory_space<semaphore_mem>>
        %dma_start3A_463 = arith.constant 0 : i32
        %dma_start3A_464 = tpu.memref_slice %arg8[%run_scoped3A_454, %dma_start3A_463] : memref<4x128xi32, #tpu.memory_space<vmem>> -> memref<1x128xi32, #tpu.memory_space<vmem>>
        %dma_start3A_465 = tpu.memref_squeeze %dma_start3A_464 : memref<1x128xi32, #tpu.memory_space<vmem>> -> memref<128xi32, #tpu.memory_space<vmem>>
        %dma_start3A_466 = arith.constant 0 : i32
        %dma_start3A_467 = arith.constant 0 : i32
        %dma_start3A_468 = tpu.memref_slice %arg11[%dma_start3A_466, %dma_start3A_467] : memref<10240x128xf32, #tpu.memory_space<vmem_shared>> -> memref<10240x128xf32, #tpu.memory_space<vmem_shared>>
        tpu.enqueue_indirect_dma source(%arg10 : memref<128x128xf32, #tpu.memory_space<vmem>>) target(%dma_start3A_468 : memref<10240x128xf32, #tpu.memory_space<vmem_shared>>) offsets(%dma_start3A_465 : memref<128xi32, #tpu.memory_space<vmem>>) semaphore(%run_scoped3A_462 : memref<!tpu.dma_semaphore, #tpu.memory_space<semaphore_mem>>) {add = true}
        %dma_wait3A_469 = arith.constant 0 : i32
        %dma_wait3A_470 = tpu.memref_slice %arg8[%run_scoped3A_454, %dma_wait3A_469] : memref<4x128xi32, #tpu.memory_space<vmem>> -> memref<1x128xi32, #tpu.memory_space<vmem>>
        %dma_wait3A_471 = tpu.memref_squeeze %dma_wait3A_470 : memref<1x128xi32, #tpu.memory_space<vmem>> -> memref<128xi32, #tpu.memory_space<vmem>>
        %dma_wait3A_472 = arith.constant 0 : i32
        %dma_wait3A_473 = arith.constant 0 : i32
        %dma_wait3A_474 = tpu.memref_slice %arg11[%dma_wait3A_472, %dma_wait3A_473] : memref<10240x128xf32, #tpu.memory_space<vmem_shared>> -> memref<10240x128xf32, #tpu.memory_space<vmem_shared>>
        tpu.wait_indirect_dma semaphore(%run_scoped3A_462 : memref<!tpu.dma_semaphore, #tpu.memory_space<semaphore_mem>>) src(%arg10 : memref<128x128xf32, #tpu.memory_space<vmem>>) dst(%dma_wait3A_474 : memref<10240x128xf32, #tpu.memory_space<vmem_shared>>)
        tpu.yield
      }) : () -> ()
      %add3A_455 = arith.constant 2 : i32
      %add3A_456 = arith.addi %add3A_446, %add3A_455 : i32
      %lt3A_457 = arith.constant 80 : i32
      %lt3A_458 = arith.cmpi slt, %add3A_456, %lt3A_457 : i32
      %convert_element_type3A_459 = arith.extui %lt3A_458 : i1 to i32
      %cond3A_460 = arith.constant 0 : i32
      %cond3A_461 = arith.cmpi ne, %convert_element_type3A_459, %cond3A_460 : i32
      scf.if %cond3A_461 {
        %add3A_462 = arith.constant 2 : i32
        %add3A_463 = arith.addi %add3A_446, %add3A_462 : i32
        %get3A_464 = arith.index_cast %add3A_463 : i32 to index
        %get3A_465 = arith.constant 0 : index
        %get3A_466 = tpu.vector_load %arg6[%get3A_464, %get3A_465] {strides = array<i32>} : memref<80x128xi32, #tpu.memory_space<vmem>>, vector<1x16xi32>,
        %get3A_467 = vector.shape_cast %get3A_466 : vector<1x16xi32> to vector<16xi32>
        %shift_right_logical3A_468 = arith.constant 14 : i32
        %shift_right_logical3A_469 = vector.broadcast %shift_right_logical3A_468 : i32 to vector<16xi32>
        %shift_right_logical3A_470 = arith.shrui %get3A_467, %shift_right_logical3A_469 : vector<16xi32>
        %swap3A_471 = arith.constant 1 : i32
        %swap3A_472 = arith.index_cast %swap3A_471 : i32 to index
        %swap3A_473 = arith.constant 0 : index
        %swap3A_474 = tpu.vector_load %arg7[%swap3A_472, %swap3A_473] {strides = array<i32>} : memref<4x128xi32, #tpu.memory_space<vmem>>, vector<1x16xi32>,
        %swap3A_475 = vector.shape_cast %swap3A_474 : vector<1x16xi32> to vector<16xi32>
        %swap3A_476 = vector.shape_cast %shift_right_logical3A_470 : vector<16xi32> to vector<1x16xi32>
        tpu.vector_store %arg7[%swap3A_472, %swap3A_473], %swap3A_476 {strides = array<i32>} : memref<4x128xi32, #tpu.memory_space<vmem>>, vector<1x16xi32>,
        %and3A_477 = arith.constant 16383 : i32
        %and3A_478 = vector.broadcast %and3A_477 : i32 to vector<16xi32>
        %and3A_479 = arith.andi %get3A_467, %and3A_478 : vector<16xi32>
        %swap3A_480 = arith.constant 1 : i32
        %swap3A_481 = arith.index_cast %swap3A_480 : i32 to index
        %swap3A_482 = arith.constant 0 : index
        %swap3A_483 = tpu.vector_load %arg8[%swap3A_481, %swap3A_482] {strides = array<i32>} : memref<4x128xi32, #tpu.memory_space<vmem>>, vector<1x16xi32>,
        %swap3A_484 = vector.shape_cast %swap3A_483 : vector<1x16xi32> to vector<16xi32>
        %swap3A_485 = vector.shape_cast %and3A_479 : vector<16xi32> to vector<1x16xi32>
        tpu.vector_store %arg8[%swap3A_481, %swap3A_482], %swap3A_485 {strides = array<i32>} : memref<4x128xi32, #tpu.memory_space<vmem>>, vector<1x16xi32>,
        %get3A_486 = arith.index_cast %add3A_463 : i32 to index
        %get3A_487 = arith.constant 16 : index
        %get3A_488 = tpu.vector_load %arg6[%get3A_486, %get3A_487] {strides = array<i32>} : memref<80x128xi32, #tpu.memory_space<vmem>>, vector<1x16xi32>,
        %get3A_489 = vector.shape_cast %get3A_488 : vector<1x16xi32> to vector<16xi32>
        %shift_right_logical3A_490 = arith.constant 14 : i32
        %shift_right_logical3A_491 = vector.broadcast %shift_right_logical3A_490 : i32 to vector<16xi32>
        %shift_right_logical3A_492 = arith.shrui %get3A_489, %shift_right_logical3A_491 : vector<16xi32>
        %swap3A_493 = arith.constant 1 : i32
        %swap3A_494 = arith.index_cast %swap3A_493 : i32 to index
        %swap3A_495 = arith.constant 16 : index
        %swap3A_496 = tpu.vector_load %arg7[%swap3A_494, %swap3A_495] {strides = array<i32>} : memref<4x128xi32, #tpu.memory_space<vmem>>, vector<1x16xi32>,
        %swap3A_497 = vector.shape_cast %swap3A_496 : vector<1x16xi32> to vector<16xi32>
        %swap3A_498 = vector.shape_cast %shift_right_logical3A_492 : vector<16xi32> to vector<1x16xi32>
        tpu.vector_store %arg7[%swap3A_494, %swap3A_495], %swap3A_498 {strides = array<i32>} : memref<4x128xi32, #tpu.memory_space<vmem>>, vector<1x16xi32>,
        %and3A_499 = arith.constant 16383 : i32
        %and3A_500 = vector.broadcast %and3A_499 : i32 to vector<16xi32>
        %and3A_501 = arith.andi %get3A_489, %and3A_500 : vector<16xi32>
        %swap3A_502 = arith.constant 1 : i32
        %swap3A_503 = arith.index_cast %swap3A_502 : i32 to index
        %swap3A_504 = arith.constant 16 : index
        %swap3A_505 = tpu.vector_load %arg8[%swap3A_503, %swap3A_504] {strides = array<i32>} : memref<4x128xi32, #tpu.memory_space<vmem>>, vector<1x16xi32>,
        %swap3A_506 = vector.shape_cast %swap3A_505 : vector<1x16xi32> to vector<16xi32>
        %swap3A_507 = vector.shape_cast %and3A_501 : vector<16xi32> to vector<1x16xi32>
        tpu.vector_store %arg8[%swap3A_503, %swap3A_504], %swap3A_507 {strides = array<i32>} : memref<4x128xi32, #tpu.memory_space<vmem>>, vector<1x16xi32>,
        %get3A_508 = arith.index_cast %add3A_463 : i32 to index
        %get3A_509 = arith.constant 32 : index
        %get3A_510 = tpu.vector_load %arg6[%get3A_508, %get3A_509] {strides = array<i32>} : memref<80x128xi32, #tpu.memory_space<vmem>>, vector<1x16xi32>,
        %get3A_511 = vector.shape_cast %get3A_510 : vector<1x16xi32> to vector<16xi32>
        %shift_right_logical3A_512 = arith.constant 14 : i32
        %shift_right_logical3A_513 = vector.broadcast %shift_right_logical3A_512 : i32 to vector<16xi32>
        %shift_right_logical3A_514 = arith.shrui %get3A_511, %shift_right_logical3A_513 : vector<16xi32>
        %swap3A_515 = arith.constant 1 : i32
        %swap3A_516 = arith.index_cast %swap3A_515 : i32 to index
        %swap3A_517 = arith.constant 32 : index
        %swap3A_518 = tpu.vector_load %arg7[%swap3A_516, %swap3A_517] {strides = array<i32>} : memref<4x128xi32, #tpu.memory_space<vmem>>, vector<1x16xi32>,
        %swap3A_519 = vector.shape_cast %swap3A_518 : vector<1x16xi32> to vector<16xi32>
        %swap3A_520 = vector.shape_cast %shift_right_logical3A_514 : vector<16xi32> to vector<1x16xi32>
        tpu.vector_store %arg7[%swap3A_516, %swap3A_517], %swap3A_520 {strides = array<i32>} : memref<4x128xi32, #tpu.memory_space<vmem>>, vector<1x16xi32>,
        %and3A_521 = arith.constant 16383 : i32
        %and3A_522 = vector.broadcast %and3A_521 : i32 to vector<16xi32>
        %and3A_523 = arith.andi %get3A_511, %and3A_522 : vector<16xi32>
        %swap3A_524 = arith.constant 1 : i32
        %swap3A_525 = arith.index_cast %swap3A_524 : i32 to index
        %swap3A_526 = arith.constant 32 : index
        %swap3A_527 = tpu.vector_load %arg8[%swap3A_525, %swap3A_526] {strides = array<i32>} : memref<4x128xi32, #tpu.memory_space<vmem>>, vector<1x16xi32>,
        %swap3A_528 = vector.shape_cast %swap3A_527 : vector<1x16xi32> to vector<16xi32>
        %swap3A_529 = vector.shape_cast %and3A_523 : vector<16xi32> to vector<1x16xi32>
        tpu.vector_store %arg8[%swap3A_525, %swap3A_526], %swap3A_529 {strides = array<i32>} : memref<4x128xi32, #tpu.memory_space<vmem>>, vector<1x16xi32>,
        %get3A_530 = arith.index_cast %add3A_463 : i32 to index
        %get3A_531 = arith.constant 48 : index
        %get3A_532 = tpu.vector_load %arg6[%get3A_530, %get3A_531] {strides = array<i32>} : memref<80x128xi32, #tpu.memory_space<vmem>>, vector<1x16xi32>,
        %get3A_533 = vector.shape_cast %get3A_532 : vector<1x16xi32> to vector<16xi32>
        %shift_right_logical3A_534 = arith.constant 14 : i32
        %shift_right_logical3A_535 = vector.broadcast %shift_right_logical3A_534 : i32 to vector<16xi32>
        %shift_right_logical3A_536 = arith.shrui %get3A_533, %shift_right_logical3A_535 : vector<16xi32>
        %swap3A_537 = arith.constant 1 : i32
        %swap3A_538 = arith.index_cast %swap3A_537 : i32 to index
        %swap3A_539 = arith.constant 48 : index
        %swap3A_540 = tpu.vector_load %arg7[%swap3A_538, %swap3A_539] {strides = array<i32>} : memref<4x128xi32, #tpu.memory_space<vmem>>, vector<1x16xi32>,
        %swap3A_541 = vector.shape_cast %swap3A_540 : vector<1x16xi32> to vector<16xi32>
        %swap3A_542 = vector.shape_cast %shift_right_logical3A_536 : vector<16xi32> to vector<1x16xi32>
        tpu.vector_store %arg7[%swap3A_538, %swap3A_539], %swap3A_542 {strides = array<i32>} : memref<4x128xi32, #tpu.memory_space<vmem>>, vector<1x16xi32>,
        %and3A_543 = arith.constant 16383 : i32
        %and3A_544 = vector.broadcast %and3A_543 : i32 to vector<16xi32>
        %and3A_545 = arith.andi %get3A_533, %and3A_544 : vector<16xi32>
        %swap3A_546 = arith.constant 1 : i32
        %swap3A_547 = arith.index_cast %swap3A_546 : i32 to index
        %swap3A_548 = arith.constant 48 : index
        %swap3A_549 = tpu.vector_load %arg8[%swap3A_547, %swap3A_548] {strides = array<i32>} : memref<4x128xi32, #tpu.memory_space<vmem>>, vector<1x16xi32>,
        %swap3A_550 = vector.shape_cast %swap3A_549 : vector<1x16xi32> to vector<16xi32>
        %swap3A_551 = vector.shape_cast %and3A_545 : vector<16xi32> to vector<1x16xi32>
        tpu.vector_store %arg8[%swap3A_547, %swap3A_548], %swap3A_551 {strides = array<i32>} : memref<4x128xi32, #tpu.memory_space<vmem>>, vector<1x16xi32>,
        %get3A_552 = arith.index_cast %add3A_463 : i32 to index
        %get3A_553 = arith.constant 64 : index
        %get3A_554 = tpu.vector_load %arg6[%get3A_552, %get3A_553] {strides = array<i32>} : memref<80x128xi32, #tpu.memory_space<vmem>>, vector<1x16xi32>,
        %get3A_555 = vector.shape_cast %get3A_554 : vector<1x16xi32> to vector<16xi32>
        %shift_right_logical3A_556 = arith.constant 14 : i32
        %shift_right_logical3A_557 = vector.broadcast %shift_right_logical3A_556 : i32 to vector<16xi32>
        %shift_right_logical3A_558 = arith.shrui %get3A_555, %shift_right_logical3A_557 : vector<16xi32>
        %swap3A_559 = arith.constant 1 : i32
        %swap3A_560 = arith.index_cast %swap3A_559 : i32 to index
        %swap3A_561 = arith.constant 64 : index
        %swap3A_562 = tpu.vector_load %arg7[%swap3A_560, %swap3A_561] {strides = array<i32>} : memref<4x128xi32, #tpu.memory_space<vmem>>, vector<1x16xi32>,
        %swap3A_563 = vector.shape_cast %swap3A_562 : vector<1x16xi32> to vector<16xi32>
        %swap3A_564 = vector.shape_cast %shift_right_logical3A_558 : vector<16xi32> to vector<1x16xi32>
        tpu.vector_store %arg7[%swap3A_560, %swap3A_561], %swap3A_564 {strides = array<i32>} : memref<4x128xi32, #tpu.memory_space<vmem>>, vector<1x16xi32>,
        %and3A_565 = arith.constant 16383 : i32
        %and3A_566 = vector.broadcast %and3A_565 : i32 to vector<16xi32>
        %and3A_567 = arith.andi %get3A_555, %and3A_566 : vector<16xi32>
        %swap3A_568 = arith.constant 1 : i32
        %swap3A_569 = arith.index_cast %swap3A_568 : i32 to index
        %swap3A_570 = arith.constant 64 : index
        %swap3A_571 = tpu.vector_load %arg8[%swap3A_569, %swap3A_570] {strides = array<i32>} : memref<4x128xi32, #tpu.memory_space<vmem>>, vector<1x16xi32>,
        %swap3A_572 = vector.shape_cast %swap3A_571 : vector<1x16xi32> to vector<16xi32>
        %swap3A_573 = vector.shape_cast %and3A_567 : vector<16xi32> to vector<1x16xi32>
        tpu.vector_store %arg8[%swap3A_569, %swap3A_570], %swap3A_573 {strides = array<i32>} : memref<4x128xi32, #tpu.memory_space<vmem>>, vector<1x16xi32>,
        %get3A_574 = arith.index_cast %add3A_463 : i32 to index
        %get3A_575 = arith.constant 80 : index
        %get3A_576 = tpu.vector_load %arg6[%get3A_574, %get3A_575] {strides = array<i32>} : memref<80x128xi32, #tpu.memory_space<vmem>>, vector<1x16xi32>,
        %get3A_577 = vector.shape_cast %get3A_576 : vector<1x16xi32> to vector<16xi32>
        %shift_right_logical3A_578 = arith.constant 14 : i32
        %shift_right_logical3A_579 = vector.broadcast %shift_right_logical3A_578 : i32 to vector<16xi32>
        %shift_right_logical3A_580 = arith.shrui %get3A_577, %shift_right_logical3A_579 : vector<16xi32>
        %swap3A_581 = arith.constant 1 : i32
        %swap3A_582 = arith.index_cast %swap3A_581 : i32 to index
        %swap3A_583 = arith.constant 80 : index
        %swap3A_584 = tpu.vector_load %arg7[%swap3A_582, %swap3A_583] {strides = array<i32>} : memref<4x128xi32, #tpu.memory_space<vmem>>, vector<1x16xi32>,
        %swap3A_585 = vector.shape_cast %swap3A_584 : vector<1x16xi32> to vector<16xi32>
        %swap3A_586 = vector.shape_cast %shift_right_logical3A_580 : vector<16xi32> to vector<1x16xi32>
        tpu.vector_store %arg7[%swap3A_582, %swap3A_583], %swap3A_586 {strides = array<i32>} : memref<4x128xi32, #tpu.memory_space<vmem>>, vector<1x16xi32>,
        %and3A_587 = arith.constant 16383 : i32
        %and3A_588 = vector.broadcast %and3A_587 : i32 to vector<16xi32>
        %and3A_589 = arith.andi %get3A_577, %and3A_588 : vector<16xi32>
        %swap3A_590 = arith.constant 1 : i32
        %swap3A_591 = arith.index_cast %swap3A_590 : i32 to index
        %swap3A_592 = arith.constant 80 : index
        %swap3A_593 = tpu.vector_load %arg8[%swap3A_591, %swap3A_592] {strides = array<i32>} : memref<4x128xi32, #tpu.memory_space<vmem>>, vector<1x16xi32>,
        %swap3A_594 = vector.shape_cast %swap3A_593 : vector<1x16xi32> to vector<16xi32>
        %swap3A_595 = vector.shape_cast %and3A_589 : vector<16xi32> to vector<1x16xi32>
        tpu.vector_store %arg8[%swap3A_591, %swap3A_592], %swap3A_595 {strides = array<i32>} : memref<4x128xi32, #tpu.memory_space<vmem>>, vector<1x16xi32>,
        %get3A_596 = arith.index_cast %add3A_463 : i32 to index
        %get3A_597 = arith.constant 96 : index
        %get3A_598 = tpu.vector_load %arg6[%get3A_596, %get3A_597] {strides = array<i32>} : memref<80x128xi32, #tpu.memory_space<vmem>>, vector<1x16xi32>,
        %get3A_599 = vector.shape_cast %get3A_598 : vector<1x16xi32> to vector<16xi32>
        %shift_right_logical3A_600 = arith.constant 14 : i32
        %shift_right_logical3A_601 = vector.broadcast %shift_right_logical3A_600 : i32 to vector<16xi32>
        %shift_right_logical3A_602 = arith.shrui %get3A_599, %shift_right_logical3A_601 : vector<16xi32>
        %swap3A_603 = arith.constant 1 : i32
        %swap3A_604 = arith.index_cast %swap3A_603 : i32 to index
        %swap3A_605 = arith.constant 96 : index
        %swap3A_606 = tpu.vector_load %arg7[%swap3A_604, %swap3A_605] {strides = array<i32>} : memref<4x128xi32, #tpu.memory_space<vmem>>, vector<1x16xi32>,
        %swap3A_607 = vector.shape_cast %swap3A_606 : vector<1x16xi32> to vector<16xi32>
        %swap3A_608 = vector.shape_cast %shift_right_logical3A_602 : vector<16xi32> to vector<1x16xi32>
        tpu.vector_store %arg7[%swap3A_604, %swap3A_605], %swap3A_608 {strides = array<i32>} : memref<4x128xi32, #tpu.memory_space<vmem>>, vector<1x16xi32>,
        %and3A_609 = arith.constant 16383 : i32
        %and3A_610 = vector.broadcast %and3A_609 : i32 to vector<16xi32>
        %and3A_611 = arith.andi %get3A_599, %and3A_610 : vector<16xi32>
        %swap3A_612 = arith.constant 1 : i32
        %swap3A_613 = arith.index_cast %swap3A_612 : i32 to index
        %swap3A_614 = arith.constant 96 : index
        %swap3A_615 = tpu.vector_load %arg8[%swap3A_613, %swap3A_614] {strides = array<i32>} : memref<4x128xi32, #tpu.memory_space<vmem>>, vector<1x16xi32>,
        %swap3A_616 = vector.shape_cast %swap3A_615 : vector<1x16xi32> to vector<16xi32>
        %swap3A_617 = vector.shape_cast %and3A_611 : vector<16xi32> to vector<1x16xi32>
        tpu.vector_store %arg8[%swap3A_613, %swap3A_614], %swap3A_617 {strides = array<i32>} : memref<4x128xi32, #tpu.memory_space<vmem>>, vector<1x16xi32>,
        %get3A_618 = arith.index_cast %add3A_463 : i32 to index
        %get3A_619 = arith.constant 112 : index
        %get3A_620 = tpu.vector_load %arg6[%get3A_618, %get3A_619] {strides = array<i32>} : memref<80x128xi32, #tpu.memory_space<vmem>>, vector<1x16xi32>,
        %get3A_621 = vector.shape_cast %get3A_620 : vector<1x16xi32> to vector<16xi32>
        %shift_right_logical3A_622 = arith.constant 14 : i32
        %shift_right_logical3A_623 = vector.broadcast %shift_right_logical3A_622 : i32 to vector<16xi32>
        %shift_right_logical3A_624 = arith.shrui %get3A_621, %shift_right_logical3A_623 : vector<16xi32>
        %swap3A_625 = arith.constant 1 : i32
        %swap3A_626 = arith.index_cast %swap3A_625 : i32 to index
        %swap3A_627 = arith.constant 112 : index
        %swap3A_628 = tpu.vector_load %arg7[%swap3A_626, %swap3A_627] {strides = array<i32>} : memref<4x128xi32, #tpu.memory_space<vmem>>, vector<1x16xi32>,
        %swap3A_629 = vector.shape_cast %swap3A_628 : vector<1x16xi32> to vector<16xi32>
        %swap3A_630 = vector.shape_cast %shift_right_logical3A_624 : vector<16xi32> to vector<1x16xi32>
        tpu.vector_store %arg7[%swap3A_626, %swap3A_627], %swap3A_630 {strides = array<i32>} : memref<4x128xi32, #tpu.memory_space<vmem>>, vector<1x16xi32>,
        %and3A_631 = arith.constant 16383 : i32
        %and3A_632 = vector.broadcast %and3A_631 : i32 to vector<16xi32>
        %and3A_633 = arith.andi %get3A_621, %and3A_632 : vector<16xi32>
        %swap3A_634 = arith.constant 1 : i32
        %swap3A_635 = arith.index_cast %swap3A_634 : i32 to index
        %swap3A_636 = arith.constant 112 : index
        %swap3A_637 = tpu.vector_load %arg8[%swap3A_635, %swap3A_636] {strides = array<i32>} : memref<4x128xi32, #tpu.memory_space<vmem>>, vector<1x16xi32>,
        %swap3A_638 = vector.shape_cast %swap3A_637 : vector<1x16xi32> to vector<16xi32>
        %swap3A_639 = vector.shape_cast %and3A_633 : vector<16xi32> to vector<1x16xi32>
        tpu.vector_store %arg8[%swap3A_635, %swap3A_636], %swap3A_639 {strides = array<i32>} : memref<4x128xi32, #tpu.memory_space<vmem>>, vector<1x16xi32>,
        %dma_start3A_640 = arith.constant 1 : i32
        %dma_start3A_641 = arith.constant 0 : i32
        %dma_start3A_642 = tpu.memref_slice %arg7[%dma_start3A_640, %dma_start3A_641] : memref<4x128xi32, #tpu.memory_space<vmem>> -> memref<1x128xi32, #tpu.memory_space<vmem>>
        %dma_start3A_643 = tpu.memref_squeeze %dma_start3A_642 : memref<1x128xi32, #tpu.memory_space<vmem>> -> memref<128xi32, #tpu.memory_space<vmem>>
        %dma_start3A_644 = arith.constant 0 : i32
        %dma_start3A_645 = arith.constant 0 : i32
        %dma_start3A_646 = tpu.memref_slice %arg2[%dma_start3A_644, %dma_start3A_645] : memref<10000x128xf32, #tpu.memory_space<hbm>> -> memref<10000x128xf32, #tpu.memory_space<hbm>>
        tpu.enqueue_indirect_dma source(%dma_start3A_646 : memref<10000x128xf32, #tpu.memory_space<hbm>>) target(%arg10 : memref<128x128xf32, #tpu.memory_space<vmem>>) offsets(%dma_start3A_643 : memref<128xi32, #tpu.memory_space<vmem>>) semaphore(%arg13 : memref<!tpu.dma_semaphore, #tpu.memory_space<semaphore_mem>>)
      } else {
      }
    }
    %scan3A_384 = arith.constant 20 : i32
    %barrier3A_385 = arith.constant 0 : index
    tpu.barrier barrier_id(%barrier3A_385)
    %mul3A_386 = arith.constant 640 : i32
    %mul3A_387 = arith.muli %arg1, %mul3A_386 : i32
    %mul3A_388 = arith.constant 640 : i32
    %mul3A_389 = arith.muli %arg1, %mul3A_388 : i32
    "tpu.region"() ({
      %run_scoped3A = tpu.sem_alloc : memref<!tpu.dma_semaphore, #tpu.memory_space<semaphore_mem>>
      %dma_start3A_390 = arith.constant 0 : i32
      %dma_start3A_391 = tpu.memref_slice %arg5[%arg0, %mul3A_389, %dma_start3A_390] : memref<2x10240x128xf32, #tpu.memory_space<hbm>> -> memref<1x640x128xf32, #tpu.memory_space<hbm>>
      %dma_start3A_392 = tpu.memref_squeeze %dma_start3A_391 : memref<1x640x128xf32, #tpu.memory_space<hbm>> -> memref<640x128xf32, #tpu.memory_space<hbm>>
      %dma_start3A_393 = arith.constant 0 : i32
      %dma_start3A_394 = tpu.memref_slice %arg11[%mul3A_387, %dma_start3A_393] : memref<10240x128xf32, #tpu.memory_space<vmem_shared>> -> memref<640x128xf32, #tpu.memory_space<vmem_shared>>
      tpu.enqueue_dma source(%dma_start3A_394 : memref<640x128xf32, #tpu.memory_space<vmem_shared>>) target(%dma_start3A_392 : memref<640x128xf32, #tpu.memory_space<hbm>>) target_semaphore(%run_scoped3A : memref<!tpu.dma_semaphore, #tpu.memory_space<semaphore_mem>>)
      %dma_wait3A = arith.constant 0 : i32
      %dma_wait3A_395 = tpu.memref_slice %arg5[%arg0, %mul3A_389, %dma_wait3A] : memref<2x10240x128xf32, #tpu.memory_space<hbm>> -> memref<1x640x128xf32, #tpu.memory_space<hbm>>
      %dma_wait3A_396 = tpu.memref_squeeze %dma_wait3A_395 : memref<1x640x128xf32, #tpu.memory_space<hbm>> -> memref<640x128xf32, #tpu.memory_space<hbm>>
      %dma_wait3A_397 = arith.constant 0 : i32
      %dma_wait3A_398 = tpu.memref_slice %arg11[%mul3A_387, %dma_wait3A_397] : memref<10240x128xf32, #tpu.memory_space<vmem_shared>> -> memref<640x128xf32, #tpu.memory_space<vmem_shared>>
      tpu.wait_dma2 semaphore(%run_scoped3A : memref<!tpu.dma_semaphore, #tpu.memory_space<semaphore_mem>>) src(%dma_wait3A_398 : memref<640x128xf32, #tpu.memory_space<vmem_shared>>) dst(%dma_wait3A_396 : memref<640x128xf32, #tpu.memory_space<hbm>>)
      tpu.yield
    }) : () -> ()
    return
  }
}

module attributes {stable_mosaic.version = 14 : i64} {
  func.func @_mlp_body(%arg0: i32, %arg1: memref<5000x128xf32, #tpu.memory_space<vmem>>, %arg2: memref<2x5000x128xf32, #tpu.memory_space<vmem>>, %arg3: memref<128x256xf32, #tpu.memory_space<vmem>>, %arg4: memref<1x256xf32, #tpu.memory_space<vmem>>, %arg5: memref<256x128xf32, #tpu.memory_space<vmem>>, %arg6: memref<1x128xf32, #tpu.memory_space<vmem>>, %arg7: memref<5000x128xf32, #tpu.memory_space<vmem>>) attributes {dimension_semantics = [#tpu.dimension_semantics<arbitrary>], iteration_bounds = array<i64: 2>, scalar_prefetch = 0 : i64, scratch_operands = 0 : i64, tpu.core_type = #tpu.core_type<tc>, window_params = [{transform_indices = @transform_0, window_bounds = array<i64: 5000, 128>}, {transform_indices = @transform_1, window_bounds = array<i64: 2, 5000, 128>}, {pipeline_mode = #tpu.pipeline_mode<synchronous>, transform_indices = @transform_2, window_bounds = array<i64: 128, 256>}, {pipeline_mode = #tpu.pipeline_mode<synchronous>, transform_indices = @transform_3, window_bounds = array<i64: 1, 256>}, {pipeline_mode = #tpu.pipeline_mode<synchronous>, transform_indices = @transform_4, window_bounds = array<i64: 256, 128>}, {pipeline_mode = #tpu.pipeline_mode<synchronous>, transform_indices = @transform_5, window_bounds = array<i64: 1, 128>}, {transform_indices = @transform_6, window_bounds = array<i64: 5000, 128>}]} {
    %get3A = arith.constant 0 : index
    %get3A_0 = arith.constant 0 : index
    %get3A_1 = vector.load %arg1[%get3A, %get3A_0] : memref<5000x128xf32, #tpu.memory_space<vmem>>, vector<5000x128xf32>
    %get3A_2 = arith.constant 0 : index
    %get3A_3 = arith.constant 0 : index
    %get3A_4 = arith.constant 0 : index
    %get3A_5 = vector.load %arg2[%get3A_2, %get3A_3, %get3A_4] : memref<2x5000x128xf32, #tpu.memory_space<vmem>>, vector<1x5000x128xf32>
    %get3A_6 = vector.shape_cast %get3A_5 : vector<1x5000x128xf32> to vector<5000x128xf32>
    %add3A = arith.addf %get3A_1, %get3A_6 : vector<5000x128xf32>
    %get3A_7 = arith.constant 1 : index
    %get3A_8 = arith.constant 0 : index
    %get3A_9 = arith.constant 0 : index
    %get3A_10 = vector.load %arg2[%get3A_7, %get3A_8, %get3A_9] : memref<2x5000x128xf32, #tpu.memory_space<vmem>>, vector<1x5000x128xf32>
    %get3A_11 = vector.shape_cast %get3A_10 : vector<1x5000x128xf32> to vector<5000x128xf32>
    %add3A_12 = arith.addf %add3A, %get3A_11 : vector<5000x128xf32>
    %get3A_13 = arith.constant 0 : index
    %get3A_14 = arith.constant 0 : index
    %get3A_15 = vector.load %arg3[%get3A_13, %get3A_14] : memref<128x256xf32, #tpu.memory_space<vmem>>, vector<128x256xf32>
    %dot_general3A = arith.constant dense<0.000000e+00> : vector<5000x256xf32>
    %dot_general3A_16 = tpu.matmul %add3A_12, %get3A_15, %dot_general3A {dimension_numbers = #tpu.dot_dimension_numbers<[1], [0], [0], [1], [0, 0, 1, 1], [], []>, transpose_lhs_hint = false} : vector<5000x128xf32>, vector<128x256xf32>, vector<5000x256xf32> -> vector<5000x256xf32>
    %get3A_17 = arith.constant 0 : index
    %get3A_18 = arith.constant 0 : index
    %get3A_19 = vector.load %arg4[%get3A_17, %get3A_18] : memref<1x256xf32, #tpu.memory_space<vmem>>, vector<1x256xf32>
    %add3A_20 = vector.broadcast %get3A_19 : vector<1x256xf32> to vector<5000x256xf32>
    %add3A_21 = arith.addf %dot_general3A_16, %add3A_20 : vector<5000x256xf32>
    %max3A = arith.constant 0.000000e+00 : f32
    %max3A_22 = vector.broadcast %max3A : f32 to vector<5000x256xf32>
    %max3A_23 = arith.maximumf %add3A_21, %max3A_22 : vector<5000x256xf32>
    %get3A_24 = arith.constant 0 : index
    %get3A_25 = arith.constant 0 : index
    %get3A_26 = vector.load %arg5[%get3A_24, %get3A_25] : memref<256x128xf32, #tpu.memory_space<vmem>>, vector<256x128xf32>
    %dot_general3A_27 = arith.constant dense<0.000000e+00> : vector<5000x128xf32>
    %dot_general3A_28 = tpu.matmul %max3A_23, %get3A_26, %dot_general3A_27 {dimension_numbers = #tpu.dot_dimension_numbers<[1], [0], [0], [1], [0, 0, 1, 1], [], []>, transpose_lhs_hint = false} : vector<5000x256xf32>, vector<256x128xf32>, vector<5000x128xf32> -> vector<5000x128xf32>
    %get3A_29 = arith.constant 0 : index
    %get3A_30 = arith.constant 0 : index
    %get3A_31 = vector.load %arg6[%get3A_29, %get3A_30] : memref<1x128xf32, #tpu.memory_space<vmem>>, vector<1x128xf32>
    %add3A_32 = vector.broadcast %get3A_31 : vector<1x128xf32> to vector<5000x128xf32>
    %add3A_33 = arith.addf %dot_general3A_28, %add3A_32 : vector<5000x128xf32>
    %max3A_34 = arith.constant 0.000000e+00 : f32
    %max3A_35 = vector.broadcast %max3A_34 : f32 to vector<5000x128xf32>
    %max3A_36 = arith.maximumf %add3A_33, %max3A_35 : vector<5000x128xf32>
    %swap3A = arith.constant 0 : index
    %swap3A_37 = arith.constant 0 : index
    %swap3A_38 = vector.load %arg7[%swap3A, %swap3A_37] : memref<5000x128xf32, #tpu.memory_space<vmem>>, vector<5000x128xf32>
    tpu.vector_store %arg7[%swap3A, %swap3A_37], %max3A_36 {strides = array<i32>} : memref<5000x128xf32, #tpu.memory_space<vmem>>, vector<5000x128xf32>,
    return
  }
  func.func @transform_0(%arg0: i32) -> (i32, i32) {
    %c0_i32 = arith.constant 0 : i32
    %c0_i32_0 = arith.constant 0 : i32
    return %arg0, %c0_i32 : i32, i32
  }
  func.func @transform_1(%arg0: i32) -> (i32, i32, i32) {
    %c0_i32 = arith.constant 0 : i32
    %c0_i32_0 = arith.constant 0 : i32
    %c0_i32_1 = arith.constant 0 : i32
    return %c0_i32, %arg0, %c0_i32_0 : i32, i32, i32
  }
  func.func @transform_2(%arg0: i32) -> (i32, i32) {
    %c0_i32 = arith.constant 0 : i32
    %c0_i32_0 = arith.constant 0 : i32
    %c0_i32_1 = arith.constant 0 : i32
    return %c0_i32, %c0_i32_0 : i32, i32
  }
  func.func @transform_3(%arg0: i32) -> (i32, i32) {
    %c0_i32 = arith.constant 0 : i32
    %c0_i32_0 = arith.constant 0 : i32
    %c0_i32_1 = arith.constant 0 : i32
    return %c0_i32, %c0_i32_0 : i32, i32
  }
  func.func @transform_4(%arg0: i32) -> (i32, i32) {
    %c0_i32 = arith.constant 0 : i32
    %c0_i32_0 = arith.constant 0 : i32
    %c0_i32_1 = arith.constant 0 : i32
    return %c0_i32, %c0_i32_0 : i32, i32
  }
  func.func @transform_5(%arg0: i32) -> (i32, i32) {
    %c0_i32 = arith.constant 0 : i32
    %c0_i32_0 = arith.constant 0 : i32
    %c0_i32_1 = arith.constant 0 : i32
    return %c0_i32, %c0_i32_0 : i32, i32
  }
  func.func @transform_6(%arg0: i32) -> (i32, i32) {
    %c0_i32 = arith.constant 0 : i32
    %c0_i32_0 = arith.constant 0 : i32
    return %arg0, %c0_i32 : i32, i32
  }
}

module attributes {stable_mosaic.version = 14 : i64} {
  func.func @_mlp_pool_body(%arg0: i32, %arg1: memref<5000x128xf32, #tpu.memory_space<vmem>>, %arg2: memref<2x5000x128xf32, #tpu.memory_space<vmem>>, %arg3: memref<5000x1xi32, #tpu.memory_space<vmem>>, %arg4: memref<128x256xf32, #tpu.memory_space<vmem>>, %arg5: memref<1x256xf32, #tpu.memory_space<vmem>>, %arg6: memref<256x128xf32, #tpu.memory_space<vmem>>, %arg7: memref<1x128xf32, #tpu.memory_space<vmem>>, %arg8: memref<128x10xf32, #tpu.memory_space<vmem>>, %arg9: memref<1x10xf32, #tpu.memory_space<vmem>>, %arg10: memref<64x10xf32, #tpu.memory_space<vmem>>, %arg11: memref<64x128xf32, #tpu.memory_space<vmem>>, %arg12: memref<64x128xf32, #tpu.memory_space<vmem>>) attributes {dimension_semantics = [#tpu.dimension_semantics<arbitrary>], iteration_bounds = array<i64: 2>, scalar_prefetch = 0 : i64, scratch_operands = 2 : i64, tpu.core_type = #tpu.core_type<tc>, window_params = [{transform_indices = @transform_0, window_bounds = array<i64: 5000, 128>}, {transform_indices = @transform_1, window_bounds = array<i64: 2, 5000, 128>}, {transform_indices = @transform_2, window_bounds = array<i64: 5000, 1>}, {pipeline_mode = #tpu.pipeline_mode<synchronous>, transform_indices = @transform_3, window_bounds = array<i64: 128, 256>}, {pipeline_mode = #tpu.pipeline_mode<synchronous>, transform_indices = @transform_4, window_bounds = array<i64: 1, 256>}, {pipeline_mode = #tpu.pipeline_mode<synchronous>, transform_indices = @transform_5, window_bounds = array<i64: 256, 128>}, {pipeline_mode = #tpu.pipeline_mode<synchronous>, transform_indices = @transform_6, window_bounds = array<i64: 1, 128>}, {pipeline_mode = #tpu.pipeline_mode<synchronous>, transform_indices = @transform_7, window_bounds = array<i64: 128, 10>}, {pipeline_mode = #tpu.pipeline_mode<synchronous>, transform_indices = @transform_8, window_bounds = array<i64: 1, 10>}, {pipeline_mode = #tpu.pipeline_mode<synchronous>, transform_indices = @transform_9, window_bounds = array<i64: 64, 10>}]} {
    %eq3A = arith.constant 0 : i32
    %eq3A_0 = arith.cmpi eq, %arg0, %eq3A : i32
    %convert_element_type3A = arith.extui %eq3A_0 : i1 to i32
    %cond3A = arith.constant 0 : i32
    %cond3A_1 = arith.cmpi ne, %convert_element_type3A, %cond3A : i32
    scf.if %cond3A_1 {
      %broadcast_in_dim3A_66 = arith.constant 0.000000e+00 : f32
      %broadcast_in_dim3A_67 = vector.broadcast %broadcast_in_dim3A_66 : f32 to vector<64x128xf32>
      %swap3A_68 = arith.constant 0 : index
      %swap3A_69 = arith.constant 0 : index
      %swap3A_70 = vector.load %arg11[%swap3A_68, %swap3A_69] : memref<64x128xf32, #tpu.memory_space<vmem>>, vector<64x128xf32>
      tpu.vector_store %arg11[%swap3A_68, %swap3A_69], %broadcast_in_dim3A_67 {strides = array<i32>} : memref<64x128xf32, #tpu.memory_space<vmem>>, vector<64x128xf32>,
      %broadcast_in_dim3A_71 = arith.constant 0.000000e+00 : f32
      %broadcast_in_dim3A_72 = vector.broadcast %broadcast_in_dim3A_71 : f32 to vector<64x128xf32>
      %swap3A_73 = arith.constant 0 : index
      %swap3A_74 = arith.constant 0 : index
      %swap3A_75 = vector.load %arg12[%swap3A_73, %swap3A_74] : memref<64x128xf32, #tpu.memory_space<vmem>>, vector<64x128xf32>
      tpu.vector_store %arg12[%swap3A_73, %swap3A_74], %broadcast_in_dim3A_72 {strides = array<i32>} : memref<64x128xf32, #tpu.memory_space<vmem>>, vector<64x128xf32>,
    } else {
    }
    %get3A = arith.constant 0 : index
    %get3A_2 = arith.constant 0 : index
    %get3A_3 = vector.load %arg1[%get3A, %get3A_2] : memref<5000x128xf32, #tpu.memory_space<vmem>>, vector<5000x128xf32>
    %get3A_4 = arith.constant 0 : index
    %get3A_5 = arith.constant 0 : index
    %get3A_6 = arith.constant 0 : index
    %get3A_7 = vector.load %arg2[%get3A_4, %get3A_5, %get3A_6] : memref<2x5000x128xf32, #tpu.memory_space<vmem>>, vector<1x5000x128xf32>
    %get3A_8 = vector.shape_cast %get3A_7 : vector<1x5000x128xf32> to vector<5000x128xf32>
    %add3A = arith.addf %get3A_3, %get3A_8 : vector<5000x128xf32>
    %get3A_9 = arith.constant 1 : index
    %get3A_10 = arith.constant 0 : index
    %get3A_11 = arith.constant 0 : index
    %get3A_12 = vector.load %arg2[%get3A_9, %get3A_10, %get3A_11] : memref<2x5000x128xf32, #tpu.memory_space<vmem>>, vector<1x5000x128xf32>
    %get3A_13 = vector.shape_cast %get3A_12 : vector<1x5000x128xf32> to vector<5000x128xf32>
    %add3A_14 = arith.addf %add3A, %get3A_13 : vector<5000x128xf32>
    %get3A_15 = arith.constant 0 : index
    %get3A_16 = arith.constant 0 : index
    %get3A_17 = vector.load %arg4[%get3A_15, %get3A_16] : memref<128x256xf32, #tpu.memory_space<vmem>>, vector<128x256xf32>
    %dot_general3A = arith.constant dense<0.000000e+00> : vector<5000x256xf32>
    %dot_general3A_18 = tpu.matmul %add3A_14, %get3A_17, %dot_general3A {dimension_numbers = #tpu.dot_dimension_numbers<[1], [0], [0], [1], [0, 0, 1, 1], [], []>, transpose_lhs_hint = false} : vector<5000x128xf32>, vector<128x256xf32>, vector<5000x256xf32> -> vector<5000x256xf32>
    %get3A_19 = arith.constant 0 : index
    %get3A_20 = arith.constant 0 : index
    %get3A_21 = vector.load %arg5[%get3A_19, %get3A_20] : memref<1x256xf32, #tpu.memory_space<vmem>>, vector<1x256xf32>
    %add3A_22 = vector.broadcast %get3A_21 : vector<1x256xf32> to vector<5000x256xf32>
    %add3A_23 = arith.addf %dot_general3A_18, %add3A_22 : vector<5000x256xf32>
    %max3A = arith.constant 0.000000e+00 : f32
    %max3A_24 = vector.broadcast %max3A : f32 to vector<5000x256xf32>
    %max3A_25 = arith.maximumf %add3A_23, %max3A_24 : vector<5000x256xf32>
    %get3A_26 = arith.constant 0 : index
    %get3A_27 = arith.constant 0 : index
    %get3A_28 = vector.load %arg6[%get3A_26, %get3A_27] : memref<256x128xf32, #tpu.memory_space<vmem>>, vector<256x128xf32>
    %dot_general3A_29 = arith.constant dense<0.000000e+00> : vector<5000x128xf32>
    %dot_general3A_30 = tpu.matmul %max3A_25, %get3A_28, %dot_general3A_29 {dimension_numbers = #tpu.dot_dimension_numbers<[1], [0], [0], [1], [0, 0, 1, 1], [], []>, transpose_lhs_hint = false} : vector<5000x256xf32>, vector<256x128xf32>, vector<5000x128xf32> -> vector<5000x128xf32>
    %get3A_31 = arith.constant 0 : index
    %get3A_32 = arith.constant 0 : index
    %get3A_33 = vector.load %arg7[%get3A_31, %get3A_32] : memref<1x128xf32, #tpu.memory_space<vmem>>, vector<1x128xf32>
    %add3A_34 = vector.broadcast %get3A_33 : vector<1x128xf32> to vector<5000x128xf32>
    %add3A_35 = arith.addf %dot_general3A_30, %add3A_34 : vector<5000x128xf32>
    %get3A_36 = arith.constant 0 : index
    %get3A_37 = arith.constant 0 : index
    %get3A_38 = vector.load %arg3[%get3A_36, %get3A_37] : memref<5000x1xi32, #tpu.memory_space<vmem>>, vector<5000x1xi32>
    %iota3A = tpu.iota {dimensions = array<i32: 1>} : vector<5000x64xi32>
    %eq3A_39 = vector.broadcast %get3A_38 : vector<5000x1xi32> to vector<5000x64xi32>
    %eq3A_40 = arith.cmpi eq, %eq3A_39, %iota3A : vector<5000x64xi32>
    %convert_element_type3A_41 = arith.extui %eq3A_40 : vector<5000x64xi1> to vector<5000x64xi32>
    %convert_element_type3A_42 = arith.sitofp %convert_element_type3A_41 : vector<5000x64xi32> to vector<5000x64xf32>
    %get3A_43 = arith.constant 0 : index
    %get3A_44 = arith.constant 0 : index
    %get3A_45 = vector.load %arg11[%get3A_43, %get3A_44] : memref<64x128xf32, #tpu.memory_space<vmem>>, vector<64x128xf32>
    %dot_general3A_46 = arith.constant dense<0.000000e+00> : vector<64x128xf32>
    %dot_general3A_47 = tpu.matmul %convert_element_type3A_42, %add3A_35, %dot_general3A_46 {dimension_numbers = #tpu.dot_dimension_numbers<[0], [0], [1], [1], [0, 1, 1, 1], [], []>, transpose_lhs_hint = false} : vector<5000x64xf32>, vector<5000x128xf32>, vector<64x128xf32> -> vector<64x128xf32>
    %add3A_48 = arith.addf %get3A_45, %dot_general3A_47 : vector<64x128xf32>
    %swap3A = arith.constant 0 : index
    %swap3A_49 = arith.constant 0 : index
    %swap3A_50 = vector.load %arg11[%swap3A, %swap3A_49] : memref<64x128xf32, #tpu.memory_space<vmem>>, vector<64x128xf32>
    tpu.vector_store %arg11[%swap3A, %swap3A_49], %add3A_48 {strides = array<i32>} : memref<64x128xf32, #tpu.memory_space<vmem>>, vector<64x128xf32>,
    %get3A_51 = arith.constant 0 : index
    %get3A_52 = arith.constant 0 : index
    %get3A_53 = vector.load %arg12[%get3A_51, %get3A_52] : memref<64x128xf32, #tpu.memory_space<vmem>>, vector<64x128xf32>
    %broadcast_in_dim3A = arith.constant 1.000000e+00 : f32
    %broadcast_in_dim3A_54 = vector.broadcast %broadcast_in_dim3A : f32 to vector<5000x128xf32>
    %dot_general3A_55 = arith.constant dense<0.000000e+00> : vector<64x128xf32>
    %dot_general3A_56 = tpu.matmul %convert_element_type3A_42, %broadcast_in_dim3A_54, %dot_general3A_55 {dimension_numbers = #tpu.dot_dimension_numbers<[0], [0], [1], [1], [0, 1, 1, 1], [], []>, transpose_lhs_hint = false} : vector<5000x64xf32>, vector<5000x128xf32>, vector<64x128xf32> -> vector<64x128xf32>
    %add3A_57 = arith.addf %get3A_53, %dot_general3A_56 : vector<64x128xf32>
    %swap3A_58 = arith.constant 0 : index
    %swap3A_59 = arith.constant 0 : index
    %swap3A_60 = vector.load %arg12[%swap3A_58, %swap3A_59] : memref<64x128xf32, #tpu.memory_space<vmem>>, vector<64x128xf32>
    tpu.vector_store %arg12[%swap3A_58, %swap3A_59], %add3A_57 {strides = array<i32>} : memref<64x128xf32, #tpu.memory_space<vmem>>, vector<64x128xf32>,
    %eq3A_61 = arith.constant 1 : i32
    %eq3A_62 = arith.cmpi eq, %arg0, %eq3A_61 : i32
    %convert_element_type3A_63 = arith.extui %eq3A_62 : i1 to i32
    %cond3A_64 = arith.constant 0 : i32
    %cond3A_65 = arith.cmpi ne, %convert_element_type3A_63, %cond3A_64 : i32
    scf.if %cond3A_65 {
      %get3A_66 = arith.constant 0 : index
      %get3A_67 = arith.constant 0 : index
      %get3A_68 = vector.load %arg11[%get3A_66, %get3A_67] : memref<64x128xf32, #tpu.memory_space<vmem>>, vector<64x128xf32>
      %get3A_69 = arith.constant 0 : index
      %get3A_70 = arith.constant 0 : index
      %get3A_71 = vector.load %arg12[%get3A_69, %get3A_70] : memref<64x128xf32, #tpu.memory_space<vmem>>, vector<64x128xf32>
      %max3A_72 = arith.constant 1.000000e+00 : f32
      %max3A_73 = vector.broadcast %max3A_72 : f32 to vector<64x128xf32>
      %max3A_74 = arith.maximumf %get3A_71, %max3A_73 : vector<64x128xf32>
      %div3A = arith.divf %get3A_68, %max3A_74 : vector<64x128xf32>
      %get3A_75 = arith.constant 0 : index
      %get3A_76 = arith.constant 0 : index
      %get3A_77 = vector.load %arg8[%get3A_75, %get3A_76] : memref<128x10xf32, #tpu.memory_space<vmem>>, vector<128x10xf32>
      %dot_general3A_78 = arith.constant dense<0.000000e+00> : vector<64x10xf32>
      %dot_general3A_79 = tpu.matmul %div3A, %get3A_77, %dot_general3A_78 {dimension_numbers = #tpu.dot_dimension_numbers<[1], [0], [0], [1], [0, 0, 1, 1], [], []>, transpose_lhs_hint = false} : vector<64x128xf32>, vector<128x10xf32>, vector<64x10xf32> -> vector<64x10xf32>
      %get3A_80 = arith.constant 0 : index
      %get3A_81 = arith.constant 0 : index
      %get3A_82 = vector.load %arg9[%get3A_80, %get3A_81] : memref<1x10xf32, #tpu.memory_space<vmem>>, vector<1x10xf32>
      %add3A_83 = vector.broadcast %get3A_82 : vector<1x10xf32> to vector<64x10xf32>
      %add3A_84 = arith.addf %dot_general3A_79, %add3A_83 : vector<64x10xf32>
      %swap3A_85 = arith.constant 0 : index
      %swap3A_86 = arith.constant 0 : index
      %swap3A_87 = vector.load %arg10[%swap3A_85, %swap3A_86] : memref<64x10xf32, #tpu.memory_space<vmem>>, vector<64x10xf32>
      tpu.vector_store %arg10[%swap3A_85, %swap3A_86], %add3A_84 {strides = array<i32>} : memref<64x10xf32, #tpu.memory_space<vmem>>, vector<64x10xf32>,
    } else {
    }
    return
  }
  func.func @transform_0(%arg0: i32) -> (i32, i32) {
    %c0_i32 = arith.constant 0 : i32
    %c0_i32_0 = arith.constant 0 : i32
    return %arg0, %c0_i32 : i32, i32
  }
  func.func @transform_1(%arg0: i32) -> (i32, i32, i32) {
    %c0_i32 = arith.constant 0 : i32
    %c0_i32_0 = arith.constant 0 : i32
    %c0_i32_1 = arith.constant 0 : i32
    return %c0_i32, %arg0, %c0_i32_0 : i32, i32, i32
  }
  func.func @transform_2(%arg0: i32) -> (i32, i32) {
    %c0_i32 = arith.constant 0 : i32
    %c0_i32_0 = arith.constant 0 : i32
    return %arg0, %c0_i32 : i32, i32
  }
  func.func @transform_3(%arg0: i32) -> (i32, i32) {
    %c0_i32 = arith.constant 0 : i32
    %c0_i32_0 = arith.constant 0 : i32
    %c0_i32_1 = arith.constant 0 : i32
    return %c0_i32, %c0_i32_0 : i32, i32
  }
  func.func @transform_4(%arg0: i32) -> (i32, i32) {
    %c0_i32 = arith.constant 0 : i32
    %c0_i32_0 = arith.constant 0 : i32
    %c0_i32_1 = arith.constant 0 : i32
    return %c0_i32, %c0_i32_0 : i32, i32
  }
  func.func @transform_5(%arg0: i32) -> (i32, i32) {
    %c0_i32 = arith.constant 0 : i32
    %c0_i32_0 = arith.constant 0 : i32
    %c0_i32_1 = arith.constant 0 : i32
    return %c0_i32, %c0_i32_0 : i32, i32
  }
  func.func @transform_6(%arg0: i32) -> (i32, i32) {
    %c0_i32 = arith.constant 0 : i32
    %c0_i32_0 = arith.constant 0 : i32
    %c0_i32_1 = arith.constant 0 : i32
    return %c0_i32, %c0_i32_0 : i32, i32
  }
  func.func @transform_7(%arg0: i32) -> (i32, i32) {
    %c0_i32 = arith.constant 0 : i32
    %c0_i32_0 = arith.constant 0 : i32
    %c0_i32_1 = arith.constant 0 : i32
    return %c0_i32, %c0_i32_0 : i32, i32
  }
  func.func @transform_8(%arg0: i32) -> (i32, i32) {
    %c0_i32 = arith.constant 0 : i32
    %c0_i32_0 = arith.constant 0 : i32
    %c0_i32_1 = arith.constant 0 : i32
    return %c0_i32, %c0_i32_0 : i32, i32
  }
  func.func @transform_9(%arg0: i32) -> (i32, i32) {
    %c0_i32 = arith.constant 0 : i32
    %c0_i32_0 = arith.constant 0 : i32
    %c0_i32_1 = arith.constant 0 : i32
    return %c0_i32, %c0_i32_0 : i32, i32
  }
}

</mosaic_0001>

<sc_bundles>
// kernel: kernel.11.cloned.1.call-start
scs
__scs_entry_jumppad:
0x0: {  	(pc) =	sbr.rel $0x88, $3  }
0x1: {  	(tag) =	ssettag $0x0;
	lr =	simm.s32 $0x1  }
0x2: {  	[smem:$0x3F84] =	sst lr;
	_ =	strace $0xD0000000  }
0x3: {  	_ = 	snop  }
0x4: {  	_ = 	snop  }
0x5: {  	_ = 	snop  }
0x6: {  	_ = 	snop  }
0x7: {  	_ = 	snop  }
__scs_overlays_trampoline_lowered:
0x8: {  	[smem:$0x3F93] =	sst s0  }
0x9: {  	[smem:$0x3F94] =	sst s1  }
0xa: {  	[smem:$0x3F95] =	sst s2  }
0xb: {  	[smem:$0x3F96] =	sst s3  }
0xc: {  	[smem:$0x3F97] =	sst s4  }
0xd: {  	[smem:$0x3F98] =	sst s5  }
0xe: {  	[smem:$0x3F99] =	sst s6  }
0xf: {  	[smem:$0x3F9A] =	sst s7  }
0x10: {  	[smem:$0x3F9B] =	sst s8  }
0x11: {  	[smem:$0x3F9C] =	sst s9;
	s0 =	simm.s32 @!p0 $0x0  }
0x12: {  	s1 =	sld [smem:$0x3F82];
	s0 =	simm.s32 @p0 $0x1  }
0x13: {  	[smem:$0x3F9D] =	sst s0;
	s0 =	simm.s32 @!p1 $0x0  }
0x14: {  	s2 =	sld [smem:$0x3F81];
	s0 =	simm.s32 @p1 $0x1  }
0x15: {  	[smem:$0x3F9E] =	sst s0;
	s0 =	simm.s32 @!p2 $0x0  }
0x16: {  	s3 =	sld [smem:$0x3FDB];
	s0 =	simm.s32 @p2 $0x1  }
0x17: {  	s4 =	simm.s32 $0x1BF5;
	[smem:$0x3FA0] =	sst s0  }
0x18: {  	s0 =	sld [smem:$0x3F83];
	_ =	swait.ge [sflag:s4], $0x0  }
0x19: {  	s7 =	sld [smem:$0x3F84]  }
0x1a: {  	s8 =	sadd.s32 $0xFFFFE003, lr  }
0x1b: {  	s9 =	sadd.s32 $0xFFFFFEF7, lr;
	s5 =	simm.s32 $0xFFFFFFFF;
	p2 =	slt.u32 s8, $0xFFFFF086  }
0x1c: {  	p1 =	slt.u32 s9, $0xF7A;
	s5 =	simm.s32 @!p2 $0x0  }
0x1d: {  	s5 =	simm.s32 @p1 $0x1;
	p0 =	seq.s32 s7, s2  }
0x1e: {  	s7 =	smul.u32 @!p0 $0xF7A, s2;
	p2 =	seq.s32 @!p0 s5, $0x0  }
0x1f: {  	s9 =	smul.u32 $0xF7A, s1;
	s8 =	simm.s32 @!p0 $0x1BF5;
	p2 =	por !p2, p0  }
0x20: {  	[sflag:s8] =	ssyncset.s32 @!p0 $0xFFFFF086;
	s6 =	sadd.s32 @!p0 s3, s7;
	s7 =	simm.s32 @!p0 $0x108  }
0x21: {  	s3 =	sadd.s32 s3, s9;
	s6 =	sadd.s32 @!p0 $0x88, s6;
	s7 =	simm.s32 @p2 $0x1082  }
0x22: {  	[simem:s7], [sflag:s8] =	dma.local @!p0 [hbm:s6], $0xF7A  }
0x23: {  	s9 =	sor.u32 $0xD0000000, s2;
	s6 =	simm.s32 $0x108;
	_ =	swait.ge @!p0 [sflag:s8], $0x0  }
0x24: {  	s3 =	sadd.s32 $0x88, s3;
	s6 =	simm.s32 @!p1 $0x1082;
	[sflag:s4] =	ssyncset.s32 $0xFFFFF086  }
0x25: {  	[simem:s6], [sflag:s4] =	dma.local [hbm:s3], $0xF7A  }
0x26: {  	[smem:$0x3F84] =	sst s1;
	(tag) =	ssettag s2;
	_ =	strace s9  }
0x27: {  	s1 =	sld [smem:$0x3F94]  }
0x28: {  	s2 =	sld [smem:$0x3F95]  }
0x29: {  	s4 =	sld [smem:$0x3F97]  }
0x2a: {  	p0 =	seq.s32 s5, $0x0;
	s5 =	sld [smem:$0x3F98]  }
0x2b: {  	s6 =	sld [smem:$0x3F99]  }
0x2c: {  	s7 =	sld [smem:$0x3F9A]  }
0x2d: {  	s3 =	simm.s32 $0x108;
	s8 =	sld [smem:$0x3F9B]  }
0x2e: {  	s3 =	simm.s32 @!p0 $0x1082;
	s9 =	sld [smem:$0x3F9C]  }
0x2f: {  	lr =	sadd.s32 s0, s3;
	s0 =	sld [smem:$0x3F93]  }
0x30: {  	s3 =	sld [smem:$0x3F96]  }
0x31: {  	[smem:$0x3F9F] =	sst s10  }
0x32: {  	s10 =	sld [smem:$0x3F9D];
	_ =	sdelay $0x3  }
0x33: {  	p0 =	seq.s32 s10, $0x1;
	s10 =	sld [smem:$0x3F9F];
	_ =	sdelay $0x3  }
0x34: {  	[smem:$0x3F9F] =	sst s10  }
0x35: {  	s10 =	sld [smem:$0x3F9E];
	_ =	sdelay $0x3  }
0x36: {  	p1 =	seq.s32 s10, $0x1;
	s10 =	sld [smem:$0x3F9F];
	_ =	sdelay $0x3  }
0x37: {  	[smem:$0x3F9F] =	sst s10  }
0x38: {  	s10 =	sld [smem:$0x3FA0]  }
0x39: {  	_ = 	snop;
	(pc) =	sbr.ind lr, $3  }
0x3a: {  	_ = 	snop  }
0x3b: {  	_ = 	snop  }
0x3c: {  	p2 =	seq.s32 s10, $0x1;
	s10 =	sld [smem:$0x3F9F]  }
0x3d: {  	_ =	shalt  }
0x3e: {  	_ =	shalt  }
0x3f: {  	_ =	shalt  }
0x40: {  	_ =	shalt  }
0x41: {  	_ =	shalt  }
0x42: {  	_ =	shalt  }
0x43: {  	_ =	shalt  }
0x44: {  	_ =	shalt  }
0x45: {  	_ =	shalt  }
0x46: {  	_ =	shalt  }
0x47: {  	_ =	shalt  }
0x48: {  	_ =	shalt  }
0x49: {  	_ =	shalt  }
0x4a: {  	_ =	shalt  }
0x4b: {  	_ =	shalt  }
0x4c: {  	_ =	shalt  }
0x4d: {  	_ =	shalt  }
0x4e: {  	_ =	shalt  }
0x4f: {  	_ =	shalt  }
0x50: {  	_ =	shalt  }
0x51: {  	_ =	shalt  }
0x52: {  	_ =	shalt  }
0x53: {  	_ =	shalt  }
0x54: {  	_ =	shalt  }
0x55: {  	_ =	shalt  }
0x56: {  	_ =	shalt  }
0x57: {  	_ =	shalt  }
0x58: {  	_ =	shalt  }
0x59: {  	_ =	shalt  }
0x5a: {  	_ =	shalt  }
0x5b: {  	_ =	shalt  }
0x5c: {  	_ =	shalt  }
0x5d: {  	_ =	shalt  }
0x5e: {  	_ =	shalt  }
0x5f: {  	_ =	shalt  }
0x60: {  	_ =	shalt  }
0x61: {  	_ =	shalt  }
0x62: {  	_ =	shalt  }
0x63: {  	_ =	shalt  }
0x64: {  	_ =	shalt  }
0x65: {  	_ =	shalt  }
0x66: {  	_ =	shalt  }
0x67: {  	_ =	shalt  }
0x68: {  	_ =	shalt  }
0x69: {  	_ =	shalt  }
0x6a: {  	_ =	shalt  }
0x6b: {  	_ =	shalt  }
0x6c: {  	_ =	shalt  }
0x6d: {  	_ =	shalt  }
0x6e: {  	_ =	shalt  }
0x6f: {  	_ =	shalt  }
0x70: {  	_ =	shalt  }
0x71: {  	_ =	shalt  }
0x72: {  	_ =	shalt  }
0x73: {  	_ =	shalt  }
0x74: {  	_ =	shalt  }
0x75: {  	_ =	shalt  }
0x76: {  	_ =	shalt  }
0x77: {  	_ =	shalt  }
0x78: {  	_ =	shalt  }
0x79: {  	_ =	shalt  }
0x7a: {  	_ =	shalt  }
0x7b: {  	_ =	shalt  }
0x7c: {  	_ =	shalt  }
0x7d: {  	_ =	shalt  }
0x7e: {  	_ =	shalt  }
0x7f: {  	_ =	shalt  }
0x80: {  	_ =	shalt  }
0x81: {  	_ =	shalt  }
0x82: {  	_ =	shalt  }
0x83: {  	_ =	shalt  }
0x84: {  	_ =	shalt  }
0x85: {  	_ =	shalt  }
0x86: {  	_ =	shalt  }
0x87: {  	_ =	shalt  }
.Lfunc_end0:
.L_simem_size_0:
called_computation.1_lowered:
.L_overlay_start_0:
0x88: {  	s2 =	sld [smem:$0x3FD9]  }
0x89: {  	s3 =	sld [smem:$0x3FFE];
	_ =	sdelay $0x1  }
0x8a: {  	s1 =	srdreg.scid  }
0x8b: {  	s0 =	sand.u32 $0x1, s1  }
0x8c: {  	s16 =	sshll.u32 s0, $0xA;
	s2 =	sadd.s32 s3, s2  }
0x8d: {  	s2 =	sadd.s32 s2, s16  }
0x8e: {  	[smem:$0x3FAB] =	sst s2  }
0x8f: {  	_ = 	snop  }
0x90: {  	(tm) =	ssettm $0x1  }
0x91: {  	s17 =	sld [smem:$0x3FFB];
	_ =	sdelay $0x3  }
0x92: {  	_ =	strace s17  }
0x93: {  	s2 =	sld [smem:$0x3FFC];
	_ =	sdelay $0x3  }
0x94: {  	_ =	strace s2  }
0x95: {  	s2 =	sld [smem:$0x3FFD];
	_ =	sdelay $0x3  }
0x96: {  	_ =	strace s2  }
0x97: {  	_ =	strace $0x8FFFFFFF  }
0x98: {  	s18 =	sld [smem:$0x3FDB];
	_ =	sdelay $0x1  }
0x99: {  	s19 =	simm.s32 $_scs_section_size  }
0x9a: {  	s4 =	simm.s32 $_size__tile_overlayer_lowered;
	s5 =	simm.s32 $_tile_overlayer_lowered  }
0x9b: {  	s22 =	simm.s32 $0x1BFF;
	s21 =	sshll.u32 s5, $0x1;
	s2 =	sadd.s32 s19, s18  }
0x9c: {  	s6 =	simm.s32 $0x0;
	s20 =	sshll.u32 s4, $0x1;
	s4 =	sadd.s32 s21, s2  }
0x9d: {  	[timem:s6], [sflag:s22] =	dma.local [hbm:s4], s20  }
0x9e: {  	_ =	swait.ge [sflag:s22], s20  }
0x9f: {  	s3 =	ssub.s32 $0x0, s20;
	[sflag:s22] =	ssyncset.done $0x0  }
0xa0: {  	[sflag:s22] =	ssyncadd.s32 s3;
	_ =	sdelay $0x1  }
0xa1: {  	s23 =	simm.s32 $0x1B8B  }
0xa2: {  	_ =	swait.ge [sflag:s23], $0x1  }
0xa3: {  	[sflag:s23] =	ssyncset.done $0x0  }
0xa4: {  	s25 =	simm.s32 $0x1B8E;
	s24 =	sld [smem:$0x3FFE];
	[sflag:s23] =	ssyncadd.s32 $0xFFFFFFFF  }
0xa5: {  	s26 =	simm.s32 $execute0_lowered;
	[smem:$0x3FD2] =	sst s25  }
0xa6: {  	s4 =	sshll.u32 s26, $0x1;
	_ =	strace $0x80000049;
	[dreg:$0x1] =	wrdreg $0xFFFFFFFF  }
0xa7: {  	s28 =	simm.s32 $_size_execute0_lowered;
	s2 =	sadd.s32 s2, s4;
	[dreg:$0x0] =	wrdreg $0x0  }
0xa8: {  	s4 =	sshll.u32 s28, $0x1;
	[dreg:$0x2] =	wrdreg s2  }
0xa9: {  	[dreg:$0x3] =	wrdreg s4  }
0xaa: {  	[dreg:$0x4] =	wrdreg $0xC0  }
0xab: {  	_ =	task [dreg:s6], $0x5FFFF  }
0xac: {  	[dreg:$0x1] =	wrdreg $0xFFFFFFFF  }
0xad: {  	[dreg:$0x0] =	wrdreg $0x60  }
0xae: {  	[dreg:$0x2] =	wrdreg s24  }
0xaf: {  	[dreg:$0x3] =	wrdreg $0xAC000  }
0xb0: {  	[dreg:$0x4] =	wrdreg $0x9  }
0xb1: {  	_ =	task.clear_ibuf [dreg:s6], $0x5FFFF;
	_ =	strace $0x90000049  }
0xb2: {  	s29 =	simm.s32 $0x9;
	_ =	strace $0x8000004B  }
0xb3: {  	_ =	swait.ge [sflag:s29], $0x1  }
0xb4: {  	[sflag:s29] =	ssyncadd.s32 $0xFFFFFFFF  }
0xb5: {  	_ =	strace $0x9000004B  }
0xb6: {  	_ =	sfence  }
0xb7: {  	s30 =	sld [smem:$0x0];
	_ =	sdelay $0x2  }
0xb8: {  	s31 =	sshll.u32 s1, $0xD;
	s1 =	sshrl.u32 s1, $0x2  }
0xb9: {  	s3 =	sand.u32 $0x4000, s31;
	s1 =	sadd.s32 s1, s30  }
0xba: {  	s0 =	sor.u32 s3, s0;
	s1 =	sshll.u32 s1, $0x11  }
0xbb: {  	s0 =	sor.u32 s1, s0  }
0xbc: {  	s0 =	sadd.s32 $0x8F2B, s0  }
0xbd: {  	[sflag:s0] =	ssyncadd.remote.s32 $0x1  }
0xbe: {  	_ =	sfence.sel $0xFFFF  }
0xbf: {  	[dreg:$0x0] =	wrdreg $0xFFFFFFFF;
	(pc) =	sbr.abs _section_cstart, $3  }
0xc0: {  	[dreg:$0x1] =	wrdreg $0xFFFFFFFF  }
0xc1: {  	_ =	task.clear_ibuf [dreg:s6], $0x2FFFF;
	_ =	strace $0x9FFFFFFF  }
0xc2: {  	(tm) =	ssettm $0x7FFFFFFF  }
0xc3: {  	_ =	shalt  }
tec
execute0_lowered:
.L_overlay_start_1:
0x0: {  	(tag) =	ssettag $0x1  }
0x1: {  	s0 =	srdreg.scid;
	s6 =	rddreg [dreg:$0x0]  }
0x2: {  	s2 =	rddreg [dreg:$0x1];
	s3 =	simm.s32 $0x0;
	s12 =	simm.s32 $0x2C00  }
0x3: {  	s13 =	simm.s32 $0x2880;
	s14 =	simm.s32 $0x6C00;
	s17 =	simm.s32 $0x1  }
0x4: {  	s18 =	simm.s32 $0x2A00;
	s19 =	simm.s32 $0x2900;
	s20 =	simm.s32 $0x2  }
0x5: {  	s21 =	simm.s32 $0x2A80;
	s22 =	simm.s32 $0x2980;
	s5 =	sand.u32 $0x1, s0  }
0x6: {  	s23 =	simm.s32 $0x2B00;
	s0 =	stileid.u32;
	s8 =	smul.u32 $0x140000, s5  }
0x7: {  	s24 =	simm.s32 $0x2B80;
	s25 =	simm.s32 $0x0;
	s9 =	smul.u32 $0x14000, s0  }
0x8: {  	[smem:$0x7FF] =	sst s3;
	s4 =	sadd.s32 $0x37C00, s6;
	s10 =	smul.u32 $0x2800, s0  }
0x9: {  	s1 =	sshll.u32 s5, $0x4;
	s30 =	smul.u32 $0x50000, s0;
	s5 =	ssub.s32 $0x2, s5  }
0xa: {  	s15 =	sshll.u32 s0, $0x6;
	s1 =	sor.u32 s0, s1;
	s31 =	sshrl.u32 s5, $0x1  }
0xb: {  	s15 =	sor.u32 $0x1C03, s15;
	s7 =	smul.u32 $0x500, s1;
	s1 =	rddreg [dreg:$0x2]  }
0xc: {  	_ =	strace $0x8000004A;
	s8 =	sadd.s32 s9, s8;
	s10 =	sadd.s32 s10, s6  }
.Ltmp0:
0xd: {  	s9 =	sshrl.u32 s30, $0x2;
	s11 =	ssub.s32 s5, s31;
	(pc) =	sbr.rel .LBB2_1-.Ltmp0, $4  }
0xe: {  	s8 =	sshrl.u32 s8, $0x3;
	s16 =	sadd.s32 s9, s2;
	s9 =	simm.s32 $0x3  }
0xf: {  	s7 =	sadd.s32 s7, s6;
	s8 =	sadd.s32 s8, s6;
	s6 =	sadd.s32 $0xFC00, s10  }
0x10: {  	s10 =	simm.s32 $0x80;
	s16 =	sshrl.u32 s16, $0x3;
	s5 =	sadd.s32 $0x5C00, s7  }
0x11: {  	s7 =	sadd.s32 $0x5EE00, s8;
	s8 =	smax.u32 s11, $0x1;
	s11 =	simm.s32 $0x2800  }
.LBB2_4:
0x12: {  	_ =	swait.ge [sflag:s20], $0x4000  }
0x13: {  	[sflag:s20] =	ssyncset.done $0x0  }
0x14: {  	[sflag:s20] =	ssyncadd.s32 $0xFFFFC000  }
0x15: {  	[spmem:s2] =	stream.indirect.scatter.add.f32 [tilespmem:s14], [sflag:$0x3], $0x80, s24, s10, $0xb8;
	[tilespmem:$0x1EC00] =	vst v63  }
0x16: {  	_ =	swait.ge [sflag:s9], $0x4000  }
0x17: {  	s25 =	sadd.s32 $0x1, s25;
	[sflag:s9] =	ssyncset.done $0x0  }
0x18: {  	p0 =	sne.s32 s25, s8;
	[sflag:s9] =	ssyncadd.s32 $0xFFFFC000  }
.Ltmp1:
0x19: {  	[bflag:$0x0] =	sbarrier.arrive $0xFFFF;
	(pc) =	sbr.rel @!p0 .LBB2_5-.Ltmp1, $4  }
0x1a: {  	[hbm:s7], [sflag:s15] =	dma.local [spmem:s16], $0x2800  }
0x1b: {  	_ =	swait.ge [sflag:s9], $0x2800  }
0x1c: {  	[sflag:s9] =	ssyncset.done $0x0  }
0x1d: {  	[sflag:s9] =	ssyncadd.s32 $0xFFFFD800  }
.LBB2_1:
0x1e: {  	[tilespmem:s3], [sflag:$0x3] =	stream.linear.gather [hbm4b:s5+s3], $0x2800, $0x38;
	[tilespmem:$0x1EC00] =	vst v63  }
0x1f: {  	_ =	swait.ge [sflag:s9], $0x2800  }
0x20: {  	[sflag:s9] =	ssyncset.done $0x0  }
0x21: {  	[sflag:s9] =	ssyncadd.s32 $0xFFFFD800  }
0x22: {  	v0 =	vld [tilespmem:$0x0];
	_ =	sdelay $0x1  }
0x23: {  	v1 =	vld [tilespmem:$0x10];
	_ =	sdelay $0x1  }
0x24: {  	v2 =	vld [tilespmem:$0x20]  }
0x25: {  	v3 =	vshrl.u32 v0, $0xE  }
0x26: {  	v22 =	vld [tilespmem:$0x30];
	v0 =	vand.u32 $0x3FFF, v0;
	[tilespmem:$0x2800] =	vst v3  }
0x27: {  	v23 =	vshrl.u32 v1, $0xE;
	[tilespmem:$0x2A00] =	vst v0  }
0x28: {  	v25 =	vld [tilespmem:$0x40];
	v24 =	vand.u32 $0x3FFF, v1;
	[tilespmem:$0x2810] =	vst v23  }
0x29: {  	v26 =	vshrl.u32 v2, $0xE;
	[tilespmem:$0x2A10] =	vst v24  }
0x2a: {  	v28 =	vld [tilespmem:$0x50];
	v27 =	vand.u32 $0x3FFF, v2;
	[tilespmem:$0x2820] =	vst v26  }
0x2b: {  	v29 =	vshrl.u32 v22, $0xE;
	[tilespmem:$0x2A20] =	vst v27  }
0x2c: {  	v31 =	vld [tilespmem:$0x60];
	v30 =	vand.u32 $0x3FFF, v22;
	[tilespmem:$0x2830] =	vst v29  }
0x2d: {  	v32 =	vshrl.u32 v25, $0xE;
	[tilespmem:$0x2A30] =	vst v30  }
0x2e: {  	v34 =	vld [tilespmem:$0x70];
	v33 =	vand.u32 $0x3FFF, v25;
	[tilespmem:$0x2840] =	vst v32  }
0x2f: {  	v35 =	vshrl.u32 v28, $0xE;
	[tilespmem:$0x2A40] =	vst v33  }
0x30: {  	v36 =	vand.u32 $0x3FFF, v28;
	[tilespmem:$0x2850] =	vst v35  }
0x31: {  	v37 =	vshrl.u32 v31, $0xE;
	[tilespmem:$0x2A50] =	vst v36  }
0x32: {  	v38 =	vand.u32 $0x3FFF, v31;
	[tilespmem:$0x2860] =	vst v37  }
0x33: {  	v39 =	vshrl.u32 v34, $0xE;
	[tilespmem:$0x2A60] =	vst v38  }
0x34: {  	v40 =	vand.u32 $0x3FFF, v34;
	[tilespmem:$0x2870] =	vst v39  }
0x35: {  	[tilespmem:$0x2A70] =	vst v40  }
0x36: {  	[tilespmem:s12], [sflag:$0x1] =	stream.indirect.gather [hbm4b:s4+s10], $0x80, s11, s10, $0xb8;
	[tilespmem:$0x1EC00] =	vst v63  }
0x37: {  	v41 =	vld [tilespmem:$0x80];
	_ =	sdelay $0x1  }
0x38: {  	v42 =	vld [tilespmem:$0x90];
	_ =	sdelay $0x1  }
0x39: {  	v43 =	vld [tilespmem:$0xA0]  }
0x3a: {  	v44 =	vshrl.u32 v41, $0xE  }
0x3b: {  	v45 =	vld [tilespmem:$0xB0];
	v0 =	vand.u32 $0x3FFF, v41;
	[tilespmem:$0x2880] =	vst v44  }
0x3c: {  	v46 =	vshrl.u32 v42, $0xE;
	[tilespmem:$0x2A80] =	vst v0  }
0x3d: {  	v48 =	vld [tilespmem:$0xC0];
	v47 =	vand.u32 $0x3FFF, v42;
	[tilespmem:$0x2890] =	vst v46  }
0x3e: {  	v49 =	vshrl.u32 v43, $0xE;
	[tilespmem:$0x2A90] =	vst v47  }
0x3f: {  	v51 =	vld [tilespmem:$0xD0];
	v50 =	vand.u32 $0x3FFF, v43;
	[tilespmem:$0x28A0] =	vst v49  }
0x40: {  	v52 =	vshrl.u32 v45, $0xE;
	[tilespmem:$0x2AA0] =	vst v50  }
0x41: {  	v54 =	vld [tilespmem:$0xE0];
	v53 =	vand.u32 $0x3FFF, v45;
	[tilespmem:$0x28B0] =	vst v52  }
0x42: {  	v55 =	vshrl.u32 v48, $0xE;
	[tilespmem:$0x2AB0] =	vst v53  }
0x43: {  	v57 =	vld [tilespmem:$0xF0];
	v56 =	vand.u32 $0x3FFF, v48;
	[tilespmem:$0x28C0] =	vst v55  }
0x44: {  	v58 =	vshrl.u32 v51, $0xE;
	[tilespmem:$0x2AC0] =	vst v56  }
0x45: {  	v59 =	vand.u32 $0x3FFF, v51;
	[tilespmem:$0x28D0] =	vst v58  }
0x46: {  	v60 =	vshrl.u32 v54, $0xE;
	[tilespmem:$0x2AD0] =	vst v59  }
0x47: {  	v61 =	vand.u32 $0x3FFF, v54;
	[tilespmem:$0x28E0] =	vst v60  }
0x48: {  	v62 =	vshrl.u32 v57, $0xE;
	[tilespmem:$0x2AE0] =	vst v61  }
0x49: {  	v63 =	vand.u32 $0x3FFF, v57;
	[tilespmem:$0x28F0] =	vst v62  }
0x4a: {  	[tilespmem:$0x2AF0] =	vst v63  }
0x4b: {  	[tilespmem:s14], [sflag:$0x2] =	stream.indirect.gather [hbm4b:s4+s10], $0x80, s13, s10, $0xb8;
	[tilespmem:$0x1EC00] =	vst v63  }
0x4c: {  	[spmem:s16], [sflag:s15] =	dma.local [hbm:s6], $0x2800  }
0x4d: {  	_ =	swait.ge [sflag:s9], $0x2800  }
0x4e: {  	[sflag:s9] =	ssyncset.done $0x0  }
0x4f: {  	[sflag:s9] =	ssyncadd.s32 $0xFFFFD800  }
0x50: {  	s26 =	simm.s32 $0x0;
	[bflag:$0x0] =	sbarrier.arrive $0xFFFF  }
.LBB2_2:
0x51: {  	_ =	swait.ge [sflag:s17], $0x4000  }
0x52: {  	[sflag:s17] =	ssyncset.done $0x0  }
0x53: {  	[sflag:s17] =	ssyncadd.s32 $0xFFFFC000  }
0x54: {  	[spmem:s2] =	stream.indirect.scatter.add.f32 [tilespmem:s12], [sflag:$0x3], $0x80, s18, s10, $0xb8;
	[tilespmem:$0x1EC00] =	vst v63  }
0x55: {  	_ =	swait.ge [sflag:s9], $0x4000  }
0x56: {  	[sflag:s9] =	ssyncset.done $0x0  }
0x57: {  	s28 =	sshra.s32 s26, $0x2;
	[sflag:s9] =	ssyncadd.s32 $0xFFFFC000  }
0x58: {  	v0 =	vld [tilespmem:s28+$0x100];
	_ =	sdelay $0x4  }
0x59: {  	v1 =	vshrl.u32 v0, $0xE  }
0x5a: {  	v0 =	vand.u32 $0x3FFF, v0;
	[tilespmem:$0x2900] =	vst v1  }
0x5b: {  	[tilespmem:$0x2B00] =	vst v0  }
0x5c: {  	v0 =	vld [tilespmem:s28+$0x110];
	_ =	sdelay $0x4  }
0x5d: {  	v48 =	vshrl.u32 v0, $0xE  }
0x5e: {  	v0 =	vand.u32 $0x3FFF, v0;
	[tilespmem:$0x2910] =	vst v48  }
0x5f: {  	[tilespmem:$0x2B10] =	vst v0  }
0x60: {  	v0 =	vld [tilespmem:s28+$0x120];
	_ =	sdelay $0x4  }
0x61: {  	v49 =	vshrl.u32 v0, $0xE  }
0x62: {  	v0 =	vand.u32 $0x3FFF, v0;
	[tilespmem:$0x2920] =	vst v49  }
0x63: {  	[tilespmem:$0x2B20] =	vst v0  }
0x64: {  	v0 =	vld [tilespmem:s28+$0x130];
	_ =	sdelay $0x4  }
0x65: {  	v50 =	vshrl.u32 v0, $0xE  }
0x66: {  	v0 =	vand.u32 $0x3FFF, v0;
	[tilespmem:$0x2930] =	vst v50  }
0x67: {  	[tilespmem:$0x2B30] =	vst v0  }
0x68: {  	v0 =	vld [tilespmem:s28+$0x140];
	_ =	sdelay $0x4  }
0x69: {  	v51 =	vshrl.u32 v0, $0xE  }
0x6a: {  	v0 =	vand.u32 $0x3FFF, v0;
	[tilespmem:$0x2940] =	vst v51  }
0x6b: {  	[tilespmem:$0x2B40] =	vst v0  }
0x6c: {  	v0 =	vld [tilespmem:s28+$0x150];
	_ =	sdelay $0x4  }
0x6d: {  	v52 =	vshrl.u32 v0, $0xE  }
0x6e: {  	v0 =	vand.u32 $0x3FFF, v0;
	[tilespmem:$0x2950] =	vst v52  }
0x6f: {  	[tilespmem:$0x2B50] =	vst v0  }
0x70: {  	v0 =	vld [tilespmem:s28+$0x160];
	_ =	sdelay $0x4  }
0x71: {  	v53 =	vshrl.u32 v0, $0xE  }
0x72: {  	v0 =	vand.u32 $0x3FFF, v0;
	[tilespmem:$0x2960] =	vst v53  }
0x73: {  	[tilespmem:$0x2B60] =	vst v0  }
0x74: {  	v0 =	vld [tilespmem:s28+$0x170];
	_ =	sdelay $0x4  }
0x75: {  	v54 =	vshrl.u32 v0, $0xE  }
0x76: {  	v0 =	vand.u32 $0x3FFF, v0;
	[tilespmem:$0x2970] =	vst v54  }
0x77: {  	[tilespmem:$0x2B70] =	vst v0  }
0x78: {  	[tilespmem:s12], [sflag:$0x1] =	stream.indirect.gather [hbm4b:s4+s10], $0x80, s19, s10, $0xb8;
	[tilespmem:$0x1EC00] =	vst v63  }
0x79: {  	_ =	swait.ge [sflag:s20], $0x4000  }
0x7a: {  	[sflag:s20] =	ssyncset.done $0x0  }
0x7b: {  	[sflag:s20] =	ssyncadd.s32 $0xFFFFC000  }
0x7c: {  	[spmem:s2] =	stream.indirect.scatter.add.f32 [tilespmem:s14], [sflag:$0x3], $0x80, s21, s10, $0xb8;
	[tilespmem:$0x1EC00] =	vst v63  }
0x7d: {  	_ =	swait.ge [sflag:s9], $0x4000  }
0x7e: {  	[sflag:s9] =	ssyncset.done $0x0  }
0x7f: {  	[sflag:s9] =	ssyncadd.s32 $0xFFFFC000  }
0x80: {  	v55 =	vld [tilespmem:s28+$0x180];
	_ =	sdelay $0x4  }
0x81: {  	v56 =	vshrl.u32 v55, $0xE  }
0x82: {  	v0 =	vand.u32 $0x3FFF, v55;
	[tilespmem:$0x2980] =	vst v56  }
0x83: {  	[tilespmem:$0x2B80] =	vst v0  }
0x84: {  	v0 =	vld [tilespmem:s28+$0x190];
	_ =	sdelay $0x4  }
0x85: {  	v57 =	vshrl.u32 v0, $0xE  }
0x86: {  	v0 =	vand.u32 $0x3FFF, v0;
	[tilespmem:$0x2990] =	vst v57  }
0x87: {  	[tilespmem:$0x2B90] =	vst v0  }
0x88: {  	v0 =	vld [tilespmem:s28+$0x1A0];
	_ =	sdelay $0x4  }
0x89: {  	v58 =	vshrl.u32 v0, $0xE  }
0x8a: {  	v0 =	vand.u32 $0x3FFF, v0;
	[tilespmem:$0x29A0] =	vst v58  }
0x8b: {  	[tilespmem:$0x2BA0] =	vst v0  }
0x8c: {  	v0 =	vld [tilespmem:s28+$0x1B0];
	_ =	sdelay $0x4  }
0x8d: {  	v59 =	vshrl.u32 v0, $0xE  }
0x8e: {  	v0 =	vand.u32 $0x3FFF, v0;
	[tilespmem:$0x29B0] =	vst v59  }
0x8f: {  	[tilespmem:$0x2BB0] =	vst v0  }
0x90: {  	v0 =	vld [tilespmem:s28+$0x1C0];
	_ =	sdelay $0x4  }
0x91: {  	v60 =	vshrl.u32 v0, $0xE  }
0x92: {  	v0 =	vand.u32 $0x3FFF, v0;
	[tilespmem:$0x29C0] =	vst v60  }
0x93: {  	[tilespmem:$0x2BC0] =	vst v0  }
0x94: {  	v0 =	vld [tilespmem:s28+$0x1D0];
	_ =	sdelay $0x4  }
0x95: {  	v61 =	vshrl.u32 v0, $0xE  }
0x96: {  	v0 =	vand.u32 $0x3FFF, v0;
	[tilespmem:$0x29D0] =	vst v61  }
0x97: {  	[tilespmem:$0x2BD0] =	vst v0  }
0x98: {  	v0 =	vld [tilespmem:s28+$0x1E0];
	_ =	sdelay $0x4  }
0x99: {  	v62 =	vshrl.u32 v0, $0xE  }
0x9a: {  	v0 =	vand.u32 $0x3FFF, v0;
	[tilespmem:$0x29E0] =	vst v62  }
0x9b: {  	[tilespmem:$0x2BE0] =	vst v0  }
0x9c: {  	v0 =	vld [tilespmem:s28+$0x1F0];
	_ =	sdelay $0x4  }
0x9d: {  	v63 =	vshrl.u32 v0, $0xE  }
0x9e: {  	v0 =	vand.u32 $0x3FFF, v0;
	[tilespmem:$0x29F0] =	vst v63  }
0x9f: {  	[tilespmem:$0x2BF0] =	vst v0  }
0xa0: {  	[tilespmem:s14], [sflag:$0x2] =	stream.indirect.gather [hbm4b:s4+s10], $0x80, s22, s10, $0xb8;
	[tilespmem:$0x1EC00] =	vst v63  }
0xa1: {  	_ =	swait.ge [sflag:s17], $0x4000  }
0xa2: {  	p0 =	seq.s32 s26, $0x9800;
	[sflag:s17] =	ssyncset.done $0x0  }
.Ltmp2:
0xa3: {  	[sflag:s17] =	ssyncadd.s32 $0xFFFFC000;
	(pc) =	sbr.rel @p0 .LBB2_4-.Ltmp2, $4  }
0xa4: {  	[spmem:s2] =	stream.indirect.scatter.add.f32 [tilespmem:s12], [sflag:$0x3], $0x80, s23, s10, $0xb8;
	[tilespmem:$0x1EC00] =	vst v63  }
0xa5: {  	_ =	swait.ge [sflag:s9], $0x4000  }
0xa6: {  	[sflag:s9] =	ssyncset.done $0x0  }
0xa7: {  	[sflag:s9] =	ssyncadd.s32 $0xFFFFC000  }
0xa8: {  	v0 =	vld [tilespmem:s28+$0x200];
	_ =	sdelay $0x4  }
0xa9: {  	v1 =	vshrl.u32 v0, $0xE  }
0xaa: {  	v0 =	vand.u32 $0x3FFF, v0;
	[tilespmem:$0x2800] =	vst v1  }
0xab: {  	[tilespmem:$0x2A00] =	vst v0  }
0xac: {  	v0 =	vld [tilespmem:s28+$0x210];
	_ =	sdelay $0x4  }
0xad: {  	v48 =	vshrl.u32 v0, $0xE  }
0xae: {  	v0 =	vand.u32 $0x3FFF, v0;
	[tilespmem:$0x2810] =	vst v48  }
0xaf: {  	[tilespmem:$0x2A10] =	vst v0  }
0xb0: {  	v0 =	vld [tilespmem:s28+$0x220];
	_ =	sdelay $0x4  }
0xb1: {  	v49 =	vshrl.u32 v0, $0xE  }
0xb2: {  	v0 =	vand.u32 $0x3FFF, v0;
	[tilespmem:$0x2820] =	vst v49  }
0xb3: {  	[tilespmem:$0x2A20] =	vst v0  }
0xb4: {  	v0 =	vld [tilespmem:s28+$0x230];
	_ =	sdelay $0x4  }
0xb5: {  	v50 =	vshrl.u32 v0, $0xE  }
0xb6: {  	v0 =	vand.u32 $0x3FFF, v0;
	[tilespmem:$0x2830] =	vst v50  }
0xb7: {  	[tilespmem:$0x2A30] =	vst v0  }
0xb8: {  	v0 =	vld [tilespmem:s28+$0x240];
	_ =	sdelay $0x4  }
0xb9: {  	v51 =	vshrl.u32 v0, $0xE  }
0xba: {  	v0 =	vand.u32 $0x3FFF, v0;
	[tilespmem:$0x2840] =	vst v51  }
0xbb: {  	[tilespmem:$0x2A40] =	vst v0  }
0xbc: {  	v0 =	vld [tilespmem:s28+$0x250];
	_ =	sdelay $0x4  }
0xbd: {  	v52 =	vshrl.u32 v0, $0xE  }
0xbe: {  	v0 =	vand.u32 $0x3FFF, v0;
	[tilespmem:$0x2850] =	vst v52  }
0xbf: {  	[tilespmem:$0x2A50] =	vst v0  }
0xc0: {  	v0 =	vld [tilespmem:s28+$0x260];
	_ =	sdelay $0x4  }
0xc1: {  	v53 =	vshrl.u32 v0, $0xE  }
0xc2: {  	v0 =	vand.u32 $0x3FFF, v0;
	[tilespmem:$0x2860] =	vst v53  }
0xc3: {  	[tilespmem:$0x2A60] =	vst v0  }
0xc4: {  	v0 =	vld [tilespmem:s28+$0x270];
	_ =	sdelay $0x4  }
0xc5: {  	v54 =	vshrl.u32 v0, $0xE  }
0xc6: {  	v0 =	vand.u32 $0x3FFF, v0;
	[tilespmem:$0x2870] =	vst v54  }
0xc7: {  	[tilespmem:$0x2A70] =	vst v0  }
0xc8: {  	[tilespmem:s12], [sflag:$0x1] =	stream.indirect.gather [hbm4b:s4+s10], $0x80, s11, s10, $0xb8;
	[tilespmem:$0x1EC00] =	vst v63  }
0xc9: {  	_ =	swait.ge [sflag:s20], $0x4000  }
0xca: {  	[sflag:s20] =	ssyncset.done $0x0  }
0xcb: {  	[sflag:s20] =	ssyncadd.s32 $0xFFFFC000  }
0xcc: {  	[spmem:s2] =	stream.indirect.scatter.add.f32 [tilespmem:s14], [sflag:$0x3], $0x80, s24, s10, $0xb8;
	[tilespmem:$0x1EC00] =	vst v63  }
0xcd: {  	_ =	swait.ge [sflag:s9], $0x4000  }
0xce: {  	[sflag:s9] =	ssyncset.done $0x0  }
0xcf: {  	[sflag:s9] =	ssyncadd.s32 $0xFFFFC000  }
0xd0: {  	v55 =	vld [tilespmem:s28+$0x280];
	_ =	sdelay $0x4  }
0xd1: {  	v56 =	vshrl.u32 v55, $0xE  }
0xd2: {  	v0 =	vand.u32 $0x3FFF, v55;
	[tilespmem:$0x2880] =	vst v56  }
0xd3: {  	[tilespmem:$0x2A80] =	vst v0  }
0xd4: {  	v0 =	vld [tilespmem:s28+$0x290];
	_ =	sdelay $0x4  }
0xd5: {  	v57 =	vshrl.u32 v0, $0xE  }
0xd6: {  	v0 =	vand.u32 $0x3FFF, v0;
	[tilespmem:$0x2890] =	vst v57  }
0xd7: {  	[tilespmem:$0x2A90] =	vst v0  }
0xd8: {  	v0 =	vld [tilespmem:s28+$0x2A0];
	_ =	sdelay $0x4  }
0xd9: {  	v58 =	vshrl.u32 v0, $0xE  }
0xda: {  	v0 =	vand.u32 $0x3FFF, v0;
	[tilespmem:$0x28A0] =	vst v58  }
0xdb: {  	[tilespmem:$0x2AA0] =	vst v0  }
0xdc: {  	v0 =	vld [tilespmem:s28+$0x2B0];
	_ =	sdelay $0x4  }
0xdd: {  	v59 =	vshrl.u32 v0, $0xE  }
0xde: {  	v0 =	vand.u32 $0x3FFF, v0;
	[tilespmem:$0x28B0] =	vst v59  }
0xdf: {  	[tilespmem:$0x2AB0] =	vst v0  }
0xe0: {  	v0 =	vld [tilespmem:s28+$0x2C0];
	_ =	sdelay $0x4  }
0xe1: {  	v60 =	vshrl.u32 v0, $0xE  }
0xe2: {  	v0 =	vand.u32 $0x3FFF, v0;
	[tilespmem:$0x28C0] =	vst v60  }
0xe3: {  	[tilespmem:$0x2AC0] =	vst v0  }
0xe4: {  	v0 =	vld [tilespmem:s28+$0x2D0];
	_ =	sdelay $0x4  }
0xe5: {  	v61 =	vshrl.u32 v0, $0xE  }
0xe6: {  	v0 =	vand.u32 $0x3FFF, v0;
	[tilespmem:$0x28D0] =	vst v61  }
0xe7: {  	[tilespmem:$0x2AD0] =	vst v0  }
0xe8: {  	v0 =	vld [tilespmem:s28+$0x2E0];
	_ =	sdelay $0x4  }
0xe9: {  	v62 =	vshrl.u32 v0, $0xE  }
0xea: {  	v0 =	vand.u32 $0x3FFF, v0;
	[tilespmem:$0x28E0] =	vst v62  }
0xeb: {  	[tilespmem:$0x2AE0] =	vst v0  }
0xec: {  	v0 =	vld [tilespmem:s28+$0x2F0];
	_ =	sdelay $0x3  }
.Ltmp3:
0xed: {  	_ = 	snop;
	(pc) =	sbr.rel .LBB2_2-.Ltmp3, $4  }
0xee: {  	v63 =	vshrl.u32 v0, $0xE  }
0xef: {  	v0 =	vand.u32 $0x3FFF, v0;
	[tilespmem:$0x28F0] =	vst v63  }
0xf0: {  	s26 =	sadd.s32 $0x800, s26;
	[tilespmem:$0x2AF0] =	vst v0  }
0xf1: {  	[tilespmem:s14], [sflag:$0x2] =	stream.indirect.gather [hbm4b:s4+s10], $0x80, s13, s10, $0xb8;
	[tilespmem:$0x1EC00] =	vst v63  }
.LBB2_5:
0xf2: {  	_ =	sfence.sel $0x180000  }
0xf3: {  	[bflag:$0x0] =	sbarrier.arrive $0xFFFF  }
0xf4: {  	p0 =	sne.s32 s0, $0x0;
	_ =	strace $0x9000004A  }
0xf5: {  	s0 =	sadd.s32 @!p0 $0x100000, s1;
	[bflag:$0x2] =	sbarrier.arrive $0xFFFF  }
0xf6: {  	[sflag:s0] =	ssyncadd.tile.s32 @!p0 $0x1;
	_ =	shalt  }
.Lfunc_end2:
_tile_overlayer_lowered:
.L_overlay_start_2:
0xf7: {  	(tag) =	ssettag $0x2  }
0xf8: {  	s0 =	rddreg [dreg:$0x0];
	s2 =	stileid.u32  }
0xf9: {  	s1 =	rddreg [dreg:$0x1];
	p0 =	sne.s32 s2, $0x0  }
0xfa: {  	s3 =	rddreg [dreg:$0x2];
	[bflag:$0x3] =	sbarrier.arrive $0xFFFF;
	s2 =	simm.s32 @!p0 $0x1C03  }
0xfb: {  	[timem:s3], [sflag:s2] =	dma.local @!p0 [hbm:s0], s1  }
0xfc: {  	s0 =	simm.s32 @!p0 $0x3  }
0xfd: {  	_ =	swait.ge @!p0 [sflag:s0], s1  }
0xfe: {  	s1 =	ssub.s32 @!p0 $0x0, s1;
	[sflag:s0] =	ssyncset.done @!p0 $0x0  }
0xff: {  	[sflag:s0] =	ssyncadd.s32 @!p0 s1  }
0x100: {  	[bflag:$0x3] =	sbarrier.arrive $0xFFFF  }
0x101: {  	_ =	shalt  }

// kernel: kernel.14.cloned.1.call-start
scs
__scs_entry_jumppad:
0x0: {  	(pc) =	sbr.rel $0x88, $3  }
0x1: {  	(tag) =	ssettag $0x0;
	lr =	simm.s32 $0x1  }
0x2: {  	[smem:$0x3F84] =	sst lr;
	_ =	strace $0xD0000000  }
0x3: {  	_ = 	snop  }
0x4: {  	_ = 	snop  }
0x5: {  	_ = 	snop  }
0x6: {  	_ = 	snop  }
0x7: {  	_ = 	snop  }
__scs_overlays_trampoline_lowered:
0x8: {  	[smem:$0x3F93] =	sst s0  }
0x9: {  	[smem:$0x3F94] =	sst s1  }
0xa: {  	[smem:$0x3F95] =	sst s2  }
0xb: {  	[smem:$0x3F96] =	sst s3  }
0xc: {  	[smem:$0x3F97] =	sst s4  }
0xd: {  	[smem:$0x3F98] =	sst s5  }
0xe: {  	[smem:$0x3F99] =	sst s6  }
0xf: {  	[smem:$0x3F9A] =	sst s7  }
0x10: {  	[smem:$0x3F9B] =	sst s8  }
0x11: {  	[smem:$0x3F9C] =	sst s9;
	s0 =	simm.s32 @!p0 $0x0  }
0x12: {  	s1 =	sld [smem:$0x3F82];
	s0 =	simm.s32 @p0 $0x1  }
0x13: {  	[smem:$0x3F9D] =	sst s0;
	s0 =	simm.s32 @!p1 $0x0  }
0x14: {  	s2 =	sld [smem:$0x3F81];
	s0 =	simm.s32 @p1 $0x1  }
0x15: {  	[smem:$0x3F9E] =	sst s0;
	s0 =	simm.s32 @!p2 $0x0  }
0x16: {  	s3 =	sld [smem:$0x3FDB];
	s0 =	simm.s32 @p2 $0x1  }
0x17: {  	s4 =	simm.s32 $0x1BF5;
	[smem:$0x3FA0] =	sst s0  }
0x18: {  	s0 =	sld [smem:$0x3F83];
	_ =	swait.ge [sflag:s4], $0x0  }
0x19: {  	s7 =	sld [smem:$0x3F84]  }
0x1a: {  	s8 =	sadd.s32 $0xFFFFE003, lr  }
0x1b: {  	s9 =	sadd.s32 $0xFFFFFEF7, lr;
	s5 =	simm.s32 $0xFFFFFFFF;
	p2 =	slt.u32 s8, $0xFFFFF086  }
0x1c: {  	p1 =	slt.u32 s9, $0xF7A;
	s5 =	simm.s32 @!p2 $0x0  }
0x1d: {  	s5 =	simm.s32 @p1 $0x1;
	p0 =	seq.s32 s7, s2  }
0x1e: {  	s7 =	smul.u32 @!p0 $0xF7A, s2;
	p2 =	seq.s32 @!p0 s5, $0x0  }
0x1f: {  	s9 =	smul.u32 $0xF7A, s1;
	s8 =	simm.s32 @!p0 $0x1BF5;
	p2 =	por !p2, p0  }
0x20: {  	[sflag:s8] =	ssyncset.s32 @!p0 $0xFFFFF086;
	s6 =	sadd.s32 @!p0 s3, s7;
	s7 =	simm.s32 @!p0 $0x108  }
0x21: {  	s3 =	sadd.s32 s3, s9;
	s6 =	sadd.s32 @!p0 $0x88, s6;
	s7 =	simm.s32 @p2 $0x1082  }
0x22: {  	[simem:s7], [sflag:s8] =	dma.local @!p0 [hbm:s6], $0xF7A  }
0x23: {  	s9 =	sor.u32 $0xD0000000, s2;
	s6 =	simm.s32 $0x108;
	_ =	swait.ge @!p0 [sflag:s8], $0x0  }
0x24: {  	s3 =	sadd.s32 $0x88, s3;
	s6 =	simm.s32 @!p1 $0x1082;
	[sflag:s4] =	ssyncset.s32 $0xFFFFF086  }
0x25: {  	[simem:s6], [sflag:s4] =	dma.local [hbm:s3], $0xF7A  }
0x26: {  	[smem:$0x3F84] =	sst s1;
	(tag) =	ssettag s2;
	_ =	strace s9  }
0x27: {  	s1 =	sld [smem:$0x3F94]  }
0x28: {  	s2 =	sld [smem:$0x3F95]  }
0x29: {  	s4 =	sld [smem:$0x3F97]  }
0x2a: {  	p0 =	seq.s32 s5, $0x0;
	s5 =	sld [smem:$0x3F98]  }
0x2b: {  	s6 =	sld [smem:$0x3F99]  }
0x2c: {  	s7 =	sld [smem:$0x3F9A]  }
0x2d: {  	s3 =	simm.s32 $0x108;
	s8 =	sld [smem:$0x3F9B]  }
0x2e: {  	s3 =	simm.s32 @!p0 $0x1082;
	s9 =	sld [smem:$0x3F9C]  }
0x2f: {  	lr =	sadd.s32 s0, s3;
	s0 =	sld [smem:$0x3F93]  }
0x30: {  	s3 =	sld [smem:$0x3F96]  }
0x31: {  	[smem:$0x3F9F] =	sst s10  }
0x32: {  	s10 =	sld [smem:$0x3F9D];
	_ =	sdelay $0x3  }
0x33: {  	p0 =	seq.s32 s10, $0x1;
	s10 =	sld [smem:$0x3F9F];
	_ =	sdelay $0x3  }
0x34: {  	[smem:$0x3F9F] =	sst s10  }
0x35: {  	s10 =	sld [smem:$0x3F9E];
	_ =	sdelay $0x3  }
0x36: {  	p1 =	seq.s32 s10, $0x1;
	s10 =	sld [smem:$0x3F9F];
	_ =	sdelay $0x3  }
0x37: {  	[smem:$0x3F9F] =	sst s10  }
0x38: {  	s10 =	sld [smem:$0x3FA0]  }
0x39: {  	_ = 	snop;
	(pc) =	sbr.ind lr, $3  }
0x3a: {  	_ = 	snop  }
0x3b: {  	_ = 	snop  }
0x3c: {  	p2 =	seq.s32 s10, $0x1;
	s10 =	sld [smem:$0x3F9F]  }
0x3d: {  	_ =	shalt  }
0x3e: {  	_ =	shalt  }
0x3f: {  	_ =	shalt  }
0x40: {  	_ =	shalt  }
0x41: {  	_ =	shalt  }
0x42: {  	_ =	shalt  }
0x43: {  	_ =	shalt  }
0x44: {  	_ =	shalt  }
0x45: {  	_ =	shalt  }
0x46: {  	_ =	shalt  }
0x47: {  	_ =	shalt  }
0x48: {  	_ =	shalt  }
0x49: {  	_ =	shalt  }
0x4a: {  	_ =	shalt  }
0x4b: {  	_ =	shalt  }
0x4c: {  	_ =	shalt  }
0x4d: {  	_ =	shalt  }
0x4e: {  	_ =	shalt  }
0x4f: {  	_ =	shalt  }
0x50: {  	_ =	shalt  }
0x51: {  	_ =	shalt  }
0x52: {  	_ =	shalt  }
0x53: {  	_ =	shalt  }
0x54: {  	_ =	shalt  }
0x55: {  	_ =	shalt  }
0x56: {  	_ =	shalt  }
0x57: {  	_ =	shalt  }
0x58: {  	_ =	shalt  }
0x59: {  	_ =	shalt  }
0x5a: {  	_ =	shalt  }
0x5b: {  	_ =	shalt  }
0x5c: {  	_ =	shalt  }
0x5d: {  	_ =	shalt  }
0x5e: {  	_ =	shalt  }
0x5f: {  	_ =	shalt  }
0x60: {  	_ =	shalt  }
0x61: {  	_ =	shalt  }
0x62: {  	_ =	shalt  }
0x63: {  	_ =	shalt  }
0x64: {  	_ =	shalt  }
0x65: {  	_ =	shalt  }
0x66: {  	_ =	shalt  }
0x67: {  	_ =	shalt  }
0x68: {  	_ =	shalt  }
0x69: {  	_ =	shalt  }
0x6a: {  	_ =	shalt  }
0x6b: {  	_ =	shalt  }
0x6c: {  	_ =	shalt  }
0x6d: {  	_ =	shalt  }
0x6e: {  	_ =	shalt  }
0x6f: {  	_ =	shalt  }
0x70: {  	_ =	shalt  }
0x71: {  	_ =	shalt  }
0x72: {  	_ =	shalt  }
0x73: {  	_ =	shalt  }
0x74: {  	_ =	shalt  }
0x75: {  	_ =	shalt  }
0x76: {  	_ =	shalt  }
0x77: {  	_ =	shalt  }
0x78: {  	_ =	shalt  }
0x79: {  	_ =	shalt  }
0x7a: {  	_ =	shalt  }
0x7b: {  	_ =	shalt  }
0x7c: {  	_ =	shalt  }
0x7d: {  	_ =	shalt  }
0x7e: {  	_ =	shalt  }
0x7f: {  	_ =	shalt  }
0x80: {  	_ =	shalt  }
0x81: {  	_ =	shalt  }
0x82: {  	_ =	shalt  }
0x83: {  	_ =	shalt  }
0x84: {  	_ =	shalt  }
0x85: {  	_ =	shalt  }
0x86: {  	_ =	shalt  }
0x87: {  	_ =	shalt  }
.Lfunc_end0:
.L_simem_size_0:
called_computation.2_lowered:
.L_overlay_start_0:
0x88: {  	s2 =	sld [smem:$0x3FD9]  }
0x89: {  	s3 =	sld [smem:$0x3FFE];
	_ =	sdelay $0x1  }
0x8a: {  	s1 =	srdreg.scid  }
0x8b: {  	s0 =	sand.u32 $0x1, s1  }
0x8c: {  	s16 =	sshll.u32 s0, $0xA;
	s2 =	sadd.s32 s3, s2  }
0x8d: {  	s2 =	sadd.s32 s2, s16  }
0x8e: {  	[smem:$0x3FAB] =	sst s2  }
0x8f: {  	_ = 	snop  }
0x90: {  	(tm) =	ssettm $0x1  }
0x91: {  	s17 =	sld [smem:$0x3FFB];
	_ =	sdelay $0x3  }
0x92: {  	_ =	strace s17  }
0x93: {  	s2 =	sld [smem:$0x3FFC];
	_ =	sdelay $0x3  }
0x94: {  	_ =	strace s2  }
0x95: {  	s2 =	sld [smem:$0x3FFD];
	_ =	sdelay $0x3  }
0x96: {  	_ =	strace s2  }
0x97: {  	_ =	strace $0x8FFFFFFF  }
0x98: {  	s18 =	sld [smem:$0x3FDB];
	_ =	sdelay $0x1  }
0x99: {  	s19 =	simm.s32 $_scs_section_size  }
0x9a: {  	s4 =	simm.s32 $_size__tile_overlayer_lowered;
	s5 =	simm.s32 $_tile_overlayer_lowered  }
0x9b: {  	s22 =	simm.s32 $0x1BFF;
	s21 =	sshll.u32 s5, $0x1;
	s2 =	sadd.s32 s19, s18  }
0x9c: {  	s6 =	simm.s32 $0x0;
	s20 =	sshll.u32 s4, $0x1;
	s4 =	sadd.s32 s21, s2  }
0x9d: {  	[timem:s6], [sflag:s22] =	dma.local [hbm:s4], s20  }
0x9e: {  	_ =	swait.ge [sflag:s22], s20  }
0x9f: {  	s3 =	ssub.s32 $0x0, s20;
	[sflag:s22] =	ssyncset.done $0x0  }
0xa0: {  	[sflag:s22] =	ssyncadd.s32 s3;
	_ =	sdelay $0x1  }
0xa1: {  	s23 =	simm.s32 $0x1B8B  }
0xa2: {  	_ =	swait.ge [sflag:s23], $0x1  }
0xa3: {  	[sflag:s23] =	ssyncset.done $0x0  }
0xa4: {  	s25 =	simm.s32 $0x1B8E;
	s24 =	sld [smem:$0x3FFE];
	[sflag:s23] =	ssyncadd.s32 $0xFFFFFFFF  }
0xa5: {  	s26 =	simm.s32 $execute0_lowered;
	[smem:$0x3FD2] =	sst s25  }
0xa6: {  	s4 =	sshll.u32 s26, $0x1;
	_ =	strace $0x8000004C;
	[dreg:$0x1] =	wrdreg $0xFFFFFFFF  }
0xa7: {  	s28 =	simm.s32 $_size_execute0_lowered;
	s2 =	sadd.s32 s2, s4;
	[dreg:$0x0] =	wrdreg $0x0  }
0xa8: {  	s4 =	sshll.u32 s28, $0x1;
	[dreg:$0x2] =	wrdreg s2  }
0xa9: {  	[dreg:$0x3] =	wrdreg s4  }
0xaa: {  	[dreg:$0x4] =	wrdreg $0xC0  }
0xab: {  	_ =	task [dreg:s6], $0x5FFFF  }
0xac: {  	[dreg:$0x1] =	wrdreg $0xFFFFFFFF  }
0xad: {  	[dreg:$0x0] =	wrdreg $0x60  }
0xae: {  	[dreg:$0x2] =	wrdreg s24  }
0xaf: {  	[dreg:$0x3] =	wrdreg $0xAC000  }
0xb0: {  	[dreg:$0x4] =	wrdreg $0x9  }
0xb1: {  	_ =	task.clear_ibuf [dreg:s6], $0x5FFFF;
	_ =	strace $0x9000004C  }
0xb2: {  	s29 =	simm.s32 $0x9;
	_ =	strace $0x8000004E  }
0xb3: {  	_ =	swait.ge [sflag:s29], $0x1  }
0xb4: {  	[sflag:s29] =	ssyncadd.s32 $0xFFFFFFFF  }
0xb5: {  	_ =	strace $0x9000004E  }
0xb6: {  	_ =	sfence  }
0xb7: {  	s30 =	sld [smem:$0x0];
	_ =	sdelay $0x2  }
0xb8: {  	s31 =	sshll.u32 s1, $0xD;
	s1 =	sshrl.u32 s1, $0x2  }
0xb9: {  	s3 =	sand.u32 $0x4000, s31;
	s1 =	sadd.s32 s1, s30  }
0xba: {  	s0 =	sor.u32 s3, s0;
	s1 =	sshll.u32 s1, $0x11  }
0xbb: {  	s0 =	sor.u32 s1, s0  }
0xbc: {  	s0 =	sadd.s32 $0x8F2B, s0  }
0xbd: {  	[sflag:s0] =	ssyncadd.remote.s32 $0x1  }
0xbe: {  	_ =	sfence.sel $0xFFFF  }
0xbf: {  	[dreg:$0x0] =	wrdreg $0xFFFFFFFF;
	(pc) =	sbr.abs _section_cstart, $3  }
0xc0: {  	[dreg:$0x1] =	wrdreg $0xFFFFFFFF  }
0xc1: {  	_ =	task.clear_ibuf [dreg:s6], $0x2FFFF;
	_ =	strace $0x9FFFFFFF  }
0xc2: {  	(tm) =	ssettm $0x7FFFFFFF  }
0xc3: {  	_ =	shalt  }
tec
execute0_lowered:
.L_overlay_start_1:
0x0: {  	(tag) =	ssettag $0x1  }
0x1: {  	s0 =	srdreg.scid;
	s6 =	rddreg [dreg:$0x0]  }
0x2: {  	s2 =	rddreg [dreg:$0x1];
	s3 =	simm.s32 $0x0;
	s12 =	simm.s32 $0x2C00  }
0x3: {  	s13 =	simm.s32 $0x2880;
	s14 =	simm.s32 $0x6C00;
	s17 =	simm.s32 $0x1  }
0x4: {  	s18 =	simm.s32 $0x2A00;
	s19 =	simm.s32 $0x2900;
	s20 =	simm.s32 $0x2  }
0x5: {  	s21 =	simm.s32 $0x2A80;
	s22 =	simm.s32 $0x2980;
	s5 =	sand.u32 $0x1, s0  }
0x6: {  	s23 =	simm.s32 $0x2B00;
	s0 =	stileid.u32;
	s8 =	smul.u32 $0x140000, s5  }
0x7: {  	s24 =	simm.s32 $0x2B80;
	s25 =	simm.s32 $0x0;
	s9 =	smul.u32 $0x14000, s0  }
0x8: {  	[smem:$0x7FF] =	sst s3;
	s4 =	sadd.s32 $0x37C00, s6;
	s10 =	smul.u32 $0x2800, s0  }
0x9: {  	s1 =	sshll.u32 s5, $0x4;
	s30 =	smul.u32 $0x50000, s0;
	s5 =	ssub.s32 $0x2, s5  }
0xa: {  	s15 =	sshll.u32 s0, $0x6;
	s1 =	sor.u32 s0, s1;
	s31 =	sshrl.u32 s5, $0x1  }
0xb: {  	s15 =	sor.u32 $0x1C03, s15;
	s7 =	smul.u32 $0x500, s1;
	s1 =	rddreg [dreg:$0x2]  }
0xc: {  	_ =	strace $0x8000004D;
	s8 =	sadd.s32 s9, s8;
	s10 =	sadd.s32 s10, s6  }
.Ltmp0:
0xd: {  	s9 =	sshrl.u32 s30, $0x2;
	s11 =	ssub.s32 s5, s31;
	(pc) =	sbr.rel .LBB2_1-.Ltmp0, $4  }
0xe: {  	s8 =	sshrl.u32 s8, $0x3;
	s16 =	sadd.s32 s9, s2;
	s9 =	simm.s32 $0x3  }
0xf: {  	s7 =	sadd.s32 s7, s6;
	s8 =	sadd.s32 s8, s6;
	s6 =	sadd.s32 $0xFC00, s10  }
0x10: {  	s10 =	simm.s32 $0x80;
	s16 =	sshrl.u32 s16, $0x3;
	s5 =	sadd.s32 $0x5C00, s7  }
0x11: {  	s7 =	sadd.s32 $0x5EE00, s8;
	s8 =	smax.u32 s11, $0x1;
	s11 =	simm.s32 $0x2800  }
.LBB2_4:
0x12: {  	_ =	swait.ge [sflag:s20], $0x4000  }
0x13: {  	[sflag:s20] =	ssyncset.done $0x0  }
0x14: {  	[sflag:s20] =	ssyncadd.s32 $0xFFFFC000  }
0x15: {  	[spmem:s2] =	stream.indirect.scatter.add.f32 [tilespmem:s14], [sflag:$0x3], $0x80, s24, s10, $0xb8;
	[tilespmem:$0x1EC00] =	vst v63  }
0x16: {  	_ =	swait.ge [sflag:s9], $0x4000  }
0x17: {  	s25 =	sadd.s32 $0x1, s25;
	[sflag:s9] =	ssyncset.done $0x0  }
0x18: {  	p0 =	sne.s32 s25, s8;
	[sflag:s9] =	ssyncadd.s32 $0xFFFFC000  }
.Ltmp1:
0x19: {  	[bflag:$0x0] =	sbarrier.arrive $0xFFFF;
	(pc) =	sbr.rel @!p0 .LBB2_5-.Ltmp1, $4  }
0x1a: {  	[hbm:s7], [sflag:s15] =	dma.local [spmem:s16], $0x2800  }
0x1b: {  	_ =	swait.ge [sflag:s9], $0x2800  }
0x1c: {  	[sflag:s9] =	ssyncset.done $0x0  }
0x1d: {  	[sflag:s9] =	ssyncadd.s32 $0xFFFFD800  }
.LBB2_1:
0x1e: {  	[tilespmem:s3], [sflag:$0x3] =	stream.linear.gather [hbm4b:s5+s3], $0x2800, $0x38;
	[tilespmem:$0x1EC00] =	vst v63  }
0x1f: {  	_ =	swait.ge [sflag:s9], $0x2800  }
0x20: {  	[sflag:s9] =	ssyncset.done $0x0  }
0x21: {  	[sflag:s9] =	ssyncadd.s32 $0xFFFFD800  }
0x22: {  	v0 =	vld [tilespmem:$0x0];
	_ =	sdelay $0x1  }
0x23: {  	v1 =	vld [tilespmem:$0x10];
	_ =	sdelay $0x1  }
0x24: {  	v2 =	vld [tilespmem:$0x20]  }
0x25: {  	v3 =	vshrl.u32 v0, $0xE  }
0x26: {  	v22 =	vld [tilespmem:$0x30];
	v0 =	vand.u32 $0x3FFF, v0;
	[tilespmem:$0x2800] =	vst v3  }
0x27: {  	v23 =	vshrl.u32 v1, $0xE;
	[tilespmem:$0x2A00] =	vst v0  }
0x28: {  	v25 =	vld [tilespmem:$0x40];
	v24 =	vand.u32 $0x3FFF, v1;
	[tilespmem:$0x2810] =	vst v23  }
0x29: {  	v26 =	vshrl.u32 v2, $0xE;
	[tilespmem:$0x2A10] =	vst v24  }
0x2a: {  	v28 =	vld [tilespmem:$0x50];
	v27 =	vand.u32 $0x3FFF, v2;
	[tilespmem:$0x2820] =	vst v26  }
0x2b: {  	v29 =	vshrl.u32 v22, $0xE;
	[tilespmem:$0x2A20] =	vst v27  }
0x2c: {  	v31 =	vld [tilespmem:$0x60];
	v30 =	vand.u32 $0x3FFF, v22;
	[tilespmem:$0x2830] =	vst v29  }
0x2d: {  	v32 =	vshrl.u32 v25, $0xE;
	[tilespmem:$0x2A30] =	vst v30  }
0x2e: {  	v34 =	vld [tilespmem:$0x70];
	v33 =	vand.u32 $0x3FFF, v25;
	[tilespmem:$0x2840] =	vst v32  }
0x2f: {  	v35 =	vshrl.u32 v28, $0xE;
	[tilespmem:$0x2A40] =	vst v33  }
0x30: {  	v36 =	vand.u32 $0x3FFF, v28;
	[tilespmem:$0x2850] =	vst v35  }
0x31: {  	v37 =	vshrl.u32 v31, $0xE;
	[tilespmem:$0x2A50] =	vst v36  }
0x32: {  	v38 =	vand.u32 $0x3FFF, v31;
	[tilespmem:$0x2860] =	vst v37  }
0x33: {  	v39 =	vshrl.u32 v34, $0xE;
	[tilespmem:$0x2A60] =	vst v38  }
0x34: {  	v40 =	vand.u32 $0x3FFF, v34;
	[tilespmem:$0x2870] =	vst v39  }
0x35: {  	[tilespmem:$0x2A70] =	vst v40  }
0x36: {  	[tilespmem:s12], [sflag:$0x1] =	stream.indirect.gather [hbm4b:s4+s10], $0x80, s11, s10, $0xb8;
	[tilespmem:$0x1EC00] =	vst v63  }
0x37: {  	v41 =	vld [tilespmem:$0x80];
	_ =	sdelay $0x1  }
0x38: {  	v42 =	vld [tilespmem:$0x90];
	_ =	sdelay $0x1  }
0x39: {  	v43 =	vld [tilespmem:$0xA0]  }
0x3a: {  	v44 =	vshrl.u32 v41, $0xE  }
0x3b: {  	v45 =	vld [tilespmem:$0xB0];
	v0 =	vand.u32 $0x3FFF, v41;
	[tilespmem:$0x2880] =	vst v44  }
0x3c: {  	v46 =	vshrl.u32 v42, $0xE;
	[tilespmem:$0x2A80] =	vst v0  }
0x3d: {  	v48 =	vld [tilespmem:$0xC0];
	v47 =	vand.u32 $0x3FFF, v42;
	[tilespmem:$0x2890] =	vst v46  }
0x3e: {  	v49 =	vshrl.u32 v43, $0xE;
	[tilespmem:$0x2A90] =	vst v47  }
0x3f: {  	v51 =	vld [tilespmem:$0xD0];
	v50 =	vand.u32 $0x3FFF, v43;
	[tilespmem:$0x28A0] =	vst v49  }
0x40: {  	v52 =	vshrl.u32 v45, $0xE;
	[tilespmem:$0x2AA0] =	vst v50  }
0x41: {  	v54 =	vld [tilespmem:$0xE0];
	v53 =	vand.u32 $0x3FFF, v45;
	[tilespmem:$0x28B0] =	vst v52  }
0x42: {  	v55 =	vshrl.u32 v48, $0xE;
	[tilespmem:$0x2AB0] =	vst v53  }
0x43: {  	v57 =	vld [tilespmem:$0xF0];
	v56 =	vand.u32 $0x3FFF, v48;
	[tilespmem:$0x28C0] =	vst v55  }
0x44: {  	v58 =	vshrl.u32 v51, $0xE;
	[tilespmem:$0x2AC0] =	vst v56  }
0x45: {  	v59 =	vand.u32 $0x3FFF, v51;
	[tilespmem:$0x28D0] =	vst v58  }
0x46: {  	v60 =	vshrl.u32 v54, $0xE;
	[tilespmem:$0x2AD0] =	vst v59  }
0x47: {  	v61 =	vand.u32 $0x3FFF, v54;
	[tilespmem:$0x28E0] =	vst v60  }
0x48: {  	v62 =	vshrl.u32 v57, $0xE;
	[tilespmem:$0x2AE0] =	vst v61  }
0x49: {  	v63 =	vand.u32 $0x3FFF, v57;
	[tilespmem:$0x28F0] =	vst v62  }
0x4a: {  	[tilespmem:$0x2AF0] =	vst v63  }
0x4b: {  	[tilespmem:s14], [sflag:$0x2] =	stream.indirect.gather [hbm4b:s4+s10], $0x80, s13, s10, $0xb8;
	[tilespmem:$0x1EC00] =	vst v63  }
0x4c: {  	[spmem:s16], [sflag:s15] =	dma.local [hbm:s6], $0x2800  }
0x4d: {  	_ =	swait.ge [sflag:s9], $0x2800  }
0x4e: {  	[sflag:s9] =	ssyncset.done $0x0  }
0x4f: {  	[sflag:s9] =	ssyncadd.s32 $0xFFFFD800  }
0x50: {  	s26 =	simm.s32 $0x0;
	[bflag:$0x0] =	sbarrier.arrive $0xFFFF  }
.LBB2_2:
0x51: {  	_ =	swait.ge [sflag:s17], $0x4000  }
0x52: {  	[sflag:s17] =	ssyncset.done $0x0  }
0x53: {  	[sflag:s17] =	ssyncadd.s32 $0xFFFFC000  }
0x54: {  	[spmem:s2] =	stream.indirect.scatter.add.f32 [tilespmem:s12], [sflag:$0x3], $0x80, s18, s10, $0xb8;
	[tilespmem:$0x1EC00] =	vst v63  }
0x55: {  	_ =	swait.ge [sflag:s9], $0x4000  }
0x56: {  	[sflag:s9] =	ssyncset.done $0x0  }
0x57: {  	s28 =	sshra.s32 s26, $0x2;
	[sflag:s9] =	ssyncadd.s32 $0xFFFFC000  }
0x58: {  	v0 =	vld [tilespmem:s28+$0x100];
	_ =	sdelay $0x4  }
0x59: {  	v1 =	vshrl.u32 v0, $0xE  }
0x5a: {  	v0 =	vand.u32 $0x3FFF, v0;
	[tilespmem:$0x2900] =	vst v1  }
0x5b: {  	[tilespmem:$0x2B00] =	vst v0  }
0x5c: {  	v0 =	vld [tilespmem:s28+$0x110];
	_ =	sdelay $0x4  }
0x5d: {  	v48 =	vshrl.u32 v0, $0xE  }
0x5e: {  	v0 =	vand.u32 $0x3FFF, v0;
	[tilespmem:$0x2910] =	vst v48  }
0x5f: {  	[tilespmem:$0x2B10] =	vst v0  }
0x60: {  	v0 =	vld [tilespmem:s28+$0x120];
	_ =	sdelay $0x4  }
0x61: {  	v49 =	vshrl.u32 v0, $0xE  }
0x62: {  	v0 =	vand.u32 $0x3FFF, v0;
	[tilespmem:$0x2920] =	vst v49  }
0x63: {  	[tilespmem:$0x2B20] =	vst v0  }
0x64: {  	v0 =	vld [tilespmem:s28+$0x130];
	_ =	sdelay $0x4  }
0x65: {  	v50 =	vshrl.u32 v0, $0xE  }
0x66: {  	v0 =	vand.u32 $0x3FFF, v0;
	[tilespmem:$0x2930] =	vst v50  }
0x67: {  	[tilespmem:$0x2B30] =	vst v0  }
0x68: {  	v0 =	vld [tilespmem:s28+$0x140];
	_ =	sdelay $0x4  }
0x69: {  	v51 =	vshrl.u32 v0, $0xE  }
0x6a: {  	v0 =	vand.u32 $0x3FFF, v0;
	[tilespmem:$0x2940] =	vst v51  }
0x6b: {  	[tilespmem:$0x2B40] =	vst v0  }
0x6c: {  	v0 =	vld [tilespmem:s28+$0x150];
	_ =	sdelay $0x4  }
0x6d: {  	v52 =	vshrl.u32 v0, $0xE  }
0x6e: {  	v0 =	vand.u32 $0x3FFF, v0;
	[tilespmem:$0x2950] =	vst v52  }
0x6f: {  	[tilespmem:$0x2B50] =	vst v0  }
0x70: {  	v0 =	vld [tilespmem:s28+$0x160];
	_ =	sdelay $0x4  }
0x71: {  	v53 =	vshrl.u32 v0, $0xE  }
0x72: {  	v0 =	vand.u32 $0x3FFF, v0;
	[tilespmem:$0x2960] =	vst v53  }
0x73: {  	[tilespmem:$0x2B60] =	vst v0  }
0x74: {  	v0 =	vld [tilespmem:s28+$0x170];
	_ =	sdelay $0x4  }
0x75: {  	v54 =	vshrl.u32 v0, $0xE  }
0x76: {  	v0 =	vand.u32 $0x3FFF, v0;
	[tilespmem:$0x2970] =	vst v54  }
0x77: {  	[tilespmem:$0x2B70] =	vst v0  }
0x78: {  	[tilespmem:s12], [sflag:$0x1] =	stream.indirect.gather [hbm4b:s4+s10], $0x80, s19, s10, $0xb8;
	[tilespmem:$0x1EC00] =	vst v63  }
0x79: {  	_ =	swait.ge [sflag:s20], $0x4000  }
0x7a: {  	[sflag:s20] =	ssyncset.done $0x0  }
0x7b: {  	[sflag:s20] =	ssyncadd.s32 $0xFFFFC000  }
0x7c: {  	[spmem:s2] =	stream.indirect.scatter.add.f32 [tilespmem:s14], [sflag:$0x3], $0x80, s21, s10, $0xb8;
	[tilespmem:$0x1EC00] =	vst v63  }
0x7d: {  	_ =	swait.ge [sflag:s9], $0x4000  }
0x7e: {  	[sflag:s9] =	ssyncset.done $0x0  }
0x7f: {  	[sflag:s9] =	ssyncadd.s32 $0xFFFFC000  }
0x80: {  	v55 =	vld [tilespmem:s28+$0x180];
	_ =	sdelay $0x4  }
0x81: {  	v56 =	vshrl.u32 v55, $0xE  }
0x82: {  	v0 =	vand.u32 $0x3FFF, v55;
	[tilespmem:$0x2980] =	vst v56  }
0x83: {  	[tilespmem:$0x2B80] =	vst v0  }
0x84: {  	v0 =	vld [tilespmem:s28+$0x190];
	_ =	sdelay $0x4  }
0x85: {  	v57 =	vshrl.u32 v0, $0xE  }
0x86: {  	v0 =	vand.u32 $0x3FFF, v0;
	[tilespmem:$0x2990] =	vst v57  }
0x87: {  	[tilespmem:$0x2B90] =	vst v0  }
0x88: {  	v0 =	vld [tilespmem:s28+$0x1A0];
	_ =	sdelay $0x4  }
0x89: {  	v58 =	vshrl.u32 v0, $0xE  }
0x8a: {  	v0 =	vand.u32 $0x3FFF, v0;
	[tilespmem:$0x29A0] =	vst v58  }
0x8b: {  	[tilespmem:$0x2BA0] =	vst v0  }
0x8c: {  	v0 =	vld [tilespmem:s28+$0x1B0];
	_ =	sdelay $0x4  }
0x8d: {  	v59 =	vshrl.u32 v0, $0xE  }
0x8e: {  	v0 =	vand.u32 $0x3FFF, v0;
	[tilespmem:$0x29B0] =	vst v59  }
0x8f: {  	[tilespmem:$0x2BB0] =	vst v0  }
0x90: {  	v0 =	vld [tilespmem:s28+$0x1C0];
	_ =	sdelay $0x4  }
0x91: {  	v60 =	vshrl.u32 v0, $0xE  }
0x92: {  	v0 =	vand.u32 $0x3FFF, v0;
	[tilespmem:$0x29C0] =	vst v60  }
0x93: {  	[tilespmem:$0x2BC0] =	vst v0  }
0x94: {  	v0 =	vld [tilespmem:s28+$0x1D0];
	_ =	sdelay $0x4  }
0x95: {  	v61 =	vshrl.u32 v0, $0xE  }
0x96: {  	v0 =	vand.u32 $0x3FFF, v0;
	[tilespmem:$0x29D0] =	vst v61  }
0x97: {  	[tilespmem:$0x2BD0] =	vst v0  }
0x98: {  	v0 =	vld [tilespmem:s28+$0x1E0];
	_ =	sdelay $0x4  }
0x99: {  	v62 =	vshrl.u32 v0, $0xE  }
0x9a: {  	v0 =	vand.u32 $0x3FFF, v0;
	[tilespmem:$0x29E0] =	vst v62  }
0x9b: {  	[tilespmem:$0x2BE0] =	vst v0  }
0x9c: {  	v0 =	vld [tilespmem:s28+$0x1F0];
	_ =	sdelay $0x4  }
0x9d: {  	v63 =	vshrl.u32 v0, $0xE  }
0x9e: {  	v0 =	vand.u32 $0x3FFF, v0;
	[tilespmem:$0x29F0] =	vst v63  }
0x9f: {  	[tilespmem:$0x2BF0] =	vst v0  }
0xa0: {  	[tilespmem:s14], [sflag:$0x2] =	stream.indirect.gather [hbm4b:s4+s10], $0x80, s22, s10, $0xb8;
	[tilespmem:$0x1EC00] =	vst v63  }
0xa1: {  	_ =	swait.ge [sflag:s17], $0x4000  }
0xa2: {  	p0 =	seq.s32 s26, $0x9800;
	[sflag:s17] =	ssyncset.done $0x0  }
.Ltmp2:
0xa3: {  	[sflag:s17] =	ssyncadd.s32 $0xFFFFC000;
	(pc) =	sbr.rel @p0 .LBB2_4-.Ltmp2, $4  }
0xa4: {  	[spmem:s2] =	stream.indirect.scatter.add.f32 [tilespmem:s12], [sflag:$0x3], $0x80, s23, s10, $0xb8;
	[tilespmem:$0x1EC00] =	vst v63  }
0xa5: {  	_ =	swait.ge [sflag:s9], $0x4000  }
0xa6: {  	[sflag:s9] =	ssyncset.done $0x0  }
0xa7: {  	[sflag:s9] =	ssyncadd.s32 $0xFFFFC000  }
0xa8: {  	v0 =	vld [tilespmem:s28+$0x200];
	_ =	sdelay $0x4  }
0xa9: {  	v1 =	vshrl.u32 v0, $0xE  }
0xaa: {  	v0 =	vand.u32 $0x3FFF, v0;
	[tilespmem:$0x2800] =	vst v1  }
0xab: {  	[tilespmem:$0x2A00] =	vst v0  }
0xac: {  	v0 =	vld [tilespmem:s28+$0x210];
	_ =	sdelay $0x4  }
0xad: {  	v48 =	vshrl.u32 v0, $0xE  }
0xae: {  	v0 =	vand.u32 $0x3FFF, v0;
	[tilespmem:$0x2810] =	vst v48  }
0xaf: {  	[tilespmem:$0x2A10] =	vst v0  }
0xb0: {  	v0 =	vld [tilespmem:s28+$0x220];
	_ =	sdelay $0x4  }
0xb1: {  	v49 =	vshrl.u32 v0, $0xE  }
0xb2: {  	v0 =	vand.u32 $0x3FFF, v0;
	[tilespmem:$0x2820] =	vst v49  }
0xb3: {  	[tilespmem:$0x2A20] =	vst v0  }
0xb4: {  	v0 =	vld [tilespmem:s28+$0x230];
	_ =	sdelay $0x4  }
0xb5: {  	v50 =	vshrl.u32 v0, $0xE  }
0xb6: {  	v0 =	vand.u32 $0x3FFF, v0;
	[tilespmem:$0x2830] =	vst v50  }
0xb7: {  	[tilespmem:$0x2A30] =	vst v0  }
0xb8: {  	v0 =	vld [tilespmem:s28+$0x240];
	_ =	sdelay $0x4  }
0xb9: {  	v51 =	vshrl.u32 v0, $0xE  }
0xba: {  	v0 =	vand.u32 $0x3FFF, v0;
	[tilespmem:$0x2840] =	vst v51  }
0xbb: {  	[tilespmem:$0x2A40] =	vst v0  }
0xbc: {  	v0 =	vld [tilespmem:s28+$0x250];
	_ =	sdelay $0x4  }
0xbd: {  	v52 =	vshrl.u32 v0, $0xE  }
0xbe: {  	v0 =	vand.u32 $0x3FFF, v0;
	[tilespmem:$0x2850] =	vst v52  }
0xbf: {  	[tilespmem:$0x2A50] =	vst v0  }
0xc0: {  	v0 =	vld [tilespmem:s28+$0x260];
	_ =	sdelay $0x4  }
0xc1: {  	v53 =	vshrl.u32 v0, $0xE  }
0xc2: {  	v0 =	vand.u32 $0x3FFF, v0;
	[tilespmem:$0x2860] =	vst v53  }
0xc3: {  	[tilespmem:$0x2A60] =	vst v0  }
0xc4: {  	v0 =	vld [tilespmem:s28+$0x270];
	_ =	sdelay $0x4  }
0xc5: {  	v54 =	vshrl.u32 v0, $0xE  }
0xc6: {  	v0 =	vand.u32 $0x3FFF, v0;
	[tilespmem:$0x2870] =	vst v54  }
0xc7: {  	[tilespmem:$0x2A70] =	vst v0  }
0xc8: {  	[tilespmem:s12], [sflag:$0x1] =	stream.indirect.gather [hbm4b:s4+s10], $0x80, s11, s10, $0xb8;
	[tilespmem:$0x1EC00] =	vst v63  }
0xc9: {  	_ =	swait.ge [sflag:s20], $0x4000  }
0xca: {  	[sflag:s20] =	ssyncset.done $0x0  }
0xcb: {  	[sflag:s20] =	ssyncadd.s32 $0xFFFFC000  }
0xcc: {  	[spmem:s2] =	stream.indirect.scatter.add.f32 [tilespmem:s14], [sflag:$0x3], $0x80, s24, s10, $0xb8;
	[tilespmem:$0x1EC00] =	vst v63  }
0xcd: {  	_ =	swait.ge [sflag:s9], $0x4000  }
0xce: {  	[sflag:s9] =	ssyncset.done $0x0  }
0xcf: {  	[sflag:s9] =	ssyncadd.s32 $0xFFFFC000  }
0xd0: {  	v55 =	vld [tilespmem:s28+$0x280];
	_ =	sdelay $0x4  }
0xd1: {  	v56 =	vshrl.u32 v55, $0xE  }
0xd2: {  	v0 =	vand.u32 $0x3FFF, v55;
	[tilespmem:$0x2880] =	vst v56  }
0xd3: {  	[tilespmem:$0x2A80] =	vst v0  }
0xd4: {  	v0 =	vld [tilespmem:s28+$0x290];
	_ =	sdelay $0x4  }
0xd5: {  	v57 =	vshrl.u32 v0, $0xE  }
0xd6: {  	v0 =	vand.u32 $0x3FFF, v0;
	[tilespmem:$0x2890] =	vst v57  }
0xd7: {  	[tilespmem:$0x2A90] =	vst v0  }
0xd8: {  	v0 =	vld [tilespmem:s28+$0x2A0];
	_ =	sdelay $0x4  }
0xd9: {  	v58 =	vshrl.u32 v0, $0xE  }
0xda: {  	v0 =	vand.u32 $0x3FFF, v0;
	[tilespmem:$0x28A0] =	vst v58  }
0xdb: {  	[tilespmem:$0x2AA0] =	vst v0  }
0xdc: {  	v0 =	vld [tilespmem:s28+$0x2B0];
	_ =	sdelay $0x4  }
0xdd: {  	v59 =	vshrl.u32 v0, $0xE  }
0xde: {  	v0 =	vand.u32 $0x3FFF, v0;
	[tilespmem:$0x28B0] =	vst v59  }
0xdf: {  	[tilespmem:$0x2AB0] =	vst v0  }
0xe0: {  	v0 =	vld [tilespmem:s28+$0x2C0];
	_ =	sdelay $0x4  }
0xe1: {  	v60 =	vshrl.u32 v0, $0xE  }
0xe2: {  	v0 =	vand.u32 $0x3FFF, v0;
	[tilespmem:$0x28C0] =	vst v60  }
0xe3: {  	[tilespmem:$0x2AC0] =	vst v0  }
0xe4: {  	v0 =	vld [tilespmem:s28+$0x2D0];
	_ =	sdelay $0x4  }
0xe5: {  	v61 =	vshrl.u32 v0, $0xE  }
0xe6: {  	v0 =	vand.u32 $0x3FFF, v0;
	[tilespmem:$0x28D0] =	vst v61  }
0xe7: {  	[tilespmem:$0x2AD0] =	vst v0  }
0xe8: {  	v0 =	vld [tilespmem:s28+$0x2E0];
	_ =	sdelay $0x4  }
0xe9: {  	v62 =	vshrl.u32 v0, $0xE  }
0xea: {  	v0 =	vand.u32 $0x3FFF, v0;
	[tilespmem:$0x28E0] =	vst v62  }
0xeb: {  	[tilespmem:$0x2AE0] =	vst v0  }
0xec: {  	v0 =	vld [tilespmem:s28+$0x2F0];
	_ =	sdelay $0x3  }
.Ltmp3:
0xed: {  	_ = 	snop;
	(pc) =	sbr.rel .LBB2_2-.Ltmp3, $4  }
0xee: {  	v63 =	vshrl.u32 v0, $0xE  }
0xef: {  	v0 =	vand.u32 $0x3FFF, v0;
	[tilespmem:$0x28F0] =	vst v63  }
0xf0: {  	s26 =	sadd.s32 $0x800, s26;
	[tilespmem:$0x2AF0] =	vst v0  }
0xf1: {  	[tilespmem:s14], [sflag:$0x2] =	stream.indirect.gather [hbm4b:s4+s10], $0x80, s13, s10, $0xb8;
	[tilespmem:$0x1EC00] =	vst v63  }
.LBB2_5:
0xf2: {  	_ =	sfence.sel $0x180000  }
0xf3: {  	[bflag:$0x0] =	sbarrier.arrive $0xFFFF  }
0xf4: {  	p0 =	sne.s32 s0, $0x0;
	_ =	strace $0x9000004D  }
0xf5: {  	s0 =	sadd.s32 @!p0 $0x100000, s1;
	[bflag:$0x2] =	sbarrier.arrive $0xFFFF  }
0xf6: {  	[sflag:s0] =	ssyncadd.tile.s32 @!p0 $0x1;
	_ =	shalt  }
.Lfunc_end2:
_tile_overlayer_lowered:
.L_overlay_start_2:
0xf7: {  	(tag) =	ssettag $0x2  }
0xf8: {  	s0 =	rddreg [dreg:$0x0];
	s2 =	stileid.u32  }
0xf9: {  	s1 =	rddreg [dreg:$0x1];
	p0 =	sne.s32 s2, $0x0  }
0xfa: {  	s3 =	rddreg [dreg:$0x2];
	[bflag:$0x3] =	sbarrier.arrive $0xFFFF;
	s2 =	simm.s32 @!p0 $0x1C03  }
0xfb: {  	[timem:s3], [sflag:s2] =	dma.local @!p0 [hbm:s0], s1  }
0xfc: {  	s0 =	simm.s32 @!p0 $0x3  }
0xfd: {  	_ =	swait.ge @!p0 [sflag:s0], s1  }
0xfe: {  	s1 =	ssub.s32 @!p0 $0x0, s1;
	[sflag:s0] =	ssyncset.done @!p0 $0x0  }
0xff: {  	[sflag:s0] =	ssyncadd.s32 @!p0 s1  }
0x100: {  	[bflag:$0x3] =	sbarrier.arrive $0xFFFF  }
0x101: {  	_ =	shalt  }

// kernel: kernel.8.cloned.1.call-start
scs
__scs_entry_jumppad:
0x0: {  	(pc) =	sbr.rel $0x88, $3  }
0x1: {  	(tag) =	ssettag $0x0;
	lr =	simm.s32 $0x1  }
0x2: {  	[smem:$0x3F84] =	sst lr;
	_ =	strace $0xD0000000  }
0x3: {  	_ = 	snop  }
0x4: {  	_ = 	snop  }
0x5: {  	_ = 	snop  }
0x6: {  	_ = 	snop  }
0x7: {  	_ = 	snop  }
__scs_overlays_trampoline_lowered:
0x8: {  	[smem:$0x3F93] =	sst s0  }
0x9: {  	[smem:$0x3F94] =	sst s1  }
0xa: {  	[smem:$0x3F95] =	sst s2  }
0xb: {  	[smem:$0x3F96] =	sst s3  }
0xc: {  	[smem:$0x3F97] =	sst s4  }
0xd: {  	[smem:$0x3F98] =	sst s5  }
0xe: {  	[smem:$0x3F99] =	sst s6  }
0xf: {  	[smem:$0x3F9A] =	sst s7  }
0x10: {  	[smem:$0x3F9B] =	sst s8  }
0x11: {  	[smem:$0x3F9C] =	sst s9;
	s0 =	simm.s32 @!p0 $0x0  }
0x12: {  	s1 =	sld [smem:$0x3F82];
	s0 =	simm.s32 @p0 $0x1  }
0x13: {  	[smem:$0x3F9D] =	sst s0;
	s0 =	simm.s32 @!p1 $0x0  }
0x14: {  	s2 =	sld [smem:$0x3F81];
	s0 =	simm.s32 @p1 $0x1  }
0x15: {  	[smem:$0x3F9E] =	sst s0;
	s0 =	simm.s32 @!p2 $0x0  }
0x16: {  	s3 =	sld [smem:$0x3FDB];
	s0 =	simm.s32 @p2 $0x1  }
0x17: {  	s4 =	simm.s32 $0x1BF5;
	[smem:$0x3FA0] =	sst s0  }
0x18: {  	s0 =	sld [smem:$0x3F83];
	_ =	swait.ge [sflag:s4], $0x0  }
0x19: {  	s7 =	sld [smem:$0x3F84]  }
0x1a: {  	s8 =	sadd.s32 $0xFFFFE003, lr  }
0x1b: {  	s9 =	sadd.s32 $0xFFFFFEF7, lr;
	s5 =	simm.s32 $0xFFFFFFFF;
	p2 =	slt.u32 s8, $0xFFFFF086  }
0x1c: {  	p1 =	slt.u32 s9, $0xF7A;
	s5 =	simm.s32 @!p2 $0x0  }
0x1d: {  	s5 =	simm.s32 @p1 $0x1;
	p0 =	seq.s32 s7, s2  }
0x1e: {  	s7 =	smul.u32 @!p0 $0xF7A, s2;
	p2 =	seq.s32 @!p0 s5, $0x0  }
0x1f: {  	s9 =	smul.u32 $0xF7A, s1;
	s8 =	simm.s32 @!p0 $0x1BF5;
	p2 =	por !p2, p0  }
0x20: {  	[sflag:s8] =	ssyncset.s32 @!p0 $0xFFFFF086;
	s6 =	sadd.s32 @!p0 s3, s7;
	s7 =	simm.s32 @!p0 $0x108  }
0x21: {  	s3 =	sadd.s32 s3, s9;
	s6 =	sadd.s32 @!p0 $0x88, s6;
	s7 =	simm.s32 @p2 $0x1082  }
0x22: {  	[simem:s7], [sflag:s8] =	dma.local @!p0 [hbm:s6], $0xF7A  }
0x23: {  	s9 =	sor.u32 $0xD0000000, s2;
	s6 =	simm.s32 $0x108;
	_ =	swait.ge @!p0 [sflag:s8], $0x0  }
0x24: {  	s3 =	sadd.s32 $0x88, s3;
	s6 =	simm.s32 @!p1 $0x1082;
	[sflag:s4] =	ssyncset.s32 $0xFFFFF086  }
0x25: {  	[simem:s6], [sflag:s4] =	dma.local [hbm:s3], $0xF7A  }
0x26: {  	[smem:$0x3F84] =	sst s1;
	(tag) =	ssettag s2;
	_ =	strace s9  }
0x27: {  	s1 =	sld [smem:$0x3F94]  }
0x28: {  	s2 =	sld [smem:$0x3F95]  }
0x29: {  	s4 =	sld [smem:$0x3F97]  }
0x2a: {  	p0 =	seq.s32 s5, $0x0;
	s5 =	sld [smem:$0x3F98]  }
0x2b: {  	s6 =	sld [smem:$0x3F99]  }
0x2c: {  	s7 =	sld [smem:$0x3F9A]  }
0x2d: {  	s3 =	simm.s32 $0x108;
	s8 =	sld [smem:$0x3F9B]  }
0x2e: {  	s3 =	simm.s32 @!p0 $0x1082;
	s9 =	sld [smem:$0x3F9C]  }
0x2f: {  	lr =	sadd.s32 s0, s3;
	s0 =	sld [smem:$0x3F93]  }
0x30: {  	s3 =	sld [smem:$0x3F96]  }
0x31: {  	[smem:$0x3F9F] =	sst s10  }
0x32: {  	s10 =	sld [smem:$0x3F9D];
	_ =	sdelay $0x3  }
0x33: {  	p0 =	seq.s32 s10, $0x1;
	s10 =	sld [smem:$0x3F9F];
	_ =	sdelay $0x3  }
0x34: {  	[smem:$0x3F9F] =	sst s10  }
0x35: {  	s10 =	sld [smem:$0x3F9E];
	_ =	sdelay $0x3  }
0x36: {  	p1 =	seq.s32 s10, $0x1;
	s10 =	sld [smem:$0x3F9F];
	_ =	sdelay $0x3  }
0x37: {  	[smem:$0x3F9F] =	sst s10  }
0x38: {  	s10 =	sld [smem:$0x3FA0]  }
0x39: {  	_ = 	snop;
	(pc) =	sbr.ind lr, $3  }
0x3a: {  	_ = 	snop  }
0x3b: {  	_ = 	snop  }
0x3c: {  	p2 =	seq.s32 s10, $0x1;
	s10 =	sld [smem:$0x3F9F]  }
0x3d: {  	_ =	shalt  }
0x3e: {  	_ =	shalt  }
0x3f: {  	_ =	shalt  }
0x40: {  	_ =	shalt  }
0x41: {  	_ =	shalt  }
0x42: {  	_ =	shalt  }
0x43: {  	_ =	shalt  }
0x44: {  	_ =	shalt  }
0x45: {  	_ =	shalt  }
0x46: {  	_ =	shalt  }
0x47: {  	_ =	shalt  }
0x48: {  	_ =	shalt  }
0x49: {  	_ =	shalt  }
0x4a: {  	_ =	shalt  }
0x4b: {  	_ =	shalt  }
0x4c: {  	_ =	shalt  }
0x4d: {  	_ =	shalt  }
0x4e: {  	_ =	shalt  }
0x4f: {  	_ =	shalt  }
0x50: {  	_ =	shalt  }
0x51: {  	_ =	shalt  }
0x52: {  	_ =	shalt  }
0x53: {  	_ =	shalt  }
0x54: {  	_ =	shalt  }
0x55: {  	_ =	shalt  }
0x56: {  	_ =	shalt  }
0x57: {  	_ =	shalt  }
0x58: {  	_ =	shalt  }
0x59: {  	_ =	shalt  }
0x5a: {  	_ =	shalt  }
0x5b: {  	_ =	shalt  }
0x5c: {  	_ =	shalt  }
0x5d: {  	_ =	shalt  }
0x5e: {  	_ =	shalt  }
0x5f: {  	_ =	shalt  }
0x60: {  	_ =	shalt  }
0x61: {  	_ =	shalt  }
0x62: {  	_ =	shalt  }
0x63: {  	_ =	shalt  }
0x64: {  	_ =	shalt  }
0x65: {  	_ =	shalt  }
0x66: {  	_ =	shalt  }
0x67: {  	_ =	shalt  }
0x68: {  	_ =	shalt  }
0x69: {  	_ =	shalt  }
0x6a: {  	_ =	shalt  }
0x6b: {  	_ =	shalt  }
0x6c: {  	_ =	shalt  }
0x6d: {  	_ =	shalt  }
0x6e: {  	_ =	shalt  }
0x6f: {  	_ =	shalt  }
0x70: {  	_ =	shalt  }
0x71: {  	_ =	shalt  }
0x72: {  	_ =	shalt  }
0x73: {  	_ =	shalt  }
0x74: {  	_ =	shalt  }
0x75: {  	_ =	shalt  }
0x76: {  	_ =	shalt  }
0x77: {  	_ =	shalt  }
0x78: {  	_ =	shalt  }
0x79: {  	_ =	shalt  }
0x7a: {  	_ =	shalt  }
0x7b: {  	_ =	shalt  }
0x7c: {  	_ =	shalt  }
0x7d: {  	_ =	shalt  }
0x7e: {  	_ =	shalt  }
0x7f: {  	_ =	shalt  }
0x80: {  	_ =	shalt  }
0x81: {  	_ =	shalt  }
0x82: {  	_ =	shalt  }
0x83: {  	_ =	shalt  }
0x84: {  	_ =	shalt  }
0x85: {  	_ =	shalt  }
0x86: {  	_ =	shalt  }
0x87: {  	_ =	shalt  }
.Lfunc_end0:
.L_simem_size_0:
called_computation_lowered:
.L_overlay_start_0:
0x88: {  	s2 =	sld [smem:$0x3FD9]  }
0x89: {  	s3 =	sld [smem:$0x3FFE];
	_ =	sdelay $0x1  }
0x8a: {  	s1 =	srdreg.scid  }
0x8b: {  	s0 =	sand.u32 $0x1, s1  }
0x8c: {  	s17 =	sshll.u32 s0, $0xA;
	s2 =	sadd.s32 s3, s2  }
0x8d: {  	s2 =	sadd.s32 s2, s17  }
0x8e: {  	[smem:$0x3FAB] =	sst s2  }
0x8f: {  	_ = 	snop  }
0x90: {  	s2 =	sld [smem:$0x3FC9];
	(tm) =	ssettm $0x1  }
0x91: {  	s18 =	sld [smem:$0x3FFB];
	_ =	sdelay $0x3  }
0x92: {  	_ =	strace s18  }
0x93: {  	s3 =	sld [smem:$0x3FFC];
	_ =	sdelay $0x3  }
0x94: {  	_ =	strace s3  }
0x95: {  	s3 =	sld [smem:$0x3FFD];
	_ =	sdelay $0x3  }
0x96: {  	_ =	strace s3  }
0x97: {  	_ =	strace $0x8FFFFFFF  }
0x98: {  	s19 =	sld [smem:$0x3FDB];
	_ =	sdelay $0x1  }
0x99: {  	s4 =	simm.s32 $_scs_section_size  }
0x9a: {  	s5 =	simm.s32 $_size__tile_overlayer_lowered;
	s6 =	simm.s32 $_tile_overlayer_lowered  }
0x9b: {  	s22 =	simm.s32 $0x1BFF;
	s21 =	sshll.u32 s6, $0x1;
	s3 =	sadd.s32 s4, s19  }
0x9c: {  	s7 =	simm.s32 $0x0;
	s20 =	sshll.u32 s5, $0x1;
	s5 =	sadd.s32 s21, s3  }
0x9d: {  	[timem:s7], [sflag:s22] =	dma.local [hbm:s5], s20  }
0x9e: {  	_ =	swait.ge [sflag:s22], s20  }
0x9f: {  	s4 =	ssub.s32 $0x0, s20;
	[sflag:s22] =	ssyncset.done $0x0  }
0xa0: {  	[sflag:s22] =	ssyncadd.s32 s4;
	_ =	sdelay $0x1  }
0xa1: {  	s23 =	simm.s32 $0x1B8B  }
0xa2: {  	_ =	swait.ge [sflag:s23], $0x1  }
0xa3: {  	[sflag:s23] =	ssyncset.done $0x0  }
0xa4: {  	s25 =	simm.s32 $0x1B8E;
	s24 =	sld [smem:$0x3FFE];
	[sflag:s23] =	ssyncadd.s32 $0xFFFFFFFF  }
0xa5: {  	s26 =	simm.s32 $execute0_lowered;
	[smem:$0x3FD2] =	sst s25  }
0xa6: {  	s5 =	sshll.u32 s26, $0x1;
	_ =	strace $0x80000046;
	[dreg:$0x1] =	wrdreg $0xFFFFFFFF  }
0xa7: {  	s28 =	simm.s32 $_size_execute0_lowered;
	s3 =	sadd.s32 s3, s5;
	[dreg:$0x0] =	wrdreg $0x0  }
0xa8: {  	s5 =	sshll.u32 s28, $0x1;
	[dreg:$0x2] =	wrdreg s3  }
0xa9: {  	[dreg:$0x3] =	wrdreg s5  }
0xaa: {  	[dreg:$0x4] =	wrdreg $0xC0  }
0xab: {  	_ =	task [dreg:s7], $0x5FFFF  }
0xac: {  	[dreg:$0x1] =	wrdreg $0xFFFFFFFF  }
0xad: {  	[dreg:$0x0] =	wrdreg $0x60  }
0xae: {  	[dreg:$0x2] =	wrdreg s2  }
0xaf: {  	[dreg:$0x3] =	wrdreg s24  }
0xb0: {  	[dreg:$0x4] =	wrdreg $0xAC000  }
0xb1: {  	[dreg:$0x5] =	wrdreg $0x9  }
0xb2: {  	_ =	task.clear_ibuf [dreg:s7], $0x6FFFF;
	_ =	strace $0x90000046  }
0xb3: {  	s29 =	simm.s32 $0x9;
	_ =	strace $0x80000048  }
0xb4: {  	_ =	swait.ge [sflag:s29], $0x1  }
0xb5: {  	[sflag:s29] =	ssyncadd.s32 $0xFFFFFFFF  }
0xb6: {  	_ =	strace $0x90000048  }
0xb7: {  	_ =	sfence  }
0xb8: {  	s30 =	sld [smem:$0x0];
	_ =	sdelay $0x2  }
0xb9: {  	s31 =	sshll.u32 s1, $0xD;
	s1 =	sshrl.u32 s1, $0x2  }
0xba: {  	s3 =	sand.u32 $0x4000, s31;
	s1 =	sadd.s32 s1, s30  }
0xbb: {  	s0 =	sor.u32 s3, s0;
	s1 =	sshll.u32 s1, $0x11  }
0xbc: {  	s0 =	sor.u32 s1, s0  }
0xbd: {  	s0 =	sadd.s32 $0x8F2B, s0  }
0xbe: {  	[sflag:s0] =	ssyncadd.remote.s32 $0x1  }
0xbf: {  	_ =	sfence.sel $0xFFFF  }
0xc0: {  	[dreg:$0x0] =	wrdreg $0xFFFFFFFF;
	(pc) =	sbr.abs _section_cstart, $3  }
0xc1: {  	[dreg:$0x1] =	wrdreg $0xFFFFFFFF  }
0xc2: {  	_ =	task.clear_ibuf [dreg:s7], $0x2FFFF;
	_ =	strace $0x9FFFFFFF  }
0xc3: {  	(tm) =	ssettm $0x7FFFFFFF  }
tec
execute0_lowered:
.L_overlay_start_1:
0x0: {  	(tag) =	ssettag $0x1  }
0x1: {  	s1 =	rddreg [dreg:$0x0]  }
0x2: {  	s6 =	rddreg [dreg:$0x1]  }
0x3: {  	s0 =	srdreg.scid;
	s3 =	rddreg [dreg:$0x2];
	s4 =	simm.s32 $0x0  }
0x4: {  	s12 =	simm.s32 $0x2C00;
	s13 =	simm.s32 $0x2880;
	s14 =	simm.s32 $0x6C00  }
0x5: {  	s17 =	simm.s32 $0x1;
	s18 =	simm.s32 $0x2A00;
	s19 =	simm.s32 $0x2900  }
0x6: {  	s20 =	simm.s32 $0x2;
	s21 =	simm.s32 $0x2A80;
	s5 =	sand.u32 $0x1, s0  }
0x7: {  	s22 =	simm.s32 $0x2980;
	s0 =	stileid.u32;
	s8 =	smul.u32 $0x140000, s5  }
0x8: {  	s23 =	simm.s32 $0x2B00;
	s24 =	simm.s32 $0x2B80;
	s9 =	smul.u32 $0x14000, s0  }
0x9: {  	s25 =	simm.s32 $0x0;
	[smem:$0x7FF] =	sst s4;
	s10 =	smul.u32 $0x2800, s0  }
0xa: {  	s2 =	sshll.u32 s5, $0x4;
	s30 =	smul.u32 $0x50000, s0;
	s5 =	ssub.s32 $0x2, s5  }
0xb: {  	s15 =	sshll.u32 s0, $0x6;
	s2 =	sor.u32 s0, s2;
	s31 =	sshrl.u32 s5, $0x1  }
0xc: {  	s15 =	sor.u32 $0x1C03, s15;
	s7 =	smul.u32 $0x500, s2;
	s2 =	rddreg [dreg:$0x3]  }
0xd: {  	_ =	strace $0x80000047;
	s8 =	sadd.s32 s9, s8;
	s10 =	sadd.s32 s10, s6  }
.Ltmp0:
0xe: {  	s9 =	sshrl.u32 s30, $0x2;
	s11 =	ssub.s32 s5, s31;
	(pc) =	sbr.rel .LBB2_1-.Ltmp0, $4  }
0xf: {  	s8 =	sshrl.u32 s8, $0x3;
	s16 =	sadd.s32 s9, s3;
	s9 =	simm.s32 $0x3  }
0x10: {  	s7 =	sadd.s32 s7, s6;
	s8 =	sadd.s32 s8, s6;
	s6 =	sadd.s32 $0xFC00, s10  }
0x11: {  	s10 =	simm.s32 $0x80;
	s16 =	sshrl.u32 s16, $0x3;
	s5 =	sadd.s32 $0x5C00, s7  }
0x12: {  	s7 =	sadd.s32 $0x37C00, s8;
	s8 =	smax.u32 s11, $0x1;
	s11 =	simm.s32 $0x2800  }
.LBB2_4:
0x13: {  	_ =	swait.ge [sflag:s20], $0x4000  }
0x14: {  	[sflag:s20] =	ssyncset.done $0x0  }
0x15: {  	[sflag:s20] =	ssyncadd.s32 $0xFFFFC000  }
0x16: {  	[spmem:s3] =	stream.indirect.scatter.add.f32 [tilespmem:s14], [sflag:$0x3], $0x80, s24, s10, $0xb8;
	[tilespmem:$0x1EC00] =	vst v63  }
0x17: {  	_ =	swait.ge [sflag:s9], $0x4000  }
0x18: {  	s25 =	sadd.s32 $0x1, s25;
	[sflag:s9] =	ssyncset.done $0x0  }
0x19: {  	p0 =	sne.s32 s25, s8;
	[sflag:s9] =	ssyncadd.s32 $0xFFFFC000  }
.Ltmp1:
0x1a: {  	[bflag:$0x0] =	sbarrier.arrive $0xFFFF;
	(pc) =	sbr.rel @!p0 .LBB2_5-.Ltmp1, $4  }
0x1b: {  	[hbm:s7], [sflag:s15] =	dma.local [spmem:s16], $0x2800  }
0x1c: {  	_ =	swait.ge [sflag:s9], $0x2800  }
0x1d: {  	[sflag:s9] =	ssyncset.done $0x0  }
0x1e: {  	[sflag:s9] =	ssyncadd.s32 $0xFFFFD800  }
.LBB2_1:
0x1f: {  	[tilespmem:s4], [sflag:$0x3] =	stream.linear.gather [hbm4b:s5+s4], $0x2800, $0x38;
	[tilespmem:$0x1EC00] =	vst v63  }
0x20: {  	_ =	swait.ge [sflag:s9], $0x2800  }
0x21: {  	[sflag:s9] =	ssyncset.done $0x0  }
0x22: {  	[sflag:s9] =	ssyncadd.s32 $0xFFFFD800  }
0x23: {  	v0 =	vld [tilespmem:$0x0];
	_ =	sdelay $0x1  }
0x24: {  	v1 =	vld [tilespmem:$0x10];
	_ =	sdelay $0x1  }
0x25: {  	v2 =	vld [tilespmem:$0x20]  }
0x26: {  	v3 =	vshrl.u32 v0, $0xE  }
0x27: {  	v22 =	vld [tilespmem:$0x30];
	v0 =	vand.u32 $0x3FFF, v0;
	[tilespmem:$0x2800] =	vst v3  }
0x28: {  	v23 =	vshrl.u32 v1, $0xE;
	[tilespmem:$0x2A00] =	vst v0  }
0x29: {  	v25 =	vld [tilespmem:$0x40];
	v24 =	vand.u32 $0x3FFF, v1;
	[tilespmem:$0x2810] =	vst v23  }
0x2a: {  	v26 =	vshrl.u32 v2, $0xE;
	[tilespmem:$0x2A10] =	vst v24  }
0x2b: {  	v28 =	vld [tilespmem:$0x50];
	v27 =	vand.u32 $0x3FFF, v2;
	[tilespmem:$0x2820] =	vst v26  }
0x2c: {  	v29 =	vshrl.u32 v22, $0xE;
	[tilespmem:$0x2A20] =	vst v27  }
0x2d: {  	v31 =	vld [tilespmem:$0x60];
	v30 =	vand.u32 $0x3FFF, v22;
	[tilespmem:$0x2830] =	vst v29  }
0x2e: {  	v32 =	vshrl.u32 v25, $0xE;
	[tilespmem:$0x2A30] =	vst v30  }
0x2f: {  	v34 =	vld [tilespmem:$0x70];
	v33 =	vand.u32 $0x3FFF, v25;
	[tilespmem:$0x2840] =	vst v32  }
0x30: {  	v35 =	vshrl.u32 v28, $0xE;
	[tilespmem:$0x2A40] =	vst v33  }
0x31: {  	v36 =	vand.u32 $0x3FFF, v28;
	[tilespmem:$0x2850] =	vst v35  }
0x32: {  	v37 =	vshrl.u32 v31, $0xE;
	[tilespmem:$0x2A50] =	vst v36  }
0x33: {  	v38 =	vand.u32 $0x3FFF, v31;
	[tilespmem:$0x2860] =	vst v37  }
0x34: {  	v39 =	vshrl.u32 v34, $0xE;
	[tilespmem:$0x2A60] =	vst v38  }
0x35: {  	v40 =	vand.u32 $0x3FFF, v34;
	[tilespmem:$0x2870] =	vst v39  }
0x36: {  	[tilespmem:$0x2A70] =	vst v40  }
0x37: {  	[tilespmem:s12], [sflag:$0x1] =	stream.indirect.gather [hbm4b:s1+s10], $0x80, s11, s10, $0xb8;
	[tilespmem:$0x1EC00] =	vst v63  }
0x38: {  	v41 =	vld [tilespmem:$0x80];
	_ =	sdelay $0x1  }
0x39: {  	v42 =	vld [tilespmem:$0x90];
	_ =	sdelay $0x1  }
0x3a: {  	v43 =	vld [tilespmem:$0xA0]  }
0x3b: {  	v44 =	vshrl.u32 v41, $0xE  }
0x3c: {  	v45 =	vld [tilespmem:$0xB0];
	v0 =	vand.u32 $0x3FFF, v41;
	[tilespmem:$0x2880] =	vst v44  }
0x3d: {  	v46 =	vshrl.u32 v42, $0xE;
	[tilespmem:$0x2A80] =	vst v0  }
0x3e: {  	v48 =	vld [tilespmem:$0xC0];
	v47 =	vand.u32 $0x3FFF, v42;
	[tilespmem:$0x2890] =	vst v46  }
0x3f: {  	v49 =	vshrl.u32 v43, $0xE;
	[tilespmem:$0x2A90] =	vst v47  }
0x40: {  	v51 =	vld [tilespmem:$0xD0];
	v50 =	vand.u32 $0x3FFF, v43;
	[tilespmem:$0x28A0] =	vst v49  }
0x41: {  	v52 =	vshrl.u32 v45, $0xE;
	[tilespmem:$0x2AA0] =	vst v50  }
0x42: {  	v54 =	vld [tilespmem:$0xE0];
	v53 =	vand.u32 $0x3FFF, v45;
	[tilespmem:$0x28B0] =	vst v52  }
0x43: {  	v55 =	vshrl.u32 v48, $0xE;
	[tilespmem:$0x2AB0] =	vst v53  }
0x44: {  	v57 =	vld [tilespmem:$0xF0];
	v56 =	vand.u32 $0x3FFF, v48;
	[tilespmem:$0x28C0] =	vst v55  }
0x45: {  	v58 =	vshrl.u32 v51, $0xE;
	[tilespmem:$0x2AC0] =	vst v56  }
0x46: {  	v59 =	vand.u32 $0x3FFF, v51;
	[tilespmem:$0x28D0] =	vst v58  }
0x47: {  	v60 =	vshrl.u32 v54, $0xE;
	[tilespmem:$0x2AD0] =	vst v59  }
0x48: {  	v61 =	vand.u32 $0x3FFF, v54;
	[tilespmem:$0x28E0] =	vst v60  }
0x49: {  	v62 =	vshrl.u32 v57, $0xE;
	[tilespmem:$0x2AE0] =	vst v61  }
0x4a: {  	v63 =	vand.u32 $0x3FFF, v57;
	[tilespmem:$0x28F0] =	vst v62  }
0x4b: {  	[tilespmem:$0x2AF0] =	vst v63  }
0x4c: {  	[tilespmem:s14], [sflag:$0x2] =	stream.indirect.gather [hbm4b:s1+s10], $0x80, s13, s10, $0xb8;
	[tilespmem:$0x1EC00] =	vst v63  }
0x4d: {  	[spmem:s16], [sflag:s15] =	dma.local [hbm:s6], $0x2800  }
0x4e: {  	_ =	swait.ge [sflag:s9], $0x2800  }
0x4f: {  	[sflag:s9] =	ssyncset.done $0x0  }
0x50: {  	[sflag:s9] =	ssyncadd.s32 $0xFFFFD800  }
0x51: {  	s26 =	simm.s32 $0x0;
	[bflag:$0x0] =	sbarrier.arrive $0xFFFF  }
.LBB2_2:
0x52: {  	_ =	swait.ge [sflag:s17], $0x4000  }
0x53: {  	[sflag:s17] =	ssyncset.done $0x0  }
0x54: {  	[sflag:s17] =	ssyncadd.s32 $0xFFFFC000  }
0x55: {  	[spmem:s3] =	stream.indirect.scatter.add.f32 [tilespmem:s12], [sflag:$0x3], $0x80, s18, s10, $0xb8;
	[tilespmem:$0x1EC00] =	vst v63  }
0x56: {  	_ =	swait.ge [sflag:s9], $0x4000  }
0x57: {  	[sflag:s9] =	ssyncset.done $0x0  }
0x58: {  	s28 =	sshra.s32 s26, $0x2;
	[sflag:s9] =	ssyncadd.s32 $0xFFFFC000  }
0x59: {  	v0 =	vld [tilespmem:s28+$0x100];
	_ =	sdelay $0x4  }
0x5a: {  	v1 =	vshrl.u32 v0, $0xE  }
0x5b: {  	v0 =	vand.u32 $0x3FFF, v0;
	[tilespmem:$0x2900] =	vst v1  }
0x5c: {  	[tilespmem:$0x2B00] =	vst v0  }
0x5d: {  	v0 =	vld [tilespmem:s28+$0x110];
	_ =	sdelay $0x4  }
0x5e: {  	v48 =	vshrl.u32 v0, $0xE  }
0x5f: {  	v0 =	vand.u32 $0x3FFF, v0;
	[tilespmem:$0x2910] =	vst v48  }
0x60: {  	[tilespmem:$0x2B10] =	vst v0  }
0x61: {  	v0 =	vld [tilespmem:s28+$0x120];
	_ =	sdelay $0x4  }
0x62: {  	v49 =	vshrl.u32 v0, $0xE  }
0x63: {  	v0 =	vand.u32 $0x3FFF, v0;
	[tilespmem:$0x2920] =	vst v49  }
0x64: {  	[tilespmem:$0x2B20] =	vst v0  }
0x65: {  	v0 =	vld [tilespmem:s28+$0x130];
	_ =	sdelay $0x4  }
0x66: {  	v50 =	vshrl.u32 v0, $0xE  }
0x67: {  	v0 =	vand.u32 $0x3FFF, v0;
	[tilespmem:$0x2930] =	vst v50  }
0x68: {  	[tilespmem:$0x2B30] =	vst v0  }
0x69: {  	v0 =	vld [tilespmem:s28+$0x140];
	_ =	sdelay $0x4  }
0x6a: {  	v51 =	vshrl.u32 v0, $0xE  }
0x6b: {  	v0 =	vand.u32 $0x3FFF, v0;
	[tilespmem:$0x2940] =	vst v51  }
0x6c: {  	[tilespmem:$0x2B40] =	vst v0  }
0x6d: {  	v0 =	vld [tilespmem:s28+$0x150];
	_ =	sdelay $0x4  }
0x6e: {  	v52 =	vshrl.u32 v0, $0xE  }
0x6f: {  	v0 =	vand.u32 $0x3FFF, v0;
	[tilespmem:$0x2950] =	vst v52  }
0x70: {  	[tilespmem:$0x2B50] =	vst v0  }
0x71: {  	v0 =	vld [tilespmem:s28+$0x160];
	_ =	sdelay $0x4  }
0x72: {  	v53 =	vshrl.u32 v0, $0xE  }
0x73: {  	v0 =	vand.u32 $0x3FFF, v0;
	[tilespmem:$0x2960] =	vst v53  }
0x74: {  	[tilespmem:$0x2B60] =	vst v0  }
0x75: {  	v0 =	vld [tilespmem:s28+$0x170];
	_ =	sdelay $0x4  }
0x76: {  	v54 =	vshrl.u32 v0, $0xE  }
0x77: {  	v0 =	vand.u32 $0x3FFF, v0;
	[tilespmem:$0x2970] =	vst v54  }
0x78: {  	[tilespmem:$0x2B70] =	vst v0  }
0x79: {  	[tilespmem:s12], [sflag:$0x1] =	stream.indirect.gather [hbm4b:s1+s10], $0x80, s19, s10, $0xb8;
	[tilespmem:$0x1EC00] =	vst v63  }
0x7a: {  	_ =	swait.ge [sflag:s20], $0x4000  }
0x7b: {  	[sflag:s20] =	ssyncset.done $0x0  }
0x7c: {  	[sflag:s20] =	ssyncadd.s32 $0xFFFFC000  }
0x7d: {  	[spmem:s3] =	stream.indirect.scatter.add.f32 [tilespmem:s14], [sflag:$0x3], $0x80, s21, s10, $0xb8;
	[tilespmem:$0x1EC00] =	vst v63  }
0x7e: {  	_ =	swait.ge [sflag:s9], $0x4000  }
0x7f: {  	[sflag:s9] =	ssyncset.done $0x0  }
0x80: {  	[sflag:s9] =	ssyncadd.s32 $0xFFFFC000  }
0x81: {  	v55 =	vld [tilespmem:s28+$0x180];
	_ =	sdelay $0x4  }
0x82: {  	v56 =	vshrl.u32 v55, $0xE  }
0x83: {  	v0 =	vand.u32 $0x3FFF, v55;
	[tilespmem:$0x2980] =	vst v56  }
0x84: {  	[tilespmem:$0x2B80] =	vst v0  }
0x85: {  	v0 =	vld [tilespmem:s28+$0x190];
	_ =	sdelay $0x4  }
0x86: {  	v57 =	vshrl.u32 v0, $0xE  }
0x87: {  	v0 =	vand.u32 $0x3FFF, v0;
	[tilespmem:$0x2990] =	vst v57  }
0x88: {  	[tilespmem:$0x2B90] =	vst v0  }
0x89: {  	v0 =	vld [tilespmem:s28+$0x1A0];
	_ =	sdelay $0x4  }
0x8a: {  	v58 =	vshrl.u32 v0, $0xE  }
0x8b: {  	v0 =	vand.u32 $0x3FFF, v0;
	[tilespmem:$0x29A0] =	vst v58  }
0x8c: {  	[tilespmem:$0x2BA0] =	vst v0  }
0x8d: {  	v0 =	vld [tilespmem:s28+$0x1B0];
	_ =	sdelay $0x4  }
0x8e: {  	v59 =	vshrl.u32 v0, $0xE  }
0x8f: {  	v0 =	vand.u32 $0x3FFF, v0;
	[tilespmem:$0x29B0] =	vst v59  }
0x90: {  	[tilespmem:$0x2BB0] =	vst v0  }
0x91: {  	v0 =	vld [tilespmem:s28+$0x1C0];
	_ =	sdelay $0x4  }
0x92: {  	v60 =	vshrl.u32 v0, $0xE  }
0x93: {  	v0 =	vand.u32 $0x3FFF, v0;
	[tilespmem:$0x29C0] =	vst v60  }
0x94: {  	[tilespmem:$0x2BC0] =	vst v0  }
0x95: {  	v0 =	vld [tilespmem:s28+$0x1D0];
	_ =	sdelay $0x4  }
0x96: {  	v61 =	vshrl.u32 v0, $0xE  }
0x97: {  	v0 =	vand.u32 $0x3FFF, v0;
	[tilespmem:$0x29D0] =	vst v61  }
0x98: {  	[tilespmem:$0x2BD0] =	vst v0  }
0x99: {  	v0 =	vld [tilespmem:s28+$0x1E0];
	_ =	sdelay $0x4  }
0x9a: {  	v62 =	vshrl.u32 v0, $0xE  }
0x9b: {  	v0 =	vand.u32 $0x3FFF, v0;
	[tilespmem:$0x29E0] =	vst v62  }
0x9c: {  	[tilespmem:$0x2BE0] =	vst v0  }
0x9d: {  	v0 =	vld [tilespmem:s28+$0x1F0];
	_ =	sdelay $0x4  }
0x9e: {  	v63 =	vshrl.u32 v0, $0xE  }
0x9f: {  	v0 =	vand.u32 $0x3FFF, v0;
	[tilespmem:$0x29F0] =	vst v63  }
0xa0: {  	[tilespmem:$0x2BF0] =	vst v0  }
0xa1: {  	[tilespmem:s14], [sflag:$0x2] =	stream.indirect.gather [hbm4b:s1+s10], $0x80, s22, s10, $0xb8;
	[tilespmem:$0x1EC00] =	vst v63  }
0xa2: {  	_ =	swait.ge [sflag:s17], $0x4000  }
0xa3: {  	p0 =	seq.s32 s26, $0x9800;
	[sflag:s17] =	ssyncset.done $0x0  }
.Ltmp2:
0xa4: {  	[sflag:s17] =	ssyncadd.s32 $0xFFFFC000;
	(pc) =	sbr.rel @p0 .LBB2_4-.Ltmp2, $4  }
0xa5: {  	[spmem:s3] =	stream.indirect.scatter.add.f32 [tilespmem:s12], [sflag:$0x3], $0x80, s23, s10, $0xb8;
	[tilespmem:$0x1EC00] =	vst v63  }
0xa6: {  	_ =	swait.ge [sflag:s9], $0x4000  }
0xa7: {  	[sflag:s9] =	ssyncset.done $0x0  }
0xa8: {  	[sflag:s9] =	ssyncadd.s32 $0xFFFFC000  }
0xa9: {  	v0 =	vld [tilespmem:s28+$0x200];
	_ =	sdelay $0x4  }
0xaa: {  	v1 =	vshrl.u32 v0, $0xE  }
0xab: {  	v0 =	vand.u32 $0x3FFF, v0;
	[tilespmem:$0x2800] =	vst v1  }
0xac: {  	[tilespmem:$0x2A00] =	vst v0  }
0xad: {  	v0 =	vld [tilespmem:s28+$0x210];
	_ =	sdelay $0x4  }
0xae: {  	v48 =	vshrl.u32 v0, $0xE  }
0xaf: {  	v0 =	vand.u32 $0x3FFF, v0;
	[tilespmem:$0x2810] =	vst v48  }
0xb0: {  	[tilespmem:$0x2A10] =	vst v0  }
0xb1: {  	v0 =	vld [tilespmem:s28+$0x220];
	_ =	sdelay $0x4  }
0xb2: {  	v49 =	vshrl.u32 v0, $0xE  }
0xb3: {  	v0 =	vand.u32 $0x3FFF, v0;
	[tilespmem:$0x2820] =	vst v49  }
0xb4: {  	[tilespmem:$0x2A20] =	vst v0  }
0xb5: {  	v0 =	vld [tilespmem:s28+$0x230];
	_ =	sdelay $0x4  }
0xb6: {  	v50 =	vshrl.u32 v0, $0xE  }
0xb7: {  	v0 =	vand.u32 $0x3FFF, v0;
	[tilespmem:$0x2830] =	vst v50  }
0xb8: {  	[tilespmem:$0x2A30] =	vst v0  }
0xb9: {  	v0 =	vld [tilespmem:s28+$0x240];
	_ =	sdelay $0x4  }
0xba: {  	v51 =	vshrl.u32 v0, $0xE  }
0xbb: {  	v0 =	vand.u32 $0x3FFF, v0;
	[tilespmem:$0x2840] =	vst v51  }
0xbc: {  	[tilespmem:$0x2A40] =	vst v0  }
0xbd: {  	v0 =	vld [tilespmem:s28+$0x250];
	_ =	sdelay $0x4  }
0xbe: {  	v52 =	vshrl.u32 v0, $0xE  }
0xbf: {  	v0 =	vand.u32 $0x3FFF, v0;
	[tilespmem:$0x2850] =	vst v52  }
0xc0: {  	[tilespmem:$0x2A50] =	vst v0  }
0xc1: {  	v0 =	vld [tilespmem:s28+$0x260];
	_ =	sdelay $0x4  }
0xc2: {  	v53 =	vshrl.u32 v0, $0xE  }
0xc3: {  	v0 =	vand.u32 $0x3FFF, v0;
	[tilespmem:$0x2860] =	vst v53  }
0xc4: {  	[tilespmem:$0x2A60] =	vst v0  }
0xc5: {  	v0 =	vld [tilespmem:s28+$0x270];
	_ =	sdelay $0x4  }
0xc6: {  	v54 =	vshrl.u32 v0, $0xE  }
0xc7: {  	v0 =	vand.u32 $0x3FFF, v0;
	[tilespmem:$0x2870] =	vst v54  }
0xc8: {  	[tilespmem:$0x2A70] =	vst v0  }
0xc9: {  	[tilespmem:s12], [sflag:$0x1] =	stream.indirect.gather [hbm4b:s1+s10], $0x80, s11, s10, $0xb8;
	[tilespmem:$0x1EC00] =	vst v63  }
0xca: {  	_ =	swait.ge [sflag:s20], $0x4000  }
0xcb: {  	[sflag:s20] =	ssyncset.done $0x0  }
0xcc: {  	[sflag:s20] =	ssyncadd.s32 $0xFFFFC000  }
0xcd: {  	[spmem:s3] =	stream.indirect.scatter.add.f32 [tilespmem:s14], [sflag:$0x3], $0x80, s24, s10, $0xb8;
	[tilespmem:$0x1EC00] =	vst v63  }
0xce: {  	_ =	swait.ge [sflag:s9], $0x4000  }
0xcf: {  	[sflag:s9] =	ssyncset.done $0x0  }
0xd0: {  	[sflag:s9] =	ssyncadd.s32 $0xFFFFC000  }
0xd1: {  	v55 =	vld [tilespmem:s28+$0x280];
	_ =	sdelay $0x4  }
0xd2: {  	v56 =	vshrl.u32 v55, $0xE  }
0xd3: {  	v0 =	vand.u32 $0x3FFF, v55;
	[tilespmem:$0x2880] =	vst v56  }
0xd4: {  	[tilespmem:$0x2A80] =	vst v0  }
0xd5: {  	v0 =	vld [tilespmem:s28+$0x290];
	_ =	sdelay $0x4  }
0xd6: {  	v57 =	vshrl.u32 v0, $0xE  }
0xd7: {  	v0 =	vand.u32 $0x3FFF, v0;
	[tilespmem:$0x2890] =	vst v57  }
0xd8: {  	[tilespmem:$0x2A90] =	vst v0  }
0xd9: {  	v0 =	vld [tilespmem:s28+$0x2A0];
	_ =	sdelay $0x4  }
0xda: {  	v58 =	vshrl.u32 v0, $0xE  }
0xdb: {  	v0 =	vand.u32 $0x3FFF, v0;
	[tilespmem:$0x28A0] =	vst v58  }
0xdc: {  	[tilespmem:$0x2AA0] =	vst v0  }
0xdd: {  	v0 =	vld [tilespmem:s28+$0x2B0];
	_ =	sdelay $0x4  }
0xde: {  	v59 =	vshrl.u32 v0, $0xE  }
0xdf: {  	v0 =	vand.u32 $0x3FFF, v0;
	[tilespmem:$0x28B0] =	vst v59  }
0xe0: {  	[tilespmem:$0x2AB0] =	vst v0  }
0xe1: {  	v0 =	vld [tilespmem:s28+$0x2C0];
	_ =	sdelay $0x4  }
0xe2: {  	v60 =	vshrl.u32 v0, $0xE  }
0xe3: {  	v0 =	vand.u32 $0x3FFF, v0;
	[tilespmem:$0x28C0] =	vst v60  }
0xe4: {  	[tilespmem:$0x2AC0] =	vst v0  }
0xe5: {  	v0 =	vld [tilespmem:s28+$0x2D0];
	_ =	sdelay $0x4  }
0xe6: {  	v61 =	vshrl.u32 v0, $0xE  }
0xe7: {  	v0 =	vand.u32 $0x3FFF, v0;
	[tilespmem:$0x28D0] =	vst v61  }
0xe8: {  	[tilespmem:$0x2AD0] =	vst v0  }
0xe9: {  	v0 =	vld [tilespmem:s28+$0x2E0];
	_ =	sdelay $0x4  }
0xea: {  	v62 =	vshrl.u32 v0, $0xE  }
0xeb: {  	v0 =	vand.u32 $0x3FFF, v0;
	[tilespmem:$0x28E0] =	vst v62  }
0xec: {  	[tilespmem:$0x2AE0] =	vst v0  }
0xed: {  	v0 =	vld [tilespmem:s28+$0x2F0];
	_ =	sdelay $0x3  }
.Ltmp3:
0xee: {  	_ = 	snop;
	(pc) =	sbr.rel .LBB2_2-.Ltmp3, $4  }
0xef: {  	v63 =	vshrl.u32 v0, $0xE  }
0xf0: {  	v0 =	vand.u32 $0x3FFF, v0;
	[tilespmem:$0x28F0] =	vst v63  }
0xf1: {  	s26 =	sadd.s32 $0x800, s26;
	[tilespmem:$0x2AF0] =	vst v0  }
0xf2: {  	[tilespmem:s14], [sflag:$0x2] =	stream.indirect.gather [hbm4b:s1+s10], $0x80, s13, s10, $0xb8;
	[tilespmem:$0x1EC00] =	vst v63  }
.LBB2_5:
0xf3: {  	_ =	sfence.sel $0x180000  }
0xf4: {  	[bflag:$0x0] =	sbarrier.arrive $0xFFFF  }
0xf5: {  	p0 =	sne.s32 s0, $0x0;
	_ =	strace $0x90000047  }
0xf6: {  	s0 =	sadd.s32 @!p0 $0x100000, s2;
	[bflag:$0x2] =	sbarrier.arrive $0xFFFF  }
0xf7: {  	[sflag:s0] =	ssyncadd.tile.s32 @!p0 $0x1;
	_ =	shalt  }
.Lfunc_end2:
_tile_overlayer_lowered:
.L_overlay_start_2:
0xf8: {  	(tag) =	ssettag $0x2  }
0xf9: {  	s0 =	rddreg [dreg:$0x0];
	s2 =	stileid.u32  }
0xfa: {  	s1 =	rddreg [dreg:$0x1];
	p0 =	sne.s32 s2, $0x0  }
0xfb: {  	s3 =	rddreg [dreg:$0x2];
	[bflag:$0x3] =	sbarrier.arrive $0xFFFF;
	s2 =	simm.s32 @!p0 $0x1C03  }
0xfc: {  	[timem:s3], [sflag:s2] =	dma.local @!p0 [hbm:s0], s1  }
0xfd: {  	s0 =	simm.s32 @!p0 $0x3  }
0xfe: {  	_ =	swait.ge @!p0 [sflag:s0], s1  }
0xff: {  	s1 =	ssub.s32 @!p0 $0x0, s1;
	[sflag:s0] =	ssyncset.done @!p0 $0x0  }
0x100: {  	[sflag:s0] =	ssyncadd.s32 @!p0 s1  }
0x101: {  	[bflag:$0x3] =	sbarrier.arrive $0xFFFF  }
0x102: {  	_ =	shalt  }

</sc_bundles>
